<compile_context>
chip_gen: v7x
topology: tpu7x:2x2x1
jax: 0.10.2.dev20260603
libtpu: 0.0.44.dev20260713+nightly
codegen_flags: <defaults>
</compile_context>

<pallas_src>
import functools

import jax
import jax.numpy as jnp
from jax import lax
from jax.experimental import pallas as pl
from jax.experimental.pallas import tpu as pltpu
from jax.experimental.pallas import tpu_sc as plsc

NC = 2
NS = 16
C = 128


def _sc_aggregate(x_all, src_stack, dst_stack, z128, o128, n_dst, d, ch):
    epc = ch * C
    acc_chunks = -(-(n_dst + 1) // C)
    acc_rows = acc_chunks * C
    full = n_dst // C
    rem = n_dst % C
    assert rem % 8 == 0

    mesh = plsc.VectorSubcoreMesh(
        core_axis_name="c", subcore_axis_name="s",
        num_cores=NC, num_subcores=NS)

    @functools.partial(
        pl.kernel,
        out_type=(
            jax.ShapeDtypeStruct((2, n_dst, d), jnp.float32),
            jax.ShapeDtypeStruct((2, n_dst, d), jnp.float32),
        ),
        mesh=mesh,
        scratch_types=[
            [pltpu.VMEM((C,), jnp.int32)] * 4,
            [pltpu.VMEM((C,), jnp.int32)] * 4,
            pltpu.VMEM((C, d), jnp.float32),
            pltpu.VMEM((C, d), jnp.float32),
            pltpu.VMEM_SHARED((acc_rows, d), jnp.float32),
            pltpu.SemaphoreType.DMA,
            pltpu.SemaphoreType.DMA,
            pltpu.SemaphoreType.DMA,
            pltpu.SemaphoreType.DMA,
            [pltpu.SemaphoreType.DMA] * 4,
        ],
    )
    def body(x_all_h, src_h, dst_h, z128_h, o128_h,
             sum_out, cnt_out, isl, idl,
             rows0, rows1, accum, gs0, gs1, ss0, ss1, islot):
        cid = lax.axis_index("c")
        sid = lax.axis_index("s")
        rows = (rows0, rows1)
        gsem = (gs0, gs1)
        ssem = (ss0, ss1)

        def zero_accum():
            for j in range(-(-acc_chunks // NS)):
                k = sid + NS * j
                if (j + 1) * NS <= acc_chunks:
                    pltpu.sync_copy(rows0, accum.at[pl.ds(k * C, C)])
                else:
                    @pl.when(k < acc_chunks)
                    def _():
                        pltpu.sync_copy(rows0, accum.at[pl.ds(k * C, C)])

        def copy_out(dst_hbm, rel, zero_after=False):
            def chunk(r0, nr):
                pltpu.sync_copy(accum.at[pl.ds(r0, nr)], rows0.at[pl.ds(0, nr)])
                pltpu.sync_copy(rows0.at[pl.ds(0, nr)],
                                dst_hbm.at[rel, pl.ds(r0, nr)])
                if zero_after:
                    pltpu.sync_copy(rows1.at[pl.ds(0, nr)],
                                    accum.at[pl.ds(r0, nr)])

            for j in range(-(-full // NS)):
                m = sid + NS * j
                if (j + 1) * NS <= full:
                    chunk(m * C, C)
                else:
                    @pl.when(m < full)
                    def _():
                        chunk(m * C, C)
            if rem:
                @pl.when(sid == NS - 1)
                def _():
                    chunk(full * C, rem)

        tbase = sid * epc

        def load_slot(rel, k, i):
            pltpu.async_copy(src_h.at[rel, pl.ds(tbase + i * C, C)],
                             isl[k], islot[k])
            pltpu.async_copy(dst_h.at[rel, pl.ds(tbase + i * C, C)],
                             idl[k], islot[k])

        def wait_slot(rel, k, src_too=True):
            if src_too:
                pltpu.make_async_copy(src_h.at[rel, pl.ds(tbase, C)],
                                      isl[k], islot[k]).wait()
            pltpu.make_async_copy(dst_h.at[rel, pl.ds(tbase, C)],
                                  idl[k], islot[k]).wait()

        def load_slot_sync(rel, k, i):
            pltpu.sync_copy(src_h.at[rel, pl.ds(tbase + i * C, C)], isl[k])
            pltpu.sync_copy(dst_h.at[rel, pl.ds(tbase + i * C, C)], idl[k])

        def sums_pipeline(rel):
            for k in range(4):
                load_slot_sync(rel, k, k)
            pltpu.async_copy(x_all_h.at[isl[0]], rows0, gs0)

            def pbody(j, _):
                c0 = 4 * j
                for m in range(4):
                    c = c0 + m
                    kn = (m + 1) % 4
                    b, bn = m % 2, (m + 1) % 2

                    @pl.when(c + 1 >= 4)
                    def _():
                        wait_slot(rel, kn)

                    @pl.when(c >= 1)
                    def _():
                        pltpu.make_async_copy(
                            rows[bn], accum.at[idl[(m + 3) % 4]],
                            ssem[bn]).wait()

                    @pl.when(jnp.logical_and(c >= 1, c + 3 < ch))
                    def _():
                        load_slot(rel, (m + 3) % 4, c + 3)
                    pltpu.async_copy(x_all_h.at[isl[kn]], rows[bn], gsem[bn])
                    pltpu.make_async_copy(x_all_h.at[isl[m]],
                                          rows[b], gsem[b]).wait()
                    pltpu.async_copy(rows[b], accum.at[idl[m]], ssem[b],
                                     add=True)
                return 0

            lax.fori_loop(0, (ch - 1) // 4, pbody, 0)
            pltpu.make_async_copy(rows1, accum.at[idl[3]], ss1).wait()
            pltpu.make_async_copy(x_all_h.at[isl[0]], rows0, gs0).wait()
            pltpu.async_copy(rows0, accum.at[idl[0]], ss0, add=True)
            pltpu.make_async_copy(rows0, accum.at[idl[0]], ss0).wait()

        def counts_pipeline(rel):
            for k in range(4):
                load_slot_sync(rel, k, k)
            pltpu.async_copy(rows1, accum.at[idl[0]], ss0, add=True)

            def pbody2(j, _):
                for m in range(4):
                    c = 4 * j + 1 + m
                    k = (1 + m) % 4
                    p = (1 + m) % 2

                    @pl.when(c >= 4)
                    def _():
                        wait_slot(rel, k, src_too=False)
                    pltpu.async_copy(rows1, accum.at[idl[k]], ssem[p],
                                     add=True)
                    pltpu.make_async_copy(rows1, accum.at[idl[(k + 3) % 4]],
                                          ssem[1 - p]).wait()

                    @pl.when(c + 3 < ch)
                    def _():
                        pltpu.async_copy(
                            dst_h.at[rel, pl.ds(tbase + (c + 3) * C, C)],
                            idl[(k + 3) % 4], islot[(k + 3) % 4])
                return 0

            lax.fori_loop(0, (ch - 1) // 4, pbody2, 0)
            pltpu.make_async_copy(rows1, accum.at[idl[0]], ss0).wait()

        @pl.when(cid == 0)
        def _():
            pltpu.sync_copy(z128_h, rows0)
            zero_accum()
            plsc.subcore_barrier()
            for rel in range(2):
                sums_pipeline(rel)
                pltpu.sync_copy(z128_h, rows1)
                plsc.subcore_barrier()
                copy_out(sum_out, rel, zero_after=(rel == 0))
                plsc.subcore_barrier()

        @pl.when(cid == 1)
        def _():
            pltpu.sync_copy(z128_h, rows0)
            zero_accum()
            pltpu.sync_copy(o128_h, rows1)
            plsc.subcore_barrier()
            for rel in range(2):
                counts_pipeline(rel)
                pltpu.sync_copy(z128_h, rows1)
                plsc.subcore_barrier()
                copy_out(cnt_out, rel, zero_after=(rel == 0))
                plsc.subcore_barrier()
                if rel == 0:
                    pltpu.sync_copy(o128_h, rows1)

    return body(x_all, src_stack, dst_stack, z128, o128)


def _tc_dense(summed, cnt, x_all, wl, bl, wr, g, b):
    _, n, d = summed.shape
    bs = 1000
    nb = n // bs

    def body(s_ref, c_ref, x_ref, wl_ref, bl_ref, wr_ref, g_ref, b_ref, o_ref):
        mean = s_ref[0] / jnp.maximum(c_ref[0], 1.0)
        x = x_ref[...]
        h = (jnp.dot(mean, wl_ref[0], preferred_element_type=jnp.float32,
                     precision=lax.Precision.HIGHEST)
             + bl_ref[0]
             + jnp.dot(x, wr_ref[0], preferred_element_type=jnp.float32,
                       precision=lax.Precision.HIGHEST))
        t = h + x
        mu = jnp.mean(t, axis=1, keepdims=True)
        var = jnp.mean(jnp.square(t - mu), axis=1, keepdims=True)
        o_ref[0] = (t - mu) * lax.rsqrt(var + 1e-5) * g_ref[0] + b_ref[0]

    return pl.pallas_call(
        body,
        grid=(2, nb),
        in_specs=[
            pl.BlockSpec((1, bs, d), lambda i, j: (i, j, 0)),
            pl.BlockSpec((1, bs, d), lambda i, j: (i, j, 0)),
            pl.BlockSpec((bs, d), lambda i, j: ((1 - i) * nb + j, 0)),
            pl.BlockSpec((1, d, d), lambda i, j: (i, 0, 0)),
            pl.BlockSpec((1, 1, d), lambda i, j: (i, 0, 0)),
            pl.BlockSpec((1, d, d), lambda i, j: (i, 0, 0)),
            pl.BlockSpec((1, 1, d), lambda i, j: (i, 0, 0)),
            pl.BlockSpec((1, 1, d), lambda i, j: (i, 0, 0)),
        ],
        out_specs=pl.BlockSpec((1, bs, d), lambda i, j: (i, j, 0)),
        out_shape=jax.ShapeDtypeStruct((2, n, d), jnp.float32),
    )(summed, cnt, x_all, wl, bl, wr, g, b)


def kernel(x_sample, x_gene, edge_index_expresses, edge_index_expressed_by,
           W_l_sg, b_l_sg, W_r_sg, W_l_gs, b_l_gs, W_r_gs,
           ln_g_sample, ln_b_sample, ln_g_gene, ln_b_gene):
    n_s, d = x_sample.shape
    n_g = x_gene.shape[0]
    e = edge_index_expresses.shape[1]
    assert n_s == n_g and n_s % 8 == 0

    src0 = edge_index_expressed_by[0].astype(jnp.int32)
    dst0 = edge_index_expressed_by[1].astype(jnp.int32)
    src1 = edge_index_expresses[0].astype(jnp.int32) + n_g
    dst1 = edge_index_expresses[1].astype(jnp.int32)
    x_all = jnp.concatenate([x_gene, x_sample], axis=0)

    ch = -(-e // (NS * C))
    while ch % 4 != 1:
        ch += 1
    epad = NS * ch * C
    trash = n_s
    pad = epad - e
    src_stack = jnp.stack([
        jnp.pad(src0, (0, pad)),
        jnp.pad(src1, (0, pad), constant_values=n_g),
    ])
    dst_stack = jnp.stack([
        jnp.pad(dst0, (0, pad), constant_values=trash),
        jnp.pad(dst1, (0, pad), constant_values=trash),
    ])
    z128 = jnp.zeros((C, d), jnp.float32)
    o128 = jnp.ones((C, d), jnp.float32)

    summed, cnt = _sc_aggregate(x_all, src_stack, dst_stack, z128, o128,
                                n_s, d, ch)

    wl = jnp.stack([W_l_gs, W_l_sg])
    bl = jnp.stack([b_l_gs, b_l_sg])[:, None, :]
    wr = jnp.stack([W_r_gs, W_r_sg])
    g = jnp.stack([ln_g_sample, ln_g_gene])[:, None, :]
    b = jnp.stack([ln_b_sample, ln_b_gene])[:, None, :]
    return _tc_dense(summed, cnt, x_all, wl, bl, wr, g, b)

# --- scband reference (transcript-rebuilt; emitter-appended) ---
"""Pipeline reference for scband-hetero-gnnblock-7172595384889 (READ-ONLY COPY).

The authoritative reference and input builder live on the scoring server;
editing this copy changes nothing except your own understanding.
"""

import jax, jax.numpy as jnp
import numpy as np

N_S = 10000
N_G = 10000
D = 128
E = 320000


def setup_inputs(seed: int = 0) -> dict:
    key = jax.random.key(seed)
    ks = jax.random.split(key, 20)
    s = 1.0 / np.sqrt(D)
    inp = {}
    inp["x_sample"] = jax.random.normal(ks[0], (N_S, D), dtype=jnp.float32)
    inp["x_gene"] = jax.random.normal(ks[1], (N_G, D), dtype=jnp.float32)
    inp["edge_index_expresses"] = jnp.stack([
        jax.random.randint(ks[2], (E,), 0, N_S),
        jax.random.randint(ks[3], (E,), 0, N_G)]).astype(jnp.int64)
    inp["edge_index_expressed_by"] = jnp.stack([
        jax.random.randint(ks[4], (E,), 0, N_G),
        jax.random.randint(ks[5], (E,), 0, N_S)]).astype(jnp.int64)
    # SAGEConv ('sample','expresses','gene'): lin_l (on aggregated msgs, bias) + lin_r (root, no bias)
    inp["W_l_sg"] = jax.random.uniform(ks[6], (D, D), jnp.float32, -s, s)
    inp["b_l_sg"] = jnp.zeros((D,), jnp.float32)
    inp["W_r_sg"] = jax.random.uniform(ks[7], (D, D), jnp.float32, -s, s)
    # SAGEConv ('gene','expressed_by','sample')
    inp["W_l_gs"] = jax.random.uniform(ks[8], (D, D), jnp.float32, -s, s)
    inp["b_l_gs"] = jnp.zeros((D,), jnp.float32)
    inp["W_r_gs"] = jax.random.uniform(ks[9], (D, D), jnp.float32, -s, s)
    # LayerNorms per node type
    inp["ln_g_sample"] = jnp.ones((D,), jnp.float32)
    inp["ln_b_sample"] = jnp.zeros((D,), jnp.float32)
    inp["ln_g_gene"] = jnp.ones((D,), jnp.float32)
    inp["ln_b_gene"] = jnp.zeros((D,), jnp.float32)
    return inp


def _sage(x_src, x_dst, edge_index, W_l, b_l, W_r):
    src, dst = edge_index[0], edge_index[1]
    n_dst = x_dst.shape[0]
    msg = jnp.take(x_src, src, axis=0)
    summed = jax.ops.segment_sum(msg, dst, num_segments=n_dst)
    cnt = jax.ops.segment_sum(jnp.ones((src.shape[0], 1), msg.dtype), dst, num_segments=n_dst)
    mean = summed / jnp.clip(cnt, 1.0, None)
    return mean @ W_l + b_l + x_dst @ W_r


def _layernorm(x, g, b, eps=1e-5):
    mu = jnp.mean(x, axis=-1, keepdims=True)
    var = jnp.mean((x - mu) ** 2, axis=-1, keepdims=True)
    return (x - mu) / jnp.sqrt(var + eps) * g + b


def reference(x_sample, x_gene, edge_index_expresses, edge_index_expressed_by,
              W_l_sg, b_l_sg, W_r_sg, W_l_gs, b_l_gs, W_r_gs,
              ln_g_sample, ln_b_sample, ln_g_gene, ln_b_gene):
    # HeteroConv(aggr='sum'): each dst type receives from exactly one relation here
    h_gene = _sage(x_sample, x_gene, edge_index_expresses, W_l_sg, b_l_sg, W_r_sg)
    h_sample = _sage(x_gene, x_sample, edge_index_expressed_by, W_l_gs, b_l_gs, W_r_gs)
    # residual + layernorm (dropout is identity in eval)
    out_sample = _layernorm(h_sample + x_sample, ln_g_sample, ln_b_sample)
    out_gene = _layernorm(h_gene + x_gene, ln_g_gene, ln_b_gene)
    return jnp.stack([out_sample, out_gene])

if __name__ == "__main__":
    import jax
    _d = setup_inputs()
    print(jax.jit(kernel)(*tuple(_d.values())))

</pallas_src>

<mosaic_0001>
#map = affine_map<(d0, d1) -> (0, 0)>
#map1 = affine_map<(d0, d1) -> (0, 0, 0)>
module attributes {stable_mosaic.version = 14 : i64} {
  func.func @body(%arg0: i32, %arg1: i32, %arg2: memref<20000x128xf32, #tpu.memory_space<hbm>>, %arg3: memref<2x321536xi32, #tpu.memory_space<hbm>>, %arg4: memref<2x321536xi32, #tpu.memory_space<hbm>>, %arg5: memref<128x128xf32, #tpu.memory_space<hbm>>, %arg6: memref<128x128xf32, #tpu.memory_space<hbm>>, %arg7: memref<2x10000x128xf32, #tpu.memory_space<hbm>>, %arg8: memref<2x10000x128xf32, #tpu.memory_space<hbm>>, %arg9: memref<128xi32, #tpu.memory_space<vmem>>, %arg10: memref<128xi32, #tpu.memory_space<vmem>>, %arg11: memref<128xi32, #tpu.memory_space<vmem>>, %arg12: memref<128xi32, #tpu.memory_space<vmem>>, %arg13: memref<128xi32, #tpu.memory_space<vmem>>, %arg14: memref<128xi32, #tpu.memory_space<vmem>>, %arg15: memref<128xi32, #tpu.memory_space<vmem>>, %arg16: memref<128xi32, #tpu.memory_space<vmem>>, %arg17: memref<128x128xf32, #tpu.memory_space<vmem>>, %arg18: memref<128x128xf32, #tpu.memory_space<vmem>>, %arg19: memref<10112x128xf32, #tpu.memory_space<vmem_shared>>, %arg20: memref<!tpu.dma_semaphore, #tpu.memory_space<semaphore_mem>>, %arg21: memref<!tpu.dma_semaphore, #tpu.memory_space<semaphore_mem>>, %arg22: memref<!tpu.dma_semaphore, #tpu.memory_space<semaphore_mem>>, %arg23: memref<!tpu.dma_semaphore, #tpu.memory_space<semaphore_mem>>, %arg24: memref<!tpu.dma_semaphore, #tpu.memory_space<semaphore_mem>>, %arg25: memref<!tpu.dma_semaphore, #tpu.memory_space<semaphore_mem>>, %arg26: memref<!tpu.dma_semaphore, #tpu.memory_space<semaphore_mem>>, %arg27: memref<!tpu.dma_semaphore, #tpu.memory_space<semaphore_mem>>) attributes {dimension_semantics = [#tpu.dimension_semantics<core_parallel>, #tpu.dimension_semantics<subcore_parallel>], iteration_bounds = array<i64: 2, 16>, scalar_prefetch = 0 : i64, scratch_operands = 19 : i64, tpu.core_type = #tpu.core_type<sc_vector_subcore>, window_params = [{transform_indices = #map}, {transform_indices = #map}, {transform_indices = #map}, {transform_indices = #map}, {transform_indices = #map}, {transform_indices = #map1}, {transform_indices = #map1}]} {
    %mul3A = arith.constant 20096 : i32
    %mul3A_0 = arith.muli %arg1, %mul3A : i32
    %eq3A = arith.constant 0 : i32
    %eq3A_1 = arith.cmpi eq, %arg0, %eq3A : i32
    %convert_element_type3A = arith.extui %eq3A_1 : i1 to i32
    %cond3A = arith.constant 0 : i32
    %cond3A_2 = arith.cmpi ne, %convert_element_type3A, %cond3A : i32
    scf.if %cond3A_2 {
      "tpu.region"() ({
        %run_scoped3A_185 = tpu.sem_alloc : memref<!tpu.dma_semaphore, #tpu.memory_space<semaphore_mem>>
        tpu.enqueue_dma source(%arg5 : memref<128x128xf32, #tpu.memory_space<hbm>>) target(%arg17 : memref<128x128xf32, #tpu.memory_space<vmem>>) target_semaphore(%run_scoped3A_185 : memref<!tpu.dma_semaphore, #tpu.memory_space<semaphore_mem>>)
        tpu.wait_dma2 semaphore(%run_scoped3A_185 : memref<!tpu.dma_semaphore, #tpu.memory_space<semaphore_mem>>) src(%arg5 : memref<128x128xf32, #tpu.memory_space<hbm>>) dst(%arg17 : memref<128x128xf32, #tpu.memory_space<vmem>>)
        tpu.yield
      }) : () -> ()
      %add3A = arith.constant 0 : i32
      %add3A_8 = arith.addi %arg1, %add3A : i32
      %mul3A_9 = arith.constant 128 : i32
      %mul3A_10 = arith.muli %add3A_8, %mul3A_9 : i32
      "tpu.region"() ({
        %run_scoped3A_185 = tpu.sem_alloc : memref<!tpu.dma_semaphore, #tpu.memory_space<semaphore_mem>>
        %dma_start3A_186 = arith.constant 0 : i32
        %dma_start3A_187 = tpu.memref_slice %arg19[%mul3A_10, %dma_start3A_186] : memref<10112x128xf32, #tpu.memory_space<vmem_shared>> -> memref<128x128xf32, #tpu.memory_space<vmem_shared>>
        %dma_start3A_188 = arith.constant 0 : i32
        %dma_start3A_189 = tpu.memref_slice %arg19[%mul3A_10, %dma_start3A_188] : memref<10112x128xf32, #tpu.memory_space<vmem_shared>> -> memref<128x128xf32, #tpu.memory_space<vmem_shared>>
        tpu.enqueue_dma source(%arg17 : memref<128x128xf32, #tpu.memory_space<vmem>>) target(%dma_start3A_189 : memref<128x128xf32, #tpu.memory_space<vmem_shared>>) target_semaphore(%run_scoped3A_185 : memref<!tpu.dma_semaphore, #tpu.memory_space<semaphore_mem>>)
        %dma_wait3A_190 = arith.constant 0 : i32
        %dma_wait3A_191 = tpu.memref_slice %arg19[%mul3A_10, %dma_wait3A_190] : memref<10112x128xf32, #tpu.memory_space<vmem_shared>> -> memref<128x128xf32, #tpu.memory_space<vmem_shared>>
        %dma_wait3A_192 = arith.constant 0 : i32
        %dma_wait3A_193 = tpu.memref_slice %arg19[%mul3A_10, %dma_wait3A_192] : memref<10112x128xf32, #tpu.memory_space<vmem_shared>> -> memref<128x128xf32, #tpu.memory_space<vmem_shared>>
        tpu.wait_dma2 semaphore(%run_scoped3A_185 : memref<!tpu.dma_semaphore, #tpu.memory_space<semaphore_mem>>) src(%arg17 : memref<128x128xf32, #tpu.memory_space<vmem>>) dst(%dma_wait3A_193 : memref<128x128xf32, #tpu.memory_space<vmem_shared>>)
        tpu.yield
      }) : () -> ()
      %add3A_11 = arith.constant 16 : i32
      %add3A_12 = arith.addi %arg1, %add3A_11 : i32
      %mul3A_13 = arith.constant 128 : i32
      %mul3A_14 = arith.muli %add3A_12, %mul3A_13 : i32
      "tpu.region"() ({
        %run_scoped3A_185 = tpu.sem_alloc : memref<!tpu.dma_semaphore, #tpu.memory_space<semaphore_mem>>
        %dma_start3A_186 = arith.constant 0 : i32
        %dma_start3A_187 = tpu.memref_slice %arg19[%mul3A_14, %dma_start3A_186] : memref<10112x128xf32, #tpu.memory_space<vmem_shared>> -> memref<128x128xf32, #tpu.memory_space<vmem_shared>>
        %dma_start3A_188 = arith.constant 0 : i32
        %dma_start3A_189 = tpu.memref_slice %arg19[%mul3A_14, %dma_start3A_188] : memref<10112x128xf32, #tpu.memory_space<vmem_shared>> -> memref<128x128xf32, #tpu.memory_space<vmem_shared>>
        tpu.enqueue_dma source(%arg17 : memref<128x128xf32, #tpu.memory_space<vmem>>) target(%dma_start3A_189 : memref<128x128xf32, #tpu.memory_space<vmem_shared>>) target_semaphore(%run_scoped3A_185 : memref<!tpu.dma_semaphore, #tpu.memory_space<semaphore_mem>>)
        %dma_wait3A_190 = arith.constant 0 : i32
        %dma_wait3A_191 = tpu.memref_slice %arg19[%mul3A_14, %dma_wait3A_190] : memref<10112x128xf32, #tpu.memory_space<vmem_shared>> -> memref<128x128xf32, #tpu.memory_space<vmem_shared>>
        %dma_wait3A_192 = arith.constant 0 : i32
        %dma_wait3A_193 = tpu.memref_slice %arg19[%mul3A_14, %dma_wait3A_192] : memref<10112x128xf32, #tpu.memory_space<vmem_shared>> -> memref<128x128xf32, #tpu.memory_space<vmem_shared>>
        tpu.wait_dma2 semaphore(%run_scoped3A_185 : memref<!tpu.dma_semaphore, #tpu.memory_space<semaphore_mem>>) src(%arg17 : memref<128x128xf32, #tpu.memory_space<vmem>>) dst(%dma_wait3A_193 : memref<128x128xf32, #tpu.memory_space<vmem_shared>>)
        tpu.yield
      }) : () -> ()
      %add3A_15 = arith.constant 32 : i32
      %add3A_16 = arith.addi %arg1, %add3A_15 : i32
      %mul3A_17 = arith.constant 128 : i32
      %mul3A_18 = arith.muli %add3A_16, %mul3A_17 : i32
      "tpu.region"() ({
        %run_scoped3A_185 = tpu.sem_alloc : memref<!tpu.dma_semaphore, #tpu.memory_space<semaphore_mem>>
        %dma_start3A_186 = arith.constant 0 : i32
        %dma_start3A_187 = tpu.memref_slice %arg19[%mul3A_18, %dma_start3A_186] : memref<10112x128xf32, #tpu.memory_space<vmem_shared>> -> memref<128x128xf32, #tpu.memory_space<vmem_shared>>
        %dma_start3A_188 = arith.constant 0 : i32
        %dma_start3A_189 = tpu.memref_slice %arg19[%mul3A_18, %dma_start3A_188] : memref<10112x128xf32, #tpu.memory_space<vmem_shared>> -> memref<128x128xf32, #tpu.memory_space<vmem_shared>>
        tpu.enqueue_dma source(%arg17 : memref<128x128xf32, #tpu.memory_space<vmem>>) target(%dma_start3A_189 : memref<128x128xf32, #tpu.memory_space<vmem_shared>>) target_semaphore(%run_scoped3A_185 : memref<!tpu.dma_semaphore, #tpu.memory_space<semaphore_mem>>)
        %dma_wait3A_190 = arith.constant 0 : i32
        %dma_wait3A_191 = tpu.memref_slice %arg19[%mul3A_18, %dma_wait3A_190] : memref<10112x128xf32, #tpu.memory_space<vmem_shared>> -> memref<128x128xf32, #tpu.memory_space<vmem_shared>>
        %dma_wait3A_192 = arith.constant 0 : i32
        %dma_wait3A_193 = tpu.memref_slice %arg19[%mul3A_18, %dma_wait3A_192] : memref<10112x128xf32, #tpu.memory_space<vmem_shared>> -> memref<128x128xf32, #tpu.memory_space<vmem_shared>>
        tpu.wait_dma2 semaphore(%run_scoped3A_185 : memref<!tpu.dma_semaphore, #tpu.memory_space<semaphore_mem>>) src(%arg17 : memref<128x128xf32, #tpu.memory_space<vmem>>) dst(%dma_wait3A_193 : memref<128x128xf32, #tpu.memory_space<vmem_shared>>)
        tpu.yield
      }) : () -> ()
      %add3A_19 = arith.constant 48 : i32
      %add3A_20 = arith.addi %arg1, %add3A_19 : i32
      %mul3A_21 = arith.constant 128 : i32
      %mul3A_22 = arith.muli %add3A_20, %mul3A_21 : i32
      "tpu.region"() ({
        %run_scoped3A_185 = tpu.sem_alloc : memref<!tpu.dma_semaphore, #tpu.memory_space<semaphore_mem>>
        %dma_start3A_186 = arith.constant 0 : i32
        %dma_start3A_187 = tpu.memref_slice %arg19[%mul3A_22, %dma_start3A_186] : memref<10112x128xf32, #tpu.memory_space<vmem_shared>> -> memref<128x128xf32, #tpu.memory_space<vmem_shared>>
        %dma_start3A_188 = arith.constant 0 : i32
        %dma_start3A_189 = tpu.memref_slice %arg19[%mul3A_22, %dma_start3A_188] : memref<10112x128xf32, #tpu.memory_space<vmem_shared>> -> memref<128x128xf32, #tpu.memory_space<vmem_shared>>
        tpu.enqueue_dma source(%arg17 : memref<128x128xf32, #tpu.memory_space<vmem>>) target(%dma_start3A_189 : memref<128x128xf32, #tpu.memory_space<vmem_shared>>) target_semaphore(%run_scoped3A_185 : memref<!tpu.dma_semaphore, #tpu.memory_space<semaphore_mem>>)
        %dma_wait3A_190 = arith.constant 0 : i32
        %dma_wait3A_191 = tpu.memref_slice %arg19[%mul3A_22, %dma_wait3A_190] : memref<10112x128xf32, #tpu.memory_space<vmem_shared>> -> memref<128x128xf32, #tpu.memory_space<vmem_shared>>
        %dma_wait3A_192 = arith.constant 0 : i32
        %dma_wait3A_193 = tpu.memref_slice %arg19[%mul3A_22, %dma_wait3A_192] : memref<10112x128xf32, #tpu.memory_space<vmem_shared>> -> memref<128x128xf32, #tpu.memory_space<vmem_shared>>
        tpu.wait_dma2 semaphore(%run_scoped3A_185 : memref<!tpu.dma_semaphore, #tpu.memory_space<semaphore_mem>>) src(%arg17 : memref<128x128xf32, #tpu.memory_space<vmem>>) dst(%dma_wait3A_193 : memref<128x128xf32, #tpu.memory_space<vmem_shared>>)
        tpu.yield
      }) : () -> ()
      %add3A_23 = arith.constant 64 : i32
      %add3A_24 = arith.addi %arg1, %add3A_23 : i32
      %lt3A = arith.constant 79 : i32
      %lt3A_25 = arith.cmpi slt, %add3A_24, %lt3A : i32
      %convert_element_type3A_26 = arith.extui %lt3A_25 : i1 to i32
      %cond3A_27 = arith.constant 0 : i32
      %cond3A_28 = arith.cmpi ne, %convert_element_type3A_26, %cond3A_27 : i32
      scf.if %cond3A_28 {
        %mul3A_185 = arith.constant 128 : i32
        %mul3A_186 = arith.muli %add3A_24, %mul3A_185 : i32
        "tpu.region"() ({
          %run_scoped3A_187 = tpu.sem_alloc : memref<!tpu.dma_semaphore, #tpu.memory_space<semaphore_mem>>
          %dma_start3A_188 = arith.constant 0 : i32
          %dma_start3A_189 = tpu.memref_slice %arg19[%mul3A_186, %dma_start3A_188] : memref<10112x128xf32, #tpu.memory_space<vmem_shared>> -> memref<128x128xf32, #tpu.memory_space<vmem_shared>>
          %dma_start3A_190 = arith.constant 0 : i32
          %dma_start3A_191 = tpu.memref_slice %arg19[%mul3A_186, %dma_start3A_190] : memref<10112x128xf32, #tpu.memory_space<vmem_shared>> -> memref<128x128xf32, #tpu.memory_space<vmem_shared>>
          tpu.enqueue_dma source(%arg17 : memref<128x128xf32, #tpu.memory_space<vmem>>) target(%dma_start3A_191 : memref<128x128xf32, #tpu.memory_space<vmem_shared>>) target_semaphore(%run_scoped3A_187 : memref<!tpu.dma_semaphore, #tpu.memory_space<semaphore_mem>>)
          %dma_wait3A_192 = arith.constant 0 : i32
          %dma_wait3A_193 = tpu.memref_slice %arg19[%mul3A_186, %dma_wait3A_192] : memref<10112x128xf32, #tpu.memory_space<vmem_shared>> -> memref<128x128xf32, #tpu.memory_space<vmem_shared>>
          %dma_wait3A_194 = arith.constant 0 : i32
          %dma_wait3A_195 = tpu.memref_slice %arg19[%mul3A_186, %dma_wait3A_194] : memref<10112x128xf32, #tpu.memory_space<vmem_shared>> -> memref<128x128xf32, #tpu.memory_space<vmem_shared>>
          tpu.wait_dma2 semaphore(%run_scoped3A_187 : memref<!tpu.dma_semaphore, #tpu.memory_space<semaphore_mem>>) src(%arg17 : memref<128x128xf32, #tpu.memory_space<vmem>>) dst(%dma_wait3A_195 : memref<128x128xf32, #tpu.memory_space<vmem_shared>>)
          tpu.yield
        }) : () -> ()
      } else {
      }
      %barrier3A = arith.constant 0 : index
      tpu.barrier barrier_id(%barrier3A)
      %add3A_29 = arith.constant 0 : i32
      %add3A_30 = arith.addi %mul3A_0, %add3A_29 : i32
      %run_scoped3A = arith.constant 0 : i32
      "tpu.region"() ({
        %run_scoped3A_185 = tpu.sem_alloc : memref<!tpu.dma_semaphore, #tpu.memory_space<semaphore_mem>>
        %dma_start3A_186 = tpu.memref_slice %arg3[%run_scoped3A, %add3A_30] : memref<2x321536xi32, #tpu.memory_space<hbm>> -> memref<1x128xi32, #tpu.memory_space<hbm>>
        %dma_start3A_187 = tpu.memref_squeeze %dma_start3A_186 : memref<1x128xi32, #tpu.memory_space<hbm>> -> memref<128xi32, #tpu.memory_space<hbm>>
        %dma_start3A_188 = tpu.memref_slice %arg3[%run_scoped3A, %add3A_30] : memref<2x321536xi32, #tpu.memory_space<hbm>> -> memref<1x128xi32, #tpu.memory_space<hbm>>
        %dma_start3A_189 = tpu.memref_squeeze %dma_start3A_188 : memref<1x128xi32, #tpu.memory_space<hbm>> -> memref<128xi32, #tpu.memory_space<hbm>>
        tpu.enqueue_dma source(%dma_start3A_189 : memref<128xi32, #tpu.memory_space<hbm>>) target(%arg9 : memref<128xi32, #tpu.memory_space<vmem>>) target_semaphore(%run_scoped3A_185 : memref<!tpu.dma_semaphore, #tpu.memory_space<semaphore_mem>>)
        %dma_wait3A_190 = tpu.memref_slice %arg3[%run_scoped3A, %add3A_30] : memref<2x321536xi32, #tpu.memory_space<hbm>> -> memref<1x128xi32, #tpu.memory_space<hbm>>
        %dma_wait3A_191 = tpu.memref_squeeze %dma_wait3A_190 : memref<1x128xi32, #tpu.memory_space<hbm>> -> memref<128xi32, #tpu.memory_space<hbm>>
        %dma_wait3A_192 = tpu.memref_slice %arg3[%run_scoped3A, %add3A_30] : memref<2x321536xi32, #tpu.memory_space<hbm>> -> memref<1x128xi32, #tpu.memory_space<hbm>>
        %dma_wait3A_193 = tpu.memref_squeeze %dma_wait3A_192 : memref<1x128xi32, #tpu.memory_space<hbm>> -> memref<128xi32, #tpu.memory_space<hbm>>
        tpu.wait_dma2 semaphore(%run_scoped3A_185 : memref<!tpu.dma_semaphore, #tpu.memory_space<semaphore_mem>>) src(%dma_wait3A_193 : memref<128xi32, #tpu.memory_space<hbm>>) dst(%arg9 : memref<128xi32, #tpu.memory_space<vmem>>)
        tpu.yield
      }) : () -> ()
      %add3A_31 = arith.constant 0 : i32
      %add3A_32 = arith.addi %mul3A_0, %add3A_31 : i32
      %run_scoped3A_33 = arith.constant 0 : i32
      "tpu.region"() ({
        %run_scoped3A_185 = tpu.sem_alloc : memref<!tpu.dma_semaphore, #tpu.memory_space<semaphore_mem>>
        %dma_start3A_186 = tpu.memref_slice %arg4[%run_scoped3A_33, %add3A_32] : memref<2x321536xi32, #tpu.memory_space<hbm>> -> memref<1x128xi32, #tpu.memory_space<hbm>>
        %dma_start3A_187 = tpu.memref_squeeze %dma_start3A_186 : memref<1x128xi32, #tpu.memory_space<hbm>> -> memref<128xi32, #tpu.memory_space<hbm>>
        %dma_start3A_188 = tpu.memref_slice %arg4[%run_scoped3A_33, %add3A_32] : memref<2x321536xi32, #tpu.memory_space<hbm>> -> memref<1x128xi32, #tpu.memory_space<hbm>>
        %dma_start3A_189 = tpu.memref_squeeze %dma_start3A_188 : memref<1x128xi32, #tpu.memory_space<hbm>> -> memref<128xi32, #tpu.memory_space<hbm>>
        tpu.enqueue_dma source(%dma_start3A_189 : memref<128xi32, #tpu.memory_space<hbm>>) target(%arg13 : memref<128xi32, #tpu.memory_space<vmem>>) target_semaphore(%run_scoped3A_185 : memref<!tpu.dma_semaphore, #tpu.memory_space<semaphore_mem>>)
        %dma_wait3A_190 = tpu.memref_slice %arg4[%run_scoped3A_33, %add3A_32] : memref<2x321536xi32, #tpu.memory_space<hbm>> -> memref<1x128xi32, #tpu.memory_space<hbm>>
        %dma_wait3A_191 = tpu.memref_squeeze %dma_wait3A_190 : memref<1x128xi32, #tpu.memory_space<hbm>> -> memref<128xi32, #tpu.memory_space<hbm>>
        %dma_wait3A_192 = tpu.memref_slice %arg4[%run_scoped3A_33, %add3A_32] : memref<2x321536xi32, #tpu.memory_space<hbm>> -> memref<1x128xi32, #tpu.memory_space<hbm>>
        %dma_wait3A_193 = tpu.memref_squeeze %dma_wait3A_192 : memref<1x128xi32, #tpu.memory_space<hbm>> -> memref<128xi32, #tpu.memory_space<hbm>>
        tpu.wait_dma2 semaphore(%run_scoped3A_185 : memref<!tpu.dma_semaphore, #tpu.memory_space<semaphore_mem>>) src(%dma_wait3A_193 : memref<128xi32, #tpu.memory_space<hbm>>) dst(%arg13 : memref<128xi32, #tpu.memory_space<vmem>>)
        tpu.yield
      }) : () -> ()
      %add3A_34 = arith.constant 128 : i32
      %add3A_35 = arith.addi %mul3A_0, %add3A_34 : i32
      %run_scoped3A_36 = arith.constant 0 : i32
      "tpu.region"() ({
        %run_scoped3A_185 = tpu.sem_alloc : memref<!tpu.dma_semaphore, #tpu.memory_space<semaphore_mem>>
        %dma_start3A_186 = tpu.memref_slice %arg3[%run_scoped3A_36, %add3A_35] : memref<2x321536xi32, #tpu.memory_space<hbm>> -> memref<1x128xi32, #tpu.memory_space<hbm>>
        %dma_start3A_187 = tpu.memref_squeeze %dma_start3A_186 : memref<1x128xi32, #tpu.memory_space<hbm>> -> memref<128xi32, #tpu.memory_space<hbm>>
        %dma_start3A_188 = tpu.memref_slice %arg3[%run_scoped3A_36, %add3A_35] : memref<2x321536xi32, #tpu.memory_space<hbm>> -> memref<1x128xi32, #tpu.memory_space<hbm>>
        %dma_start3A_189 = tpu.memref_squeeze %dma_start3A_188 : memref<1x128xi32, #tpu.memory_space<hbm>> -> memref<128xi32, #tpu.memory_space<hbm>>
        tpu.enqueue_dma source(%dma_start3A_189 : memref<128xi32, #tpu.memory_space<hbm>>) target(%arg10 : memref<128xi32, #tpu.memory_space<vmem>>) target_semaphore(%run_scoped3A_185 : memref<!tpu.dma_semaphore, #tpu.memory_space<semaphore_mem>>)
        %dma_wait3A_190 = tpu.memref_slice %arg3[%run_scoped3A_36, %add3A_35] : memref<2x321536xi32, #tpu.memory_space<hbm>> -> memref<1x128xi32, #tpu.memory_space<hbm>>
        %dma_wait3A_191 = tpu.memref_squeeze %dma_wait3A_190 : memref<1x128xi32, #tpu.memory_space<hbm>> -> memref<128xi32, #tpu.memory_space<hbm>>
        %dma_wait3A_192 = tpu.memref_slice %arg3[%run_scoped3A_36, %add3A_35] : memref<2x321536xi32, #tpu.memory_space<hbm>> -> memref<1x128xi32, #tpu.memory_space<hbm>>
        %dma_wait3A_193 = tpu.memref_squeeze %dma_wait3A_192 : memref<1x128xi32, #tpu.memory_space<hbm>> -> memref<128xi32, #tpu.memory_space<hbm>>
        tpu.wait_dma2 semaphore(%run_scoped3A_185 : memref<!tpu.dma_semaphore, #tpu.memory_space<semaphore_mem>>) src(%dma_wait3A_193 : memref<128xi32, #tpu.memory_space<hbm>>) dst(%arg10 : memref<128xi32, #tpu.memory_space<vmem>>)
        tpu.yield
      }) : () -> ()
      %add3A_37 = arith.constant 128 : i32
      %add3A_38 = arith.addi %mul3A_0, %add3A_37 : i32
      %run_scoped3A_39 = arith.constant 0 : i32
      "tpu.region"() ({
        %run_scoped3A_185 = tpu.sem_alloc : memref<!tpu.dma_semaphore, #tpu.memory_space<semaphore_mem>>
        %dma_start3A_186 = tpu.memref_slice %arg4[%run_scoped3A_39, %add3A_38] : memref<2x321536xi32, #tpu.memory_space<hbm>> -> memref<1x128xi32, #tpu.memory_space<hbm>>
        %dma_start3A_187 = tpu.memref_squeeze %dma_start3A_186 : memref<1x128xi32, #tpu.memory_space<hbm>> -> memref<128xi32, #tpu.memory_space<hbm>>
        %dma_start3A_188 = tpu.memref_slice %arg4[%run_scoped3A_39, %add3A_38] : memref<2x321536xi32, #tpu.memory_space<hbm>> -> memref<1x128xi32, #tpu.memory_space<hbm>>
        %dma_start3A_189 = tpu.memref_squeeze %dma_start3A_188 : memref<1x128xi32, #tpu.memory_space<hbm>> -> memref<128xi32, #tpu.memory_space<hbm>>
        tpu.enqueue_dma source(%dma_start3A_189 : memref<128xi32, #tpu.memory_space<hbm>>) target(%arg14 : memref<128xi32, #tpu.memory_space<vmem>>) target_semaphore(%run_scoped3A_185 : memref<!tpu.dma_semaphore, #tpu.memory_space<semaphore_mem>>)
        %dma_wait3A_190 = tpu.memref_slice %arg4[%run_scoped3A_39, %add3A_38] : memref<2x321536xi32, #tpu.memory_space<hbm>> -> memref<1x128xi32, #tpu.memory_space<hbm>>
        %dma_wait3A_191 = tpu.memref_squeeze %dma_wait3A_190 : memref<1x128xi32, #tpu.memory_space<hbm>> -> memref<128xi32, #tpu.memory_space<hbm>>
        %dma_wait3A_192 = tpu.memref_slice %arg4[%run_scoped3A_39, %add3A_38] : memref<2x321536xi32, #tpu.memory_space<hbm>> -> memref<1x128xi32, #tpu.memory_space<hbm>>
        %dma_wait3A_193 = tpu.memref_squeeze %dma_wait3A_192 : memref<1x128xi32, #tpu.memory_space<hbm>> -> memref<128xi32, #tpu.memory_space<hbm>>
        tpu.wait_dma2 semaphore(%run_scoped3A_185 : memref<!tpu.dma_semaphore, #tpu.memory_space<semaphore_mem>>) src(%dma_wait3A_193 : memref<128xi32, #tpu.memory_space<hbm>>) dst(%arg14 : memref<128xi32, #tpu.memory_space<vmem>>)
        tpu.yield
      }) : () -> ()
      %add3A_40 = arith.constant 256 : i32
      %add3A_41 = arith.addi %mul3A_0, %add3A_40 : i32
      %run_scoped3A_42 = arith.constant 0 : i32
      "tpu.region"() ({
        %run_scoped3A_185 = tpu.sem_alloc : memref<!tpu.dma_semaphore, #tpu.memory_space<semaphore_mem>>
        %dma_start3A_186 = tpu.memref_slice %arg3[%run_scoped3A_42, %add3A_41] : memref<2x321536xi32, #tpu.memory_space<hbm>> -> memref<1x128xi32, #tpu.memory_space<hbm>>
        %dma_start3A_187 = tpu.memref_squeeze %dma_start3A_186 : memref<1x128xi32, #tpu.memory_space<hbm>> -> memref<128xi32, #tpu.memory_space<hbm>>
        %dma_start3A_188 = tpu.memref_slice %arg3[%run_scoped3A_42, %add3A_41] : memref<2x321536xi32, #tpu.memory_space<hbm>> -> memref<1x128xi32, #tpu.memory_space<hbm>>
        %dma_start3A_189 = tpu.memref_squeeze %dma_start3A_188 : memref<1x128xi32, #tpu.memory_space<hbm>> -> memref<128xi32, #tpu.memory_space<hbm>>
        tpu.enqueue_dma source(%dma_start3A_189 : memref<128xi32, #tpu.memory_space<hbm>>) target(%arg11 : memref<128xi32, #tpu.memory_space<vmem>>) target_semaphore(%run_scoped3A_185 : memref<!tpu.dma_semaphore, #tpu.memory_space<semaphore_mem>>)
        %dma_wait3A_190 = tpu.memref_slice %arg3[%run_scoped3A_42, %add3A_41] : memref<2x321536xi32, #tpu.memory_space<hbm>> -> memref<1x128xi32, #tpu.memory_space<hbm>>
        %dma_wait3A_191 = tpu.memref_squeeze %dma_wait3A_190 : memref<1x128xi32, #tpu.memory_space<hbm>> -> memref<128xi32, #tpu.memory_space<hbm>>
        %dma_wait3A_192 = tpu.memref_slice %arg3[%run_scoped3A_42, %add3A_41] : memref<2x321536xi32, #tpu.memory_space<hbm>> -> memref<1x128xi32, #tpu.memory_space<hbm>>
        %dma_wait3A_193 = tpu.memref_squeeze %dma_wait3A_192 : memref<1x128xi32, #tpu.memory_space<hbm>> -> memref<128xi32, #tpu.memory_space<hbm>>
        tpu.wait_dma2 semaphore(%run_scoped3A_185 : memref<!tpu.dma_semaphore, #tpu.memory_space<semaphore_mem>>) src(%dma_wait3A_193 : memref<128xi32, #tpu.memory_space<hbm>>) dst(%arg11 : memref<128xi32, #tpu.memory_space<vmem>>)
        tpu.yield
      }) : () -> ()
      %add3A_43 = arith.constant 256 : i32
      %add3A_44 = arith.addi %mul3A_0, %add3A_43 : i32
      %run_scoped3A_45 = arith.constant 0 : i32
      "tpu.region"() ({
        %run_scoped3A_185 = tpu.sem_alloc : memref<!tpu.dma_semaphore, #tpu.memory_space<semaphore_mem>>
        %dma_start3A_186 = tpu.memref_slice %arg4[%run_scoped3A_45, %add3A_44] : memref<2x321536xi32, #tpu.memory_space<hbm>> -> memref<1x128xi32, #tpu.memory_space<hbm>>
        %dma_start3A_187 = tpu.memref_squeeze %dma_start3A_186 : memref<1x128xi32, #tpu.memory_space<hbm>> -> memref<128xi32, #tpu.memory_space<hbm>>
        %dma_start3A_188 = tpu.memref_slice %arg4[%run_scoped3A_45, %add3A_44] : memref<2x321536xi32, #tpu.memory_space<hbm>> -> memref<1x128xi32, #tpu.memory_space<hbm>>
        %dma_start3A_189 = tpu.memref_squeeze %dma_start3A_188 : memref<1x128xi32, #tpu.memory_space<hbm>> -> memref<128xi32, #tpu.memory_space<hbm>>
        tpu.enqueue_dma source(%dma_start3A_189 : memref<128xi32, #tpu.memory_space<hbm>>) target(%arg15 : memref<128xi32, #tpu.memory_space<vmem>>) target_semaphore(%run_scoped3A_185 : memref<!tpu.dma_semaphore, #tpu.memory_space<semaphore_mem>>)
        %dma_wait3A_190 = tpu.memref_slice %arg4[%run_scoped3A_45, %add3A_44] : memref<2x321536xi32, #tpu.memory_space<hbm>> -> memref<1x128xi32, #tpu.memory_space<hbm>>
        %dma_wait3A_191 = tpu.memref_squeeze %dma_wait3A_190 : memref<1x128xi32, #tpu.memory_space<hbm>> -> memref<128xi32, #tpu.memory_space<hbm>>
        %dma_wait3A_192 = tpu.memref_slice %arg4[%run_scoped3A_45, %add3A_44] : memref<2x321536xi32, #tpu.memory_space<hbm>> -> memref<1x128xi32, #tpu.memory_space<hbm>>
        %dma_wait3A_193 = tpu.memref_squeeze %dma_wait3A_192 : memref<1x128xi32, #tpu.memory_space<hbm>> -> memref<128xi32, #tpu.memory_space<hbm>>
        tpu.wait_dma2 semaphore(%run_scoped3A_185 : memref<!tpu.dma_semaphore, #tpu.memory_space<semaphore_mem>>) src(%dma_wait3A_193 : memref<128xi32, #tpu.memory_space<hbm>>) dst(%arg15 : memref<128xi32, #tpu.memory_space<vmem>>)
        tpu.yield
      }) : () -> ()
      %add3A_46 = arith.constant 384 : i32
      %add3A_47 = arith.addi %mul3A_0, %add3A_46 : i32
      %run_scoped3A_48 = arith.constant 0 : i32
      "tpu.region"() ({
        %run_scoped3A_185 = tpu.sem_alloc : memref<!tpu.dma_semaphore, #tpu.memory_space<semaphore_mem>>
        %dma_start3A_186 = tpu.memref_slice %arg3[%run_scoped3A_48, %add3A_47] : memref<2x321536xi32, #tpu.memory_space<hbm>> -> memref<1x128xi32, #tpu.memory_space<hbm>>
        %dma_start3A_187 = tpu.memref_squeeze %dma_start3A_186 : memref<1x128xi32, #tpu.memory_space<hbm>> -> memref<128xi32, #tpu.memory_space<hbm>>
        %dma_start3A_188 = tpu.memref_slice %arg3[%run_scoped3A_48, %add3A_47] : memref<2x321536xi32, #tpu.memory_space<hbm>> -> memref<1x128xi32, #tpu.memory_space<hbm>>
        %dma_start3A_189 = tpu.memref_squeeze %dma_start3A_188 : memref<1x128xi32, #tpu.memory_space<hbm>> -> memref<128xi32, #tpu.memory_space<hbm>>
        tpu.enqueue_dma source(%dma_start3A_189 : memref<128xi32, #tpu.memory_space<hbm>>) target(%arg12 : memref<128xi32, #tpu.memory_space<vmem>>) target_semaphore(%run_scoped3A_185 : memref<!tpu.dma_semaphore, #tpu.memory_space<semaphore_mem>>)
        %dma_wait3A_190 = tpu.memref_slice %arg3[%run_scoped3A_48, %add3A_47] : memref<2x321536xi32, #tpu.memory_space<hbm>> -> memref<1x128xi32, #tpu.memory_space<hbm>>
        %dma_wait3A_191 = tpu.memref_squeeze %dma_wait3A_190 : memref<1x128xi32, #tpu.memory_space<hbm>> -> memref<128xi32, #tpu.memory_space<hbm>>
        %dma_wait3A_192 = tpu.memref_slice %arg3[%run_scoped3A_48, %add3A_47] : memref<2x321536xi32, #tpu.memory_space<hbm>> -> memref<1x128xi32, #tpu.memory_space<hbm>>
        %dma_wait3A_193 = tpu.memref_squeeze %dma_wait3A_192 : memref<1x128xi32, #tpu.memory_space<hbm>> -> memref<128xi32, #tpu.memory_space<hbm>>
        tpu.wait_dma2 semaphore(%run_scoped3A_185 : memref<!tpu.dma_semaphore, #tpu.memory_space<semaphore_mem>>) src(%dma_wait3A_193 : memref<128xi32, #tpu.memory_space<hbm>>) dst(%arg12 : memref<128xi32, #tpu.memory_space<vmem>>)
        tpu.yield
      }) : () -> ()
      %add3A_49 = arith.constant 384 : i32
      %add3A_50 = arith.addi %mul3A_0, %add3A_49 : i32
      %run_scoped3A_51 = arith.constant 0 : i32
      "tpu.region"() ({
        %run_scoped3A_185 = tpu.sem_alloc : memref<!tpu.dma_semaphore, #tpu.memory_space<semaphore_mem>>
        %dma_start3A_186 = tpu.memref_slice %arg4[%run_scoped3A_51, %add3A_50] : memref<2x321536xi32, #tpu.memory_space<hbm>> -> memref<1x128xi32, #tpu.memory_space<hbm>>
        %dma_start3A_187 = tpu.memref_squeeze %dma_start3A_186 : memref<1x128xi32, #tpu.memory_space<hbm>> -> memref<128xi32, #tpu.memory_space<hbm>>
        %dma_start3A_188 = tpu.memref_slice %arg4[%run_scoped3A_51, %add3A_50] : memref<2x321536xi32, #tpu.memory_space<hbm>> -> memref<1x128xi32, #tpu.memory_space<hbm>>
        %dma_start3A_189 = tpu.memref_squeeze %dma_start3A_188 : memref<1x128xi32, #tpu.memory_space<hbm>> -> memref<128xi32, #tpu.memory_space<hbm>>
        tpu.enqueue_dma source(%dma_start3A_189 : memref<128xi32, #tpu.memory_space<hbm>>) target(%arg16 : memref<128xi32, #tpu.memory_space<vmem>>) target_semaphore(%run_scoped3A_185 : memref<!tpu.dma_semaphore, #tpu.memory_space<semaphore_mem>>)
        %dma_wait3A_190 = tpu.memref_slice %arg4[%run_scoped3A_51, %add3A_50] : memref<2x321536xi32, #tpu.memory_space<hbm>> -> memref<1x128xi32, #tpu.memory_space<hbm>>
        %dma_wait3A_191 = tpu.memref_squeeze %dma_wait3A_190 : memref<1x128xi32, #tpu.memory_space<hbm>> -> memref<128xi32, #tpu.memory_space<hbm>>
        %dma_wait3A_192 = tpu.memref_slice %arg4[%run_scoped3A_51, %add3A_50] : memref<2x321536xi32, #tpu.memory_space<hbm>> -> memref<1x128xi32, #tpu.memory_space<hbm>>
        %dma_wait3A_193 = tpu.memref_squeeze %dma_wait3A_192 : memref<1x128xi32, #tpu.memory_space<hbm>> -> memref<128xi32, #tpu.memory_space<hbm>>
        tpu.wait_dma2 semaphore(%run_scoped3A_185 : memref<!tpu.dma_semaphore, #tpu.memory_space<semaphore_mem>>) src(%dma_wait3A_193 : memref<128xi32, #tpu.memory_space<hbm>>) dst(%arg16 : memref<128xi32, #tpu.memory_space<vmem>>)
        tpu.yield
      }) : () -> ()
      %dma_start3A = arith.constant 0 : i32
      %dma_start3A_52 = arith.constant 0 : i32
      %dma_start3A_53 = tpu.memref_slice %arg2[%dma_start3A, %dma_start3A_52] : memref<20000x128xf32, #tpu.memory_space<hbm>> -> memref<20000x128xf32, #tpu.memory_space<hbm>>
      tpu.enqueue_indirect_dma source(%dma_start3A_53 : memref<20000x128xf32, #tpu.memory_space<hbm>>) target(%arg17 : memref<128x128xf32, #tpu.memory_space<vmem>>) offsets(%arg9 : memref<128xi32, #tpu.memory_space<vmem>>) semaphore(%arg20 : memref<!tpu.dma_semaphore, #tpu.memory_space<semaphore_mem>>)
      %scan3A = arith.constant 0 : i32
      %scan3A_54 = arith.constant 0 : i32
      %scan3A_55 = arith.constant 39 : i32
      %scan3A_56 = arith.addi %scan3A_54, %scan3A_55 : i32
      %scan3A_57 = arith.constant 1 : i32
      %scan3A_58 = scf.for %scan3A_185 = %scan3A_54 to %scan3A_56 step %scan3A_57 iter_args(%scan3A_186 = %scan3A) -> (i32)  : i32 {
        %mul3A_187 = arith.constant 4 : i32
        %mul3A_188 = arith.muli %mul3A_187, %scan3A_185 : i32
        %add3A_189 = arith.constant 0 : i32
        %add3A_190 = arith.addi %mul3A_188, %add3A_189 : i32
        %add3A_191 = arith.constant 1 : i32
        %add3A_192 = arith.addi %add3A_190, %add3A_191 : i32
        %ge3A = arith.constant 4 : i32
        %ge3A_193 = arith.cmpi sge, %add3A_192, %ge3A : i32
        %convert_element_type3A_194 = arith.extui %ge3A_193 : i1 to i32
        %cond3A_195 = arith.constant 0 : i32
        %cond3A_196 = arith.cmpi ne, %convert_element_type3A_194, %cond3A_195 : i32
        scf.if %cond3A_196 {
          %dma_wait3A_320 = arith.constant 0 : i32
          %dma_wait3A_321 = tpu.memref_slice %arg3[%dma_wait3A_320, %mul3A_0] : memref<2x321536xi32, #tpu.memory_space<hbm>> -> memref<1x128xi32, #tpu.memory_space<hbm>>
          %dma_wait3A_322 = tpu.memref_squeeze %dma_wait3A_321 : memref<1x128xi32, #tpu.memory_space<hbm>> -> memref<128xi32, #tpu.memory_space<hbm>>
          %dma_wait3A_323 = tpu.memref_slice %arg3[%dma_wait3A_320, %mul3A_0] : memref<2x321536xi32, #tpu.memory_space<hbm>> -> memref<1x128xi32, #tpu.memory_space<hbm>>
          %dma_wait3A_324 = tpu.memref_squeeze %dma_wait3A_323 : memref<1x128xi32, #tpu.memory_space<hbm>> -> memref<128xi32, #tpu.memory_space<hbm>>
          tpu.wait_dma2 semaphore(%arg25 : memref<!tpu.dma_semaphore, #tpu.memory_space<semaphore_mem>>) src(%dma_wait3A_324 : memref<128xi32, #tpu.memory_space<hbm>>) dst(%arg10 : memref<128xi32, #tpu.memory_space<vmem>>)
          %dma_wait3A_325 = arith.constant 0 : i32
          %dma_wait3A_326 = tpu.memref_slice %arg4[%dma_wait3A_325, %mul3A_0] : memref<2x321536xi32, #tpu.memory_space<hbm>> -> memref<1x128xi32, #tpu.memory_space<hbm>>
          %dma_wait3A_327 = tpu.memref_squeeze %dma_wait3A_326 : memref<1x128xi32, #tpu.memory_space<hbm>> -> memref<128xi32, #tpu.memory_space<hbm>>
          %dma_wait3A_328 = tpu.memref_slice %arg4[%dma_wait3A_325, %mul3A_0] : memref<2x321536xi32, #tpu.memory_space<hbm>> -> memref<1x128xi32, #tpu.memory_space<hbm>>
          %dma_wait3A_329 = tpu.memref_squeeze %dma_wait3A_328 : memref<1x128xi32, #tpu.memory_space<hbm>> -> memref<128xi32, #tpu.memory_space<hbm>>
          tpu.wait_dma2 semaphore(%arg25 : memref<!tpu.dma_semaphore, #tpu.memory_space<semaphore_mem>>) src(%dma_wait3A_329 : memref<128xi32, #tpu.memory_space<hbm>>) dst(%arg14 : memref<128xi32, #tpu.memory_space<vmem>>)
        } else {
        }
        %ge3A_197 = arith.constant 1 : i32
        %ge3A_198 = arith.cmpi sge, %add3A_190, %ge3A_197 : i32
        %convert_element_type3A_199 = arith.extui %ge3A_198 : i1 to i32
        %cond3A_200 = arith.constant 0 : i32
        %cond3A_201 = arith.cmpi ne, %convert_element_type3A_199, %cond3A_200 : i32
        scf.if %cond3A_201 {
          %dma_wait3A_320 = arith.constant 0 : i32
          %dma_wait3A_321 = arith.constant 0 : i32
          %dma_wait3A_322 = tpu.memref_slice %arg19[%dma_wait3A_320, %dma_wait3A_321] : memref<10112x128xf32, #tpu.memory_space<vmem_shared>> -> memref<10112x128xf32, #tpu.memory_space<vmem_shared>>
          tpu.wait_indirect_dma semaphore(%arg23 : memref<!tpu.dma_semaphore, #tpu.memory_space<semaphore_mem>>) src(%arg18 : memref<128x128xf32, #tpu.memory_space<vmem>>) dst(%dma_wait3A_322 : memref<10112x128xf32, #tpu.memory_space<vmem_shared>>)
        } else {
        }
        %ge3A_202 = arith.constant 1 : i32
        %ge3A_203 = arith.cmpi sge, %add3A_190, %ge3A_202 : i32
        %add3A_204 = arith.constant 3 : i32
        %add3A_205 = arith.addi %add3A_190, %add3A_204 : i32
        %lt3A_206 = arith.constant 157 : i32
        %lt3A_207 = arith.cmpi slt, %add3A_205, %lt3A_206 : i32
        %and3A = arith.andi %ge3A_203, %lt3A_207 : i1
        %convert_element_type3A_208 = arith.extui %and3A : i1 to i32
        %cond3A_209 = arith.constant 0 : i32
        %cond3A_210 = arith.cmpi ne, %convert_element_type3A_208, %cond3A_209 : i32
        scf.if %cond3A_210 {
          %add3A_320 = arith.constant 3 : i32
          %add3A_321 = arith.addi %add3A_190, %add3A_320 : i32
          %mul3A_322 = arith.constant 128 : i32
          %mul3A_323 = arith.muli %add3A_321, %mul3A_322 : i32
          %add3A_324 = arith.addi %mul3A_0, %mul3A_323 : i32
          %dma_start3A_325 = arith.constant 0 : i32
          %dma_start3A_326 = tpu.memref_slice %arg3[%dma_start3A_325, %add3A_324] : memref<2x321536xi32, #tpu.memory_space<hbm>> -> memref<1x128xi32, #tpu.memory_space<hbm>>
          %dma_start3A_327 = tpu.memref_squeeze %dma_start3A_326 : memref<1x128xi32, #tpu.memory_space<hbm>> -> memref<128xi32, #tpu.memory_space<hbm>>
          %dma_start3A_328 = tpu.memref_slice %arg3[%dma_start3A_325, %add3A_324] : memref<2x321536xi32, #tpu.memory_space<hbm>> -> memref<1x128xi32, #tpu.memory_space<hbm>>
          %dma_start3A_329 = tpu.memref_squeeze %dma_start3A_328 : memref<1x128xi32, #tpu.memory_space<hbm>> -> memref<128xi32, #tpu.memory_space<hbm>>
          tpu.enqueue_dma source(%dma_start3A_329 : memref<128xi32, #tpu.memory_space<hbm>>) target(%arg12 : memref<128xi32, #tpu.memory_space<vmem>>) target_semaphore(%arg27 : memref<!tpu.dma_semaphore, #tpu.memory_space<semaphore_mem>>)
          %mul3A_330 = arith.constant 128 : i32
          %mul3A_331 = arith.muli %add3A_321, %mul3A_330 : i32
          %add3A_332 = arith.addi %mul3A_0, %mul3A_331 : i32
          %dma_start3A_333 = arith.constant 0 : i32
          %dma_start3A_334 = tpu.memref_slice %arg4[%dma_start3A_333, %add3A_332] : memref<2x321536xi32, #tpu.memory_space<hbm>> -> memref<1x128xi32, #tpu.memory_space<hbm>>
          %dma_start3A_335 = tpu.memref_squeeze %dma_start3A_334 : memref<1x128xi32, #tpu.memory_space<hbm>> -> memref<128xi32, #tpu.memory_space<hbm>>
          %dma_start3A_336 = tpu.memref_slice %arg4[%dma_start3A_333, %add3A_332] : memref<2x321536xi32, #tpu.memory_space<hbm>> -> memref<1x128xi32, #tpu.memory_space<hbm>>
          %dma_start3A_337 = tpu.memref_squeeze %dma_start3A_336 : memref<1x128xi32, #tpu.memory_space<hbm>> -> memref<128xi32, #tpu.memory_space<hbm>>
          tpu.enqueue_dma source(%dma_start3A_337 : memref<128xi32, #tpu.memory_space<hbm>>) target(%arg16 : memref<128xi32, #tpu.memory_space<vmem>>) target_semaphore(%arg27 : memref<!tpu.dma_semaphore, #tpu.memory_space<semaphore_mem>>)
        } else {
        }
        %dma_start3A_211 = arith.constant 0 : i32
        %dma_start3A_212 = arith.constant 0 : i32
        %dma_start3A_213 = tpu.memref_slice %arg2[%dma_start3A_211, %dma_start3A_212] : memref<20000x128xf32, #tpu.memory_space<hbm>> -> memref<20000x128xf32, #tpu.memory_space<hbm>>
        tpu.enqueue_indirect_dma source(%dma_start3A_213 : memref<20000x128xf32, #tpu.memory_space<hbm>>) target(%arg18 : memref<128x128xf32, #tpu.memory_space<vmem>>) offsets(%arg10 : memref<128xi32, #tpu.memory_space<vmem>>) semaphore(%arg21 : memref<!tpu.dma_semaphore, #tpu.memory_space<semaphore_mem>>)
        %dma_wait3A_214 = arith.constant 0 : i32
        %dma_wait3A_215 = arith.constant 0 : i32
        %dma_wait3A_216 = tpu.memref_slice %arg2[%dma_wait3A_214, %dma_wait3A_215] : memref<20000x128xf32, #tpu.memory_space<hbm>> -> memref<20000x128xf32, #tpu.memory_space<hbm>>
        tpu.wait_indirect_dma semaphore(%arg20 : memref<!tpu.dma_semaphore, #tpu.memory_space<semaphore_mem>>) src(%dma_wait3A_216 : memref<20000x128xf32, #tpu.memory_space<hbm>>) dst(%arg17 : memref<128x128xf32, #tpu.memory_space<vmem>>)
        %dma_start3A_217 = arith.constant 0 : i32
        %dma_start3A_218 = arith.constant 0 : i32
        %dma_start3A_219 = tpu.memref_slice %arg19[%dma_start3A_217, %dma_start3A_218] : memref<10112x128xf32, #tpu.memory_space<vmem_shared>> -> memref<10112x128xf32, #tpu.memory_space<vmem_shared>>
        tpu.enqueue_indirect_dma source(%arg17 : memref<128x128xf32, #tpu.memory_space<vmem>>) target(%dma_start3A_219 : memref<10112x128xf32, #tpu.memory_space<vmem_shared>>) offsets(%arg13 : memref<128xi32, #tpu.memory_space<vmem>>) semaphore(%arg22 : memref<!tpu.dma_semaphore, #tpu.memory_space<semaphore_mem>>) {add = true}
        %add3A_220 = arith.constant 1 : i32
        %add3A_221 = arith.addi %mul3A_188, %add3A_220 : i32
        %add3A_222 = arith.constant 1 : i32
        %add3A_223 = arith.addi %add3A_221, %add3A_222 : i32
        %ge3A_224 = arith.constant 4 : i32
        %ge3A_225 = arith.cmpi sge, %add3A_223, %ge3A_224 : i32
        %convert_element_type3A_226 = arith.extui %ge3A_225 : i1 to i32
        %cond3A_227 = arith.constant 0 : i32
        %cond3A_228 = arith.cmpi ne, %convert_element_type3A_226, %cond3A_227 : i32
        scf.if %cond3A_228 {
          %dma_wait3A_320 = arith.constant 0 : i32
          %dma_wait3A_321 = tpu.memref_slice %arg3[%dma_wait3A_320, %mul3A_0] : memref<2x321536xi32, #tpu.memory_space<hbm>> -> memref<1x128xi32, #tpu.memory_space<hbm>>
          %dma_wait3A_322 = tpu.memref_squeeze %dma_wait3A_321 : memref<1x128xi32, #tpu.memory_space<hbm>> -> memref<128xi32, #tpu.memory_space<hbm>>
          %dma_wait3A_323 = tpu.memref_slice %arg3[%dma_wait3A_320, %mul3A_0] : memref<2x321536xi32, #tpu.memory_space<hbm>> -> memref<1x128xi32, #tpu.memory_space<hbm>>
          %dma_wait3A_324 = tpu.memref_squeeze %dma_wait3A_323 : memref<1x128xi32, #tpu.memory_space<hbm>> -> memref<128xi32, #tpu.memory_space<hbm>>
          tpu.wait_dma2 semaphore(%arg26 : memref<!tpu.dma_semaphore, #tpu.memory_space<semaphore_mem>>) src(%dma_wait3A_324 : memref<128xi32, #tpu.memory_space<hbm>>) dst(%arg11 : memref<128xi32, #tpu.memory_space<vmem>>)
          %dma_wait3A_325 = arith.constant 0 : i32
          %dma_wait3A_326 = tpu.memref_slice %arg4[%dma_wait3A_325, %mul3A_0] : memref<2x321536xi32, #tpu.memory_space<hbm>> -> memref<1x128xi32, #tpu.memory_space<hbm>>
          %dma_wait3A_327 = tpu.memref_squeeze %dma_wait3A_326 : memref<1x128xi32, #tpu.memory_space<hbm>> -> memref<128xi32, #tpu.memory_space<hbm>>
          %dma_wait3A_328 = tpu.memref_slice %arg4[%dma_wait3A_325, %mul3A_0] : memref<2x321536xi32, #tpu.memory_space<hbm>> -> memref<1x128xi32, #tpu.memory_space<hbm>>
          %dma_wait3A_329 = tpu.memref_squeeze %dma_wait3A_328 : memref<1x128xi32, #tpu.memory_space<hbm>> -> memref<128xi32, #tpu.memory_space<hbm>>
          tpu.wait_dma2 semaphore(%arg26 : memref<!tpu.dma_semaphore, #tpu.memory_space<semaphore_mem>>) src(%dma_wait3A_329 : memref<128xi32, #tpu.memory_space<hbm>>) dst(%arg15 : memref<128xi32, #tpu.memory_space<vmem>>)
        } else {
        }
        %ge3A_229 = arith.constant 1 : i32
        %ge3A_230 = arith.cmpi sge, %add3A_221, %ge3A_229 : i32
        %convert_element_type3A_231 = arith.extui %ge3A_230 : i1 to i32
        %cond3A_232 = arith.constant 0 : i32
        %cond3A_233 = arith.cmpi ne, %convert_element_type3A_231, %cond3A_232 : i32
        scf.if %cond3A_233 {
          %dma_wait3A_320 = arith.constant 0 : i32
          %dma_wait3A_321 = arith.constant 0 : i32
          %dma_wait3A_322 = tpu.memref_slice %arg19[%dma_wait3A_320, %dma_wait3A_321] : memref<10112x128xf32, #tpu.memory_space<vmem_shared>> -> memref<10112x128xf32, #tpu.memory_space<vmem_shared>>
          tpu.wait_indirect_dma semaphore(%arg22 : memref<!tpu.dma_semaphore, #tpu.memory_space<semaphore_mem>>) src(%arg17 : memref<128x128xf32, #tpu.memory_space<vmem>>) dst(%dma_wait3A_322 : memref<10112x128xf32, #tpu.memory_space<vmem_shared>>)
        } else {
        }
        %ge3A_234 = arith.constant 1 : i32
        %ge3A_235 = arith.cmpi sge, %add3A_221, %ge3A_234 : i32
        %add3A_236 = arith.constant 3 : i32
        %add3A_237 = arith.addi %add3A_221, %add3A_236 : i32
        %lt3A_238 = arith.constant 157 : i32
        %lt3A_239 = arith.cmpi slt, %add3A_237, %lt3A_238 : i32
        %and3A_240 = arith.andi %ge3A_235, %lt3A_239 : i1
        %convert_element_type3A_241 = arith.extui %and3A_240 : i1 to i32
        %cond3A_242 = arith.constant 0 : i32
        %cond3A_243 = arith.cmpi ne, %convert_element_type3A_241, %cond3A_242 : i32
        scf.if %cond3A_243 {
          %add3A_320 = arith.constant 3 : i32
          %add3A_321 = arith.addi %add3A_221, %add3A_320 : i32
          %mul3A_322 = arith.constant 128 : i32
          %mul3A_323 = arith.muli %add3A_321, %mul3A_322 : i32
          %add3A_324 = arith.addi %mul3A_0, %mul3A_323 : i32
          %dma_start3A_325 = arith.constant 0 : i32
          %dma_start3A_326 = tpu.memref_slice %arg3[%dma_start3A_325, %add3A_324] : memref<2x321536xi32, #tpu.memory_space<hbm>> -> memref<1x128xi32, #tpu.memory_space<hbm>>
          %dma_start3A_327 = tpu.memref_squeeze %dma_start3A_326 : memref<1x128xi32, #tpu.memory_space<hbm>> -> memref<128xi32, #tpu.memory_space<hbm>>
          %dma_start3A_328 = tpu.memref_slice %arg3[%dma_start3A_325, %add3A_324] : memref<2x321536xi32, #tpu.memory_space<hbm>> -> memref<1x128xi32, #tpu.memory_space<hbm>>
          %dma_start3A_329 = tpu.memref_squeeze %dma_start3A_328 : memref<1x128xi32, #tpu.memory_space<hbm>> -> memref<128xi32, #tpu.memory_space<hbm>>
          tpu.enqueue_dma source(%dma_start3A_329 : memref<128xi32, #tpu.memory_space<hbm>>) target(%arg9 : memref<128xi32, #tpu.memory_space<vmem>>) target_semaphore(%arg24 : memref<!tpu.dma_semaphore, #tpu.memory_space<semaphore_mem>>)
          %mul3A_330 = arith.constant 128 : i32
          %mul3A_331 = arith.muli %add3A_321, %mul3A_330 : i32
          %add3A_332 = arith.addi %mul3A_0, %mul3A_331 : i32
          %dma_start3A_333 = arith.constant 0 : i32
          %dma_start3A_334 = tpu.memref_slice %arg4[%dma_start3A_333, %add3A_332] : memref<2x321536xi32, #tpu.memory_space<hbm>> -> memref<1x128xi32, #tpu.memory_space<hbm>>
          %dma_start3A_335 = tpu.memref_squeeze %dma_start3A_334 : memref<1x128xi32, #tpu.memory_space<hbm>> -> memref<128xi32, #tpu.memory_space<hbm>>
          %dma_start3A_336 = tpu.memref_slice %arg4[%dma_start3A_333, %add3A_332] : memref<2x321536xi32, #tpu.memory_space<hbm>> -> memref<1x128xi32, #tpu.memory_space<hbm>>
          %dma_start3A_337 = tpu.memref_squeeze %dma_start3A_336 : memref<1x128xi32, #tpu.memory_space<hbm>> -> memref<128xi32, #tpu.memory_space<hbm>>
          tpu.enqueue_dma source(%dma_start3A_337 : memref<128xi32, #tpu.memory_space<hbm>>) target(%arg13 : memref<128xi32, #tpu.memory_space<vmem>>) target_semaphore(%arg24 : memref<!tpu.dma_semaphore, #tpu.memory_space<semaphore_mem>>)
        } else {
        }
        %dma_start3A_244 = arith.constant 0 : i32
        %dma_start3A_245 = arith.constant 0 : i32
        %dma_start3A_246 = tpu.memref_slice %arg2[%dma_start3A_244, %dma_start3A_245] : memref<20000x128xf32, #tpu.memory_space<hbm>> -> memref<20000x128xf32, #tpu.memory_space<hbm>>
        tpu.enqueue_indirect_dma source(%dma_start3A_246 : memref<20000x128xf32, #tpu.memory_space<hbm>>) target(%arg17 : memref<128x128xf32, #tpu.memory_space<vmem>>) offsets(%arg11 : memref<128xi32, #tpu.memory_space<vmem>>) semaphore(%arg20 : memref<!tpu.dma_semaphore, #tpu.memory_space<semaphore_mem>>)
        %dma_wait3A_247 = arith.constant 0 : i32
        %dma_wait3A_248 = arith.constant 0 : i32
        %dma_wait3A_249 = tpu.memref_slice %arg2[%dma_wait3A_247, %dma_wait3A_248] : memref<20000x128xf32, #tpu.memory_space<hbm>> -> memref<20000x128xf32, #tpu.memory_space<hbm>>
        tpu.wait_indirect_dma semaphore(%arg21 : memref<!tpu.dma_semaphore, #tpu.memory_space<semaphore_mem>>) src(%dma_wait3A_249 : memref<20000x128xf32, #tpu.memory_space<hbm>>) dst(%arg18 : memref<128x128xf32, #tpu.memory_space<vmem>>)
        %dma_start3A_250 = arith.constant 0 : i32
        %dma_start3A_251 = arith.constant 0 : i32
        %dma_start3A_252 = tpu.memref_slice %arg19[%dma_start3A_250, %dma_start3A_251] : memref<10112x128xf32, #tpu.memory_space<vmem_shared>> -> memref<10112x128xf32, #tpu.memory_space<vmem_shared>>
        tpu.enqueue_indirect_dma source(%arg18 : memref<128x128xf32, #tpu.memory_space<vmem>>) target(%dma_start3A_252 : memref<10112x128xf32, #tpu.memory_space<vmem_shared>>) offsets(%arg14 : memref<128xi32, #tpu.memory_space<vmem>>) semaphore(%arg23 : memref<!tpu.dma_semaphore, #tpu.memory_space<semaphore_mem>>) {add = true}
        %add3A_253 = arith.constant 2 : i32
        %add3A_254 = arith.addi %mul3A_188, %add3A_253 : i32
        %add3A_255 = arith.constant 1 : i32
        %add3A_256 = arith.addi %add3A_254, %add3A_255 : i32
        %ge3A_257 = arith.constant 4 : i32
        %ge3A_258 = arith.cmpi sge, %add3A_256, %ge3A_257 : i32
        %convert_element_type3A_259 = arith.extui %ge3A_258 : i1 to i32
        %cond3A_260 = arith.constant 0 : i32
        %cond3A_261 = arith.cmpi ne, %convert_element_type3A_259, %cond3A_260 : i32
        scf.if %cond3A_261 {
          %dma_wait3A_320 = arith.constant 0 : i32
          %dma_wait3A_321 = tpu.memref_slice %arg3[%dma_wait3A_320, %mul3A_0] : memref<2x321536xi32, #tpu.memory_space<hbm>> -> memref<1x128xi32, #tpu.memory_space<hbm>>
          %dma_wait3A_322 = tpu.memref_squeeze %dma_wait3A_321 : memref<1x128xi32, #tpu.memory_space<hbm>> -> memref<128xi32, #tpu.memory_space<hbm>>
          %dma_wait3A_323 = tpu.memref_slice %arg3[%dma_wait3A_320, %mul3A_0] : memref<2x321536xi32, #tpu.memory_space<hbm>> -> memref<1x128xi32, #tpu.memory_space<hbm>>
          %dma_wait3A_324 = tpu.memref_squeeze %dma_wait3A_323 : memref<1x128xi32, #tpu.memory_space<hbm>> -> memref<128xi32, #tpu.memory_space<hbm>>
          tpu.wait_dma2 semaphore(%arg27 : memref<!tpu.dma_semaphore, #tpu.memory_space<semaphore_mem>>) src(%dma_wait3A_324 : memref<128xi32, #tpu.memory_space<hbm>>) dst(%arg12 : memref<128xi32, #tpu.memory_space<vmem>>)
          %dma_wait3A_325 = arith.constant 0 : i32
          %dma_wait3A_326 = tpu.memref_slice %arg4[%dma_wait3A_325, %mul3A_0] : memref<2x321536xi32, #tpu.memory_space<hbm>> -> memref<1x128xi32, #tpu.memory_space<hbm>>
          %dma_wait3A_327 = tpu.memref_squeeze %dma_wait3A_326 : memref<1x128xi32, #tpu.memory_space<hbm>> -> memref<128xi32, #tpu.memory_space<hbm>>
          %dma_wait3A_328 = tpu.memref_slice %arg4[%dma_wait3A_325, %mul3A_0] : memref<2x321536xi32, #tpu.memory_space<hbm>> -> memref<1x128xi32, #tpu.memory_space<hbm>>
          %dma_wait3A_329 = tpu.memref_squeeze %dma_wait3A_328 : memref<1x128xi32, #tpu.memory_space<hbm>> -> memref<128xi32, #tpu.memory_space<hbm>>
          tpu.wait_dma2 semaphore(%arg27 : memref<!tpu.dma_semaphore, #tpu.memory_space<semaphore_mem>>) src(%dma_wait3A_329 : memref<128xi32, #tpu.memory_space<hbm>>) dst(%arg16 : memref<128xi32, #tpu.memory_space<vmem>>)
        } else {
        }
        %ge3A_262 = arith.constant 1 : i32
        %ge3A_263 = arith.cmpi sge, %add3A_254, %ge3A_262 : i32
        %convert_element_type3A_264 = arith.extui %ge3A_263 : i1 to i32
        %cond3A_265 = arith.constant 0 : i32
        %cond3A_266 = arith.cmpi ne, %convert_element_type3A_264, %cond3A_265 : i32
        scf.if %cond3A_266 {
          %dma_wait3A_320 = arith.constant 0 : i32
          %dma_wait3A_321 = arith.constant 0 : i32
          %dma_wait3A_322 = tpu.memref_slice %arg19[%dma_wait3A_320, %dma_wait3A_321] : memref<10112x128xf32, #tpu.memory_space<vmem_shared>> -> memref<10112x128xf32, #tpu.memory_space<vmem_shared>>
          tpu.wait_indirect_dma semaphore(%arg23 : memref<!tpu.dma_semaphore, #tpu.memory_space<semaphore_mem>>) src(%arg18 : memref<128x128xf32, #tpu.memory_space<vmem>>) dst(%dma_wait3A_322 : memref<10112x128xf32, #tpu.memory_space<vmem_shared>>)
        } else {
        }
        %ge3A_267 = arith.constant 1 : i32
        %ge3A_268 = arith.cmpi sge, %add3A_254, %ge3A_267 : i32
        %add3A_269 = arith.constant 3 : i32
        %add3A_270 = arith.addi %add3A_254, %add3A_269 : i32
        %lt3A_271 = arith.constant 157 : i32
        %lt3A_272 = arith.cmpi slt, %add3A_270, %lt3A_271 : i32
        %and3A_273 = arith.andi %ge3A_268, %lt3A_272 : i1
        %convert_element_type3A_274 = arith.extui %and3A_273 : i1 to i32
        %cond3A_275 = arith.constant 0 : i32
        %cond3A_276 = arith.cmpi ne, %convert_element_type3A_274, %cond3A_275 : i32
        scf.if %cond3A_276 {
          %add3A_320 = arith.constant 3 : i32
          %add3A_321 = arith.addi %add3A_254, %add3A_320 : i32
          %mul3A_322 = arith.constant 128 : i32
          %mul3A_323 = arith.muli %add3A_321, %mul3A_322 : i32
          %add3A_324 = arith.addi %mul3A_0, %mul3A_323 : i32
          %dma_start3A_325 = arith.constant 0 : i32
          %dma_start3A_326 = tpu.memref_slice %arg3[%dma_start3A_325, %add3A_324] : memref<2x321536xi32, #tpu.memory_space<hbm>> -> memref<1x128xi32, #tpu.memory_space<hbm>>
          %dma_start3A_327 = tpu.memref_squeeze %dma_start3A_326 : memref<1x128xi32, #tpu.memory_space<hbm>> -> memref<128xi32, #tpu.memory_space<hbm>>
          %dma_start3A_328 = tpu.memref_slice %arg3[%dma_start3A_325, %add3A_324] : memref<2x321536xi32, #tpu.memory_space<hbm>> -> memref<1x128xi32, #tpu.memory_space<hbm>>
          %dma_start3A_329 = tpu.memref_squeeze %dma_start3A_328 : memref<1x128xi32, #tpu.memory_space<hbm>> -> memref<128xi32, #tpu.memory_space<hbm>>
          tpu.enqueue_dma source(%dma_start3A_329 : memref<128xi32, #tpu.memory_space<hbm>>) target(%arg10 : memref<128xi32, #tpu.memory_space<vmem>>) target_semaphore(%arg25 : memref<!tpu.dma_semaphore, #tpu.memory_space<semaphore_mem>>)
          %mul3A_330 = arith.constant 128 : i32
          %mul3A_331 = arith.muli %add3A_321, %mul3A_330 : i32
          %add3A_332 = arith.addi %mul3A_0, %mul3A_331 : i32
          %dma_start3A_333 = arith.constant 0 : i32
          %dma_start3A_334 = tpu.memref_slice %arg4[%dma_start3A_333, %add3A_332] : memref<2x321536xi32, #tpu.memory_space<hbm>> -> memref<1x128xi32, #tpu.memory_space<hbm>>
          %dma_start3A_335 = tpu.memref_squeeze %dma_start3A_334 : memref<1x128xi32, #tpu.memory_space<hbm>> -> memref<128xi32, #tpu.memory_space<hbm>>
          %dma_start3A_336 = tpu.memref_slice %arg4[%dma_start3A_333, %add3A_332] : memref<2x321536xi32, #tpu.memory_space<hbm>> -> memref<1x128xi32, #tpu.memory_space<hbm>>
          %dma_start3A_337 = tpu.memref_squeeze %dma_start3A_336 : memref<1x128xi32, #tpu.memory_space<hbm>> -> memref<128xi32, #tpu.memory_space<hbm>>
          tpu.enqueue_dma source(%dma_start3A_337 : memref<128xi32, #tpu.memory_space<hbm>>) target(%arg14 : memref<128xi32, #tpu.memory_space<vmem>>) target_semaphore(%arg25 : memref<!tpu.dma_semaphore, #tpu.memory_space<semaphore_mem>>)
        } else {
        }
        %dma_start3A_277 = arith.constant 0 : i32
        %dma_start3A_278 = arith.constant 0 : i32
        %dma_start3A_279 = tpu.memref_slice %arg2[%dma_start3A_277, %dma_start3A_278] : memref<20000x128xf32, #tpu.memory_space<hbm>> -> memref<20000x128xf32, #tpu.memory_space<hbm>>
        tpu.enqueue_indirect_dma source(%dma_start3A_279 : memref<20000x128xf32, #tpu.memory_space<hbm>>) target(%arg18 : memref<128x128xf32, #tpu.memory_space<vmem>>) offsets(%arg12 : memref<128xi32, #tpu.memory_space<vmem>>) semaphore(%arg21 : memref<!tpu.dma_semaphore, #tpu.memory_space<semaphore_mem>>)
        %dma_wait3A_280 = arith.constant 0 : i32
        %dma_wait3A_281 = arith.constant 0 : i32
        %dma_wait3A_282 = tpu.memref_slice %arg2[%dma_wait3A_280, %dma_wait3A_281] : memref<20000x128xf32, #tpu.memory_space<hbm>> -> memref<20000x128xf32, #tpu.memory_space<hbm>>
        tpu.wait_indirect_dma semaphore(%arg20 : memref<!tpu.dma_semaphore, #tpu.memory_space<semaphore_mem>>) src(%dma_wait3A_282 : memref<20000x128xf32, #tpu.memory_space<hbm>>) dst(%arg17 : memref<128x128xf32, #tpu.memory_space<vmem>>)
        %dma_start3A_283 = arith.constant 0 : i32
        %dma_start3A_284 = arith.constant 0 : i32
        %dma_start3A_285 = tpu.memref_slice %arg19[%dma_start3A_283, %dma_start3A_284] : memref<10112x128xf32, #tpu.memory_space<vmem_shared>> -> memref<10112x128xf32, #tpu.memory_space<vmem_shared>>
        tpu.enqueue_indirect_dma source(%arg17 : memref<128x128xf32, #tpu.memory_space<vmem>>) target(%dma_start3A_285 : memref<10112x128xf32, #tpu.memory_space<vmem_shared>>) offsets(%arg15 : memref<128xi32, #tpu.memory_space<vmem>>) semaphore(%arg22 : memref<!tpu.dma_semaphore, #tpu.memory_space<semaphore_mem>>) {add = true}
        %add3A_286 = arith.constant 3 : i32
        %add3A_287 = arith.addi %mul3A_188, %add3A_286 : i32
        %add3A_288 = arith.constant 1 : i32
        %add3A_289 = arith.addi %add3A_287, %add3A_288 : i32
        %ge3A_290 = arith.constant 4 : i32
        %ge3A_291 = arith.cmpi sge, %add3A_289, %ge3A_290 : i32
        %convert_element_type3A_292 = arith.extui %ge3A_291 : i1 to i32
        %cond3A_293 = arith.constant 0 : i32
        %cond3A_294 = arith.cmpi ne, %convert_element_type3A_292, %cond3A_293 : i32
        scf.if %cond3A_294 {
          %dma_wait3A_320 = arith.constant 0 : i32
          %dma_wait3A_321 = tpu.memref_slice %arg3[%dma_wait3A_320, %mul3A_0] : memref<2x321536xi32, #tpu.memory_space<hbm>> -> memref<1x128xi32, #tpu.memory_space<hbm>>
          %dma_wait3A_322 = tpu.memref_squeeze %dma_wait3A_321 : memref<1x128xi32, #tpu.memory_space<hbm>> -> memref<128xi32, #tpu.memory_space<hbm>>
          %dma_wait3A_323 = tpu.memref_slice %arg3[%dma_wait3A_320, %mul3A_0] : memref<2x321536xi32, #tpu.memory_space<hbm>> -> memref<1x128xi32, #tpu.memory_space<hbm>>
          %dma_wait3A_324 = tpu.memref_squeeze %dma_wait3A_323 : memref<1x128xi32, #tpu.memory_space<hbm>> -> memref<128xi32, #tpu.memory_space<hbm>>
          tpu.wait_dma2 semaphore(%arg24 : memref<!tpu.dma_semaphore, #tpu.memory_space<semaphore_mem>>) src(%dma_wait3A_324 : memref<128xi32, #tpu.memory_space<hbm>>) dst(%arg9 : memref<128xi32, #tpu.memory_space<vmem>>)
          %dma_wait3A_325 = arith.constant 0 : i32
          %dma_wait3A_326 = tpu.memref_slice %arg4[%dma_wait3A_325, %mul3A_0] : memref<2x321536xi32, #tpu.memory_space<hbm>> -> memref<1x128xi32, #tpu.memory_space<hbm>>
          %dma_wait3A_327 = tpu.memref_squeeze %dma_wait3A_326 : memref<1x128xi32, #tpu.memory_space<hbm>> -> memref<128xi32, #tpu.memory_space<hbm>>
          %dma_wait3A_328 = tpu.memref_slice %arg4[%dma_wait3A_325, %mul3A_0] : memref<2x321536xi32, #tpu.memory_space<hbm>> -> memref<1x128xi32, #tpu.memory_space<hbm>>
          %dma_wait3A_329 = tpu.memref_squeeze %dma_wait3A_328 : memref<1x128xi32, #tpu.memory_space<hbm>> -> memref<128xi32, #tpu.memory_space<hbm>>
          tpu.wait_dma2 semaphore(%arg24 : memref<!tpu.dma_semaphore, #tpu.memory_space<semaphore_mem>>) src(%dma_wait3A_329 : memref<128xi32, #tpu.memory_space<hbm>>) dst(%arg13 : memref<128xi32, #tpu.memory_space<vmem>>)
        } else {
        }
        %ge3A_295 = arith.constant 1 : i32
        %ge3A_296 = arith.cmpi sge, %add3A_287, %ge3A_295 : i32
        %convert_element_type3A_297 = arith.extui %ge3A_296 : i1 to i32
        %cond3A_298 = arith.constant 0 : i32
        %cond3A_299 = arith.cmpi ne, %convert_element_type3A_297, %cond3A_298 : i32
        scf.if %cond3A_299 {
          %dma_wait3A_320 = arith.constant 0 : i32
          %dma_wait3A_321 = arith.constant 0 : i32
          %dma_wait3A_322 = tpu.memref_slice %arg19[%dma_wait3A_320, %dma_wait3A_321] : memref<10112x128xf32, #tpu.memory_space<vmem_shared>> -> memref<10112x128xf32, #tpu.memory_space<vmem_shared>>
          tpu.wait_indirect_dma semaphore(%arg22 : memref<!tpu.dma_semaphore, #tpu.memory_space<semaphore_mem>>) src(%arg17 : memref<128x128xf32, #tpu.memory_space<vmem>>) dst(%dma_wait3A_322 : memref<10112x128xf32, #tpu.memory_space<vmem_shared>>)
        } else {
        }
        %ge3A_300 = arith.constant 1 : i32
        %ge3A_301 = arith.cmpi sge, %add3A_287, %ge3A_300 : i32
        %add3A_302 = arith.constant 3 : i32
        %add3A_303 = arith.addi %add3A_287, %add3A_302 : i32
        %lt3A_304 = arith.constant 157 : i32
        %lt3A_305 = arith.cmpi slt, %add3A_303, %lt3A_304 : i32
        %and3A_306 = arith.andi %ge3A_301, %lt3A_305 : i1
        %convert_element_type3A_307 = arith.extui %and3A_306 : i1 to i32
        %cond3A_308 = arith.constant 0 : i32
        %cond3A_309 = arith.cmpi ne, %convert_element_type3A_307, %cond3A_308 : i32
        scf.if %cond3A_309 {
          %add3A_320 = arith.constant 3 : i32
          %add3A_321 = arith.addi %add3A_287, %add3A_320 : i32
          %mul3A_322 = arith.constant 128 : i32
          %mul3A_323 = arith.muli %add3A_321, %mul3A_322 : i32
          %add3A_324 = arith.addi %mul3A_0, %mul3A_323 : i32
          %dma_start3A_325 = arith.constant 0 : i32
          %dma_start3A_326 = tpu.memref_slice %arg3[%dma_start3A_325, %add3A_324] : memref<2x321536xi32, #tpu.memory_space<hbm>> -> memref<1x128xi32, #tpu.memory_space<hbm>>
          %dma_start3A_327 = tpu.memref_squeeze %dma_start3A_326 : memref<1x128xi32, #tpu.memory_space<hbm>> -> memref<128xi32, #tpu.memory_space<hbm>>
          %dma_start3A_328 = tpu.memref_slice %arg3[%dma_start3A_325, %add3A_324] : memref<2x321536xi32, #tpu.memory_space<hbm>> -> memref<1x128xi32, #tpu.memory_space<hbm>>
          %dma_start3A_329 = tpu.memref_squeeze %dma_start3A_328 : memref<1x128xi32, #tpu.memory_space<hbm>> -> memref<128xi32, #tpu.memory_space<hbm>>
          tpu.enqueue_dma source(%dma_start3A_329 : memref<128xi32, #tpu.memory_space<hbm>>) target(%arg11 : memref<128xi32, #tpu.memory_space<vmem>>) target_semaphore(%arg26 : memref<!tpu.dma_semaphore, #tpu.memory_space<semaphore_mem>>)
          %mul3A_330 = arith.constant 128 : i32
          %mul3A_331 = arith.muli %add3A_321, %mul3A_330 : i32
          %add3A_332 = arith.addi %mul3A_0, %mul3A_331 : i32
          %dma_start3A_333 = arith.constant 0 : i32
          %dma_start3A_334 = tpu.memref_slice %arg4[%dma_start3A_333, %add3A_332] : memref<2x321536xi32, #tpu.memory_space<hbm>> -> memref<1x128xi32, #tpu.memory_space<hbm>>
          %dma_start3A_335 = tpu.memref_squeeze %dma_start3A_334 : memref<1x128xi32, #tpu.memory_space<hbm>> -> memref<128xi32, #tpu.memory_space<hbm>>
          %dma_start3A_336 = tpu.memref_slice %arg4[%dma_start3A_333, %add3A_332] : memref<2x321536xi32, #tpu.memory_space<hbm>> -> memref<1x128xi32, #tpu.memory_space<hbm>>
          %dma_start3A_337 = tpu.memref_squeeze %dma_start3A_336 : memref<1x128xi32, #tpu.memory_space<hbm>> -> memref<128xi32, #tpu.memory_space<hbm>>
          tpu.enqueue_dma source(%dma_start3A_337 : memref<128xi32, #tpu.memory_space<hbm>>) target(%arg15 : memref<128xi32, #tpu.memory_space<vmem>>) target_semaphore(%arg26 : memref<!tpu.dma_semaphore, #tpu.memory_space<semaphore_mem>>)
        } else {
        }
        %dma_start3A_310 = arith.constant 0 : i32
        %dma_start3A_311 = arith.constant 0 : i32
        %dma_start3A_312 = tpu.memref_slice %arg2[%dma_start3A_310, %dma_start3A_311] : memref<20000x128xf32, #tpu.memory_space<hbm>> -> memref<20000x128xf32, #tpu.memory_space<hbm>>
        tpu.enqueue_indirect_dma source(%dma_start3A_312 : memref<20000x128xf32, #tpu.memory_space<hbm>>) target(%arg17 : memref<128x128xf32, #tpu.memory_space<vmem>>) offsets(%arg9 : memref<128xi32, #tpu.memory_space<vmem>>) semaphore(%arg20 : memref<!tpu.dma_semaphore, #tpu.memory_space<semaphore_mem>>)
        %dma_wait3A_313 = arith.constant 0 : i32
        %dma_wait3A_314 = arith.constant 0 : i32
        %dma_wait3A_315 = tpu.memref_slice %arg2[%dma_wait3A_313, %dma_wait3A_314] : memref<20000x128xf32, #tpu.memory_space<hbm>> -> memref<20000x128xf32, #tpu.memory_space<hbm>>
        tpu.wait_indirect_dma semaphore(%arg21 : memref<!tpu.dma_semaphore, #tpu.memory_space<semaphore_mem>>) src(%dma_wait3A_315 : memref<20000x128xf32, #tpu.memory_space<hbm>>) dst(%arg18 : memref<128x128xf32, #tpu.memory_space<vmem>>)
        %dma_start3A_316 = arith.constant 0 : i32
        %dma_start3A_317 = arith.constant 0 : i32
        %dma_start3A_318 = tpu.memref_slice %arg19[%dma_start3A_316, %dma_start3A_317] : memref<10112x128xf32, #tpu.memory_space<vmem_shared>> -> memref<10112x128xf32, #tpu.memory_space<vmem_shared>>
        tpu.enqueue_indirect_dma source(%arg18 : memref<128x128xf32, #tpu.memory_space<vmem>>) target(%dma_start3A_318 : memref<10112x128xf32, #tpu.memory_space<vmem_shared>>) offsets(%arg16 : memref<128xi32, #tpu.memory_space<vmem>>) semaphore(%arg23 : memref<!tpu.dma_semaphore, #tpu.memory_space<semaphore_mem>>) {add = true}
        %scan3A_319 = arith.constant 0 : i32
        scf.yield %scan3A_319 : i32
      }
      %scan3A_59 = arith.constant 39 : i32
      %dma_wait3A = arith.constant 0 : i32
      %dma_wait3A_60 = arith.constant 0 : i32
      %dma_wait3A_61 = tpu.memref_slice %arg19[%dma_wait3A, %dma_wait3A_60] : memref<10112x128xf32, #tpu.memory_space<vmem_shared>> -> memref<10112x128xf32, #tpu.memory_space<vmem_shared>>
      tpu.wait_indirect_dma semaphore(%arg23 : memref<!tpu.dma_semaphore, #tpu.memory_space<semaphore_mem>>) src(%arg18 : memref<128x128xf32, #tpu.memory_space<vmem>>) dst(%dma_wait3A_61 : memref<10112x128xf32, #tpu.memory_space<vmem_shared>>)
      %dma_wait3A_62 = arith.constant 0 : i32
      %dma_wait3A_63 = arith.constant 0 : i32
      %dma_wait3A_64 = tpu.memref_slice %arg2[%dma_wait3A_62, %dma_wait3A_63] : memref<20000x128xf32, #tpu.memory_space<hbm>> -> memref<20000x128xf32, #tpu.memory_space<hbm>>
      tpu.wait_indirect_dma semaphore(%arg20 : memref<!tpu.dma_semaphore, #tpu.memory_space<semaphore_mem>>) src(%dma_wait3A_64 : memref<20000x128xf32, #tpu.memory_space<hbm>>) dst(%arg17 : memref<128x128xf32, #tpu.memory_space<vmem>>)
      %dma_start3A_65 = arith.constant 0 : i32
      %dma_start3A_66 = arith.constant 0 : i32
      %dma_start3A_67 = tpu.memref_slice %arg19[%dma_start3A_65, %dma_start3A_66] : memref<10112x128xf32, #tpu.memory_space<vmem_shared>> -> memref<10112x128xf32, #tpu.memory_space<vmem_shared>>
      tpu.enqueue_indirect_dma source(%arg17 : memref<128x128xf32, #tpu.memory_space<vmem>>) target(%dma_start3A_67 : memref<10112x128xf32, #tpu.memory_space<vmem_shared>>) offsets(%arg13 : memref<128xi32, #tpu.memory_space<vmem>>) semaphore(%arg22 : memref<!tpu.dma_semaphore, #tpu.memory_space<semaphore_mem>>) {add = true}
      %dma_wait3A_68 = arith.constant 0 : i32
      %dma_wait3A_69 = arith.constant 0 : i32
      %dma_wait3A_70 = tpu.memref_slice %arg19[%dma_wait3A_68, %dma_wait3A_69] : memref<10112x128xf32, #tpu.memory_space<vmem_shared>> -> memref<10112x128xf32, #tpu.memory_space<vmem_shared>>
      tpu.wait_indirect_dma semaphore(%arg22 : memref<!tpu.dma_semaphore, #tpu.memory_space<semaphore_mem>>) src(%arg17 : memref<128x128xf32, #tpu.memory_space<vmem>>) dst(%dma_wait3A_70 : memref<10112x128xf32, #tpu.memory_space<vmem_shared>>)
      "tpu.region"() ({
        %run_scoped3A_185 = tpu.sem_alloc : memref<!tpu.dma_semaphore, #tpu.memory_space<semaphore_mem>>
        tpu.enqueue_dma source(%arg5 : memref<128x128xf32, #tpu.memory_space<hbm>>) target(%arg18 : memref<128x128xf32, #tpu.memory_space<vmem>>) target_semaphore(%run_scoped3A_185 : memref<!tpu.dma_semaphore, #tpu.memory_space<semaphore_mem>>)
        tpu.wait_dma2 semaphore(%run_scoped3A_185 : memref<!tpu.dma_semaphore, #tpu.memory_space<semaphore_mem>>) src(%arg5 : memref<128x128xf32, #tpu.memory_space<hbm>>) dst(%arg18 : memref<128x128xf32, #tpu.memory_space<vmem>>)
        tpu.yield
      }) : () -> ()
      %barrier3A_71 = arith.constant 0 : index
      tpu.barrier barrier_id(%barrier3A_71)
      %add3A_72 = arith.constant 0 : i32
      %add3A_73 = arith.addi %arg1, %add3A_72 : i32
      %mul3A_74 = arith.constant 128 : i32
      %mul3A_75 = arith.muli %add3A_73, %mul3A_74 : i32
      "tpu.region"() ({
        %run_scoped3A_185 = tpu.sem_alloc : memref<!tpu.dma_semaphore, #tpu.memory_space<semaphore_mem>>
        %dma_start3A_186 = arith.constant 0 : i32
        %dma_start3A_187 = arith.constant 0 : i32
        %dma_start3A_188 = tpu.memref_slice %arg17[%dma_start3A_186, %dma_start3A_187] : memref<128x128xf32, #tpu.memory_space<vmem>> -> memref<128x128xf32, #tpu.memory_space<vmem>>
        %dma_start3A_189 = arith.constant 0 : i32
        %dma_start3A_190 = tpu.memref_slice %arg19[%mul3A_75, %dma_start3A_189] : memref<10112x128xf32, #tpu.memory_space<vmem_shared>> -> memref<128x128xf32, #tpu.memory_space<vmem_shared>>
        %dma_start3A_191 = arith.constant 0 : i32
        %dma_start3A_192 = arith.constant 0 : i32
        %dma_start3A_193 = tpu.memref_slice %arg17[%dma_start3A_191, %dma_start3A_192] : memref<128x128xf32, #tpu.memory_space<vmem>> -> memref<128x128xf32, #tpu.memory_space<vmem>>
        %dma_start3A_194 = arith.constant 0 : i32
        %dma_start3A_195 = tpu.memref_slice %arg19[%mul3A_75, %dma_start3A_194] : memref<10112x128xf32, #tpu.memory_space<vmem_shared>> -> memref<128x128xf32, #tpu.memory_space<vmem_shared>>
        tpu.enqueue_dma source(%dma_start3A_195 : memref<128x128xf32, #tpu.memory_space<vmem_shared>>) target(%dma_start3A_193 : memref<128x128xf32, #tpu.memory_space<vmem>>) target_semaphore(%run_scoped3A_185 : memref<!tpu.dma_semaphore, #tpu.memory_space<semaphore_mem>>)
        %dma_wait3A_196 = arith.constant 0 : i32
        %dma_wait3A_197 = arith.constant 0 : i32
        %dma_wait3A_198 = tpu.memref_slice %arg17[%dma_wait3A_196, %dma_wait3A_197] : memref<128x128xf32, #tpu.memory_space<vmem>> -> memref<128x128xf32, #tpu.memory_space<vmem>>
        %dma_wait3A_199 = arith.constant 0 : i32
        %dma_wait3A_200 = tpu.memref_slice %arg19[%mul3A_75, %dma_wait3A_199] : memref<10112x128xf32, #tpu.memory_space<vmem_shared>> -> memref<128x128xf32, #tpu.memory_space<vmem_shared>>
        %dma_wait3A_201 = arith.constant 0 : i32
        %dma_wait3A_202 = arith.constant 0 : i32
        %dma_wait3A_203 = tpu.memref_slice %arg17[%dma_wait3A_201, %dma_wait3A_202] : memref<128x128xf32, #tpu.memory_space<vmem>> -> memref<128x128xf32, #tpu.memory_space<vmem>>
        %dma_wait3A_204 = arith.constant 0 : i32
        %dma_wait3A_205 = tpu.memref_slice %arg19[%mul3A_75, %dma_wait3A_204] : memref<10112x128xf32, #tpu.memory_space<vmem_shared>> -> memref<128x128xf32, #tpu.memory_space<vmem_shared>>
        tpu.wait_dma2 semaphore(%run_scoped3A_185 : memref<!tpu.dma_semaphore, #tpu.memory_space<semaphore_mem>>) src(%dma_wait3A_205 : memref<128x128xf32, #tpu.memory_space<vmem_shared>>) dst(%dma_wait3A_203 : memref<128x128xf32, #tpu.memory_space<vmem>>)
        tpu.yield
      }) : () -> ()
      %run_scoped3A_76 = arith.constant 0 : i32
      "tpu.region"() ({
        %run_scoped3A_185 = tpu.sem_alloc : memref<!tpu.dma_semaphore, #tpu.memory_space<semaphore_mem>>
        %dma_start3A_186 = arith.constant 0 : i32
        %dma_start3A_187 = arith.constant 0 : i32
        %dma_start3A_188 = tpu.memref_slice %arg17[%dma_start3A_186, %dma_start3A_187] : memref<128x128xf32, #tpu.memory_space<vmem>> -> memref<128x128xf32, #tpu.memory_space<vmem>>
        %dma_start3A_189 = arith.constant 0 : i32
        %dma_start3A_190 = tpu.memref_slice %arg7[%run_scoped3A_76, %mul3A_75, %dma_start3A_189] : memref<2x10000x128xf32, #tpu.memory_space<hbm>> -> memref<1x128x128xf32, #tpu.memory_space<hbm>>
        %dma_start3A_191 = tpu.memref_squeeze %dma_start3A_190 : memref<1x128x128xf32, #tpu.memory_space<hbm>> -> memref<128x128xf32, #tpu.memory_space<hbm>>
        %dma_start3A_192 = arith.constant 0 : i32
        %dma_start3A_193 = tpu.memref_slice %arg7[%run_scoped3A_76, %mul3A_75, %dma_start3A_192] : memref<2x10000x128xf32, #tpu.memory_space<hbm>> -> memref<1x128x128xf32, #tpu.memory_space<hbm>>
        %dma_start3A_194 = tpu.memref_squeeze %dma_start3A_193 : memref<1x128x128xf32, #tpu.memory_space<hbm>> -> memref<128x128xf32, #tpu.memory_space<hbm>>
        %dma_start3A_195 = arith.constant 0 : i32
        %dma_start3A_196 = arith.constant 0 : i32
        %dma_start3A_197 = tpu.memref_slice %arg17[%dma_start3A_195, %dma_start3A_196] : memref<128x128xf32, #tpu.memory_space<vmem>> -> memref<128x128xf32, #tpu.memory_space<vmem>>
        tpu.enqueue_dma source(%dma_start3A_197 : memref<128x128xf32, #tpu.memory_space<vmem>>) target(%dma_start3A_194 : memref<128x128xf32, #tpu.memory_space<hbm>>) target_semaphore(%run_scoped3A_185 : memref<!tpu.dma_semaphore, #tpu.memory_space<semaphore_mem>>)
        %dma_wait3A_198 = arith.constant 0 : i32
        %dma_wait3A_199 = arith.constant 0 : i32
        %dma_wait3A_200 = tpu.memref_slice %arg17[%dma_wait3A_198, %dma_wait3A_199] : memref<128x128xf32, #tpu.memory_space<vmem>> -> memref<128x128xf32, #tpu.memory_space<vmem>>
        %dma_wait3A_201 = arith.constant 0 : i32
        %dma_wait3A_202 = tpu.memref_slice %arg7[%run_scoped3A_76, %mul3A_75, %dma_wait3A_201] : memref<2x10000x128xf32, #tpu.memory_space<hbm>> -> memref<1x128x128xf32, #tpu.memory_space<hbm>>
        %dma_wait3A_203 = tpu.memref_squeeze %dma_wait3A_202 : memref<1x128x128xf32, #tpu.memory_space<hbm>> -> memref<128x128xf32, #tpu.memory_space<hbm>>
        %dma_wait3A_204 = arith.constant 0 : i32
        %dma_wait3A_205 = tpu.memref_slice %arg7[%run_scoped3A_76, %mul3A_75, %dma_wait3A_204] : memref<2x10000x128xf32, #tpu.memory_space<hbm>> -> memref<1x128x128xf32, #tpu.memory_space<hbm>>
        %dma_wait3A_206 = tpu.memref_squeeze %dma_wait3A_205 : memref<1x128x128xf32, #tpu.memory_space<hbm>> -> memref<128x128xf32, #tpu.memory_space<hbm>>
        %dma_wait3A_207 = arith.constant 0 : i32
        %dma_wait3A_208 = arith.constant 0 : i32
        %dma_wait3A_209 = tpu.memref_slice %arg17[%dma_wait3A_207, %dma_wait3A_208] : memref<128x128xf32, #tpu.memory_space<vmem>> -> memref<128x128xf32, #tpu.memory_space<vmem>>
        tpu.wait_dma2 semaphore(%run_scoped3A_185 : memref<!tpu.dma_semaphore, #tpu.memory_space<semaphore_mem>>) src(%dma_wait3A_209 : memref<128x128xf32, #tpu.memory_space<vmem>>) dst(%dma_wait3A_206 : memref<128x128xf32, #tpu.memory_space<hbm>>)
        tpu.yield
      }) : () -> ()
      "tpu.region"() ({
        %run_scoped3A_185 = tpu.sem_alloc : memref<!tpu.dma_semaphore, #tpu.memory_space<semaphore_mem>>
        %dma_start3A_186 = arith.constant 0 : i32
        %dma_start3A_187 = arith.constant 0 : i32
        %dma_start3A_188 = tpu.memref_slice %arg18[%dma_start3A_186, %dma_start3A_187] : memref<128x128xf32, #tpu.memory_space<vmem>> -> memref<128x128xf32, #tpu.memory_space<vmem>>
        %dma_start3A_189 = arith.constant 0 : i32
        %dma_start3A_190 = tpu.memref_slice %arg19[%mul3A_75, %dma_start3A_189] : memref<10112x128xf32, #tpu.memory_space<vmem_shared>> -> memref<128x128xf32, #tpu.memory_space<vmem_shared>>
        %dma_start3A_191 = arith.constant 0 : i32
        %dma_start3A_192 = tpu.memref_slice %arg19[%mul3A_75, %dma_start3A_191] : memref<10112x128xf32, #tpu.memory_space<vmem_shared>> -> memref<128x128xf32, #tpu.memory_space<vmem_shared>>
        %dma_start3A_193 = arith.constant 0 : i32
        %dma_start3A_194 = arith.constant 0 : i32
        %dma_start3A_195 = tpu.memref_slice %arg18[%dma_start3A_193, %dma_start3A_194] : memref<128x128xf32, #tpu.memory_space<vmem>> -> memref<128x128xf32, #tpu.memory_space<vmem>>
        tpu.enqueue_dma source(%dma_start3A_195 : memref<128x128xf32, #tpu.memory_space<vmem>>) target(%dma_start3A_192 : memref<128x128xf32, #tpu.memory_space<vmem_shared>>) target_semaphore(%run_scoped3A_185 : memref<!tpu.dma_semaphore, #tpu.memory_space<semaphore_mem>>)
        %dma_wait3A_196 = arith.constant 0 : i32
        %dma_wait3A_197 = arith.constant 0 : i32
        %dma_wait3A_198 = tpu.memref_slice %arg18[%dma_wait3A_196, %dma_wait3A_197] : memref<128x128xf32, #tpu.memory_space<vmem>> -> memref<128x128xf32, #tpu.memory_space<vmem>>
        %dma_wait3A_199 = arith.constant 0 : i32
        %dma_wait3A_200 = tpu.memref_slice %arg19[%mul3A_75, %dma_wait3A_199] : memref<10112x128xf32, #tpu.memory_space<vmem_shared>> -> memref<128x128xf32, #tpu.memory_space<vmem_shared>>
        %dma_wait3A_201 = arith.constant 0 : i32
        %dma_wait3A_202 = tpu.memref_slice %arg19[%mul3A_75, %dma_wait3A_201] : memref<10112x128xf32, #tpu.memory_space<vmem_shared>> -> memref<128x128xf32, #tpu.memory_space<vmem_shared>>
        %dma_wait3A_203 = arith.constant 0 : i32
        %dma_wait3A_204 = arith.constant 0 : i32
        %dma_wait3A_205 = tpu.memref_slice %arg18[%dma_wait3A_203, %dma_wait3A_204] : memref<128x128xf32, #tpu.memory_space<vmem>> -> memref<128x128xf32, #tpu.memory_space<vmem>>
        tpu.wait_dma2 semaphore(%run_scoped3A_185 : memref<!tpu.dma_semaphore, #tpu.memory_space<semaphore_mem>>) src(%dma_wait3A_205 : memref<128x128xf32, #tpu.memory_space<vmem>>) dst(%dma_wait3A_202 : memref<128x128xf32, #tpu.memory_space<vmem_shared>>)
        tpu.yield
      }) : () -> ()
      %add3A_77 = arith.constant 16 : i32
      %add3A_78 = arith.addi %arg1, %add3A_77 : i32
      %mul3A_79 = arith.constant 128 : i32
      %mul3A_80 = arith.muli %add3A_78, %mul3A_79 : i32
      "tpu.region"() ({
        %run_scoped3A_185 = tpu.sem_alloc : memref<!tpu.dma_semaphore, #tpu.memory_space<semaphore_mem>>
        %dma_start3A_186 = arith.constant 0 : i32
        %dma_start3A_187 = arith.constant 0 : i32
        %dma_start3A_188 = tpu.memref_slice %arg17[%dma_start3A_186, %dma_start3A_187] : memref<128x128xf32, #tpu.memory_space<vmem>> -> memref<128x128xf32, #tpu.memory_space<vmem>>
        %dma_start3A_189 = arith.constant 0 : i32
        %dma_start3A_190 = tpu.memref_slice %arg19[%mul3A_80, %dma_start3A_189] : memref<10112x128xf32, #tpu.memory_space<vmem_shared>> -> memref<128x128xf32, #tpu.memory_space<vmem_shared>>
        %dma_start3A_191 = arith.constant 0 : i32
        %dma_start3A_192 = arith.constant 0 : i32
        %dma_start3A_193 = tpu.memref_slice %arg17[%dma_start3A_191, %dma_start3A_192] : memref<128x128xf32, #tpu.memory_space<vmem>> -> memref<128x128xf32, #tpu.memory_space<vmem>>
        %dma_start3A_194 = arith.constant 0 : i32
        %dma_start3A_195 = tpu.memref_slice %arg19[%mul3A_80, %dma_start3A_194] : memref<10112x128xf32, #tpu.memory_space<vmem_shared>> -> memref<128x128xf32, #tpu.memory_space<vmem_shared>>
        tpu.enqueue_dma source(%dma_start3A_195 : memref<128x128xf32, #tpu.memory_space<vmem_shared>>) target(%dma_start3A_193 : memref<128x128xf32, #tpu.memory_space<vmem>>) target_semaphore(%run_scoped3A_185 : memref<!tpu.dma_semaphore, #tpu.memory_space<semaphore_mem>>)
        %dma_wait3A_196 = arith.constant 0 : i32
        %dma_wait3A_197 = arith.constant 0 : i32
        %dma_wait3A_198 = tpu.memref_slice %arg17[%dma_wait3A_196, %dma_wait3A_197] : memref<128x128xf32, #tpu.memory_space<vmem>> -> memref<128x128xf32, #tpu.memory_space<vmem>>
        %dma_wait3A_199 = arith.constant 0 : i32
        %dma_wait3A_200 = tpu.memref_slice %arg19[%mul3A_80, %dma_wait3A_199] : memref<10112x128xf32, #tpu.memory_space<vmem_shared>> -> memref<128x128xf32, #tpu.memory_space<vmem_shared>>
        %dma_wait3A_201 = arith.constant 0 : i32
        %dma_wait3A_202 = arith.constant 0 : i32
        %dma_wait3A_203 = tpu.memref_slice %arg17[%dma_wait3A_201, %dma_wait3A_202] : memref<128x128xf32, #tpu.memory_space<vmem>> -> memref<128x128xf32, #tpu.memory_space<vmem>>
        %dma_wait3A_204 = arith.constant 0 : i32
        %dma_wait3A_205 = tpu.memref_slice %arg19[%mul3A_80, %dma_wait3A_204] : memref<10112x128xf32, #tpu.memory_space<vmem_shared>> -> memref<128x128xf32, #tpu.memory_space<vmem_shared>>
        tpu.wait_dma2 semaphore(%run_scoped3A_185 : memref<!tpu.dma_semaphore, #tpu.memory_space<semaphore_mem>>) src(%dma_wait3A_205 : memref<128x128xf32, #tpu.memory_space<vmem_shared>>) dst(%dma_wait3A_203 : memref<128x128xf32, #tpu.memory_space<vmem>>)
        tpu.yield
      }) : () -> ()
      %run_scoped3A_81 = arith.constant 0 : i32
      "tpu.region"() ({
        %run_scoped3A_185 = tpu.sem_alloc : memref<!tpu.dma_semaphore, #tpu.memory_space<semaphore_mem>>
        %dma_start3A_186 = arith.constant 0 : i32
        %dma_start3A_187 = arith.constant 0 : i32
        %dma_start3A_188 = tpu.memref_slice %arg17[%dma_start3A_186, %dma_start3A_187] : memref<128x128xf32, #tpu.memory_space<vmem>> -> memref<128x128xf32, #tpu.memory_space<vmem>>
        %dma_start3A_189 = arith.constant 0 : i32
        %dma_start3A_190 = tpu.memref_slice %arg7[%run_scoped3A_81, %mul3A_80, %dma_start3A_189] : memref<2x10000x128xf32, #tpu.memory_space<hbm>> -> memref<1x128x128xf32, #tpu.memory_space<hbm>>
        %dma_start3A_191 = tpu.memref_squeeze %dma_start3A_190 : memref<1x128x128xf32, #tpu.memory_space<hbm>> -> memref<128x128xf32, #tpu.memory_space<hbm>>
        %dma_start3A_192 = arith.constant 0 : i32
        %dma_start3A_193 = tpu.memref_slice %arg7[%run_scoped3A_81, %mul3A_80, %dma_start3A_192] : memref<2x10000x128xf32, #tpu.memory_space<hbm>> -> memref<1x128x128xf32, #tpu.memory_space<hbm>>
        %dma_start3A_194 = tpu.memref_squeeze %dma_start3A_193 : memref<1x128x128xf32, #tpu.memory_space<hbm>> -> memref<128x128xf32, #tpu.memory_space<hbm>>
        %dma_start3A_195 = arith.constant 0 : i32
        %dma_start3A_196 = arith.constant 0 : i32
        %dma_start3A_197 = tpu.memref_slice %arg17[%dma_start3A_195, %dma_start3A_196] : memref<128x128xf32, #tpu.memory_space<vmem>> -> memref<128x128xf32, #tpu.memory_space<vmem>>
        tpu.enqueue_dma source(%dma_start3A_197 : memref<128x128xf32, #tpu.memory_space<vmem>>) target(%dma_start3A_194 : memref<128x128xf32, #tpu.memory_space<hbm>>) target_semaphore(%run_scoped3A_185 : memref<!tpu.dma_semaphore, #tpu.memory_space<semaphore_mem>>)
        %dma_wait3A_198 = arith.constant 0 : i32
        %dma_wait3A_199 = arith.constant 0 : i32
        %dma_wait3A_200 = tpu.memref_slice %arg17[%dma_wait3A_198, %dma_wait3A_199] : memref<128x128xf32, #tpu.memory_space<vmem>> -> memref<128x128xf32, #tpu.memory_space<vmem>>
        %dma_wait3A_201 = arith.constant 0 : i32
        %dma_wait3A_202 = tpu.memref_slice %arg7[%run_scoped3A_81, %mul3A_80, %dma_wait3A_201] : memref<2x10000x128xf32, #tpu.memory_space<hbm>> -> memref<1x128x128xf32, #tpu.memory_space<hbm>>
        %dma_wait3A_203 = tpu.memref_squeeze %dma_wait3A_202 : memref<1x128x128xf32, #tpu.memory_space<hbm>> -> memref<128x128xf32, #tpu.memory_space<hbm>>
        %dma_wait3A_204 = arith.constant 0 : i32
        %dma_wait3A_205 = tpu.memref_slice %arg7[%run_scoped3A_81, %mul3A_80, %dma_wait3A_204] : memref<2x10000x128xf32, #tpu.memory_space<hbm>> -> memref<1x128x128xf32, #tpu.memory_space<hbm>>
        %dma_wait3A_206 = tpu.memref_squeeze %dma_wait3A_205 : memref<1x128x128xf32, #tpu.memory_space<hbm>> -> memref<128x128xf32, #tpu.memory_space<hbm>>
        %dma_wait3A_207 = arith.constant 0 : i32
        %dma_wait3A_208 = arith.constant 0 : i32
        %dma_wait3A_209 = tpu.memref_slice %arg17[%dma_wait3A_207, %dma_wait3A_208] : memref<128x128xf32, #tpu.memory_space<vmem>> -> memref<128x128xf32, #tpu.memory_space<vmem>>
        tpu.wait_dma2 semaphore(%run_scoped3A_185 : memref<!tpu.dma_semaphore, #tpu.memory_space<semaphore_mem>>) src(%dma_wait3A_209 : memref<128x128xf32, #tpu.memory_space<vmem>>) dst(%dma_wait3A_206 : memref<128x128xf32, #tpu.memory_space<hbm>>)
        tpu.yield
      }) : () -> ()
      "tpu.region"() ({
        %run_scoped3A_185 = tpu.sem_alloc : memref<!tpu.dma_semaphore, #tpu.memory_space<semaphore_mem>>
        %dma_start3A_186 = arith.constant 0 : i32
        %dma_start3A_187 = arith.constant 0 : i32
        %dma_start3A_188 = tpu.memref_slice %arg18[%dma_start3A_186, %dma_start3A_187] : memref<128x128xf32, #tpu.memory_space<vmem>> -> memref<128x128xf32, #tpu.memory_space<vmem>>
        %dma_start3A_189 = arith.constant 0 : i32
        %dma_start3A_190 = tpu.memref_slice %arg19[%mul3A_80, %dma_start3A_189] : memref<10112x128xf32, #tpu.memory_space<vmem_shared>> -> memref<128x128xf32, #tpu.memory_space<vmem_shared>>
        %dma_start3A_191 = arith.constant 0 : i32
        %dma_start3A_192 = tpu.memref_slice %arg19[%mul3A_80, %dma_start3A_191] : memref<10112x128xf32, #tpu.memory_space<vmem_shared>> -> memref<128x128xf32, #tpu.memory_space<vmem_shared>>
        %dma_start3A_193 = arith.constant 0 : i32
        %dma_start3A_194 = arith.constant 0 : i32
        %dma_start3A_195 = tpu.memref_slice %arg18[%dma_start3A_193, %dma_start3A_194] : memref<128x128xf32, #tpu.memory_space<vmem>> -> memref<128x128xf32, #tpu.memory_space<vmem>>
        tpu.enqueue_dma source(%dma_start3A_195 : memref<128x128xf32, #tpu.memory_space<vmem>>) target(%dma_start3A_192 : memref<128x128xf32, #tpu.memory_space<vmem_shared>>) target_semaphore(%run_scoped3A_185 : memref<!tpu.dma_semaphore, #tpu.memory_space<semaphore_mem>>)
        %dma_wait3A_196 = arith.constant 0 : i32
        %dma_wait3A_197 = arith.constant 0 : i32
        %dma_wait3A_198 = tpu.memref_slice %arg18[%dma_wait3A_196, %dma_wait3A_197] : memref<128x128xf32, #tpu.memory_space<vmem>> -> memref<128x128xf32, #tpu.memory_space<vmem>>
        %dma_wait3A_199 = arith.constant 0 : i32
        %dma_wait3A_200 = tpu.memref_slice %arg19[%mul3A_80, %dma_wait3A_199] : memref<10112x128xf32, #tpu.memory_space<vmem_shared>> -> memref<128x128xf32, #tpu.memory_space<vmem_shared>>
        %dma_wait3A_201 = arith.constant 0 : i32
        %dma_wait3A_202 = tpu.memref_slice %arg19[%mul3A_80, %dma_wait3A_201] : memref<10112x128xf32, #tpu.memory_space<vmem_shared>> -> memref<128x128xf32, #tpu.memory_space<vmem_shared>>
        %dma_wait3A_203 = arith.constant 0 : i32
        %dma_wait3A_204 = arith.constant 0 : i32
        %dma_wait3A_205 = tpu.memref_slice %arg18[%dma_wait3A_203, %dma_wait3A_204] : memref<128x128xf32, #tpu.memory_space<vmem>> -> memref<128x128xf32, #tpu.memory_space<vmem>>
        tpu.wait_dma2 semaphore(%run_scoped3A_185 : memref<!tpu.dma_semaphore, #tpu.memory_space<semaphore_mem>>) src(%dma_wait3A_205 : memref<128x128xf32, #tpu.memory_space<vmem>>) dst(%dma_wait3A_202 : memref<128x128xf32, #tpu.memory_space<vmem_shared>>)
        tpu.yield
      }) : () -> ()
      %add3A_82 = arith.constant 32 : i32
      %add3A_83 = arith.addi %arg1, %add3A_82 : i32
      %mul3A_84 = arith.constant 128 : i32
      %mul3A_85 = arith.muli %add3A_83, %mul3A_84 : i32
      "tpu.region"() ({
        %run_scoped3A_185 = tpu.sem_alloc : memref<!tpu.dma_semaphore, #tpu.memory_space<semaphore_mem>>
        %dma_start3A_186 = arith.constant 0 : i32
        %dma_start3A_187 = arith.constant 0 : i32
        %dma_start3A_188 = tpu.memref_slice %arg17[%dma_start3A_186, %dma_start3A_187] : memref<128x128xf32, #tpu.memory_space<vmem>> -> memref<128x128xf32, #tpu.memory_space<vmem>>
        %dma_start3A_189 = arith.constant 0 : i32
        %dma_start3A_190 = tpu.memref_slice %arg19[%mul3A_85, %dma_start3A_189] : memref<10112x128xf32, #tpu.memory_space<vmem_shared>> -> memref<128x128xf32, #tpu.memory_space<vmem_shared>>
        %dma_start3A_191 = arith.constant 0 : i32
        %dma_start3A_192 = arith.constant 0 : i32
        %dma_start3A_193 = tpu.memref_slice %arg17[%dma_start3A_191, %dma_start3A_192] : memref<128x128xf32, #tpu.memory_space<vmem>> -> memref<128x128xf32, #tpu.memory_space<vmem>>
        %dma_start3A_194 = arith.constant 0 : i32
        %dma_start3A_195 = tpu.memref_slice %arg19[%mul3A_85, %dma_start3A_194] : memref<10112x128xf32, #tpu.memory_space<vmem_shared>> -> memref<128x128xf32, #tpu.memory_space<vmem_shared>>
        tpu.enqueue_dma source(%dma_start3A_195 : memref<128x128xf32, #tpu.memory_space<vmem_shared>>) target(%dma_start3A_193 : memref<128x128xf32, #tpu.memory_space<vmem>>) target_semaphore(%run_scoped3A_185 : memref<!tpu.dma_semaphore, #tpu.memory_space<semaphore_mem>>)
        %dma_wait3A_196 = arith.constant 0 : i32
        %dma_wait3A_197 = arith.constant 0 : i32
        %dma_wait3A_198 = tpu.memref_slice %arg17[%dma_wait3A_196, %dma_wait3A_197] : memref<128x128xf32, #tpu.memory_space<vmem>> -> memref<128x128xf32, #tpu.memory_space<vmem>>
        %dma_wait3A_199 = arith.constant 0 : i32
        %dma_wait3A_200 = tpu.memref_slice %arg19[%mul3A_85, %dma_wait3A_199] : memref<10112x128xf32, #tpu.memory_space<vmem_shared>> -> memref<128x128xf32, #tpu.memory_space<vmem_shared>>
        %dma_wait3A_201 = arith.constant 0 : i32
        %dma_wait3A_202 = arith.constant 0 : i32
        %dma_wait3A_203 = tpu.memref_slice %arg17[%dma_wait3A_201, %dma_wait3A_202] : memref<128x128xf32, #tpu.memory_space<vmem>> -> memref<128x128xf32, #tpu.memory_space<vmem>>
        %dma_wait3A_204 = arith.constant 0 : i32
        %dma_wait3A_205 = tpu.memref_slice %arg19[%mul3A_85, %dma_wait3A_204] : memref<10112x128xf32, #tpu.memory_space<vmem_shared>> -> memref<128x128xf32, #tpu.memory_space<vmem_shared>>
        tpu.wait_dma2 semaphore(%run_scoped3A_185 : memref<!tpu.dma_semaphore, #tpu.memory_space<semaphore_mem>>) src(%dma_wait3A_205 : memref<128x128xf32, #tpu.memory_space<vmem_shared>>) dst(%dma_wait3A_203 : memref<128x128xf32, #tpu.memory_space<vmem>>)
        tpu.yield
      }) : () -> ()
      %run_scoped3A_86 = arith.constant 0 : i32
      "tpu.region"() ({
        %run_scoped3A_185 = tpu.sem_alloc : memref<!tpu.dma_semaphore, #tpu.memory_space<semaphore_mem>>
        %dma_start3A_186 = arith.constant 0 : i32
        %dma_start3A_187 = arith.constant 0 : i32
        %dma_start3A_188 = tpu.memref_slice %arg17[%dma_start3A_186, %dma_start3A_187] : memref<128x128xf32, #tpu.memory_space<vmem>> -> memref<128x128xf32, #tpu.memory_space<vmem>>
        %dma_start3A_189 = arith.constant 0 : i32
        %dma_start3A_190 = tpu.memref_slice %arg7[%run_scoped3A_86, %mul3A_85, %dma_start3A_189] : memref<2x10000x128xf32, #tpu.memory_space<hbm>> -> memref<1x128x128xf32, #tpu.memory_space<hbm>>
        %dma_start3A_191 = tpu.memref_squeeze %dma_start3A_190 : memref<1x128x128xf32, #tpu.memory_space<hbm>> -> memref<128x128xf32, #tpu.memory_space<hbm>>
        %dma_start3A_192 = arith.constant 0 : i32
        %dma_start3A_193 = tpu.memref_slice %arg7[%run_scoped3A_86, %mul3A_85, %dma_start3A_192] : memref<2x10000x128xf32, #tpu.memory_space<hbm>> -> memref<1x128x128xf32, #tpu.memory_space<hbm>>
        %dma_start3A_194 = tpu.memref_squeeze %dma_start3A_193 : memref<1x128x128xf32, #tpu.memory_space<hbm>> -> memref<128x128xf32, #tpu.memory_space<hbm>>
        %dma_start3A_195 = arith.constant 0 : i32
        %dma_start3A_196 = arith.constant 0 : i32
        %dma_start3A_197 = tpu.memref_slice %arg17[%dma_start3A_195, %dma_start3A_196] : memref<128x128xf32, #tpu.memory_space<vmem>> -> memref<128x128xf32, #tpu.memory_space<vmem>>
        tpu.enqueue_dma source(%dma_start3A_197 : memref<128x128xf32, #tpu.memory_space<vmem>>) target(%dma_start3A_194 : memref<128x128xf32, #tpu.memory_space<hbm>>) target_semaphore(%run_scoped3A_185 : memref<!tpu.dma_semaphore, #tpu.memory_space<semaphore_mem>>)
        %dma_wait3A_198 = arith.constant 0 : i32
        %dma_wait3A_199 = arith.constant 0 : i32
        %dma_wait3A_200 = tpu.memref_slice %arg17[%dma_wait3A_198, %dma_wait3A_199] : memref<128x128xf32, #tpu.memory_space<vmem>> -> memref<128x128xf32, #tpu.memory_space<vmem>>
        %dma_wait3A_201 = arith.constant 0 : i32
        %dma_wait3A_202 = tpu.memref_slice %arg7[%run_scoped3A_86, %mul3A_85, %dma_wait3A_201] : memref<2x10000x128xf32, #tpu.memory_space<hbm>> -> memref<1x128x128xf32, #tpu.memory_space<hbm>>
        %dma_wait3A_203 = tpu.memref_squeeze %dma_wait3A_202 : memref<1x128x128xf32, #tpu.memory_space<hbm>> -> memref<128x128xf32, #tpu.memory_space<hbm>>
        %dma_wait3A_204 = arith.constant 0 : i32
        %dma_wait3A_205 = tpu.memref_slice %arg7[%run_scoped3A_86, %mul3A_85, %dma_wait3A_204] : memref<2x10000x128xf32, #tpu.memory_space<hbm>> -> memref<1x128x128xf32, #tpu.memory_space<hbm>>
        %dma_wait3A_206 = tpu.memref_squeeze %dma_wait3A_205 : memref<1x128x128xf32, #tpu.memory_space<hbm>> -> memref<128x128xf32, #tpu.memory_space<hbm>>
        %dma_wait3A_207 = arith.constant 0 : i32
        %dma_wait3A_208 = arith.constant 0 : i32
        %dma_wait3A_209 = tpu.memref_slice %arg17[%dma_wait3A_207, %dma_wait3A_208] : memref<128x128xf32, #tpu.memory_space<vmem>> -> memref<128x128xf32, #tpu.memory_space<vmem>>
        tpu.wait_dma2 semaphore(%run_scoped3A_185 : memref<!tpu.dma_semaphore, #tpu.memory_space<semaphore_mem>>) src(%dma_wait3A_209 : memref<128x128xf32, #tpu.memory_space<vmem>>) dst(%dma_wait3A_206 : memref<128x128xf32, #tpu.memory_space<hbm>>)
        tpu.yield
      }) : () -> ()
      "tpu.region"() ({
        %run_scoped3A_185 = tpu.sem_alloc : memref<!tpu.dma_semaphore, #tpu.memory_space<semaphore_mem>>
        %dma_start3A_186 = arith.constant 0 : i32
        %dma_start3A_187 = arith.constant 0 : i32
        %dma_start3A_188 = tpu.memref_slice %arg18[%dma_start3A_186, %dma_start3A_187] : memref<128x128xf32, #tpu.memory_space<vmem>> -> memref<128x128xf32, #tpu.memory_space<vmem>>
        %dma_start3A_189 = arith.constant 0 : i32
        %dma_start3A_190 = tpu.memref_slice %arg19[%mul3A_85, %dma_start3A_189] : memref<10112x128xf32, #tpu.memory_space<vmem_shared>> -> memref<128x128xf32, #tpu.memory_space<vmem_shared>>
        %dma_start3A_191 = arith.constant 0 : i32
        %dma_start3A_192 = tpu.memref_slice %arg19[%mul3A_85, %dma_start3A_191] : memref<10112x128xf32, #tpu.memory_space<vmem_shared>> -> memref<128x128xf32, #tpu.memory_space<vmem_shared>>
        %dma_start3A_193 = arith.constant 0 : i32
        %dma_start3A_194 = arith.constant 0 : i32
        %dma_start3A_195 = tpu.memref_slice %arg18[%dma_start3A_193, %dma_start3A_194] : memref<128x128xf32, #tpu.memory_space<vmem>> -> memref<128x128xf32, #tpu.memory_space<vmem>>
        tpu.enqueue_dma source(%dma_start3A_195 : memref<128x128xf32, #tpu.memory_space<vmem>>) target(%dma_start3A_192 : memref<128x128xf32, #tpu.memory_space<vmem_shared>>) target_semaphore(%run_scoped3A_185 : memref<!tpu.dma_semaphore, #tpu.memory_space<semaphore_mem>>)
        %dma_wait3A_196 = arith.constant 0 : i32
        %dma_wait3A_197 = arith.constant 0 : i32
        %dma_wait3A_198 = tpu.memref_slice %arg18[%dma_wait3A_196, %dma_wait3A_197] : memref<128x128xf32, #tpu.memory_space<vmem>> -> memref<128x128xf32, #tpu.memory_space<vmem>>
        %dma_wait3A_199 = arith.constant 0 : i32
        %dma_wait3A_200 = tpu.memref_slice %arg19[%mul3A_85, %dma_wait3A_199] : memref<10112x128xf32, #tpu.memory_space<vmem_shared>> -> memref<128x128xf32, #tpu.memory_space<vmem_shared>>
        %dma_wait3A_201 = arith.constant 0 : i32
        %dma_wait3A_202 = tpu.memref_slice %arg19[%mul3A_85, %dma_wait3A_201] : memref<10112x128xf32, #tpu.memory_space<vmem_shared>> -> memref<128x128xf32, #tpu.memory_space<vmem_shared>>
        %dma_wait3A_203 = arith.constant 0 : i32
        %dma_wait3A_204 = arith.constant 0 : i32
        %dma_wait3A_205 = tpu.memref_slice %arg18[%dma_wait3A_203, %dma_wait3A_204] : memref<128x128xf32, #tpu.memory_space<vmem>> -> memref<128x128xf32, #tpu.memory_space<vmem>>
        tpu.wait_dma2 semaphore(%run_scoped3A_185 : memref<!tpu.dma_semaphore, #tpu.memory_space<semaphore_mem>>) src(%dma_wait3A_205 : memref<128x128xf32, #tpu.memory_space<vmem>>) dst(%dma_wait3A_202 : memref<128x128xf32, #tpu.memory_space<vmem_shared>>)
        tpu.yield
      }) : () -> ()
      %add3A_87 = arith.constant 48 : i32
      %add3A_88 = arith.addi %arg1, %add3A_87 : i32
      %mul3A_89 = arith.constant 128 : i32
      %mul3A_90 = arith.muli %add3A_88, %mul3A_89 : i32
      "tpu.region"() ({
        %run_scoped3A_185 = tpu.sem_alloc : memref<!tpu.dma_semaphore, #tpu.memory_space<semaphore_mem>>
        %dma_start3A_186 = arith.constant 0 : i32
        %dma_start3A_187 = arith.constant 0 : i32
        %dma_start3A_188 = tpu.memref_slice %arg17[%dma_start3A_186, %dma_start3A_187] : memref<128x128xf32, #tpu.memory_space<vmem>> -> memref<128x128xf32, #tpu.memory_space<vmem>>
        %dma_start3A_189 = arith.constant 0 : i32
        %dma_start3A_190 = tpu.memref_slice %arg19[%mul3A_90, %dma_start3A_189] : memref<10112x128xf32, #tpu.memory_space<vmem_shared>> -> memref<128x128xf32, #tpu.memory_space<vmem_shared>>
        %dma_start3A_191 = arith.constant 0 : i32
        %dma_start3A_192 = arith.constant 0 : i32
        %dma_start3A_193 = tpu.memref_slice %arg17[%dma_start3A_191, %dma_start3A_192] : memref<128x128xf32, #tpu.memory_space<vmem>> -> memref<128x128xf32, #tpu.memory_space<vmem>>
        %dma_start3A_194 = arith.constant 0 : i32
        %dma_start3A_195 = tpu.memref_slice %arg19[%mul3A_90, %dma_start3A_194] : memref<10112x128xf32, #tpu.memory_space<vmem_shared>> -> memref<128x128xf32, #tpu.memory_space<vmem_shared>>
        tpu.enqueue_dma source(%dma_start3A_195 : memref<128x128xf32, #tpu.memory_space<vmem_shared>>) target(%dma_start3A_193 : memref<128x128xf32, #tpu.memory_space<vmem>>) target_semaphore(%run_scoped3A_185 : memref<!tpu.dma_semaphore, #tpu.memory_space<semaphore_mem>>)
        %dma_wait3A_196 = arith.constant 0 : i32
        %dma_wait3A_197 = arith.constant 0 : i32
        %dma_wait3A_198 = tpu.memref_slice %arg17[%dma_wait3A_196, %dma_wait3A_197] : memref<128x128xf32, #tpu.memory_space<vmem>> -> memref<128x128xf32, #tpu.memory_space<vmem>>
        %dma_wait3A_199 = arith.constant 0 : i32
        %dma_wait3A_200 = tpu.memref_slice %arg19[%mul3A_90, %dma_wait3A_199] : memref<10112x128xf32, #tpu.memory_space<vmem_shared>> -> memref<128x128xf32, #tpu.memory_space<vmem_shared>>
        %dma_wait3A_201 = arith.constant 0 : i32
        %dma_wait3A_202 = arith.constant 0 : i32
        %dma_wait3A_203 = tpu.memref_slice %arg17[%dma_wait3A_201, %dma_wait3A_202] : memref<128x128xf32, #tpu.memory_space<vmem>> -> memref<128x128xf32, #tpu.memory_space<vmem>>
        %dma_wait3A_204 = arith.constant 0 : i32
        %dma_wait3A_205 = tpu.memref_slice %arg19[%mul3A_90, %dma_wait3A_204] : memref<10112x128xf32, #tpu.memory_space<vmem_shared>> -> memref<128x128xf32, #tpu.memory_space<vmem_shared>>
        tpu.wait_dma2 semaphore(%run_scoped3A_185 : memref<!tpu.dma_semaphore, #tpu.memory_space<semaphore_mem>>) src(%dma_wait3A_205 : memref<128x128xf32, #tpu.memory_space<vmem_shared>>) dst(%dma_wait3A_203 : memref<128x128xf32, #tpu.memory_space<vmem>>)
        tpu.yield
      }) : () -> ()
      %run_scoped3A_91 = arith.constant 0 : i32
      "tpu.region"() ({
        %run_scoped3A_185 = tpu.sem_alloc : memref<!tpu.dma_semaphore, #tpu.memory_space<semaphore_mem>>
        %dma_start3A_186 = arith.constant 0 : i32
        %dma_start3A_187 = arith.constant 0 : i32
        %dma_start3A_188 = tpu.memref_slice %arg17[%dma_start3A_186, %dma_start3A_187] : memref<128x128xf32, #tpu.memory_space<vmem>> -> memref<128x128xf32, #tpu.memory_space<vmem>>
        %dma_start3A_189 = arith.constant 0 : i32
        %dma_start3A_190 = tpu.memref_slice %arg7[%run_scoped3A_91, %mul3A_90, %dma_start3A_189] : memref<2x10000x128xf32, #tpu.memory_space<hbm>> -> memref<1x128x128xf32, #tpu.memory_space<hbm>>
        %dma_start3A_191 = tpu.memref_squeeze %dma_start3A_190 : memref<1x128x128xf32, #tpu.memory_space<hbm>> -> memref<128x128xf32, #tpu.memory_space<hbm>>
        %dma_start3A_192 = arith.constant 0 : i32
        %dma_start3A_193 = tpu.memref_slice %arg7[%run_scoped3A_91, %mul3A_90, %dma_start3A_192] : memref<2x10000x128xf32, #tpu.memory_space<hbm>> -> memref<1x128x128xf32, #tpu.memory_space<hbm>>
        %dma_start3A_194 = tpu.memref_squeeze %dma_start3A_193 : memref<1x128x128xf32, #tpu.memory_space<hbm>> -> memref<128x128xf32, #tpu.memory_space<hbm>>
        %dma_start3A_195 = arith.constant 0 : i32
        %dma_start3A_196 = arith.constant 0 : i32
        %dma_start3A_197 = tpu.memref_slice %arg17[%dma_start3A_195, %dma_start3A_196] : memref<128x128xf32, #tpu.memory_space<vmem>> -> memref<128x128xf32, #tpu.memory_space<vmem>>
        tpu.enqueue_dma source(%dma_start3A_197 : memref<128x128xf32, #tpu.memory_space<vmem>>) target(%dma_start3A_194 : memref<128x128xf32, #tpu.memory_space<hbm>>) target_semaphore(%run_scoped3A_185 : memref<!tpu.dma_semaphore, #tpu.memory_space<semaphore_mem>>)
        %dma_wait3A_198 = arith.constant 0 : i32
        %dma_wait3A_199 = arith.constant 0 : i32
        %dma_wait3A_200 = tpu.memref_slice %arg17[%dma_wait3A_198, %dma_wait3A_199] : memref<128x128xf32, #tpu.memory_space<vmem>> -> memref<128x128xf32, #tpu.memory_space<vmem>>
        %dma_wait3A_201 = arith.constant 0 : i32
        %dma_wait3A_202 = tpu.memref_slice %arg7[%run_scoped3A_91, %mul3A_90, %dma_wait3A_201] : memref<2x10000x128xf32, #tpu.memory_space<hbm>> -> memref<1x128x128xf32, #tpu.memory_space<hbm>>
        %dma_wait3A_203 = tpu.memref_squeeze %dma_wait3A_202 : memref<1x128x128xf32, #tpu.memory_space<hbm>> -> memref<128x128xf32, #tpu.memory_space<hbm>>
        %dma_wait3A_204 = arith.constant 0 : i32
        %dma_wait3A_205 = tpu.memref_slice %arg7[%run_scoped3A_91, %mul3A_90, %dma_wait3A_204] : memref<2x10000x128xf32, #tpu.memory_space<hbm>> -> memref<1x128x128xf32, #tpu.memory_space<hbm>>
        %dma_wait3A_206 = tpu.memref_squeeze %dma_wait3A_205 : memref<1x128x128xf32, #tpu.memory_space<hbm>> -> memref<128x128xf32, #tpu.memory_space<hbm>>
        %dma_wait3A_207 = arith.constant 0 : i32
        %dma_wait3A_208 = arith.constant 0 : i32
        %dma_wait3A_209 = tpu.memref_slice %arg17[%dma_wait3A_207, %dma_wait3A_208] : memref<128x128xf32, #tpu.memory_space<vmem>> -> memref<128x128xf32, #tpu.memory_space<vmem>>
        tpu.wait_dma2 semaphore(%run_scoped3A_185 : memref<!tpu.dma_semaphore, #tpu.memory_space<semaphore_mem>>) src(%dma_wait3A_209 : memref<128x128xf32, #tpu.memory_space<vmem>>) dst(%dma_wait3A_206 : memref<128x128xf32, #tpu.memory_space<hbm>>)
        tpu.yield
      }) : () -> ()
      "tpu.region"() ({
        %run_scoped3A_185 = tpu.sem_alloc : memref<!tpu.dma_semaphore, #tpu.memory_space<semaphore_mem>>
        %dma_start3A_186 = arith.constant 0 : i32
        %dma_start3A_187 = arith.constant 0 : i32
        %dma_start3A_188 = tpu.memref_slice %arg18[%dma_start3A_186, %dma_start3A_187] : memref<128x128xf32, #tpu.memory_space<vmem>> -> memref<128x128xf32, #tpu.memory_space<vmem>>
        %dma_start3A_189 = arith.constant 0 : i32
        %dma_start3A_190 = tpu.memref_slice %arg19[%mul3A_90, %dma_start3A_189] : memref<10112x128xf32, #tpu.memory_space<vmem_shared>> -> memref<128x128xf32, #tpu.memory_space<vmem_shared>>
        %dma_start3A_191 = arith.constant 0 : i32
        %dma_start3A_192 = tpu.memref_slice %arg19[%mul3A_90, %dma_start3A_191] : memref<10112x128xf32, #tpu.memory_space<vmem_shared>> -> memref<128x128xf32, #tpu.memory_space<vmem_shared>>
        %dma_start3A_193 = arith.constant 0 : i32
        %dma_start3A_194 = arith.constant 0 : i32
        %dma_start3A_195 = tpu.memref_slice %arg18[%dma_start3A_193, %dma_start3A_194] : memref<128x128xf32, #tpu.memory_space<vmem>> -> memref<128x128xf32, #tpu.memory_space<vmem>>
        tpu.enqueue_dma source(%dma_start3A_195 : memref<128x128xf32, #tpu.memory_space<vmem>>) target(%dma_start3A_192 : memref<128x128xf32, #tpu.memory_space<vmem_shared>>) target_semaphore(%run_scoped3A_185 : memref<!tpu.dma_semaphore, #tpu.memory_space<semaphore_mem>>)
        %dma_wait3A_196 = arith.constant 0 : i32
        %dma_wait3A_197 = arith.constant 0 : i32
        %dma_wait3A_198 = tpu.memref_slice %arg18[%dma_wait3A_196, %dma_wait3A_197] : memref<128x128xf32, #tpu.memory_space<vmem>> -> memref<128x128xf32, #tpu.memory_space<vmem>>
        %dma_wait3A_199 = arith.constant 0 : i32
        %dma_wait3A_200 = tpu.memref_slice %arg19[%mul3A_90, %dma_wait3A_199] : memref<10112x128xf32, #tpu.memory_space<vmem_shared>> -> memref<128x128xf32, #tpu.memory_space<vmem_shared>>
        %dma_wait3A_201 = arith.constant 0 : i32
        %dma_wait3A_202 = tpu.memref_slice %arg19[%mul3A_90, %dma_wait3A_201] : memref<10112x128xf32, #tpu.memory_space<vmem_shared>> -> memref<128x128xf32, #tpu.memory_space<vmem_shared>>
        %dma_wait3A_203 = arith.constant 0 : i32
        %dma_wait3A_204 = arith.constant 0 : i32
        %dma_wait3A_205 = tpu.memref_slice %arg18[%dma_wait3A_203, %dma_wait3A_204] : memref<128x128xf32, #tpu.memory_space<vmem>> -> memref<128x128xf32, #tpu.memory_space<vmem>>
        tpu.wait_dma2 semaphore(%run_scoped3A_185 : memref<!tpu.dma_semaphore, #tpu.memory_space<semaphore_mem>>) src(%dma_wait3A_205 : memref<128x128xf32, #tpu.memory_space<vmem>>) dst(%dma_wait3A_202 : memref<128x128xf32, #tpu.memory_space<vmem_shared>>)
        tpu.yield
      }) : () -> ()
      %add3A_92 = arith.constant 64 : i32
      %add3A_93 = arith.addi %arg1, %add3A_92 : i32
      %lt3A_94 = arith.constant 78 : i32
      %lt3A_95 = arith.cmpi slt, %add3A_93, %lt3A_94 : i32
      %convert_element_type3A_96 = arith.extui %lt3A_95 : i1 to i32
      %cond3A_97 = arith.constant 0 : i32
      %cond3A_98 = arith.cmpi ne, %convert_element_type3A_96, %cond3A_97 : i32
      scf.if %cond3A_98 {
        %mul3A_185 = arith.constant 128 : i32
        %mul3A_186 = arith.muli %add3A_93, %mul3A_185 : i32
        "tpu.region"() ({
          %run_scoped3A_188 = tpu.sem_alloc : memref<!tpu.dma_semaphore, #tpu.memory_space<semaphore_mem>>
          %dma_start3A_189 = arith.constant 0 : i32
          %dma_start3A_190 = arith.constant 0 : i32
          %dma_start3A_191 = tpu.memref_slice %arg17[%dma_start3A_189, %dma_start3A_190] : memref<128x128xf32, #tpu.memory_space<vmem>> -> memref<128x128xf32, #tpu.memory_space<vmem>>
          %dma_start3A_192 = arith.constant 0 : i32
          %dma_start3A_193 = tpu.memref_slice %arg19[%mul3A_186, %dma_start3A_192] : memref<10112x128xf32, #tpu.memory_space<vmem_shared>> -> memref<128x128xf32, #tpu.memory_space<vmem_shared>>
          %dma_start3A_194 = arith.constant 0 : i32
          %dma_start3A_195 = arith.constant 0 : i32
          %dma_start3A_196 = tpu.memref_slice %arg17[%dma_start3A_194, %dma_start3A_195] : memref<128x128xf32, #tpu.memory_space<vmem>> -> memref<128x128xf32, #tpu.memory_space<vmem>>
          %dma_start3A_197 = arith.constant 0 : i32
          %dma_start3A_198 = tpu.memref_slice %arg19[%mul3A_186, %dma_start3A_197] : memref<10112x128xf32, #tpu.memory_space<vmem_shared>> -> memref<128x128xf32, #tpu.memory_space<vmem_shared>>
          tpu.enqueue_dma source(%dma_start3A_198 : memref<128x128xf32, #tpu.memory_space<vmem_shared>>) target(%dma_start3A_196 : memref<128x128xf32, #tpu.memory_space<vmem>>) target_semaphore(%run_scoped3A_188 : memref<!tpu.dma_semaphore, #tpu.memory_space<semaphore_mem>>)
          %dma_wait3A_199 = arith.constant 0 : i32
          %dma_wait3A_200 = arith.constant 0 : i32
          %dma_wait3A_201 = tpu.memref_slice %arg17[%dma_wait3A_199, %dma_wait3A_200] : memref<128x128xf32, #tpu.memory_space<vmem>> -> memref<128x128xf32, #tpu.memory_space<vmem>>
          %dma_wait3A_202 = arith.constant 0 : i32
          %dma_wait3A_203 = tpu.memref_slice %arg19[%mul3A_186, %dma_wait3A_202] : memref<10112x128xf32, #tpu.memory_space<vmem_shared>> -> memref<128x128xf32, #tpu.memory_space<vmem_shared>>
          %dma_wait3A_204 = arith.constant 0 : i32
          %dma_wait3A_205 = arith.constant 0 : i32
          %dma_wait3A_206 = tpu.memref_slice %arg17[%dma_wait3A_204, %dma_wait3A_205] : memref<128x128xf32, #tpu.memory_space<vmem>> -> memref<128x128xf32, #tpu.memory_space<vmem>>
          %dma_wait3A_207 = arith.constant 0 : i32
          %dma_wait3A_208 = tpu.memref_slice %arg19[%mul3A_186, %dma_wait3A_207] : memref<10112x128xf32, #tpu.memory_space<vmem_shared>> -> memref<128x128xf32, #tpu.memory_space<vmem_shared>>
          tpu.wait_dma2 semaphore(%run_scoped3A_188 : memref<!tpu.dma_semaphore, #tpu.memory_space<semaphore_mem>>) src(%dma_wait3A_208 : memref<128x128xf32, #tpu.memory_space<vmem_shared>>) dst(%dma_wait3A_206 : memref<128x128xf32, #tpu.memory_space<vmem>>)
          tpu.yield
        }) : () -> ()
        %run_scoped3A_187 = arith.constant 0 : i32
        "tpu.region"() ({
          %run_scoped3A_188 = tpu.sem_alloc : memref<!tpu.dma_semaphore, #tpu.memory_space<semaphore_mem>>
          %dma_start3A_189 = arith.constant 0 : i32
          %dma_start3A_190 = arith.constant 0 : i32
          %dma_start3A_191 = tpu.memref_slice %arg17[%dma_start3A_189, %dma_start3A_190] : memref<128x128xf32, #tpu.memory_space<vmem>> -> memref<128x128xf32, #tpu.memory_space<vmem>>
          %dma_start3A_192 = arith.constant 0 : i32
          %dma_start3A_193 = tpu.memref_slice %arg7[%run_scoped3A_187, %mul3A_186, %dma_start3A_192] : memref<2x10000x128xf32, #tpu.memory_space<hbm>> -> memref<1x128x128xf32, #tpu.memory_space<hbm>>
          %dma_start3A_194 = tpu.memref_squeeze %dma_start3A_193 : memref<1x128x128xf32, #tpu.memory_space<hbm>> -> memref<128x128xf32, #tpu.memory_space<hbm>>
          %dma_start3A_195 = arith.constant 0 : i32
          %dma_start3A_196 = tpu.memref_slice %arg7[%run_scoped3A_187, %mul3A_186, %dma_start3A_195] : memref<2x10000x128xf32, #tpu.memory_space<hbm>> -> memref<1x128x128xf32, #tpu.memory_space<hbm>>
          %dma_start3A_197 = tpu.memref_squeeze %dma_start3A_196 : memref<1x128x128xf32, #tpu.memory_space<hbm>> -> memref<128x128xf32, #tpu.memory_space<hbm>>
          %dma_start3A_198 = arith.constant 0 : i32
          %dma_start3A_199 = arith.constant 0 : i32
          %dma_start3A_200 = tpu.memref_slice %arg17[%dma_start3A_198, %dma_start3A_199] : memref<128x128xf32, #tpu.memory_space<vmem>> -> memref<128x128xf32, #tpu.memory_space<vmem>>
          tpu.enqueue_dma source(%dma_start3A_200 : memref<128x128xf32, #tpu.memory_space<vmem>>) target(%dma_start3A_197 : memref<128x128xf32, #tpu.memory_space<hbm>>) target_semaphore(%run_scoped3A_188 : memref<!tpu.dma_semaphore, #tpu.memory_space<semaphore_mem>>)
          %dma_wait3A_201 = arith.constant 0 : i32
          %dma_wait3A_202 = arith.constant 0 : i32
          %dma_wait3A_203 = tpu.memref_slice %arg17[%dma_wait3A_201, %dma_wait3A_202] : memref<128x128xf32, #tpu.memory_space<vmem>> -> memref<128x128xf32, #tpu.memory_space<vmem>>
          %dma_wait3A_204 = arith.constant 0 : i32
          %dma_wait3A_205 = tpu.memref_slice %arg7[%run_scoped3A_187, %mul3A_186, %dma_wait3A_204] : memref<2x10000x128xf32, #tpu.memory_space<hbm>> -> memref<1x128x128xf32, #tpu.memory_space<hbm>>
          %dma_wait3A_206 = tpu.memref_squeeze %dma_wait3A_205 : memref<1x128x128xf32, #tpu.memory_space<hbm>> -> memref<128x128xf32, #tpu.memory_space<hbm>>
          %dma_wait3A_207 = arith.constant 0 : i32
          %dma_wait3A_208 = tpu.memref_slice %arg7[%run_scoped3A_187, %mul3A_186, %dma_wait3A_207] : memref<2x10000x128xf32, #tpu.memory_space<hbm>> -> memref<1x128x128xf32, #tpu.memory_space<hbm>>
          %dma_wait3A_209 = tpu.memref_squeeze %dma_wait3A_208 : memref<1x128x128xf32, #tpu.memory_space<hbm>> -> memref<128x128xf32, #tpu.memory_space<hbm>>
          %dma_wait3A_210 = arith.constant 0 : i32
          %dma_wait3A_211 = arith.constant 0 : i32
          %dma_wait3A_212 = tpu.memref_slice %arg17[%dma_wait3A_210, %dma_wait3A_211] : memref<128x128xf32, #tpu.memory_space<vmem>> -> memref<128x128xf32, #tpu.memory_space<vmem>>
          tpu.wait_dma2 semaphore(%run_scoped3A_188 : memref<!tpu.dma_semaphore, #tpu.memory_space<semaphore_mem>>) src(%dma_wait3A_212 : memref<128x128xf32, #tpu.memory_space<vmem>>) dst(%dma_wait3A_209 : memref<128x128xf32, #tpu.memory_space<hbm>>)
          tpu.yield
        }) : () -> ()
        "tpu.region"() ({
          %run_scoped3A_188 = tpu.sem_alloc : memref<!tpu.dma_semaphore, #tpu.memory_space<semaphore_mem>>
          %dma_start3A_189 = arith.constant 0 : i32
          %dma_start3A_190 = arith.constant 0 : i32
          %dma_start3A_191 = tpu.memref_slice %arg18[%dma_start3A_189, %dma_start3A_190] : memref<128x128xf32, #tpu.memory_space<vmem>> -> memref<128x128xf32, #tpu.memory_space<vmem>>
          %dma_start3A_192 = arith.constant 0 : i32
          %dma_start3A_193 = tpu.memref_slice %arg19[%mul3A_186, %dma_start3A_192] : memref<10112x128xf32, #tpu.memory_space<vmem_shared>> -> memref<128x128xf32, #tpu.memory_space<vmem_shared>>
          %dma_start3A_194 = arith.constant 0 : i32
          %dma_start3A_195 = tpu.memref_slice %arg19[%mul3A_186, %dma_start3A_194] : memref<10112x128xf32, #tpu.memory_space<vmem_shared>> -> memref<128x128xf32, #tpu.memory_space<vmem_shared>>
          %dma_start3A_196 = arith.constant 0 : i32
          %dma_start3A_197 = arith.constant 0 : i32
          %dma_start3A_198 = tpu.memref_slice %arg18[%dma_start3A_196, %dma_start3A_197] : memref<128x128xf32, #tpu.memory_space<vmem>> -> memref<128x128xf32, #tpu.memory_space<vmem>>
          tpu.enqueue_dma source(%dma_start3A_198 : memref<128x128xf32, #tpu.memory_space<vmem>>) target(%dma_start3A_195 : memref<128x128xf32, #tpu.memory_space<vmem_shared>>) target_semaphore(%run_scoped3A_188 : memref<!tpu.dma_semaphore, #tpu.memory_space<semaphore_mem>>)
          %dma_wait3A_199 = arith.constant 0 : i32
          %dma_wait3A_200 = arith.constant 0 : i32
          %dma_wait3A_201 = tpu.memref_slice %arg18[%dma_wait3A_199, %dma_wait3A_200] : memref<128x128xf32, #tpu.memory_space<vmem>> -> memref<128x128xf32, #tpu.memory_space<vmem>>
          %dma_wait3A_202 = arith.constant 0 : i32
          %dma_wait3A_203 = tpu.memref_slice %arg19[%mul3A_186, %dma_wait3A_202] : memref<10112x128xf32, #tpu.memory_space<vmem_shared>> -> memref<128x128xf32, #tpu.memory_space<vmem_shared>>
          %dma_wait3A_204 = arith.constant 0 : i32
          %dma_wait3A_205 = tpu.memref_slice %arg19[%mul3A_186, %dma_wait3A_204] : memref<10112x128xf32, #tpu.memory_space<vmem_shared>> -> memref<128x128xf32, #tpu.memory_space<vmem_shared>>
          %dma_wait3A_206 = arith.constant 0 : i32
          %dma_wait3A_207 = arith.constant 0 : i32
          %dma_wait3A_208 = tpu.memref_slice %arg18[%dma_wait3A_206, %dma_wait3A_207] : memref<128x128xf32, #tpu.memory_space<vmem>> -> memref<128x128xf32, #tpu.memory_space<vmem>>
          tpu.wait_dma2 semaphore(%run_scoped3A_188 : memref<!tpu.dma_semaphore, #tpu.memory_space<semaphore_mem>>) src(%dma_wait3A_208 : memref<128x128xf32, #tpu.memory_space<vmem>>) dst(%dma_wait3A_205 : memref<128x128xf32, #tpu.memory_space<vmem_shared>>)
          tpu.yield
        }) : () -> ()
      } else {
      }
      %eq3A_99 = arith.constant 15 : i32
      %eq3A_100 = arith.cmpi eq, %arg1, %eq3A_99 : i32
      %convert_element_type3A_101 = arith.extui %eq3A_100 : i1 to i32
      %cond3A_102 = arith.constant 0 : i32
      %cond3A_103 = arith.cmpi ne, %convert_element_type3A_101, %cond3A_102 : i32
      scf.if %cond3A_103 {
        "tpu.region"() ({
          %run_scoped3A_186 = tpu.sem_alloc : memref<!tpu.dma_semaphore, #tpu.memory_space<semaphore_mem>>
          %dma_start3A_187 = arith.constant 0 : i32
          %dma_start3A_188 = arith.constant 0 : i32
          %dma_start3A_189 = tpu.memref_slice %arg17[%dma_start3A_187, %dma_start3A_188] : memref<128x128xf32, #tpu.memory_space<vmem>> -> memref<16x128xf32, #tpu.memory_space<vmem>>
          %dma_start3A_190 = arith.constant 9984 : i32
          %dma_start3A_191 = arith.constant 0 : i32
          %dma_start3A_192 = tpu.memref_slice %arg19[%dma_start3A_190, %dma_start3A_191] : memref<10112x128xf32, #tpu.memory_space<vmem_shared>> -> memref<16x128xf32, #tpu.memory_space<vmem_shared>>
          %dma_start3A_193 = arith.constant 0 : i32
          %dma_start3A_194 = arith.constant 0 : i32
          %dma_start3A_195 = tpu.memref_slice %arg17[%dma_start3A_193, %dma_start3A_194] : memref<128x128xf32, #tpu.memory_space<vmem>> -> memref<16x128xf32, #tpu.memory_space<vmem>>
          %dma_start3A_196 = arith.constant 9984 : i32
          %dma_start3A_197 = arith.constant 0 : i32
          %dma_start3A_198 = tpu.memref_slice %arg19[%dma_start3A_196, %dma_start3A_197] : memref<10112x128xf32, #tpu.memory_space<vmem_shared>> -> memref<16x128xf32, #tpu.memory_space<vmem_shared>>
          tpu.enqueue_dma source(%dma_start3A_198 : memref<16x128xf32, #tpu.memory_space<vmem_shared>>) target(%dma_start3A_195 : memref<16x128xf32, #tpu.memory_space<vmem>>) target_semaphore(%run_scoped3A_186 : memref<!tpu.dma_semaphore, #tpu.memory_space<semaphore_mem>>)
          %dma_wait3A_199 = arith.constant 0 : i32
          %dma_wait3A_200 = arith.constant 0 : i32
          %dma_wait3A_201 = tpu.memref_slice %arg17[%dma_wait3A_199, %dma_wait3A_200] : memref<128x128xf32, #tpu.memory_space<vmem>> -> memref<16x128xf32, #tpu.memory_space<vmem>>
          %dma_wait3A_202 = arith.constant 9984 : i32
          %dma_wait3A_203 = arith.constant 0 : i32
          %dma_wait3A_204 = tpu.memref_slice %arg19[%dma_wait3A_202, %dma_wait3A_203] : memref<10112x128xf32, #tpu.memory_space<vmem_shared>> -> memref<16x128xf32, #tpu.memory_space<vmem_shared>>
          %dma_wait3A_205 = arith.constant 0 : i32
          %dma_wait3A_206 = arith.constant 0 : i32
          %dma_wait3A_207 = tpu.memref_slice %arg17[%dma_wait3A_205, %dma_wait3A_206] : memref<128x128xf32, #tpu.memory_space<vmem>> -> memref<16x128xf32, #tpu.memory_space<vmem>>
          %dma_wait3A_208 = arith.constant 9984 : i32
          %dma_wait3A_209 = arith.constant 0 : i32
          %dma_wait3A_210 = tpu.memref_slice %arg19[%dma_wait3A_208, %dma_wait3A_209] : memref<10112x128xf32, #tpu.memory_space<vmem_shared>> -> memref<16x128xf32, #tpu.memory_space<vmem_shared>>
          tpu.wait_dma2 semaphore(%run_scoped3A_186 : memref<!tpu.dma_semaphore, #tpu.memory_space<semaphore_mem>>) src(%dma_wait3A_210 : memref<16x128xf32, #tpu.memory_space<vmem_shared>>) dst(%dma_wait3A_207 : memref<16x128xf32, #tpu.memory_space<vmem>>)
          tpu.yield
        }) : () -> ()
        %run_scoped3A_185 = arith.constant 0 : i32
        "tpu.region"() ({
          %run_scoped3A_186 = tpu.sem_alloc : memref<!tpu.dma_semaphore, #tpu.memory_space<semaphore_mem>>
          %dma_start3A_187 = arith.constant 0 : i32
          %dma_start3A_188 = arith.constant 0 : i32
          %dma_start3A_189 = tpu.memref_slice %arg17[%dma_start3A_187, %dma_start3A_188] : memref<128x128xf32, #tpu.memory_space<vmem>> -> memref<16x128xf32, #tpu.memory_space<vmem>>
          %dma_start3A_190 = arith.constant 9984 : i32
          %dma_start3A_191 = arith.constant 0 : i32
          %dma_start3A_192 = tpu.memref_slice %arg7[%run_scoped3A_185, %dma_start3A_190, %dma_start3A_191] : memref<2x10000x128xf32, #tpu.memory_space<hbm>> -> memref<1x16x128xf32, #tpu.memory_space<hbm>>
          %dma_start3A_193 = tpu.memref_squeeze %dma_start3A_192 : memref<1x16x128xf32, #tpu.memory_space<hbm>> -> memref<16x128xf32, #tpu.memory_space<hbm>>
          %dma_start3A_194 = arith.constant 9984 : i32
          %dma_start3A_195 = arith.constant 0 : i32
          %dma_start3A_196 = tpu.memref_slice %arg7[%run_scoped3A_185, %dma_start3A_194, %dma_start3A_195] : memref<2x10000x128xf32, #tpu.memory_space<hbm>> -> memref<1x16x128xf32, #tpu.memory_space<hbm>>
          %dma_start3A_197 = tpu.memref_squeeze %dma_start3A_196 : memref<1x16x128xf32, #tpu.memory_space<hbm>> -> memref<16x128xf32, #tpu.memory_space<hbm>>
          %dma_start3A_198 = arith.constant 0 : i32
          %dma_start3A_199 = arith.constant 0 : i32
          %dma_start3A_200 = tpu.memref_slice %arg17[%dma_start3A_198, %dma_start3A_199] : memref<128x128xf32, #tpu.memory_space<vmem>> -> memref<16x128xf32, #tpu.memory_space<vmem>>
          tpu.enqueue_dma source(%dma_start3A_200 : memref<16x128xf32, #tpu.memory_space<vmem>>) target(%dma_start3A_197 : memref<16x128xf32, #tpu.memory_space<hbm>>) target_semaphore(%run_scoped3A_186 : memref<!tpu.dma_semaphore, #tpu.memory_space<semaphore_mem>>)
          %dma_wait3A_201 = arith.constant 0 : i32
          %dma_wait3A_202 = arith.constant 0 : i32
          %dma_wait3A_203 = tpu.memref_slice %arg17[%dma_wait3A_201, %dma_wait3A_202] : memref<128x128xf32, #tpu.memory_space<vmem>> -> memref<16x128xf32, #tpu.memory_space<vmem>>
          %dma_wait3A_204 = arith.constant 9984 : i32
          %dma_wait3A_205 = arith.constant 0 : i32
          %dma_wait3A_206 = tpu.memref_slice %arg7[%run_scoped3A_185, %dma_wait3A_204, %dma_wait3A_205] : memref<2x10000x128xf32, #tpu.memory_space<hbm>> -> memref<1x16x128xf32, #tpu.memory_space<hbm>>
          %dma_wait3A_207 = tpu.memref_squeeze %dma_wait3A_206 : memref<1x16x128xf32, #tpu.memory_space<hbm>> -> memref<16x128xf32, #tpu.memory_space<hbm>>
          %dma_wait3A_208 = arith.constant 9984 : i32
          %dma_wait3A_209 = arith.constant 0 : i32
          %dma_wait3A_210 = tpu.memref_slice %arg7[%run_scoped3A_185, %dma_wait3A_208, %dma_wait3A_209] : memref<2x10000x128xf32, #tpu.memory_space<hbm>> -> memref<1x16x128xf32, #tpu.memory_space<hbm>>
          %dma_wait3A_211 = tpu.memref_squeeze %dma_wait3A_210 : memref<1x16x128xf32, #tpu.memory_space<hbm>> -> memref<16x128xf32, #tpu.memory_space<hbm>>
          %dma_wait3A_212 = arith.constant 0 : i32
          %dma_wait3A_213 = arith.constant 0 : i32
          %dma_wait3A_214 = tpu.memref_slice %arg17[%dma_wait3A_212, %dma_wait3A_213] : memref<128x128xf32, #tpu.memory_space<vmem>> -> memref<16x128xf32, #tpu.memory_space<vmem>>
          tpu.wait_dma2 semaphore(%run_scoped3A_186 : memref<!tpu.dma_semaphore, #tpu.memory_space<semaphore_mem>>) src(%dma_wait3A_214 : memref<16x128xf32, #tpu.memory_space<vmem>>) dst(%dma_wait3A_211 : memref<16x128xf32, #tpu.memory_space<hbm>>)
          tpu.yield
        }) : () -> ()
        "tpu.region"() ({
          %run_scoped3A_186 = tpu.sem_alloc : memref<!tpu.dma_semaphore, #tpu.memory_space<semaphore_mem>>
          %dma_start3A_187 = arith.constant 0 : i32
          %dma_start3A_188 = arith.constant 0 : i32
          %dma_start3A_189 = tpu.memref_slice %arg18[%dma_start3A_187, %dma_start3A_188] : memref<128x128xf32, #tpu.memory_space<vmem>> -> memref<16x128xf32, #tpu.memory_space<vmem>>
          %dma_start3A_190 = arith.constant 9984 : i32
          %dma_start3A_191 = arith.constant 0 : i32
          %dma_start3A_192 = tpu.memref_slice %arg19[%dma_start3A_190, %dma_start3A_191] : memref<10112x128xf32, #tpu.memory_space<vmem_shared>> -> memref<16x128xf32, #tpu.memory_space<vmem_shared>>
          %dma_start3A_193 = arith.constant 9984 : i32
          %dma_start3A_194 = arith.constant 0 : i32
          %dma_start3A_195 = tpu.memref_slice %arg19[%dma_start3A_193, %dma_start3A_194] : memref<10112x128xf32, #tpu.memory_space<vmem_shared>> -> memref<16x128xf32, #tpu.memory_space<vmem_shared>>
          %dma_start3A_196 = arith.constant 0 : i32
          %dma_start3A_197 = arith.constant 0 : i32
          %dma_start3A_198 = tpu.memref_slice %arg18[%dma_start3A_196, %dma_start3A_197] : memref<128x128xf32, #tpu.memory_space<vmem>> -> memref<16x128xf32, #tpu.memory_space<vmem>>
          tpu.enqueue_dma source(%dma_start3A_198 : memref<16x128xf32, #tpu.memory_space<vmem>>) target(%dma_start3A_195 : memref<16x128xf32, #tpu.memory_space<vmem_shared>>) target_semaphore(%run_scoped3A_186 : memref<!tpu.dma_semaphore, #tpu.memory_space<semaphore_mem>>)
          %dma_wait3A_199 = arith.constant 0 : i32
          %dma_wait3A_200 = arith.constant 0 : i32
          %dma_wait3A_201 = tpu.memref_slice %arg18[%dma_wait3A_199, %dma_wait3A_200] : memref<128x128xf32, #tpu.memory_space<vmem>> -> memref<16x128xf32, #tpu.memory_space<vmem>>
          %dma_wait3A_202 = arith.constant 9984 : i32
          %dma_wait3A_203 = arith.constant 0 : i32
          %dma_wait3A_204 = tpu.memref_slice %arg19[%dma_wait3A_202, %dma_wait3A_203] : memref<10112x128xf32, #tpu.memory_space<vmem_shared>> -> memref<16x128xf32, #tpu.memory_space<vmem_shared>>
          %dma_wait3A_205 = arith.constant 9984 : i32
          %dma_wait3A_206 = arith.constant 0 : i32
          %dma_wait3A_207 = tpu.memref_slice %arg19[%dma_wait3A_205, %dma_wait3A_206] : memref<10112x128xf32, #tpu.memory_space<vmem_shared>> -> memref<16x128xf32, #tpu.memory_space<vmem_shared>>
          %dma_wait3A_208 = arith.constant 0 : i32
          %dma_wait3A_209 = arith.constant 0 : i32
          %dma_wait3A_210 = tpu.memref_slice %arg18[%dma_wait3A_208, %dma_wait3A_209] : memref<128x128xf32, #tpu.memory_space<vmem>> -> memref<16x128xf32, #tpu.memory_space<vmem>>
          tpu.wait_dma2 semaphore(%run_scoped3A_186 : memref<!tpu.dma_semaphore, #tpu.memory_space<semaphore_mem>>) src(%dma_wait3A_210 : memref<16x128xf32, #tpu.memory_space<vmem>>) dst(%dma_wait3A_207 : memref<16x128xf32, #tpu.memory_space<vmem_shared>>)
          tpu.yield
        }) : () -> ()
      } else {
      }
      %barrier3A_104 = arith.constant 0 : index
      tpu.barrier barrier_id(%barrier3A_104)
      %add3A_105 = arith.constant 0 : i32
      %add3A_106 = arith.addi %mul3A_0, %add3A_105 : i32
      %run_scoped3A_107 = arith.constant 1 : i32
      "tpu.region"() ({
        %run_scoped3A_185 = tpu.sem_alloc : memref<!tpu.dma_semaphore, #tpu.memory_space<semaphore_mem>>
        %dma_start3A_186 = tpu.memref_slice %arg3[%run_scoped3A_107, %add3A_106] : memref<2x321536xi32, #tpu.memory_space<hbm>> -> memref<1x128xi32, #tpu.memory_space<hbm>>
        %dma_start3A_187 = tpu.memref_squeeze %dma_start3A_186 : memref<1x128xi32, #tpu.memory_space<hbm>> -> memref<128xi32, #tpu.memory_space<hbm>>
        %dma_start3A_188 = tpu.memref_slice %arg3[%run_scoped3A_107, %add3A_106] : memref<2x321536xi32, #tpu.memory_space<hbm>> -> memref<1x128xi32, #tpu.memory_space<hbm>>
        %dma_start3A_189 = tpu.memref_squeeze %dma_start3A_188 : memref<1x128xi32, #tpu.memory_space<hbm>> -> memref<128xi32, #tpu.memory_space<hbm>>
        tpu.enqueue_dma source(%dma_start3A_189 : memref<128xi32, #tpu.memory_space<hbm>>) target(%arg9 : memref<128xi32, #tpu.memory_space<vmem>>) target_semaphore(%run_scoped3A_185 : memref<!tpu.dma_semaphore, #tpu.memory_space<semaphore_mem>>)
        %dma_wait3A_190 = tpu.memref_slice %arg3[%run_scoped3A_107, %add3A_106] : memref<2x321536xi32, #tpu.memory_space<hbm>> -> memref<1x128xi32, #tpu.memory_space<hbm>>
        %dma_wait3A_191 = tpu.memref_squeeze %dma_wait3A_190 : memref<1x128xi32, #tpu.memory_space<hbm>> -> memref<128xi32, #tpu.memory_space<hbm>>
        %dma_wait3A_192 = tpu.memref_slice %arg3[%run_scoped3A_107, %add3A_106] : memref<2x321536xi32, #tpu.memory_space<hbm>> -> memref<1x128xi32, #tpu.memory_space<hbm>>
        %dma_wait3A_193 = tpu.memref_squeeze %dma_wait3A_192 : memref<1x128xi32, #tpu.memory_space<hbm>> -> memref<128xi32, #tpu.memory_space<hbm>>
        tpu.wait_dma2 semaphore(%run_scoped3A_185 : memref<!tpu.dma_semaphore, #tpu.memory_space<semaphore_mem>>) src(%dma_wait3A_193 : memref<128xi32, #tpu.memory_space<hbm>>) dst(%arg9 : memref<128xi32, #tpu.memory_space<vmem>>)
        tpu.yield
      }) : () -> ()
      %add3A_108 = arith.constant 0 : i32
      %add3A_109 = arith.addi %mul3A_0, %add3A_108 : i32
      %run_scoped3A_110 = arith.constant 1 : i32
      "tpu.region"() ({
        %run_scoped3A_185 = tpu.sem_alloc : memref<!tpu.dma_semaphore, #tpu.memory_space<semaphore_mem>>
        %dma_start3A_186 = tpu.memref_slice %arg4[%run_scoped3A_110, %add3A_109] : memref<2x321536xi32, #tpu.memory_space<hbm>> -> memref<1x128xi32, #tpu.memory_space<hbm>>
        %dma_start3A_187 = tpu.memref_squeeze %dma_start3A_186 : memref<1x128xi32, #tpu.memory_space<hbm>> -> memref<128xi32, #tpu.memory_space<hbm>>
        %dma_start3A_188 = tpu.memref_slice %arg4[%run_scoped3A_110, %add3A_109] : memref<2x321536xi32, #tpu.memory_space<hbm>> -> memref<1x128xi32, #tpu.memory_space<hbm>>
        %dma_start3A_189 = tpu.memref_squeeze %dma_start3A_188 : memref<1x128xi32, #tpu.memory_space<hbm>> -> memref<128xi32, #tpu.memory_space<hbm>>
        tpu.enqueue_dma source(%dma_start3A_189 : memref<128xi32, #tpu.memory_space<hbm>>) target(%arg13 : memref<128xi32, #tpu.memory_space<vmem>>) target_semaphore(%run_scoped3A_185 : memref<!tpu.dma_semaphore, #tpu.memory_space<semaphore_mem>>)
        %dma_wait3A_190 = tpu.memref_slice %arg4[%run_scoped3A_110, %add3A_109] : memref<2x321536xi32, #tpu.memory_space<hbm>> -> memref<1x128xi32, #tpu.memory_space<hbm>>
        %dma_wait3A_191 = tpu.memref_squeeze %dma_wait3A_190 : memref<1x128xi32, #tpu.memory_space<hbm>> -> memref<128xi32, #tpu.memory_space<hbm>>
        %dma_wait3A_192 = tpu.memref_slice %arg4[%run_scoped3A_110, %add3A_109] : memref<2x321536xi32, #tpu.memory_space<hbm>> -> memref<1x128xi32, #tpu.memory_space<hbm>>
        %dma_wait3A_193 = tpu.memref_squeeze %dma_wait3A_192 : memref<1x128xi32, #tpu.memory_space<hbm>> -> memref<128xi32, #tpu.memory_space<hbm>>
        tpu.wait_dma2 semaphore(%run_scoped3A_185 : memref<!tpu.dma_semaphore, #tpu.memory_space<semaphore_mem>>) src(%dma_wait3A_193 : memref<128xi32, #tpu.memory_space<hbm>>) dst(%arg13 : memref<128xi32, #tpu.memory_space<vmem>>)
        tpu.yield
      }) : () -> ()
      %add3A_111 = arith.constant 128 : i32
      %add3A_112 = arith.addi %mul3A_0, %add3A_111 : i32
      %run_scoped3A_113 = arith.constant 1 : i32
      "tpu.region"() ({
        %run_scoped3A_185 = tpu.sem_alloc : memref<!tpu.dma_semaphore, #tpu.memory_space<semaphore_mem>>
        %dma_start3A_186 = tpu.memref_slice %arg3[%run_scoped3A_113, %add3A_112] : memref<2x321536xi32, #tpu.memory_space<hbm>> -> memref<1x128xi32, #tpu.memory_space<hbm>>
        %dma_start3A_187 = tpu.memref_squeeze %dma_start3A_186 : memref<1x128xi32, #tpu.memory_space<hbm>> -> memref<128xi32, #tpu.memory_space<hbm>>
        %dma_start3A_188 = tpu.memref_slice %arg3[%run_scoped3A_113, %add3A_112] : memref<2x321536xi32, #tpu.memory_space<hbm>> -> memref<1x128xi32, #tpu.memory_space<hbm>>
        %dma_start3A_189 = tpu.memref_squeeze %dma_start3A_188 : memref<1x128xi32, #tpu.memory_space<hbm>> -> memref<128xi32, #tpu.memory_space<hbm>>
        tpu.enqueue_dma source(%dma_start3A_189 : memref<128xi32, #tpu.memory_space<hbm>>) target(%arg10 : memref<128xi32, #tpu.memory_space<vmem>>) target_semaphore(%run_scoped3A_185 : memref<!tpu.dma_semaphore, #tpu.memory_space<semaphore_mem>>)
        %dma_wait3A_190 = tpu.memref_slice %arg3[%run_scoped3A_113, %add3A_112] : memref<2x321536xi32, #tpu.memory_space<hbm>> -> memref<1x128xi32, #tpu.memory_space<hbm>>
        %dma_wait3A_191 = tpu.memref_squeeze %dma_wait3A_190 : memref<1x128xi32, #tpu.memory_space<hbm>> -> memref<128xi32, #tpu.memory_space<hbm>>
        %dma_wait3A_192 = tpu.memref_slice %arg3[%run_scoped3A_113, %add3A_112] : memref<2x321536xi32, #tpu.memory_space<hbm>> -> memref<1x128xi32, #tpu.memory_space<hbm>>
        %dma_wait3A_193 = tpu.memref_squeeze %dma_wait3A_192 : memref<1x128xi32, #tpu.memory_space<hbm>> -> memref<128xi32, #tpu.memory_space<hbm>>
        tpu.wait_dma2 semaphore(%run_scoped3A_185 : memref<!tpu.dma_semaphore, #tpu.memory_space<semaphore_mem>>) src(%dma_wait3A_193 : memref<128xi32, #tpu.memory_space<hbm>>) dst(%arg10 : memref<128xi32, #tpu.memory_space<vmem>>)
        tpu.yield
      }) : () -> ()
      %add3A_114 = arith.constant 128 : i32
      %add3A_115 = arith.addi %mul3A_0, %add3A_114 : i32
      %run_scoped3A_116 = arith.constant 1 : i32
      "tpu.region"() ({
        %run_scoped3A_185 = tpu.sem_alloc : memref<!tpu.dma_semaphore, #tpu.memory_space<semaphore_mem>>
        %dma_start3A_186 = tpu.memref_slice %arg4[%run_scoped3A_116, %add3A_115] : memref<2x321536xi32, #tpu.memory_space<hbm>> -> memref<1x128xi32, #tpu.memory_space<hbm>>
        %dma_start3A_187 = tpu.memref_squeeze %dma_start3A_186 : memref<1x128xi32, #tpu.memory_space<hbm>> -> memref<128xi32, #tpu.memory_space<hbm>>
        %dma_start3A_188 = tpu.memref_slice %arg4[%run_scoped3A_116, %add3A_115] : memref<2x321536xi32, #tpu.memory_space<hbm>> -> memref<1x128xi32, #tpu.memory_space<hbm>>
        %dma_start3A_189 = tpu.memref_squeeze %dma_start3A_188 : memref<1x128xi32, #tpu.memory_space<hbm>> -> memref<128xi32, #tpu.memory_space<hbm>>
        tpu.enqueue_dma source(%dma_start3A_189 : memref<128xi32, #tpu.memory_space<hbm>>) target(%arg14 : memref<128xi32, #tpu.memory_space<vmem>>) target_semaphore(%run_scoped3A_185 : memref<!tpu.dma_semaphore, #tpu.memory_space<semaphore_mem>>)
        %dma_wait3A_190 = tpu.memref_slice %arg4[%run_scoped3A_116, %add3A_115] : memref<2x321536xi32, #tpu.memory_space<hbm>> -> memref<1x128xi32, #tpu.memory_space<hbm>>
        %dma_wait3A_191 = tpu.memref_squeeze %dma_wait3A_190 : memref<1x128xi32, #tpu.memory_space<hbm>> -> memref<128xi32, #tpu.memory_space<hbm>>
        %dma_wait3A_192 = tpu.memref_slice %arg4[%run_scoped3A_116, %add3A_115] : memref<2x321536xi32, #tpu.memory_space<hbm>> -> memref<1x128xi32, #tpu.memory_space<hbm>>
        %dma_wait3A_193 = tpu.memref_squeeze %dma_wait3A_192 : memref<1x128xi32, #tpu.memory_space<hbm>> -> memref<128xi32, #tpu.memory_space<hbm>>
        tpu.wait_dma2 semaphore(%run_scoped3A_185 : memref<!tpu.dma_semaphore, #tpu.memory_space<semaphore_mem>>) src(%dma_wait3A_193 : memref<128xi32, #tpu.memory_space<hbm>>) dst(%arg14 : memref<128xi32, #tpu.memory_space<vmem>>)
        tpu.yield
      }) : () -> ()
      %add3A_117 = arith.constant 256 : i32
      %add3A_118 = arith.addi %mul3A_0, %add3A_117 : i32
      %run_scoped3A_119 = arith.constant 1 : i32
      "tpu.region"() ({
        %run_scoped3A_185 = tpu.sem_alloc : memref<!tpu.dma_semaphore, #tpu.memory_space<semaphore_mem>>
        %dma_start3A_186 = tpu.memref_slice %arg3[%run_scoped3A_119, %add3A_118] : memref<2x321536xi32, #tpu.memory_space<hbm>> -> memref<1x128xi32, #tpu.memory_space<hbm>>
        %dma_start3A_187 = tpu.memref_squeeze %dma_start3A_186 : memref<1x128xi32, #tpu.memory_space<hbm>> -> memref<128xi32, #tpu.memory_space<hbm>>
        %dma_start3A_188 = tpu.memref_slice %arg3[%run_scoped3A_119, %add3A_118] : memref<2x321536xi32, #tpu.memory_space<hbm>> -> memref<1x128xi32, #tpu.memory_space<hbm>>
        %dma_start3A_189 = tpu.memref_squeeze %dma_start3A_188 : memref<1x128xi32, #tpu.memory_space<hbm>> -> memref<128xi32, #tpu.memory_space<hbm>>
        tpu.enqueue_dma source(%dma_start3A_189 : memref<128xi32, #tpu.memory_space<hbm>>) target(%arg11 : memref<128xi32, #tpu.memory_space<vmem>>) target_semaphore(%run_scoped3A_185 : memref<!tpu.dma_semaphore, #tpu.memory_space<semaphore_mem>>)
        %dma_wait3A_190 = tpu.memref_slice %arg3[%run_scoped3A_119, %add3A_118] : memref<2x321536xi32, #tpu.memory_space<hbm>> -> memref<1x128xi32, #tpu.memory_space<hbm>>
        %dma_wait3A_191 = tpu.memref_squeeze %dma_wait3A_190 : memref<1x128xi32, #tpu.memory_space<hbm>> -> memref<128xi32, #tpu.memory_space<hbm>>
        %dma_wait3A_192 = tpu.memref_slice %arg3[%run_scoped3A_119, %add3A_118] : memref<2x321536xi32, #tpu.memory_space<hbm>> -> memref<1x128xi32, #tpu.memory_space<hbm>>
        %dma_wait3A_193 = tpu.memref_squeeze %dma_wait3A_192 : memref<1x128xi32, #tpu.memory_space<hbm>> -> memref<128xi32, #tpu.memory_space<hbm>>
        tpu.wait_dma2 semaphore(%run_scoped3A_185 : memref<!tpu.dma_semaphore, #tpu.memory_space<semaphore_mem>>) src(%dma_wait3A_193 : memref<128xi32, #tpu.memory_space<hbm>>) dst(%arg11 : memref<128xi32, #tpu.memory_space<vmem>>)
        tpu.yield
      }) : () -> ()
      %add3A_120 = arith.constant 256 : i32
      %add3A_121 = arith.addi %mul3A_0, %add3A_120 : i32
      %run_scoped3A_122 = arith.constant 1 : i32
      "tpu.region"() ({
        %run_scoped3A_185 = tpu.sem_alloc : memref<!tpu.dma_semaphore, #tpu.memory_space<semaphore_mem>>
        %dma_start3A_186 = tpu.memref_slice %arg4[%run_scoped3A_122, %add3A_121] : memref<2x321536xi32, #tpu.memory_space<hbm>> -> memref<1x128xi32, #tpu.memory_space<hbm>>
        %dma_start3A_187 = tpu.memref_squeeze %dma_start3A_186 : memref<1x128xi32, #tpu.memory_space<hbm>> -> memref<128xi32, #tpu.memory_space<hbm>>
        %dma_start3A_188 = tpu.memref_slice %arg4[%run_scoped3A_122, %add3A_121] : memref<2x321536xi32, #tpu.memory_space<hbm>> -> memref<1x128xi32, #tpu.memory_space<hbm>>
        %dma_start3A_189 = tpu.memref_squeeze %dma_start3A_188 : memref<1x128xi32, #tpu.memory_space<hbm>> -> memref<128xi32, #tpu.memory_space<hbm>>
        tpu.enqueue_dma source(%dma_start3A_189 : memref<128xi32, #tpu.memory_space<hbm>>) target(%arg15 : memref<128xi32, #tpu.memory_space<vmem>>) target_semaphore(%run_scoped3A_185 : memref<!tpu.dma_semaphore, #tpu.memory_space<semaphore_mem>>)
        %dma_wait3A_190 = tpu.memref_slice %arg4[%run_scoped3A_122, %add3A_121] : memref<2x321536xi32, #tpu.memory_space<hbm>> -> memref<1x128xi32, #tpu.memory_space<hbm>>
        %dma_wait3A_191 = tpu.memref_squeeze %dma_wait3A_190 : memref<1x128xi32, #tpu.memory_space<hbm>> -> memref<128xi32, #tpu.memory_space<hbm>>
        %dma_wait3A_192 = tpu.memref_slice %arg4[%run_scoped3A_122, %add3A_121] : memref<2x321536xi32, #tpu.memory_space<hbm>> -> memref<1x128xi32, #tpu.memory_space<hbm>>
        %dma_wait3A_193 = tpu.memref_squeeze %dma_wait3A_192 : memref<1x128xi32, #tpu.memory_space<hbm>> -> memref<128xi32, #tpu.memory_space<hbm>>
        tpu.wait_dma2 semaphore(%run_scoped3A_185 : memref<!tpu.dma_semaphore, #tpu.memory_space<semaphore_mem>>) src(%dma_wait3A_193 : memref<128xi32, #tpu.memory_space<hbm>>) dst(%arg15 : memref<128xi32, #tpu.memory_space<vmem>>)
        tpu.yield
      }) : () -> ()
      %add3A_123 = arith.constant 384 : i32
      %add3A_124 = arith.addi %mul3A_0, %add3A_123 : i32
      %run_scoped3A_125 = arith.constant 1 : i32
      "tpu.region"() ({
        %run_scoped3A_185 = tpu.sem_alloc : memref<!tpu.dma_semaphore, #tpu.memory_space<semaphore_mem>>
        %dma_start3A_186 = tpu.memref_slice %arg3[%run_scoped3A_125, %add3A_124] : memref<2x321536xi32, #tpu.memory_space<hbm>> -> memref<1x128xi32, #tpu.memory_space<hbm>>
        %dma_start3A_187 = tpu.memref_squeeze %dma_start3A_186 : memref<1x128xi32, #tpu.memory_space<hbm>> -> memref<128xi32, #tpu.memory_space<hbm>>
        %dma_start3A_188 = tpu.memref_slice %arg3[%run_scoped3A_125, %add3A_124] : memref<2x321536xi32, #tpu.memory_space<hbm>> -> memref<1x128xi32, #tpu.memory_space<hbm>>
        %dma_start3A_189 = tpu.memref_squeeze %dma_start3A_188 : memref<1x128xi32, #tpu.memory_space<hbm>> -> memref<128xi32, #tpu.memory_space<hbm>>
        tpu.enqueue_dma source(%dma_start3A_189 : memref<128xi32, #tpu.memory_space<hbm>>) target(%arg12 : memref<128xi32, #tpu.memory_space<vmem>>) target_semaphore(%run_scoped3A_185 : memref<!tpu.dma_semaphore, #tpu.memory_space<semaphore_mem>>)
        %dma_wait3A_190 = tpu.memref_slice %arg3[%run_scoped3A_125, %add3A_124] : memref<2x321536xi32, #tpu.memory_space<hbm>> -> memref<1x128xi32, #tpu.memory_space<hbm>>
        %dma_wait3A_191 = tpu.memref_squeeze %dma_wait3A_190 : memref<1x128xi32, #tpu.memory_space<hbm>> -> memref<128xi32, #tpu.memory_space<hbm>>
        %dma_wait3A_192 = tpu.memref_slice %arg3[%run_scoped3A_125, %add3A_124] : memref<2x321536xi32, #tpu.memory_space<hbm>> -> memref<1x128xi32, #tpu.memory_space<hbm>>
        %dma_wait3A_193 = tpu.memref_squeeze %dma_wait3A_192 : memref<1x128xi32, #tpu.memory_space<hbm>> -> memref<128xi32, #tpu.memory_space<hbm>>
        tpu.wait_dma2 semaphore(%run_scoped3A_185 : memref<!tpu.dma_semaphore, #tpu.memory_space<semaphore_mem>>) src(%dma_wait3A_193 : memref<128xi32, #tpu.memory_space<hbm>>) dst(%arg12 : memref<128xi32, #tpu.memory_space<vmem>>)
        tpu.yield
      }) : () -> ()
      %add3A_126 = arith.constant 384 : i32
      %add3A_127 = arith.addi %mul3A_0, %add3A_126 : i32
      %run_scoped3A_128 = arith.constant 1 : i32
      "tpu.region"() ({
        %run_scoped3A_185 = tpu.sem_alloc : memref<!tpu.dma_semaphore, #tpu.memory_space<semaphore_mem>>
        %dma_start3A_186 = tpu.memref_slice %arg4[%run_scoped3A_128, %add3A_127] : memref<2x321536xi32, #tpu.memory_space<hbm>> -> memref<1x128xi32, #tpu.memory_space<hbm>>
        %dma_start3A_187 = tpu.memref_squeeze %dma_start3A_186 : memref<1x128xi32, #tpu.memory_space<hbm>> -> memref<128xi32, #tpu.memory_space<hbm>>
        %dma_start3A_188 = tpu.memref_slice %arg4[%run_scoped3A_128, %add3A_127] : memref<2x321536xi32, #tpu.memory_space<hbm>> -> memref<1x128xi32, #tpu.memory_space<hbm>>
        %dma_start3A_189 = tpu.memref_squeeze %dma_start3A_188 : memref<1x128xi32, #tpu.memory_space<hbm>> -> memref<128xi32, #tpu.memory_space<hbm>>
        tpu.enqueue_dma source(%dma_start3A_189 : memref<128xi32, #tpu.memory_space<hbm>>) target(%arg16 : memref<128xi32, #tpu.memory_space<vmem>>) target_semaphore(%run_scoped3A_185 : memref<!tpu.dma_semaphore, #tpu.memory_space<semaphore_mem>>)
        %dma_wait3A_190 = tpu.memref_slice %arg4[%run_scoped3A_128, %add3A_127] : memref<2x321536xi32, #tpu.memory_space<hbm>> -> memref<1x128xi32, #tpu.memory_space<hbm>>
        %dma_wait3A_191 = tpu.memref_squeeze %dma_wait3A_190 : memref<1x128xi32, #tpu.memory_space<hbm>> -> memref<128xi32, #tpu.memory_space<hbm>>
        %dma_wait3A_192 = tpu.memref_slice %arg4[%run_scoped3A_128, %add3A_127] : memref<2x321536xi32, #tpu.memory_space<hbm>> -> memref<1x128xi32, #tpu.memory_space<hbm>>
        %dma_wait3A_193 = tpu.memref_squeeze %dma_wait3A_192 : memref<1x128xi32, #tpu.memory_space<hbm>> -> memref<128xi32, #tpu.memory_space<hbm>>
        tpu.wait_dma2 semaphore(%run_scoped3A_185 : memref<!tpu.dma_semaphore, #tpu.memory_space<semaphore_mem>>) src(%dma_wait3A_193 : memref<128xi32, #tpu.memory_space<hbm>>) dst(%arg16 : memref<128xi32, #tpu.memory_space<vmem>>)
        tpu.yield
      }) : () -> ()
      %dma_start3A_129 = arith.constant 0 : i32
      %dma_start3A_130 = arith.constant 0 : i32
      %dma_start3A_131 = tpu.memref_slice %arg2[%dma_start3A_129, %dma_start3A_130] : memref<20000x128xf32, #tpu.memory_space<hbm>> -> memref<20000x128xf32, #tpu.memory_space<hbm>>
      tpu.enqueue_indirect_dma source(%dma_start3A_131 : memref<20000x128xf32, #tpu.memory_space<hbm>>) target(%arg17 : memref<128x128xf32, #tpu.memory_space<vmem>>) offsets(%arg9 : memref<128xi32, #tpu.memory_space<vmem>>) semaphore(%arg20 : memref<!tpu.dma_semaphore, #tpu.memory_space<semaphore_mem>>)
      %scan3A_132 = arith.constant 0 : i32
      %scan3A_133 = arith.constant 0 : i32
      %scan3A_134 = arith.constant 39 : i32
      %scan3A_135 = arith.addi %scan3A_133, %scan3A_134 : i32
      %scan3A_136 = arith.constant 1 : i32
      %scan3A_137 = scf.for %scan3A_185 = %scan3A_133 to %scan3A_135 step %scan3A_136 iter_args(%scan3A_186 = %scan3A_132) -> (i32)  : i32 {
        %mul3A_187 = arith.constant 4 : i32
        %mul3A_188 = arith.muli %mul3A_187, %scan3A_185 : i32
        %add3A_189 = arith.constant 0 : i32
        %add3A_190 = arith.addi %mul3A_188, %add3A_189 : i32
        %add3A_191 = arith.constant 1 : i32
        %add3A_192 = arith.addi %add3A_190, %add3A_191 : i32
        %ge3A = arith.constant 4 : i32
        %ge3A_193 = arith.cmpi sge, %add3A_192, %ge3A : i32
        %convert_element_type3A_194 = arith.extui %ge3A_193 : i1 to i32
        %cond3A_195 = arith.constant 0 : i32
        %cond3A_196 = arith.cmpi ne, %convert_element_type3A_194, %cond3A_195 : i32
        scf.if %cond3A_196 {
          %dma_wait3A_320 = arith.constant 1 : i32
          %dma_wait3A_321 = tpu.memref_slice %arg3[%dma_wait3A_320, %mul3A_0] : memref<2x321536xi32, #tpu.memory_space<hbm>> -> memref<1x128xi32, #tpu.memory_space<hbm>>
          %dma_wait3A_322 = tpu.memref_squeeze %dma_wait3A_321 : memref<1x128xi32, #tpu.memory_space<hbm>> -> memref<128xi32, #tpu.memory_space<hbm>>
          %dma_wait3A_323 = tpu.memref_slice %arg3[%dma_wait3A_320, %mul3A_0] : memref<2x321536xi32, #tpu.memory_space<hbm>> -> memref<1x128xi32, #tpu.memory_space<hbm>>
          %dma_wait3A_324 = tpu.memref_squeeze %dma_wait3A_323 : memref<1x128xi32, #tpu.memory_space<hbm>> -> memref<128xi32, #tpu.memory_space<hbm>>
          tpu.wait_dma2 semaphore(%arg25 : memref<!tpu.dma_semaphore, #tpu.memory_space<semaphore_mem>>) src(%dma_wait3A_324 : memref<128xi32, #tpu.memory_space<hbm>>) dst(%arg10 : memref<128xi32, #tpu.memory_space<vmem>>)
          %dma_wait3A_325 = arith.constant 1 : i32
          %dma_wait3A_326 = tpu.memref_slice %arg4[%dma_wait3A_325, %mul3A_0] : memref<2x321536xi32, #tpu.memory_space<hbm>> -> memref<1x128xi32, #tpu.memory_space<hbm>>
          %dma_wait3A_327 = tpu.memref_squeeze %dma_wait3A_326 : memref<1x128xi32, #tpu.memory_space<hbm>> -> memref<128xi32, #tpu.memory_space<hbm>>
          %dma_wait3A_328 = tpu.memref_slice %arg4[%dma_wait3A_325, %mul3A_0] : memref<2x321536xi32, #tpu.memory_space<hbm>> -> memref<1x128xi32, #tpu.memory_space<hbm>>
          %dma_wait3A_329 = tpu.memref_squeeze %dma_wait3A_328 : memref<1x128xi32, #tpu.memory_space<hbm>> -> memref<128xi32, #tpu.memory_space<hbm>>
          tpu.wait_dma2 semaphore(%arg25 : memref<!tpu.dma_semaphore, #tpu.memory_space<semaphore_mem>>) src(%dma_wait3A_329 : memref<128xi32, #tpu.memory_space<hbm>>) dst(%arg14 : memref<128xi32, #tpu.memory_space<vmem>>)
        } else {
        }
        %ge3A_197 = arith.constant 1 : i32
        %ge3A_198 = arith.cmpi sge, %add3A_190, %ge3A_197 : i32
        %convert_element_type3A_199 = arith.extui %ge3A_198 : i1 to i32
        %cond3A_200 = arith.constant 0 : i32
        %cond3A_201 = arith.cmpi ne, %convert_element_type3A_199, %cond3A_200 : i32
        scf.if %cond3A_201 {
          %dma_wait3A_320 = arith.constant 0 : i32
          %dma_wait3A_321 = arith.constant 0 : i32
          %dma_wait3A_322 = tpu.memref_slice %arg19[%dma_wait3A_320, %dma_wait3A_321] : memref<10112x128xf32, #tpu.memory_space<vmem_shared>> -> memref<10112x128xf32, #tpu.memory_space<vmem_shared>>
          tpu.wait_indirect_dma semaphore(%arg23 : memref<!tpu.dma_semaphore, #tpu.memory_space<semaphore_mem>>) src(%arg18 : memref<128x128xf32, #tpu.memory_space<vmem>>) dst(%dma_wait3A_322 : memref<10112x128xf32, #tpu.memory_space<vmem_shared>>)
        } else {
        }
        %ge3A_202 = arith.constant 1 : i32
        %ge3A_203 = arith.cmpi sge, %add3A_190, %ge3A_202 : i32
        %add3A_204 = arith.constant 3 : i32
        %add3A_205 = arith.addi %add3A_190, %add3A_204 : i32
        %lt3A_206 = arith.constant 157 : i32
        %lt3A_207 = arith.cmpi slt, %add3A_205, %lt3A_206 : i32
        %and3A = arith.andi %ge3A_203, %lt3A_207 : i1
        %convert_element_type3A_208 = arith.extui %and3A : i1 to i32
        %cond3A_209 = arith.constant 0 : i32
        %cond3A_210 = arith.cmpi ne, %convert_element_type3A_208, %cond3A_209 : i32
        scf.if %cond3A_210 {
          %add3A_320 = arith.constant 3 : i32
          %add3A_321 = arith.addi %add3A_190, %add3A_320 : i32
          %mul3A_322 = arith.constant 128 : i32
          %mul3A_323 = arith.muli %add3A_321, %mul3A_322 : i32
          %add3A_324 = arith.addi %mul3A_0, %mul3A_323 : i32
          %dma_start3A_325 = arith.constant 1 : i32
          %dma_start3A_326 = tpu.memref_slice %arg3[%dma_start3A_325, %add3A_324] : memref<2x321536xi32, #tpu.memory_space<hbm>> -> memref<1x128xi32, #tpu.memory_space<hbm>>
          %dma_start3A_327 = tpu.memref_squeeze %dma_start3A_326 : memref<1x128xi32, #tpu.memory_space<hbm>> -> memref<128xi32, #tpu.memory_space<hbm>>
          %dma_start3A_328 = tpu.memref_slice %arg3[%dma_start3A_325, %add3A_324] : memref<2x321536xi32, #tpu.memory_space<hbm>> -> memref<1x128xi32, #tpu.memory_space<hbm>>
          %dma_start3A_329 = tpu.memref_squeeze %dma_start3A_328 : memref<1x128xi32, #tpu.memory_space<hbm>> -> memref<128xi32, #tpu.memory_space<hbm>>
          tpu.enqueue_dma source(%dma_start3A_329 : memref<128xi32, #tpu.memory_space<hbm>>) target(%arg12 : memref<128xi32, #tpu.memory_space<vmem>>) target_semaphore(%arg27 : memref<!tpu.dma_semaphore, #tpu.memory_space<semaphore_mem>>)
          %mul3A_330 = arith.constant 128 : i32
          %mul3A_331 = arith.muli %add3A_321, %mul3A_330 : i32
          %add3A_332 = arith.addi %mul3A_0, %mul3A_331 : i32
          %dma_start3A_333 = arith.constant 1 : i32
          %dma_start3A_334 = tpu.memref_slice %arg4[%dma_start3A_333, %add3A_332] : memref<2x321536xi32, #tpu.memory_space<hbm>> -> memref<1x128xi32, #tpu.memory_space<hbm>>
          %dma_start3A_335 = tpu.memref_squeeze %dma_start3A_334 : memref<1x128xi32, #tpu.memory_space<hbm>> -> memref<128xi32, #tpu.memory_space<hbm>>
          %dma_start3A_336 = tpu.memref_slice %arg4[%dma_start3A_333, %add3A_332] : memref<2x321536xi32, #tpu.memory_space<hbm>> -> memref<1x128xi32, #tpu.memory_space<hbm>>
          %dma_start3A_337 = tpu.memref_squeeze %dma_start3A_336 : memref<1x128xi32, #tpu.memory_space<hbm>> -> memref<128xi32, #tpu.memory_space<hbm>>
          tpu.enqueue_dma source(%dma_start3A_337 : memref<128xi32, #tpu.memory_space<hbm>>) target(%arg16 : memref<128xi32, #tpu.memory_space<vmem>>) target_semaphore(%arg27 : memref<!tpu.dma_semaphore, #tpu.memory_space<semaphore_mem>>)
        } else {
        }
        %dma_start3A_211 = arith.constant 0 : i32
        %dma_start3A_212 = arith.constant 0 : i32
        %dma_start3A_213 = tpu.memref_slice %arg2[%dma_start3A_211, %dma_start3A_212] : memref<20000x128xf32, #tpu.memory_space<hbm>> -> memref<20000x128xf32, #tpu.memory_space<hbm>>
        tpu.enqueue_indirect_dma source(%dma_start3A_213 : memref<20000x128xf32, #tpu.memory_space<hbm>>) target(%arg18 : memref<128x128xf32, #tpu.memory_space<vmem>>) offsets(%arg10 : memref<128xi32, #tpu.memory_space<vmem>>) semaphore(%arg21 : memref<!tpu.dma_semaphore, #tpu.memory_space<semaphore_mem>>)
        %dma_wait3A_214 = arith.constant 0 : i32
        %dma_wait3A_215 = arith.constant 0 : i32
        %dma_wait3A_216 = tpu.memref_slice %arg2[%dma_wait3A_214, %dma_wait3A_215] : memref<20000x128xf32, #tpu.memory_space<hbm>> -> memref<20000x128xf32, #tpu.memory_space<hbm>>
        tpu.wait_indirect_dma semaphore(%arg20 : memref<!tpu.dma_semaphore, #tpu.memory_space<semaphore_mem>>) src(%dma_wait3A_216 : memref<20000x128xf32, #tpu.memory_space<hbm>>) dst(%arg17 : memref<128x128xf32, #tpu.memory_space<vmem>>)
        %dma_start3A_217 = arith.constant 0 : i32
        %dma_start3A_218 = arith.constant 0 : i32
        %dma_start3A_219 = tpu.memref_slice %arg19[%dma_start3A_217, %dma_start3A_218] : memref<10112x128xf32, #tpu.memory_space<vmem_shared>> -> memref<10112x128xf32, #tpu.memory_space<vmem_shared>>
        tpu.enqueue_indirect_dma source(%arg17 : memref<128x128xf32, #tpu.memory_space<vmem>>) target(%dma_start3A_219 : memref<10112x128xf32, #tpu.memory_space<vmem_shared>>) offsets(%arg13 : memref<128xi32, #tpu.memory_space<vmem>>) semaphore(%arg22 : memref<!tpu.dma_semaphore, #tpu.memory_space<semaphore_mem>>) {add = true}
        %add3A_220 = arith.constant 1 : i32
        %add3A_221 = arith.addi %mul3A_188, %add3A_220 : i32
        %add3A_222 = arith.constant 1 : i32
        %add3A_223 = arith.addi %add3A_221, %add3A_222 : i32
        %ge3A_224 = arith.constant 4 : i32
        %ge3A_225 = arith.cmpi sge, %add3A_223, %ge3A_224 : i32
        %convert_element_type3A_226 = arith.extui %ge3A_225 : i1 to i32
        %cond3A_227 = arith.constant 0 : i32
        %cond3A_228 = arith.cmpi ne, %convert_element_type3A_226, %cond3A_227 : i32
        scf.if %cond3A_228 {
          %dma_wait3A_320 = arith.constant 1 : i32
          %dma_wait3A_321 = tpu.memref_slice %arg3[%dma_wait3A_320, %mul3A_0] : memref<2x321536xi32, #tpu.memory_space<hbm>> -> memref<1x128xi32, #tpu.memory_space<hbm>>
          %dma_wait3A_322 = tpu.memref_squeeze %dma_wait3A_321 : memref<1x128xi32, #tpu.memory_space<hbm>> -> memref<128xi32, #tpu.memory_space<hbm>>
          %dma_wait3A_323 = tpu.memref_slice %arg3[%dma_wait3A_320, %mul3A_0] : memref<2x321536xi32, #tpu.memory_space<hbm>> -> memref<1x128xi32, #tpu.memory_space<hbm>>
          %dma_wait3A_324 = tpu.memref_squeeze %dma_wait3A_323 : memref<1x128xi32, #tpu.memory_space<hbm>> -> memref<128xi32, #tpu.memory_space<hbm>>
          tpu.wait_dma2 semaphore(%arg26 : memref<!tpu.dma_semaphore, #tpu.memory_space<semaphore_mem>>) src(%dma_wait3A_324 : memref<128xi32, #tpu.memory_space<hbm>>) dst(%arg11 : memref<128xi32, #tpu.memory_space<vmem>>)
          %dma_wait3A_325 = arith.constant 1 : i32
          %dma_wait3A_326 = tpu.memref_slice %arg4[%dma_wait3A_325, %mul3A_0] : memref<2x321536xi32, #tpu.memory_space<hbm>> -> memref<1x128xi32, #tpu.memory_space<hbm>>
          %dma_wait3A_327 = tpu.memref_squeeze %dma_wait3A_326 : memref<1x128xi32, #tpu.memory_space<hbm>> -> memref<128xi32, #tpu.memory_space<hbm>>
          %dma_wait3A_328 = tpu.memref_slice %arg4[%dma_wait3A_325, %mul3A_0] : memref<2x321536xi32, #tpu.memory_space<hbm>> -> memref<1x128xi32, #tpu.memory_space<hbm>>
          %dma_wait3A_329 = tpu.memref_squeeze %dma_wait3A_328 : memref<1x128xi32, #tpu.memory_space<hbm>> -> memref<128xi32, #tpu.memory_space<hbm>>
          tpu.wait_dma2 semaphore(%arg26 : memref<!tpu.dma_semaphore, #tpu.memory_space<semaphore_mem>>) src(%dma_wait3A_329 : memref<128xi32, #tpu.memory_space<hbm>>) dst(%arg15 : memref<128xi32, #tpu.memory_space<vmem>>)
        } else {
        }
        %ge3A_229 = arith.constant 1 : i32
        %ge3A_230 = arith.cmpi sge, %add3A_221, %ge3A_229 : i32
        %convert_element_type3A_231 = arith.extui %ge3A_230 : i1 to i32
        %cond3A_232 = arith.constant 0 : i32
        %cond3A_233 = arith.cmpi ne, %convert_element_type3A_231, %cond3A_232 : i32
        scf.if %cond3A_233 {
          %dma_wait3A_320 = arith.constant 0 : i32
          %dma_wait3A_321 = arith.constant 0 : i32
          %dma_wait3A_322 = tpu.memref_slice %arg19[%dma_wait3A_320, %dma_wait3A_321] : memref<10112x128xf32, #tpu.memory_space<vmem_shared>> -> memref<10112x128xf32, #tpu.memory_space<vmem_shared>>
          tpu.wait_indirect_dma semaphore(%arg22 : memref<!tpu.dma_semaphore, #tpu.memory_space<semaphore_mem>>) src(%arg17 : memref<128x128xf32, #tpu.memory_space<vmem>>) dst(%dma_wait3A_322 : memref<10112x128xf32, #tpu.memory_space<vmem_shared>>)
        } else {
        }
        %ge3A_234 = arith.constant 1 : i32
        %ge3A_235 = arith.cmpi sge, %add3A_221, %ge3A_234 : i32
        %add3A_236 = arith.constant 3 : i32
        %add3A_237 = arith.addi %add3A_221, %add3A_236 : i32
        %lt3A_238 = arith.constant 157 : i32
        %lt3A_239 = arith.cmpi slt, %add3A_237, %lt3A_238 : i32
        %and3A_240 = arith.andi %ge3A_235, %lt3A_239 : i1
        %convert_element_type3A_241 = arith.extui %and3A_240 : i1 to i32
        %cond3A_242 = arith.constant 0 : i32
        %cond3A_243 = arith.cmpi ne, %convert_element_type3A_241, %cond3A_242 : i32
        scf.if %cond3A_243 {
          %add3A_320 = arith.constant 3 : i32
          %add3A_321 = arith.addi %add3A_221, %add3A_320 : i32
          %mul3A_322 = arith.constant 128 : i32
          %mul3A_323 = arith.muli %add3A_321, %mul3A_322 : i32
          %add3A_324 = arith.addi %mul3A_0, %mul3A_323 : i32
          %dma_start3A_325 = arith.constant 1 : i32
          %dma_start3A_326 = tpu.memref_slice %arg3[%dma_start3A_325, %add3A_324] : memref<2x321536xi32, #tpu.memory_space<hbm>> -> memref<1x128xi32, #tpu.memory_space<hbm>>
          %dma_start3A_327 = tpu.memref_squeeze %dma_start3A_326 : memref<1x128xi32, #tpu.memory_space<hbm>> -> memref<128xi32, #tpu.memory_space<hbm>>
          %dma_start3A_328 = tpu.memref_slice %arg3[%dma_start3A_325, %add3A_324] : memref<2x321536xi32, #tpu.memory_space<hbm>> -> memref<1x128xi32, #tpu.memory_space<hbm>>
          %dma_start3A_329 = tpu.memref_squeeze %dma_start3A_328 : memref<1x128xi32, #tpu.memory_space<hbm>> -> memref<128xi32, #tpu.memory_space<hbm>>
          tpu.enqueue_dma source(%dma_start3A_329 : memref<128xi32, #tpu.memory_space<hbm>>) target(%arg9 : memref<128xi32, #tpu.memory_space<vmem>>) target_semaphore(%arg24 : memref<!tpu.dma_semaphore, #tpu.memory_space<semaphore_mem>>)
          %mul3A_330 = arith.constant 128 : i32
          %mul3A_331 = arith.muli %add3A_321, %mul3A_330 : i32
          %add3A_332 = arith.addi %mul3A_0, %mul3A_331 : i32
          %dma_start3A_333 = arith.constant 1 : i32
          %dma_start3A_334 = tpu.memref_slice %arg4[%dma_start3A_333, %add3A_332] : memref<2x321536xi32, #tpu.memory_space<hbm>> -> memref<1x128xi32, #tpu.memory_space<hbm>>
          %dma_start3A_335 = tpu.memref_squeeze %dma_start3A_334 : memref<1x128xi32, #tpu.memory_space<hbm>> -> memref<128xi32, #tpu.memory_space<hbm>>
          %dma_start3A_336 = tpu.memref_slice %arg4[%dma_start3A_333, %add3A_332] : memref<2x321536xi32, #tpu.memory_space<hbm>> -> memref<1x128xi32, #tpu.memory_space<hbm>>
          %dma_start3A_337 = tpu.memref_squeeze %dma_start3A_336 : memref<1x128xi32, #tpu.memory_space<hbm>> -> memref<128xi32, #tpu.memory_space<hbm>>
          tpu.enqueue_dma source(%dma_start3A_337 : memref<128xi32, #tpu.memory_space<hbm>>) target(%arg13 : memref<128xi32, #tpu.memory_space<vmem>>) target_semaphore(%arg24 : memref<!tpu.dma_semaphore, #tpu.memory_space<semaphore_mem>>)
        } else {
        }
        %dma_start3A_244 = arith.constant 0 : i32
        %dma_start3A_245 = arith.constant 0 : i32
        %dma_start3A_246 = tpu.memref_slice %arg2[%dma_start3A_244, %dma_start3A_245] : memref<20000x128xf32, #tpu.memory_space<hbm>> -> memref<20000x128xf32, #tpu.memory_space<hbm>>
        tpu.enqueue_indirect_dma source(%dma_start3A_246 : memref<20000x128xf32, #tpu.memory_space<hbm>>) target(%arg17 : memref<128x128xf32, #tpu.memory_space<vmem>>) offsets(%arg11 : memref<128xi32, #tpu.memory_space<vmem>>) semaphore(%arg20 : memref<!tpu.dma_semaphore, #tpu.memory_space<semaphore_mem>>)
        %dma_wait3A_247 = arith.constant 0 : i32
        %dma_wait3A_248 = arith.constant 0 : i32
        %dma_wait3A_249 = tpu.memref_slice %arg2[%dma_wait3A_247, %dma_wait3A_248] : memref<20000x128xf32, #tpu.memory_space<hbm>> -> memref<20000x128xf32, #tpu.memory_space<hbm>>
        tpu.wait_indirect_dma semaphore(%arg21 : memref<!tpu.dma_semaphore, #tpu.memory_space<semaphore_mem>>) src(%dma_wait3A_249 : memref<20000x128xf32, #tpu.memory_space<hbm>>) dst(%arg18 : memref<128x128xf32, #tpu.memory_space<vmem>>)
        %dma_start3A_250 = arith.constant 0 : i32
        %dma_start3A_251 = arith.constant 0 : i32
        %dma_start3A_252 = tpu.memref_slice %arg19[%dma_start3A_250, %dma_start3A_251] : memref<10112x128xf32, #tpu.memory_space<vmem_shared>> -> memref<10112x128xf32, #tpu.memory_space<vmem_shared>>
        tpu.enqueue_indirect_dma source(%arg18 : memref<128x128xf32, #tpu.memory_space<vmem>>) target(%dma_start3A_252 : memref<10112x128xf32, #tpu.memory_space<vmem_shared>>) offsets(%arg14 : memref<128xi32, #tpu.memory_space<vmem>>) semaphore(%arg23 : memref<!tpu.dma_semaphore, #tpu.memory_space<semaphore_mem>>) {add = true}
        %add3A_253 = arith.constant 2 : i32
        %add3A_254 = arith.addi %mul3A_188, %add3A_253 : i32
        %add3A_255 = arith.constant 1 : i32
        %add3A_256 = arith.addi %add3A_254, %add3A_255 : i32
        %ge3A_257 = arith.constant 4 : i32
        %ge3A_258 = arith.cmpi sge, %add3A_256, %ge3A_257 : i32
        %convert_element_type3A_259 = arith.extui %ge3A_258 : i1 to i32
        %cond3A_260 = arith.constant 0 : i32
        %cond3A_261 = arith.cmpi ne, %convert_element_type3A_259, %cond3A_260 : i32
        scf.if %cond3A_261 {
          %dma_wait3A_320 = arith.constant 1 : i32
          %dma_wait3A_321 = tpu.memref_slice %arg3[%dma_wait3A_320, %mul3A_0] : memref<2x321536xi32, #tpu.memory_space<hbm>> -> memref<1x128xi32, #tpu.memory_space<hbm>>
          %dma_wait3A_322 = tpu.memref_squeeze %dma_wait3A_321 : memref<1x128xi32, #tpu.memory_space<hbm>> -> memref<128xi32, #tpu.memory_space<hbm>>
          %dma_wait3A_323 = tpu.memref_slice %arg3[%dma_wait3A_320, %mul3A_0] : memref<2x321536xi32, #tpu.memory_space<hbm>> -> memref<1x128xi32, #tpu.memory_space<hbm>>
          %dma_wait3A_324 = tpu.memref_squeeze %dma_wait3A_323 : memref<1x128xi32, #tpu.memory_space<hbm>> -> memref<128xi32, #tpu.memory_space<hbm>>
          tpu.wait_dma2 semaphore(%arg27 : memref<!tpu.dma_semaphore, #tpu.memory_space<semaphore_mem>>) src(%dma_wait3A_324 : memref<128xi32, #tpu.memory_space<hbm>>) dst(%arg12 : memref<128xi32, #tpu.memory_space<vmem>>)
          %dma_wait3A_325 = arith.constant 1 : i32
          %dma_wait3A_326 = tpu.memref_slice %arg4[%dma_wait3A_325, %mul3A_0] : memref<2x321536xi32, #tpu.memory_space<hbm>> -> memref<1x128xi32, #tpu.memory_space<hbm>>
          %dma_wait3A_327 = tpu.memref_squeeze %dma_wait3A_326 : memref<1x128xi32, #tpu.memory_space<hbm>> -> memref<128xi32, #tpu.memory_space<hbm>>
          %dma_wait3A_328 = tpu.memref_slice %arg4[%dma_wait3A_325, %mul3A_0] : memref<2x321536xi32, #tpu.memory_space<hbm>> -> memref<1x128xi32, #tpu.memory_space<hbm>>
          %dma_wait3A_329 = tpu.memref_squeeze %dma_wait3A_328 : memref<1x128xi32, #tpu.memory_space<hbm>> -> memref<128xi32, #tpu.memory_space<hbm>>
          tpu.wait_dma2 semaphore(%arg27 : memref<!tpu.dma_semaphore, #tpu.memory_space<semaphore_mem>>) src(%dma_wait3A_329 : memref<128xi32, #tpu.memory_space<hbm>>) dst(%arg16 : memref<128xi32, #tpu.memory_space<vmem>>)
        } else {
        }
        %ge3A_262 = arith.constant 1 : i32
        %ge3A_263 = arith.cmpi sge, %add3A_254, %ge3A_262 : i32
        %convert_element_type3A_264 = arith.extui %ge3A_263 : i1 to i32
        %cond3A_265 = arith.constant 0 : i32
        %cond3A_266 = arith.cmpi ne, %convert_element_type3A_264, %cond3A_265 : i32
        scf.if %cond3A_266 {
          %dma_wait3A_320 = arith.constant 0 : i32
          %dma_wait3A_321 = arith.constant 0 : i32
          %dma_wait3A_322 = tpu.memref_slice %arg19[%dma_wait3A_320, %dma_wait3A_321] : memref<10112x128xf32, #tpu.memory_space<vmem_shared>> -> memref<10112x128xf32, #tpu.memory_space<vmem_shared>>
          tpu.wait_indirect_dma semaphore(%arg23 : memref<!tpu.dma_semaphore, #tpu.memory_space<semaphore_mem>>) src(%arg18 : memref<128x128xf32, #tpu.memory_space<vmem>>) dst(%dma_wait3A_322 : memref<10112x128xf32, #tpu.memory_space<vmem_shared>>)
        } else {
        }
        %ge3A_267 = arith.constant 1 : i32
        %ge3A_268 = arith.cmpi sge, %add3A_254, %ge3A_267 : i32
        %add3A_269 = arith.constant 3 : i32
        %add3A_270 = arith.addi %add3A_254, %add3A_269 : i32
        %lt3A_271 = arith.constant 157 : i32
        %lt3A_272 = arith.cmpi slt, %add3A_270, %lt3A_271 : i32
        %and3A_273 = arith.andi %ge3A_268, %lt3A_272 : i1
        %convert_element_type3A_274 = arith.extui %and3A_273 : i1 to i32
        %cond3A_275 = arith.constant 0 : i32
        %cond3A_276 = arith.cmpi ne, %convert_element_type3A_274, %cond3A_275 : i32
        scf.if %cond3A_276 {
          %add3A_320 = arith.constant 3 : i32
          %add3A_321 = arith.addi %add3A_254, %add3A_320 : i32
          %mul3A_322 = arith.constant 128 : i32
          %mul3A_323 = arith.muli %add3A_321, %mul3A_322 : i32
          %add3A_324 = arith.addi %mul3A_0, %mul3A_323 : i32
          %dma_start3A_325 = arith.constant 1 : i32
          %dma_start3A_326 = tpu.memref_slice %arg3[%dma_start3A_325, %add3A_324] : memref<2x321536xi32, #tpu.memory_space<hbm>> -> memref<1x128xi32, #tpu.memory_space<hbm>>
          %dma_start3A_327 = tpu.memref_squeeze %dma_start3A_326 : memref<1x128xi32, #tpu.memory_space<hbm>> -> memref<128xi32, #tpu.memory_space<hbm>>
          %dma_start3A_328 = tpu.memref_slice %arg3[%dma_start3A_325, %add3A_324] : memref<2x321536xi32, #tpu.memory_space<hbm>> -> memref<1x128xi32, #tpu.memory_space<hbm>>
          %dma_start3A_329 = tpu.memref_squeeze %dma_start3A_328 : memref<1x128xi32, #tpu.memory_space<hbm>> -> memref<128xi32, #tpu.memory_space<hbm>>
          tpu.enqueue_dma source(%dma_start3A_329 : memref<128xi32, #tpu.memory_space<hbm>>) target(%arg10 : memref<128xi32, #tpu.memory_space<vmem>>) target_semaphore(%arg25 : memref<!tpu.dma_semaphore, #tpu.memory_space<semaphore_mem>>)
          %mul3A_330 = arith.constant 128 : i32
          %mul3A_331 = arith.muli %add3A_321, %mul3A_330 : i32
          %add3A_332 = arith.addi %mul3A_0, %mul3A_331 : i32
          %dma_start3A_333 = arith.constant 1 : i32
          %dma_start3A_334 = tpu.memref_slice %arg4[%dma_start3A_333, %add3A_332] : memref<2x321536xi32, #tpu.memory_space<hbm>> -> memref<1x128xi32, #tpu.memory_space<hbm>>
          %dma_start3A_335 = tpu.memref_squeeze %dma_start3A_334 : memref<1x128xi32, #tpu.memory_space<hbm>> -> memref<128xi32, #tpu.memory_space<hbm>>
          %dma_start3A_336 = tpu.memref_slice %arg4[%dma_start3A_333, %add3A_332] : memref<2x321536xi32, #tpu.memory_space<hbm>> -> memref<1x128xi32, #tpu.memory_space<hbm>>
          %dma_start3A_337 = tpu.memref_squeeze %dma_start3A_336 : memref<1x128xi32, #tpu.memory_space<hbm>> -> memref<128xi32, #tpu.memory_space<hbm>>
          tpu.enqueue_dma source(%dma_start3A_337 : memref<128xi32, #tpu.memory_space<hbm>>) target(%arg14 : memref<128xi32, #tpu.memory_space<vmem>>) target_semaphore(%arg25 : memref<!tpu.dma_semaphore, #tpu.memory_space<semaphore_mem>>)
        } else {
        }
        %dma_start3A_277 = arith.constant 0 : i32
        %dma_start3A_278 = arith.constant 0 : i32
        %dma_start3A_279 = tpu.memref_slice %arg2[%dma_start3A_277, %dma_start3A_278] : memref<20000x128xf32, #tpu.memory_space<hbm>> -> memref<20000x128xf32, #tpu.memory_space<hbm>>
        tpu.enqueue_indirect_dma source(%dma_start3A_279 : memref<20000x128xf32, #tpu.memory_space<hbm>>) target(%arg18 : memref<128x128xf32, #tpu.memory_space<vmem>>) offsets(%arg12 : memref<128xi32, #tpu.memory_space<vmem>>) semaphore(%arg21 : memref<!tpu.dma_semaphore, #tpu.memory_space<semaphore_mem>>)
        %dma_wait3A_280 = arith.constant 0 : i32
        %dma_wait3A_281 = arith.constant 0 : i32
        %dma_wait3A_282 = tpu.memref_slice %arg2[%dma_wait3A_280, %dma_wait3A_281] : memref<20000x128xf32, #tpu.memory_space<hbm>> -> memref<20000x128xf32, #tpu.memory_space<hbm>>
        tpu.wait_indirect_dma semaphore(%arg20 : memref<!tpu.dma_semaphore, #tpu.memory_space<semaphore_mem>>) src(%dma_wait3A_282 : memref<20000x128xf32, #tpu.memory_space<hbm>>) dst(%arg17 : memref<128x128xf32, #tpu.memory_space<vmem>>)
        %dma_start3A_283 = arith.constant 0 : i32
        %dma_start3A_284 = arith.constant 0 : i32
        %dma_start3A_285 = tpu.memref_slice %arg19[%dma_start3A_283, %dma_start3A_284] : memref<10112x128xf32, #tpu.memory_space<vmem_shared>> -> memref<10112x128xf32, #tpu.memory_space<vmem_shared>>
        tpu.enqueue_indirect_dma source(%arg17 : memref<128x128xf32, #tpu.memory_space<vmem>>) target(%dma_start3A_285 : memref<10112x128xf32, #tpu.memory_space<vmem_shared>>) offsets(%arg15 : memref<128xi32, #tpu.memory_space<vmem>>) semaphore(%arg22 : memref<!tpu.dma_semaphore, #tpu.memory_space<semaphore_mem>>) {add = true}
        %add3A_286 = arith.constant 3 : i32
        %add3A_287 = arith.addi %mul3A_188, %add3A_286 : i32
        %add3A_288 = arith.constant 1 : i32
        %add3A_289 = arith.addi %add3A_287, %add3A_288 : i32
        %ge3A_290 = arith.constant 4 : i32
        %ge3A_291 = arith.cmpi sge, %add3A_289, %ge3A_290 : i32
        %convert_element_type3A_292 = arith.extui %ge3A_291 : i1 to i32
        %cond3A_293 = arith.constant 0 : i32
        %cond3A_294 = arith.cmpi ne, %convert_element_type3A_292, %cond3A_293 : i32
        scf.if %cond3A_294 {
          %dma_wait3A_320 = arith.constant 1 : i32
          %dma_wait3A_321 = tpu.memref_slice %arg3[%dma_wait3A_320, %mul3A_0] : memref<2x321536xi32, #tpu.memory_space<hbm>> -> memref<1x128xi32, #tpu.memory_space<hbm>>
          %dma_wait3A_322 = tpu.memref_squeeze %dma_wait3A_321 : memref<1x128xi32, #tpu.memory_space<hbm>> -> memref<128xi32, #tpu.memory_space<hbm>>
          %dma_wait3A_323 = tpu.memref_slice %arg3[%dma_wait3A_320, %mul3A_0] : memref<2x321536xi32, #tpu.memory_space<hbm>> -> memref<1x128xi32, #tpu.memory_space<hbm>>
          %dma_wait3A_324 = tpu.memref_squeeze %dma_wait3A_323 : memref<1x128xi32, #tpu.memory_space<hbm>> -> memref<128xi32, #tpu.memory_space<hbm>>
          tpu.wait_dma2 semaphore(%arg24 : memref<!tpu.dma_semaphore, #tpu.memory_space<semaphore_mem>>) src(%dma_wait3A_324 : memref<128xi32, #tpu.memory_space<hbm>>) dst(%arg9 : memref<128xi32, #tpu.memory_space<vmem>>)
          %dma_wait3A_325 = arith.constant 1 : i32
          %dma_wait3A_326 = tpu.memref_slice %arg4[%dma_wait3A_325, %mul3A_0] : memref<2x321536xi32, #tpu.memory_space<hbm>> -> memref<1x128xi32, #tpu.memory_space<hbm>>
          %dma_wait3A_327 = tpu.memref_squeeze %dma_wait3A_326 : memref<1x128xi32, #tpu.memory_space<hbm>> -> memref<128xi32, #tpu.memory_space<hbm>>
          %dma_wait3A_328 = tpu.memref_slice %arg4[%dma_wait3A_325, %mul3A_0] : memref<2x321536xi32, #tpu.memory_space<hbm>> -> memref<1x128xi32, #tpu.memory_space<hbm>>
          %dma_wait3A_329 = tpu.memref_squeeze %dma_wait3A_328 : memref<1x128xi32, #tpu.memory_space<hbm>> -> memref<128xi32, #tpu.memory_space<hbm>>
          tpu.wait_dma2 semaphore(%arg24 : memref<!tpu.dma_semaphore, #tpu.memory_space<semaphore_mem>>) src(%dma_wait3A_329 : memref<128xi32, #tpu.memory_space<hbm>>) dst(%arg13 : memref<128xi32, #tpu.memory_space<vmem>>)
        } else {
        }
        %ge3A_295 = arith.constant 1 : i32
        %ge3A_296 = arith.cmpi sge, %add3A_287, %ge3A_295 : i32
        %convert_element_type3A_297 = arith.extui %ge3A_296 : i1 to i32
        %cond3A_298 = arith.constant 0 : i32
        %cond3A_299 = arith.cmpi ne, %convert_element_type3A_297, %cond3A_298 : i32
        scf.if %cond3A_299 {
          %dma_wait3A_320 = arith.constant 0 : i32
          %dma_wait3A_321 = arith.constant 0 : i32
          %dma_wait3A_322 = tpu.memref_slice %arg19[%dma_wait3A_320, %dma_wait3A_321] : memref<10112x128xf32, #tpu.memory_space<vmem_shared>> -> memref<10112x128xf32, #tpu.memory_space<vmem_shared>>
          tpu.wait_indirect_dma semaphore(%arg22 : memref<!tpu.dma_semaphore, #tpu.memory_space<semaphore_mem>>) src(%arg17 : memref<128x128xf32, #tpu.memory_space<vmem>>) dst(%dma_wait3A_322 : memref<10112x128xf32, #tpu.memory_space<vmem_shared>>)
        } else {
        }
        %ge3A_300 = arith.constant 1 : i32
        %ge3A_301 = arith.cmpi sge, %add3A_287, %ge3A_300 : i32
        %add3A_302 = arith.constant 3 : i32
        %add3A_303 = arith.addi %add3A_287, %add3A_302 : i32
        %lt3A_304 = arith.constant 157 : i32
        %lt3A_305 = arith.cmpi slt, %add3A_303, %lt3A_304 : i32
        %and3A_306 = arith.andi %ge3A_301, %lt3A_305 : i1
        %convert_element_type3A_307 = arith.extui %and3A_306 : i1 to i32
        %cond3A_308 = arith.constant 0 : i32
        %cond3A_309 = arith.cmpi ne, %convert_element_type3A_307, %cond3A_308 : i32
        scf.if %cond3A_309 {
          %add3A_320 = arith.constant 3 : i32
          %add3A_321 = arith.addi %add3A_287, %add3A_320 : i32
          %mul3A_322 = arith.constant 128 : i32
          %mul3A_323 = arith.muli %add3A_321, %mul3A_322 : i32
          %add3A_324 = arith.addi %mul3A_0, %mul3A_323 : i32
          %dma_start3A_325 = arith.constant 1 : i32
          %dma_start3A_326 = tpu.memref_slice %arg3[%dma_start3A_325, %add3A_324] : memref<2x321536xi32, #tpu.memory_space<hbm>> -> memref<1x128xi32, #tpu.memory_space<hbm>>
          %dma_start3A_327 = tpu.memref_squeeze %dma_start3A_326 : memref<1x128xi32, #tpu.memory_space<hbm>> -> memref<128xi32, #tpu.memory_space<hbm>>
          %dma_start3A_328 = tpu.memref_slice %arg3[%dma_start3A_325, %add3A_324] : memref<2x321536xi32, #tpu.memory_space<hbm>> -> memref<1x128xi32, #tpu.memory_space<hbm>>
          %dma_start3A_329 = tpu.memref_squeeze %dma_start3A_328 : memref<1x128xi32, #tpu.memory_space<hbm>> -> memref<128xi32, #tpu.memory_space<hbm>>
          tpu.enqueue_dma source(%dma_start3A_329 : memref<128xi32, #tpu.memory_space<hbm>>) target(%arg11 : memref<128xi32, #tpu.memory_space<vmem>>) target_semaphore(%arg26 : memref<!tpu.dma_semaphore, #tpu.memory_space<semaphore_mem>>)
          %mul3A_330 = arith.constant 128 : i32
          %mul3A_331 = arith.muli %add3A_321, %mul3A_330 : i32
          %add3A_332 = arith.addi %mul3A_0, %mul3A_331 : i32
          %dma_start3A_333 = arith.constant 1 : i32
          %dma_start3A_334 = tpu.memref_slice %arg4[%dma_start3A_333, %add3A_332] : memref<2x321536xi32, #tpu.memory_space<hbm>> -> memref<1x128xi32, #tpu.memory_space<hbm>>
          %dma_start3A_335 = tpu.memref_squeeze %dma_start3A_334 : memref<1x128xi32, #tpu.memory_space<hbm>> -> memref<128xi32, #tpu.memory_space<hbm>>
          %dma_start3A_336 = tpu.memref_slice %arg4[%dma_start3A_333, %add3A_332] : memref<2x321536xi32, #tpu.memory_space<hbm>> -> memref<1x128xi32, #tpu.memory_space<hbm>>
          %dma_start3A_337 = tpu.memref_squeeze %dma_start3A_336 : memref<1x128xi32, #tpu.memory_space<hbm>> -> memref<128xi32, #tpu.memory_space<hbm>>
          tpu.enqueue_dma source(%dma_start3A_337 : memref<128xi32, #tpu.memory_space<hbm>>) target(%arg15 : memref<128xi32, #tpu.memory_space<vmem>>) target_semaphore(%arg26 : memref<!tpu.dma_semaphore, #tpu.memory_space<semaphore_mem>>)
        } else {
        }
        %dma_start3A_310 = arith.constant 0 : i32
        %dma_start3A_311 = arith.constant 0 : i32
        %dma_start3A_312 = tpu.memref_slice %arg2[%dma_start3A_310, %dma_start3A_311] : memref<20000x128xf32, #tpu.memory_space<hbm>> -> memref<20000x128xf32, #tpu.memory_space<hbm>>
        tpu.enqueue_indirect_dma source(%dma_start3A_312 : memref<20000x128xf32, #tpu.memory_space<hbm>>) target(%arg17 : memref<128x128xf32, #tpu.memory_space<vmem>>) offsets(%arg9 : memref<128xi32, #tpu.memory_space<vmem>>) semaphore(%arg20 : memref<!tpu.dma_semaphore, #tpu.memory_space<semaphore_mem>>)
        %dma_wait3A_313 = arith.constant 0 : i32
        %dma_wait3A_314 = arith.constant 0 : i32
        %dma_wait3A_315 = tpu.memref_slice %arg2[%dma_wait3A_313, %dma_wait3A_314] : memref<20000x128xf32, #tpu.memory_space<hbm>> -> memref<20000x128xf32, #tpu.memory_space<hbm>>
        tpu.wait_indirect_dma semaphore(%arg21 : memref<!tpu.dma_semaphore, #tpu.memory_space<semaphore_mem>>) src(%dma_wait3A_315 : memref<20000x128xf32, #tpu.memory_space<hbm>>) dst(%arg18 : memref<128x128xf32, #tpu.memory_space<vmem>>)
        %dma_start3A_316 = arith.constant 0 : i32
        %dma_start3A_317 = arith.constant 0 : i32
        %dma_start3A_318 = tpu.memref_slice %arg19[%dma_start3A_316, %dma_start3A_317] : memref<10112x128xf32, #tpu.memory_space<vmem_shared>> -> memref<10112x128xf32, #tpu.memory_space<vmem_shared>>
        tpu.enqueue_indirect_dma source(%arg18 : memref<128x128xf32, #tpu.memory_space<vmem>>) target(%dma_start3A_318 : memref<10112x128xf32, #tpu.memory_space<vmem_shared>>) offsets(%arg16 : memref<128xi32, #tpu.memory_space<vmem>>) semaphore(%arg23 : memref<!tpu.dma_semaphore, #tpu.memory_space<semaphore_mem>>) {add = true}
        %scan3A_319 = arith.constant 0 : i32
        scf.yield %scan3A_319 : i32
      }
      %scan3A_138 = arith.constant 39 : i32
      %dma_wait3A_139 = arith.constant 0 : i32
      %dma_wait3A_140 = arith.constant 0 : i32
      %dma_wait3A_141 = tpu.memref_slice %arg19[%dma_wait3A_139, %dma_wait3A_140] : memref<10112x128xf32, #tpu.memory_space<vmem_shared>> -> memref<10112x128xf32, #tpu.memory_space<vmem_shared>>
      tpu.wait_indirect_dma semaphore(%arg23 : memref<!tpu.dma_semaphore, #tpu.memory_space<semaphore_mem>>) src(%arg18 : memref<128x128xf32, #tpu.memory_space<vmem>>) dst(%dma_wait3A_141 : memref<10112x128xf32, #tpu.memory_space<vmem_shared>>)
      %dma_wait3A_142 = arith.constant 0 : i32
      %dma_wait3A_143 = arith.constant 0 : i32
      %dma_wait3A_144 = tpu.memref_slice %arg2[%dma_wait3A_142, %dma_wait3A_143] : memref<20000x128xf32, #tpu.memory_space<hbm>> -> memref<20000x128xf32, #tpu.memory_space<hbm>>
      tpu.wait_indirect_dma semaphore(%arg20 : memref<!tpu.dma_semaphore, #tpu.memory_space<semaphore_mem>>) src(%dma_wait3A_144 : memref<20000x128xf32, #tpu.memory_space<hbm>>) dst(%arg17 : memref<128x128xf32, #tpu.memory_space<vmem>>)
      %dma_start3A_145 = arith.constant 0 : i32
      %dma_start3A_146 = arith.constant 0 : i32
      %dma_start3A_147 = tpu.memref_slice %arg19[%dma_start3A_145, %dma_start3A_146] : memref<10112x128xf32, #tpu.memory_space<vmem_shared>> -> memref<10112x128xf32, #tpu.memory_space<vmem_shared>>
      tpu.enqueue_indirect_dma source(%arg17 : memref<128x128xf32, #tpu.memory_space<vmem>>) target(%dma_start3A_147 : memref<10112x128xf32, #tpu.memory_space<vmem_shared>>) offsets(%arg13 : memref<128xi32, #tpu.memory_space<vmem>>) semaphore(%arg22 : memref<!tpu.dma_semaphore, #tpu.memory_space<semaphore_mem>>) {add = true}
      %dma_wait3A_148 = arith.constant 0 : i32
      %dma_wait3A_149 = arith.constant 0 : i32
      %dma_wait3A_150 = tpu.memref_slice %arg19[%dma_wait3A_148, %dma_wait3A_149] : memref<10112x128xf32, #tpu.memory_space<vmem_shared>> -> memref<10112x128xf32, #tpu.memory_space<vmem_shared>>
      tpu.wait_indirect_dma semaphore(%arg22 : memref<!tpu.dma_semaphore, #tpu.memory_space<semaphore_mem>>) src(%arg17 : memref<128x128xf32, #tpu.memory_space<vmem>>) dst(%dma_wait3A_150 : memref<10112x128xf32, #tpu.memory_space<vmem_shared>>)
      "tpu.region"() ({
        %run_scoped3A_185 = tpu.sem_alloc : memref<!tpu.dma_semaphore, #tpu.memory_space<semaphore_mem>>
        tpu.enqueue_dma source(%arg5 : memref<128x128xf32, #tpu.memory_space<hbm>>) target(%arg18 : memref<128x128xf32, #tpu.memory_space<vmem>>) target_semaphore(%run_scoped3A_185 : memref<!tpu.dma_semaphore, #tpu.memory_space<semaphore_mem>>)
        tpu.wait_dma2 semaphore(%run_scoped3A_185 : memref<!tpu.dma_semaphore, #tpu.memory_space<semaphore_mem>>) src(%arg5 : memref<128x128xf32, #tpu.memory_space<hbm>>) dst(%arg18 : memref<128x128xf32, #tpu.memory_space<vmem>>)
        tpu.yield
      }) : () -> ()
      %barrier3A_151 = arith.constant 0 : index
      tpu.barrier barrier_id(%barrier3A_151)
      %add3A_152 = arith.constant 0 : i32
      %add3A_153 = arith.addi %arg1, %add3A_152 : i32
      %mul3A_154 = arith.constant 128 : i32
      %mul3A_155 = arith.muli %add3A_153, %mul3A_154 : i32
      "tpu.region"() ({
        %run_scoped3A_185 = tpu.sem_alloc : memref<!tpu.dma_semaphore, #tpu.memory_space<semaphore_mem>>
        %dma_start3A_186 = arith.constant 0 : i32
        %dma_start3A_187 = arith.constant 0 : i32
        %dma_start3A_188 = tpu.memref_slice %arg17[%dma_start3A_186, %dma_start3A_187] : memref<128x128xf32, #tpu.memory_space<vmem>> -> memref<128x128xf32, #tpu.memory_space<vmem>>
        %dma_start3A_189 = arith.constant 0 : i32
        %dma_start3A_190 = tpu.memref_slice %arg19[%mul3A_155, %dma_start3A_189] : memref<10112x128xf32, #tpu.memory_space<vmem_shared>> -> memref<128x128xf32, #tpu.memory_space<vmem_shared>>
        %dma_start3A_191 = arith.constant 0 : i32
        %dma_start3A_192 = arith.constant 0 : i32
        %dma_start3A_193 = tpu.memref_slice %arg17[%dma_start3A_191, %dma_start3A_192] : memref<128x128xf32, #tpu.memory_space<vmem>> -> memref<128x128xf32, #tpu.memory_space<vmem>>
        %dma_start3A_194 = arith.constant 0 : i32
        %dma_start3A_195 = tpu.memref_slice %arg19[%mul3A_155, %dma_start3A_194] : memref<10112x128xf32, #tpu.memory_space<vmem_shared>> -> memref<128x128xf32, #tpu.memory_space<vmem_shared>>
        tpu.enqueue_dma source(%dma_start3A_195 : memref<128x128xf32, #tpu.memory_space<vmem_shared>>) target(%dma_start3A_193 : memref<128x128xf32, #tpu.memory_space<vmem>>) target_semaphore(%run_scoped3A_185 : memref<!tpu.dma_semaphore, #tpu.memory_space<semaphore_mem>>)
        %dma_wait3A_196 = arith.constant 0 : i32
        %dma_wait3A_197 = arith.constant 0 : i32
        %dma_wait3A_198 = tpu.memref_slice %arg17[%dma_wait3A_196, %dma_wait3A_197] : memref<128x128xf32, #tpu.memory_space<vmem>> -> memref<128x128xf32, #tpu.memory_space<vmem>>
        %dma_wait3A_199 = arith.constant 0 : i32
        %dma_wait3A_200 = tpu.memref_slice %arg19[%mul3A_155, %dma_wait3A_199] : memref<10112x128xf32, #tpu.memory_space<vmem_shared>> -> memref<128x128xf32, #tpu.memory_space<vmem_shared>>
        %dma_wait3A_201 = arith.constant 0 : i32
        %dma_wait3A_202 = arith.constant 0 : i32
        %dma_wait3A_203 = tpu.memref_slice %arg17[%dma_wait3A_201, %dma_wait3A_202] : memref<128x128xf32, #tpu.memory_space<vmem>> -> memref<128x128xf32, #tpu.memory_space<vmem>>
        %dma_wait3A_204 = arith.constant 0 : i32
        %dma_wait3A_205 = tpu.memref_slice %arg19[%mul3A_155, %dma_wait3A_204] : memref<10112x128xf32, #tpu.memory_space<vmem_shared>> -> memref<128x128xf32, #tpu.memory_space<vmem_shared>>
        tpu.wait_dma2 semaphore(%run_scoped3A_185 : memref<!tpu.dma_semaphore, #tpu.memory_space<semaphore_mem>>) src(%dma_wait3A_205 : memref<128x128xf32, #tpu.memory_space<vmem_shared>>) dst(%dma_wait3A_203 : memref<128x128xf32, #tpu.memory_space<vmem>>)
        tpu.yield
      }) : () -> ()
      %run_scoped3A_156 = arith.constant 1 : i32
      "tpu.region"() ({
        %run_scoped3A_185 = tpu.sem_alloc : memref<!tpu.dma_semaphore, #tpu.memory_space<semaphore_mem>>
        %dma_start3A_186 = arith.constant 0 : i32
        %dma_start3A_187 = arith.constant 0 : i32
        %dma_start3A_188 = tpu.memref_slice %arg17[%dma_start3A_186, %dma_start3A_187] : memref<128x128xf32, #tpu.memory_space<vmem>> -> memref<128x128xf32, #tpu.memory_space<vmem>>
        %dma_start3A_189 = arith.constant 0 : i32
        %dma_start3A_190 = tpu.memref_slice %arg7[%run_scoped3A_156, %mul3A_155, %dma_start3A_189] : memref<2x10000x128xf32, #tpu.memory_space<hbm>> -> memref<1x128x128xf32, #tpu.memory_space<hbm>>
        %dma_start3A_191 = tpu.memref_squeeze %dma_start3A_190 : memref<1x128x128xf32, #tpu.memory_space<hbm>> -> memref<128x128xf32, #tpu.memory_space<hbm>>
        %dma_start3A_192 = arith.constant 0 : i32
        %dma_start3A_193 = tpu.memref_slice %arg7[%run_scoped3A_156, %mul3A_155, %dma_start3A_192] : memref<2x10000x128xf32, #tpu.memory_space<hbm>> -> memref<1x128x128xf32, #tpu.memory_space<hbm>>
        %dma_start3A_194 = tpu.memref_squeeze %dma_start3A_193 : memref<1x128x128xf32, #tpu.memory_space<hbm>> -> memref<128x128xf32, #tpu.memory_space<hbm>>
        %dma_start3A_195 = arith.constant 0 : i32
        %dma_start3A_196 = arith.constant 0 : i32
        %dma_start3A_197 = tpu.memref_slice %arg17[%dma_start3A_195, %dma_start3A_196] : memref<128x128xf32, #tpu.memory_space<vmem>> -> memref<128x128xf32, #tpu.memory_space<vmem>>
        tpu.enqueue_dma source(%dma_start3A_197 : memref<128x128xf32, #tpu.memory_space<vmem>>) target(%dma_start3A_194 : memref<128x128xf32, #tpu.memory_space<hbm>>) target_semaphore(%run_scoped3A_185 : memref<!tpu.dma_semaphore, #tpu.memory_space<semaphore_mem>>)
        %dma_wait3A_198 = arith.constant 0 : i32
        %dma_wait3A_199 = arith.constant 0 : i32
        %dma_wait3A_200 = tpu.memref_slice %arg17[%dma_wait3A_198, %dma_wait3A_199] : memref<128x128xf32, #tpu.memory_space<vmem>> -> memref<128x128xf32, #tpu.memory_space<vmem>>
        %dma_wait3A_201 = arith.constant 0 : i32
        %dma_wait3A_202 = tpu.memref_slice %arg7[%run_scoped3A_156, %mul3A_155, %dma_wait3A_201] : memref<2x10000x128xf32, #tpu.memory_space<hbm>> -> memref<1x128x128xf32, #tpu.memory_space<hbm>>
        %dma_wait3A_203 = tpu.memref_squeeze %dma_wait3A_202 : memref<1x128x128xf32, #tpu.memory_space<hbm>> -> memref<128x128xf32, #tpu.memory_space<hbm>>
        %dma_wait3A_204 = arith.constant 0 : i32
        %dma_wait3A_205 = tpu.memref_slice %arg7[%run_scoped3A_156, %mul3A_155, %dma_wait3A_204] : memref<2x10000x128xf32, #tpu.memory_space<hbm>> -> memref<1x128x128xf32, #tpu.memory_space<hbm>>
        %dma_wait3A_206 = tpu.memref_squeeze %dma_wait3A_205 : memref<1x128x128xf32, #tpu.memory_space<hbm>> -> memref<128x128xf32, #tpu.memory_space<hbm>>
        %dma_wait3A_207 = arith.constant 0 : i32
        %dma_wait3A_208 = arith.constant 0 : i32
        %dma_wait3A_209 = tpu.memref_slice %arg17[%dma_wait3A_207, %dma_wait3A_208] : memref<128x128xf32, #tpu.memory_space<vmem>> -> memref<128x128xf32, #tpu.memory_space<vmem>>
        tpu.wait_dma2 semaphore(%run_scoped3A_185 : memref<!tpu.dma_semaphore, #tpu.memory_space<semaphore_mem>>) src(%dma_wait3A_209 : memref<128x128xf32, #tpu.memory_space<vmem>>) dst(%dma_wait3A_206 : memref<128x128xf32, #tpu.memory_space<hbm>>)
        tpu.yield
      }) : () -> ()
      %add3A_157 = arith.constant 16 : i32
      %add3A_158 = arith.addi %arg1, %add3A_157 : i32
      %mul3A_159 = arith.constant 128 : i32
      %mul3A_160 = arith.muli %add3A_158, %mul3A_159 : i32
      "tpu.region"() ({
        %run_scoped3A_185 = tpu.sem_alloc : memref<!tpu.dma_semaphore, #tpu.memory_space<semaphore_mem>>
        %dma_start3A_186 = arith.constant 0 : i32
        %dma_start3A_187 = arith.constant 0 : i32
        %dma_start3A_188 = tpu.memref_slice %arg17[%dma_start3A_186, %dma_start3A_187] : memref<128x128xf32, #tpu.memory_space<vmem>> -> memref<128x128xf32, #tpu.memory_space<vmem>>
        %dma_start3A_189 = arith.constant 0 : i32
        %dma_start3A_190 = tpu.memref_slice %arg19[%mul3A_160, %dma_start3A_189] : memref<10112x128xf32, #tpu.memory_space<vmem_shared>> -> memref<128x128xf32, #tpu.memory_space<vmem_shared>>
        %dma_start3A_191 = arith.constant 0 : i32
        %dma_start3A_192 = arith.constant 0 : i32
        %dma_start3A_193 = tpu.memref_slice %arg17[%dma_start3A_191, %dma_start3A_192] : memref<128x128xf32, #tpu.memory_space<vmem>> -> memref<128x128xf32, #tpu.memory_space<vmem>>
        %dma_start3A_194 = arith.constant 0 : i32
        %dma_start3A_195 = tpu.memref_slice %arg19[%mul3A_160, %dma_start3A_194] : memref<10112x128xf32, #tpu.memory_space<vmem_shared>> -> memref<128x128xf32, #tpu.memory_space<vmem_shared>>
        tpu.enqueue_dma source(%dma_start3A_195 : memref<128x128xf32, #tpu.memory_space<vmem_shared>>) target(%dma_start3A_193 : memref<128x128xf32, #tpu.memory_space<vmem>>) target_semaphore(%run_scoped3A_185 : memref<!tpu.dma_semaphore, #tpu.memory_space<semaphore_mem>>)
        %dma_wait3A_196 = arith.constant 0 : i32
        %dma_wait3A_197 = arith.constant 0 : i32
        %dma_wait3A_198 = tpu.memref_slice %arg17[%dma_wait3A_196, %dma_wait3A_197] : memref<128x128xf32, #tpu.memory_space<vmem>> -> memref<128x128xf32, #tpu.memory_space<vmem>>
        %dma_wait3A_199 = arith.constant 0 : i32
        %dma_wait3A_200 = tpu.memref_slice %arg19[%mul3A_160, %dma_wait3A_199] : memref<10112x128xf32, #tpu.memory_space<vmem_shared>> -> memref<128x128xf32, #tpu.memory_space<vmem_shared>>
        %dma_wait3A_201 = arith.constant 0 : i32
        %dma_wait3A_202 = arith.constant 0 : i32
        %dma_wait3A_203 = tpu.memref_slice %arg17[%dma_wait3A_201, %dma_wait3A_202] : memref<128x128xf32, #tpu.memory_space<vmem>> -> memref<128x128xf32, #tpu.memory_space<vmem>>
        %dma_wait3A_204 = arith.constant 0 : i32
        %dma_wait3A_205 = tpu.memref_slice %arg19[%mul3A_160, %dma_wait3A_204] : memref<10112x128xf32, #tpu.memory_space<vmem_shared>> -> memref<128x128xf32, #tpu.memory_space<vmem_shared>>
        tpu.wait_dma2 semaphore(%run_scoped3A_185 : memref<!tpu.dma_semaphore, #tpu.memory_space<semaphore_mem>>) src(%dma_wait3A_205 : memref<128x128xf32, #tpu.memory_space<vmem_shared>>) dst(%dma_wait3A_203 : memref<128x128xf32, #tpu.memory_space<vmem>>)
        tpu.yield
      }) : () -> ()
      %run_scoped3A_161 = arith.constant 1 : i32
      "tpu.region"() ({
        %run_scoped3A_185 = tpu.sem_alloc : memref<!tpu.dma_semaphore, #tpu.memory_space<semaphore_mem>>
        %dma_start3A_186 = arith.constant 0 : i32
        %dma_start3A_187 = arith.constant 0 : i32
        %dma_start3A_188 = tpu.memref_slice %arg17[%dma_start3A_186, %dma_start3A_187] : memref<128x128xf32, #tpu.memory_space<vmem>> -> memref<128x128xf32, #tpu.memory_space<vmem>>
        %dma_start3A_189 = arith.constant 0 : i32
        %dma_start3A_190 = tpu.memref_slice %arg7[%run_scoped3A_161, %mul3A_160, %dma_start3A_189] : memref<2x10000x128xf32, #tpu.memory_space<hbm>> -> memref<1x128x128xf32, #tpu.memory_space<hbm>>
        %dma_start3A_191 = tpu.memref_squeeze %dma_start3A_190 : memref<1x128x128xf32, #tpu.memory_space<hbm>> -> memref<128x128xf32, #tpu.memory_space<hbm>>
        %dma_start3A_192 = arith.constant 0 : i32
        %dma_start3A_193 = tpu.memref_slice %arg7[%run_scoped3A_161, %mul3A_160, %dma_start3A_192] : memref<2x10000x128xf32, #tpu.memory_space<hbm>> -> memref<1x128x128xf32, #tpu.memory_space<hbm>>
        %dma_start3A_194 = tpu.memref_squeeze %dma_start3A_193 : memref<1x128x128xf32, #tpu.memory_space<hbm>> -> memref<128x128xf32, #tpu.memory_space<hbm>>
        %dma_start3A_195 = arith.constant 0 : i32
        %dma_start3A_196 = arith.constant 0 : i32
        %dma_start3A_197 = tpu.memref_slice %arg17[%dma_start3A_195, %dma_start3A_196] : memref<128x128xf32, #tpu.memory_space<vmem>> -> memref<128x128xf32, #tpu.memory_space<vmem>>
        tpu.enqueue_dma source(%dma_start3A_197 : memref<128x128xf32, #tpu.memory_space<vmem>>) target(%dma_start3A_194 : memref<128x128xf32, #tpu.memory_space<hbm>>) target_semaphore(%run_scoped3A_185 : memref<!tpu.dma_semaphore, #tpu.memory_space<semaphore_mem>>)
        %dma_wait3A_198 = arith.constant 0 : i32
        %dma_wait3A_199 = arith.constant 0 : i32
        %dma_wait3A_200 = tpu.memref_slice %arg17[%dma_wait3A_198, %dma_wait3A_199] : memref<128x128xf32, #tpu.memory_space<vmem>> -> memref<128x128xf32, #tpu.memory_space<vmem>>
        %dma_wait3A_201 = arith.constant 0 : i32
        %dma_wait3A_202 = tpu.memref_slice %arg7[%run_scoped3A_161, %mul3A_160, %dma_wait3A_201] : memref<2x10000x128xf32, #tpu.memory_space<hbm>> -> memref<1x128x128xf32, #tpu.memory_space<hbm>>
        %dma_wait3A_203 = tpu.memref_squeeze %dma_wait3A_202 : memref<1x128x128xf32, #tpu.memory_space<hbm>> -> memref<128x128xf32, #tpu.memory_space<hbm>>
        %dma_wait3A_204 = arith.constant 0 : i32
        %dma_wait3A_205 = tpu.memref_slice %arg7[%run_scoped3A_161, %mul3A_160, %dma_wait3A_204] : memref<2x10000x128xf32, #tpu.memory_space<hbm>> -> memref<1x128x128xf32, #tpu.memory_space<hbm>>
        %dma_wait3A_206 = tpu.memref_squeeze %dma_wait3A_205 : memref<1x128x128xf32, #tpu.memory_space<hbm>> -> memref<128x128xf32, #tpu.memory_space<hbm>>
        %dma_wait3A_207 = arith.constant 0 : i32
        %dma_wait3A_208 = arith.constant 0 : i32
        %dma_wait3A_209 = tpu.memref_slice %arg17[%dma_wait3A_207, %dma_wait3A_208] : memref<128x128xf32, #tpu.memory_space<vmem>> -> memref<128x128xf32, #tpu.memory_space<vmem>>
        tpu.wait_dma2 semaphore(%run_scoped3A_185 : memref<!tpu.dma_semaphore, #tpu.memory_space<semaphore_mem>>) src(%dma_wait3A_209 : memref<128x128xf32, #tpu.memory_space<vmem>>) dst(%dma_wait3A_206 : memref<128x128xf32, #tpu.memory_space<hbm>>)
        tpu.yield
      }) : () -> ()
      %add3A_162 = arith.constant 32 : i32
      %add3A_163 = arith.addi %arg1, %add3A_162 : i32
      %mul3A_164 = arith.constant 128 : i32
      %mul3A_165 = arith.muli %add3A_163, %mul3A_164 : i32
      "tpu.region"() ({
        %run_scoped3A_185 = tpu.sem_alloc : memref<!tpu.dma_semaphore, #tpu.memory_space<semaphore_mem>>
        %dma_start3A_186 = arith.constant 0 : i32
        %dma_start3A_187 = arith.constant 0 : i32
        %dma_start3A_188 = tpu.memref_slice %arg17[%dma_start3A_186, %dma_start3A_187] : memref<128x128xf32, #tpu.memory_space<vmem>> -> memref<128x128xf32, #tpu.memory_space<vmem>>
        %dma_start3A_189 = arith.constant 0 : i32
        %dma_start3A_190 = tpu.memref_slice %arg19[%mul3A_165, %dma_start3A_189] : memref<10112x128xf32, #tpu.memory_space<vmem_shared>> -> memref<128x128xf32, #tpu.memory_space<vmem_shared>>
        %dma_start3A_191 = arith.constant 0 : i32
        %dma_start3A_192 = arith.constant 0 : i32
        %dma_start3A_193 = tpu.memref_slice %arg17[%dma_start3A_191, %dma_start3A_192] : memref<128x128xf32, #tpu.memory_space<vmem>> -> memref<128x128xf32, #tpu.memory_space<vmem>>
        %dma_start3A_194 = arith.constant 0 : i32
        %dma_start3A_195 = tpu.memref_slice %arg19[%mul3A_165, %dma_start3A_194] : memref<10112x128xf32, #tpu.memory_space<vmem_shared>> -> memref<128x128xf32, #tpu.memory_space<vmem_shared>>
        tpu.enqueue_dma source(%dma_start3A_195 : memref<128x128xf32, #tpu.memory_space<vmem_shared>>) target(%dma_start3A_193 : memref<128x128xf32, #tpu.memory_space<vmem>>) target_semaphore(%run_scoped3A_185 : memref<!tpu.dma_semaphore, #tpu.memory_space<semaphore_mem>>)
        %dma_wait3A_196 = arith.constant 0 : i32
        %dma_wait3A_197 = arith.constant 0 : i32
        %dma_wait3A_198 = tpu.memref_slice %arg17[%dma_wait3A_196, %dma_wait3A_197] : memref<128x128xf32, #tpu.memory_space<vmem>> -> memref<128x128xf32, #tpu.memory_space<vmem>>
        %dma_wait3A_199 = arith.constant 0 : i32
        %dma_wait3A_200 = tpu.memref_slice %arg19[%mul3A_165, %dma_wait3A_199] : memref<10112x128xf32, #tpu.memory_space<vmem_shared>> -> memref<128x128xf32, #tpu.memory_space<vmem_shared>>
        %dma_wait3A_201 = arith.constant 0 : i32
        %dma_wait3A_202 = arith.constant 0 : i32
        %dma_wait3A_203 = tpu.memref_slice %arg17[%dma_wait3A_201, %dma_wait3A_202] : memref<128x128xf32, #tpu.memory_space<vmem>> -> memref<128x128xf32, #tpu.memory_space<vmem>>
        %dma_wait3A_204 = arith.constant 0 : i32
        %dma_wait3A_205 = tpu.memref_slice %arg19[%mul3A_165, %dma_wait3A_204] : memref<10112x128xf32, #tpu.memory_space<vmem_shared>> -> memref<128x128xf32, #tpu.memory_space<vmem_shared>>
        tpu.wait_dma2 semaphore(%run_scoped3A_185 : memref<!tpu.dma_semaphore, #tpu.memory_space<semaphore_mem>>) src(%dma_wait3A_205 : memref<128x128xf32, #tpu.memory_space<vmem_shared>>) dst(%dma_wait3A_203 : memref<128x128xf32, #tpu.memory_space<vmem>>)
        tpu.yield
      }) : () -> ()
      %run_scoped3A_166 = arith.constant 1 : i32
      "tpu.region"() ({
        %run_scoped3A_185 = tpu.sem_alloc : memref<!tpu.dma_semaphore, #tpu.memory_space<semaphore_mem>>
        %dma_start3A_186 = arith.constant 0 : i32
        %dma_start3A_187 = arith.constant 0 : i32
        %dma_start3A_188 = tpu.memref_slice %arg17[%dma_start3A_186, %dma_start3A_187] : memref<128x128xf32, #tpu.memory_space<vmem>> -> memref<128x128xf32, #tpu.memory_space<vmem>>
        %dma_start3A_189 = arith.constant 0 : i32
        %dma_start3A_190 = tpu.memref_slice %arg7[%run_scoped3A_166, %mul3A_165, %dma_start3A_189] : memref<2x10000x128xf32, #tpu.memory_space<hbm>> -> memref<1x128x128xf32, #tpu.memory_space<hbm>>
        %dma_start3A_191 = tpu.memref_squeeze %dma_start3A_190 : memref<1x128x128xf32, #tpu.memory_space<hbm>> -> memref<128x128xf32, #tpu.memory_space<hbm>>
        %dma_start3A_192 = arith.constant 0 : i32
        %dma_start3A_193 = tpu.memref_slice %arg7[%run_scoped3A_166, %mul3A_165, %dma_start3A_192] : memref<2x10000x128xf32, #tpu.memory_space<hbm>> -> memref<1x128x128xf32, #tpu.memory_space<hbm>>
        %dma_start3A_194 = tpu.memref_squeeze %dma_start3A_193 : memref<1x128x128xf32, #tpu.memory_space<hbm>> -> memref<128x128xf32, #tpu.memory_space<hbm>>
        %dma_start3A_195 = arith.constant 0 : i32
        %dma_start3A_196 = arith.constant 0 : i32
        %dma_start3A_197 = tpu.memref_slice %arg17[%dma_start3A_195, %dma_start3A_196] : memref<128x128xf32, #tpu.memory_space<vmem>> -> memref<128x128xf32, #tpu.memory_space<vmem>>
        tpu.enqueue_dma source(%dma_start3A_197 : memref<128x128xf32, #tpu.memory_space<vmem>>) target(%dma_start3A_194 : memref<128x128xf32, #tpu.memory_space<hbm>>) target_semaphore(%run_scoped3A_185 : memref<!tpu.dma_semaphore, #tpu.memory_space<semaphore_mem>>)
        %dma_wait3A_198 = arith.constant 0 : i32
        %dma_wait3A_199 = arith.constant 0 : i32
        %dma_wait3A_200 = tpu.memref_slice %arg17[%dma_wait3A_198, %dma_wait3A_199] : memref<128x128xf32, #tpu.memory_space<vmem>> -> memref<128x128xf32, #tpu.memory_space<vmem>>
        %dma_wait3A_201 = arith.constant 0 : i32
        %dma_wait3A_202 = tpu.memref_slice %arg7[%run_scoped3A_166, %mul3A_165, %dma_wait3A_201] : memref<2x10000x128xf32, #tpu.memory_space<hbm>> -> memref<1x128x128xf32, #tpu.memory_space<hbm>>
        %dma_wait3A_203 = tpu.memref_squeeze %dma_wait3A_202 : memref<1x128x128xf32, #tpu.memory_space<hbm>> -> memref<128x128xf32, #tpu.memory_space<hbm>>
        %dma_wait3A_204 = arith.constant 0 : i32
        %dma_wait3A_205 = tpu.memref_slice %arg7[%run_scoped3A_166, %mul3A_165, %dma_wait3A_204] : memref<2x10000x128xf32, #tpu.memory_space<hbm>> -> memref<1x128x128xf32, #tpu.memory_space<hbm>>
        %dma_wait3A_206 = tpu.memref_squeeze %dma_wait3A_205 : memref<1x128x128xf32, #tpu.memory_space<hbm>> -> memref<128x128xf32, #tpu.memory_space<hbm>>
        %dma_wait3A_207 = arith.constant 0 : i32
        %dma_wait3A_208 = arith.constant 0 : i32
        %dma_wait3A_209 = tpu.memref_slice %arg17[%dma_wait3A_207, %dma_wait3A_208] : memref<128x128xf32, #tpu.memory_space<vmem>> -> memref<128x128xf32, #tpu.memory_space<vmem>>
        tpu.wait_dma2 semaphore(%run_scoped3A_185 : memref<!tpu.dma_semaphore, #tpu.memory_space<semaphore_mem>>) src(%dma_wait3A_209 : memref<128x128xf32, #tpu.memory_space<vmem>>) dst(%dma_wait3A_206 : memref<128x128xf32, #tpu.memory_space<hbm>>)
        tpu.yield
      }) : () -> ()
      %add3A_167 = arith.constant 48 : i32
      %add3A_168 = arith.addi %arg1, %add3A_167 : i32
      %mul3A_169 = arith.constant 128 : i32
      %mul3A_170 = arith.muli %add3A_168, %mul3A_169 : i32
      "tpu.region"() ({
        %run_scoped3A_185 = tpu.sem_alloc : memref<!tpu.dma_semaphore, #tpu.memory_space<semaphore_mem>>
        %dma_start3A_186 = arith.constant 0 : i32
        %dma_start3A_187 = arith.constant 0 : i32
        %dma_start3A_188 = tpu.memref_slice %arg17[%dma_start3A_186, %dma_start3A_187] : memref<128x128xf32, #tpu.memory_space<vmem>> -> memref<128x128xf32, #tpu.memory_space<vmem>>
        %dma_start3A_189 = arith.constant 0 : i32
        %dma_start3A_190 = tpu.memref_slice %arg19[%mul3A_170, %dma_start3A_189] : memref<10112x128xf32, #tpu.memory_space<vmem_shared>> -> memref<128x128xf32, #tpu.memory_space<vmem_shared>>
        %dma_start3A_191 = arith.constant 0 : i32
        %dma_start3A_192 = arith.constant 0 : i32
        %dma_start3A_193 = tpu.memref_slice %arg17[%dma_start3A_191, %dma_start3A_192] : memref<128x128xf32, #tpu.memory_space<vmem>> -> memref<128x128xf32, #tpu.memory_space<vmem>>
        %dma_start3A_194 = arith.constant 0 : i32
        %dma_start3A_195 = tpu.memref_slice %arg19[%mul3A_170, %dma_start3A_194] : memref<10112x128xf32, #tpu.memory_space<vmem_shared>> -> memref<128x128xf32, #tpu.memory_space<vmem_shared>>
        tpu.enqueue_dma source(%dma_start3A_195 : memref<128x128xf32, #tpu.memory_space<vmem_shared>>) target(%dma_start3A_193 : memref<128x128xf32, #tpu.memory_space<vmem>>) target_semaphore(%run_scoped3A_185 : memref<!tpu.dma_semaphore, #tpu.memory_space<semaphore_mem>>)
        %dma_wait3A_196 = arith.constant 0 : i32
        %dma_wait3A_197 = arith.constant 0 : i32
        %dma_wait3A_198 = tpu.memref_slice %arg17[%dma_wait3A_196, %dma_wait3A_197] : memref<128x128xf32, #tpu.memory_space<vmem>> -> memref<128x128xf32, #tpu.memory_space<vmem>>
        %dma_wait3A_199 = arith.constant 0 : i32
        %dma_wait3A_200 = tpu.memref_slice %arg19[%mul3A_170, %dma_wait3A_199] : memref<10112x128xf32, #tpu.memory_space<vmem_shared>> -> memref<128x128xf32, #tpu.memory_space<vmem_shared>>
        %dma_wait3A_201 = arith.constant 0 : i32
        %dma_wait3A_202 = arith.constant 0 : i32
        %dma_wait3A_203 = tpu.memref_slice %arg17[%dma_wait3A_201, %dma_wait3A_202] : memref<128x128xf32, #tpu.memory_space<vmem>> -> memref<128x128xf32, #tpu.memory_space<vmem>>
        %dma_wait3A_204 = arith.constant 0 : i32
        %dma_wait3A_205 = tpu.memref_slice %arg19[%mul3A_170, %dma_wait3A_204] : memref<10112x128xf32, #tpu.memory_space<vmem_shared>> -> memref<128x128xf32, #tpu.memory_space<vmem_shared>>
        tpu.wait_dma2 semaphore(%run_scoped3A_185 : memref<!tpu.dma_semaphore, #tpu.memory_space<semaphore_mem>>) src(%dma_wait3A_205 : memref<128x128xf32, #tpu.memory_space<vmem_shared>>) dst(%dma_wait3A_203 : memref<128x128xf32, #tpu.memory_space<vmem>>)
        tpu.yield
      }) : () -> ()
      %run_scoped3A_171 = arith.constant 1 : i32
      "tpu.region"() ({
        %run_scoped3A_185 = tpu.sem_alloc : memref<!tpu.dma_semaphore, #tpu.memory_space<semaphore_mem>>
        %dma_start3A_186 = arith.constant 0 : i32
        %dma_start3A_187 = arith.constant 0 : i32
        %dma_start3A_188 = tpu.memref_slice %arg17[%dma_start3A_186, %dma_start3A_187] : memref<128x128xf32, #tpu.memory_space<vmem>> -> memref<128x128xf32, #tpu.memory_space<vmem>>
        %dma_start3A_189 = arith.constant 0 : i32
        %dma_start3A_190 = tpu.memref_slice %arg7[%run_scoped3A_171, %mul3A_170, %dma_start3A_189] : memref<2x10000x128xf32, #tpu.memory_space<hbm>> -> memref<1x128x128xf32, #tpu.memory_space<hbm>>
        %dma_start3A_191 = tpu.memref_squeeze %dma_start3A_190 : memref<1x128x128xf32, #tpu.memory_space<hbm>> -> memref<128x128xf32, #tpu.memory_space<hbm>>
        %dma_start3A_192 = arith.constant 0 : i32
        %dma_start3A_193 = tpu.memref_slice %arg7[%run_scoped3A_171, %mul3A_170, %dma_start3A_192] : memref<2x10000x128xf32, #tpu.memory_space<hbm>> -> memref<1x128x128xf32, #tpu.memory_space<hbm>>
        %dma_start3A_194 = tpu.memref_squeeze %dma_start3A_193 : memref<1x128x128xf32, #tpu.memory_space<hbm>> -> memref<128x128xf32, #tpu.memory_space<hbm>>
        %dma_start3A_195 = arith.constant 0 : i32
        %dma_start3A_196 = arith.constant 0 : i32
        %dma_start3A_197 = tpu.memref_slice %arg17[%dma_start3A_195, %dma_start3A_196] : memref<128x128xf32, #tpu.memory_space<vmem>> -> memref<128x128xf32, #tpu.memory_space<vmem>>
        tpu.enqueue_dma source(%dma_start3A_197 : memref<128x128xf32, #tpu.memory_space<vmem>>) target(%dma_start3A_194 : memref<128x128xf32, #tpu.memory_space<hbm>>) target_semaphore(%run_scoped3A_185 : memref<!tpu.dma_semaphore, #tpu.memory_space<semaphore_mem>>)
        %dma_wait3A_198 = arith.constant 0 : i32
        %dma_wait3A_199 = arith.constant 0 : i32
        %dma_wait3A_200 = tpu.memref_slice %arg17[%dma_wait3A_198, %dma_wait3A_199] : memref<128x128xf32, #tpu.memory_space<vmem>> -> memref<128x128xf32, #tpu.memory_space<vmem>>
        %dma_wait3A_201 = arith.constant 0 : i32
        %dma_wait3A_202 = tpu.memref_slice %arg7[%run_scoped3A_171, %mul3A_170, %dma_wait3A_201] : memref<2x10000x128xf32, #tpu.memory_space<hbm>> -> memref<1x128x128xf32, #tpu.memory_space<hbm>>
        %dma_wait3A_203 = tpu.memref_squeeze %dma_wait3A_202 : memref<1x128x128xf32, #tpu.memory_space<hbm>> -> memref<128x128xf32, #tpu.memory_space<hbm>>
        %dma_wait3A_204 = arith.constant 0 : i32
        %dma_wait3A_205 = tpu.memref_slice %arg7[%run_scoped3A_171, %mul3A_170, %dma_wait3A_204] : memref<2x10000x128xf32, #tpu.memory_space<hbm>> -> memref<1x128x128xf32, #tpu.memory_space<hbm>>
        %dma_wait3A_206 = tpu.memref_squeeze %dma_wait3A_205 : memref<1x128x128xf32, #tpu.memory_space<hbm>> -> memref<128x128xf32, #tpu.memory_space<hbm>>
        %dma_wait3A_207 = arith.constant 0 : i32
        %dma_wait3A_208 = arith.constant 0 : i32
        %dma_wait3A_209 = tpu.memref_slice %arg17[%dma_wait3A_207, %dma_wait3A_208] : memref<128x128xf32, #tpu.memory_space<vmem>> -> memref<128x128xf32, #tpu.memory_space<vmem>>
        tpu.wait_dma2 semaphore(%run_scoped3A_185 : memref<!tpu.dma_semaphore, #tpu.memory_space<semaphore_mem>>) src(%dma_wait3A_209 : memref<128x128xf32, #tpu.memory_space<vmem>>) dst(%dma_wait3A_206 : memref<128x128xf32, #tpu.memory_space<hbm>>)
        tpu.yield
      }) : () -> ()
      %add3A_172 = arith.constant 64 : i32
      %add3A_173 = arith.addi %arg1, %add3A_172 : i32
      %lt3A_174 = arith.constant 78 : i32
      %lt3A_175 = arith.cmpi slt, %add3A_173, %lt3A_174 : i32
      %convert_element_type3A_176 = arith.extui %lt3A_175 : i1 to i32
      %cond3A_177 = arith.constant 0 : i32
      %cond3A_178 = arith.cmpi ne, %convert_element_type3A_176, %cond3A_177 : i32
      scf.if %cond3A_178 {
        %mul3A_185 = arith.constant 128 : i32
        %mul3A_186 = arith.muli %add3A_173, %mul3A_185 : i32
        "tpu.region"() ({
          %run_scoped3A_188 = tpu.sem_alloc : memref<!tpu.dma_semaphore, #tpu.memory_space<semaphore_mem>>
          %dma_start3A_189 = arith.constant 0 : i32
          %dma_start3A_190 = arith.constant 0 : i32
          %dma_start3A_191 = tpu.memref_slice %arg17[%dma_start3A_189, %dma_start3A_190] : memref<128x128xf32, #tpu.memory_space<vmem>> -> memref<128x128xf32, #tpu.memory_space<vmem>>
          %dma_start3A_192 = arith.constant 0 : i32
          %dma_start3A_193 = tpu.memref_slice %arg19[%mul3A_186, %dma_start3A_192] : memref<10112x128xf32, #tpu.memory_space<vmem_shared>> -> memref<128x128xf32, #tpu.memory_space<vmem_shared>>
          %dma_start3A_194 = arith.constant 0 : i32
          %dma_start3A_195 = arith.constant 0 : i32
          %dma_start3A_196 = tpu.memref_slice %arg17[%dma_start3A_194, %dma_start3A_195] : memref<128x128xf32, #tpu.memory_space<vmem>> -> memref<128x128xf32, #tpu.memory_space<vmem>>
          %dma_start3A_197 = arith.constant 0 : i32
          %dma_start3A_198 = tpu.memref_slice %arg19[%mul3A_186, %dma_start3A_197] : memref<10112x128xf32, #tpu.memory_space<vmem_shared>> -> memref<128x128xf32, #tpu.memory_space<vmem_shared>>
          tpu.enqueue_dma source(%dma_start3A_198 : memref<128x128xf32, #tpu.memory_space<vmem_shared>>) target(%dma_start3A_196 : memref<128x128xf32, #tpu.memory_space<vmem>>) target_semaphore(%run_scoped3A_188 : memref<!tpu.dma_semaphore, #tpu.memory_space<semaphore_mem>>)
          %dma_wait3A_199 = arith.constant 0 : i32
          %dma_wait3A_200 = arith.constant 0 : i32
          %dma_wait3A_201 = tpu.memref_slice %arg17[%dma_wait3A_199, %dma_wait3A_200] : memref<128x128xf32, #tpu.memory_space<vmem>> -> memref<128x128xf32, #tpu.memory_space<vmem>>
          %dma_wait3A_202 = arith.constant 0 : i32
          %dma_wait3A_203 = tpu.memref_slice %arg19[%mul3A_186, %dma_wait3A_202] : memref<10112x128xf32, #tpu.memory_space<vmem_shared>> -> memref<128x128xf32, #tpu.memory_space<vmem_shared>>
          %dma_wait3A_204 = arith.constant 0 : i32
          %dma_wait3A_205 = arith.constant 0 : i32
          %dma_wait3A_206 = tpu.memref_slice %arg17[%dma_wait3A_204, %dma_wait3A_205] : memref<128x128xf32, #tpu.memory_space<vmem>> -> memref<128x128xf32, #tpu.memory_space<vmem>>
          %dma_wait3A_207 = arith.constant 0 : i32
          %dma_wait3A_208 = tpu.memref_slice %arg19[%mul3A_186, %dma_wait3A_207] : memref<10112x128xf32, #tpu.memory_space<vmem_shared>> -> memref<128x128xf32, #tpu.memory_space<vmem_shared>>
          tpu.wait_dma2 semaphore(%run_scoped3A_188 : memref<!tpu.dma_semaphore, #tpu.memory_space<semaphore_mem>>) src(%dma_wait3A_208 : memref<128x128xf32, #tpu.memory_space<vmem_shared>>) dst(%dma_wait3A_206 : memref<128x128xf32, #tpu.memory_space<vmem>>)
          tpu.yield
        }) : () -> ()
        %run_scoped3A_187 = arith.constant 1 : i32
        "tpu.region"() ({
          %run_scoped3A_188 = tpu.sem_alloc : memref<!tpu.dma_semaphore, #tpu.memory_space<semaphore_mem>>
          %dma_start3A_189 = arith.constant 0 : i32
          %dma_start3A_190 = arith.constant 0 : i32
          %dma_start3A_191 = tpu.memref_slice %arg17[%dma_start3A_189, %dma_start3A_190] : memref<128x128xf32, #tpu.memory_space<vmem>> -> memref<128x128xf32, #tpu.memory_space<vmem>>
          %dma_start3A_192 = arith.constant 0 : i32
          %dma_start3A_193 = tpu.memref_slice %arg7[%run_scoped3A_187, %mul3A_186, %dma_start3A_192] : memref<2x10000x128xf32, #tpu.memory_space<hbm>> -> memref<1x128x128xf32, #tpu.memory_space<hbm>>
          %dma_start3A_194 = tpu.memref_squeeze %dma_start3A_193 : memref<1x128x128xf32, #tpu.memory_space<hbm>> -> memref<128x128xf32, #tpu.memory_space<hbm>>
          %dma_start3A_195 = arith.constant 0 : i32
          %dma_start3A_196 = tpu.memref_slice %arg7[%run_scoped3A_187, %mul3A_186, %dma_start3A_195] : memref<2x10000x128xf32, #tpu.memory_space<hbm>> -> memref<1x128x128xf32, #tpu.memory_space<hbm>>
          %dma_start3A_197 = tpu.memref_squeeze %dma_start3A_196 : memref<1x128x128xf32, #tpu.memory_space<hbm>> -> memref<128x128xf32, #tpu.memory_space<hbm>>
          %dma_start3A_198 = arith.constant 0 : i32
          %dma_start3A_199 = arith.constant 0 : i32
          %dma_start3A_200 = tpu.memref_slice %arg17[%dma_start3A_198, %dma_start3A_199] : memref<128x128xf32, #tpu.memory_space<vmem>> -> memref<128x128xf32, #tpu.memory_space<vmem>>
          tpu.enqueue_dma source(%dma_start3A_200 : memref<128x128xf32, #tpu.memory_space<vmem>>) target(%dma_start3A_197 : memref<128x128xf32, #tpu.memory_space<hbm>>) target_semaphore(%run_scoped3A_188 : memref<!tpu.dma_semaphore, #tpu.memory_space<semaphore_mem>>)
          %dma_wait3A_201 = arith.constant 0 : i32
          %dma_wait3A_202 = arith.constant 0 : i32
          %dma_wait3A_203 = tpu.memref_slice %arg17[%dma_wait3A_201, %dma_wait3A_202] : memref<128x128xf32, #tpu.memory_space<vmem>> -> memref<128x128xf32, #tpu.memory_space<vmem>>
          %dma_wait3A_204 = arith.constant 0 : i32
          %dma_wait3A_205 = tpu.memref_slice %arg7[%run_scoped3A_187, %mul3A_186, %dma_wait3A_204] : memref<2x10000x128xf32, #tpu.memory_space<hbm>> -> memref<1x128x128xf32, #tpu.memory_space<hbm>>
          %dma_wait3A_206 = tpu.memref_squeeze %dma_wait3A_205 : memref<1x128x128xf32, #tpu.memory_space<hbm>> -> memref<128x128xf32, #tpu.memory_space<hbm>>
          %dma_wait3A_207 = arith.constant 0 : i32
          %dma_wait3A_208 = tpu.memref_slice %arg7[%run_scoped3A_187, %mul3A_186, %dma_wait3A_207] : memref<2x10000x128xf32, #tpu.memory_space<hbm>> -> memref<1x128x128xf32, #tpu.memory_space<hbm>>
          %dma_wait3A_209 = tpu.memref_squeeze %dma_wait3A_208 : memref<1x128x128xf32, #tpu.memory_space<hbm>> -> memref<128x128xf32, #tpu.memory_space<hbm>>
          %dma_wait3A_210 = arith.constant 0 : i32
          %dma_wait3A_211 = arith.constant 0 : i32
          %dma_wait3A_212 = tpu.memref_slice %arg17[%dma_wait3A_210, %dma_wait3A_211] : memref<128x128xf32, #tpu.memory_space<vmem>> -> memref<128x128xf32, #tpu.memory_space<vmem>>
          tpu.wait_dma2 semaphore(%run_scoped3A_188 : memref<!tpu.dma_semaphore, #tpu.memory_space<semaphore_mem>>) src(%dma_wait3A_212 : memref<128x128xf32, #tpu.memory_space<vmem>>) dst(%dma_wait3A_209 : memref<128x128xf32, #tpu.memory_space<hbm>>)
          tpu.yield
        }) : () -> ()
      } else {
      }
      %eq3A_179 = arith.constant 15 : i32
      %eq3A_180 = arith.cmpi eq, %arg1, %eq3A_179 : i32
      %convert_element_type3A_181 = arith.extui %eq3A_180 : i1 to i32
      %cond3A_182 = arith.constant 0 : i32
      %cond3A_183 = arith.cmpi ne, %convert_element_type3A_181, %cond3A_182 : i32
      scf.if %cond3A_183 {
        "tpu.region"() ({
          %run_scoped3A_186 = tpu.sem_alloc : memref<!tpu.dma_semaphore, #tpu.memory_space<semaphore_mem>>
          %dma_start3A_187 = arith.constant 0 : i32
          %dma_start3A_188 = arith.constant 0 : i32
          %dma_start3A_189 = tpu.memref_slice %arg17[%dma_start3A_187, %dma_start3A_188] : memref<128x128xf32, #tpu.memory_space<vmem>> -> memref<16x128xf32, #tpu.memory_space<vmem>>
          %dma_start3A_190 = arith.constant 9984 : i32
          %dma_start3A_191 = arith.constant 0 : i32
          %dma_start3A_192 = tpu.memref_slice %arg19[%dma_start3A_190, %dma_start3A_191] : memref<10112x128xf32, #tpu.memory_space<vmem_shared>> -> memref<16x128xf32, #tpu.memory_space<vmem_shared>>
          %dma_start3A_193 = arith.constant 0 : i32
          %dma_start3A_194 = arith.constant 0 : i32
          %dma_start3A_195 = tpu.memref_slice %arg17[%dma_start3A_193, %dma_start3A_194] : memref<128x128xf32, #tpu.memory_space<vmem>> -> memref<16x128xf32, #tpu.memory_space<vmem>>
          %dma_start3A_196 = arith.constant 9984 : i32
          %dma_start3A_197 = arith.constant 0 : i32
          %dma_start3A_198 = tpu.memref_slice %arg19[%dma_start3A_196, %dma_start3A_197] : memref<10112x128xf32, #tpu.memory_space<vmem_shared>> -> memref<16x128xf32, #tpu.memory_space<vmem_shared>>
          tpu.enqueue_dma source(%dma_start3A_198 : memref<16x128xf32, #tpu.memory_space<vmem_shared>>) target(%dma_start3A_195 : memref<16x128xf32, #tpu.memory_space<vmem>>) target_semaphore(%run_scoped3A_186 : memref<!tpu.dma_semaphore, #tpu.memory_space<semaphore_mem>>)
          %dma_wait3A_199 = arith.constant 0 : i32
          %dma_wait3A_200 = arith.constant 0 : i32
          %dma_wait3A_201 = tpu.memref_slice %arg17[%dma_wait3A_199, %dma_wait3A_200] : memref<128x128xf32, #tpu.memory_space<vmem>> -> memref<16x128xf32, #tpu.memory_space<vmem>>
          %dma_wait3A_202 = arith.constant 9984 : i32
          %dma_wait3A_203 = arith.constant 0 : i32
          %dma_wait3A_204 = tpu.memref_slice %arg19[%dma_wait3A_202, %dma_wait3A_203] : memref<10112x128xf32, #tpu.memory_space<vmem_shared>> -> memref<16x128xf32, #tpu.memory_space<vmem_shared>>
          %dma_wait3A_205 = arith.constant 0 : i32
          %dma_wait3A_206 = arith.constant 0 : i32
          %dma_wait3A_207 = tpu.memref_slice %arg17[%dma_wait3A_205, %dma_wait3A_206] : memref<128x128xf32, #tpu.memory_space<vmem>> -> memref<16x128xf32, #tpu.memory_space<vmem>>
          %dma_wait3A_208 = arith.constant 9984 : i32
          %dma_wait3A_209 = arith.constant 0 : i32
          %dma_wait3A_210 = tpu.memref_slice %arg19[%dma_wait3A_208, %dma_wait3A_209] : memref<10112x128xf32, #tpu.memory_space<vmem_shared>> -> memref<16x128xf32, #tpu.memory_space<vmem_shared>>
          tpu.wait_dma2 semaphore(%run_scoped3A_186 : memref<!tpu.dma_semaphore, #tpu.memory_space<semaphore_mem>>) src(%dma_wait3A_210 : memref<16x128xf32, #tpu.memory_space<vmem_shared>>) dst(%dma_wait3A_207 : memref<16x128xf32, #tpu.memory_space<vmem>>)
          tpu.yield
        }) : () -> ()
        %run_scoped3A_185 = arith.constant 1 : i32
        "tpu.region"() ({
          %run_scoped3A_186 = tpu.sem_alloc : memref<!tpu.dma_semaphore, #tpu.memory_space<semaphore_mem>>
          %dma_start3A_187 = arith.constant 0 : i32
          %dma_start3A_188 = arith.constant 0 : i32
          %dma_start3A_189 = tpu.memref_slice %arg17[%dma_start3A_187, %dma_start3A_188] : memref<128x128xf32, #tpu.memory_space<vmem>> -> memref<16x128xf32, #tpu.memory_space<vmem>>
          %dma_start3A_190 = arith.constant 9984 : i32
          %dma_start3A_191 = arith.constant 0 : i32
          %dma_start3A_192 = tpu.memref_slice %arg7[%run_scoped3A_185, %dma_start3A_190, %dma_start3A_191] : memref<2x10000x128xf32, #tpu.memory_space<hbm>> -> memref<1x16x128xf32, #tpu.memory_space<hbm>>
          %dma_start3A_193 = tpu.memref_squeeze %dma_start3A_192 : memref<1x16x128xf32, #tpu.memory_space<hbm>> -> memref<16x128xf32, #tpu.memory_space<hbm>>
          %dma_start3A_194 = arith.constant 9984 : i32
          %dma_start3A_195 = arith.constant 0 : i32
          %dma_start3A_196 = tpu.memref_slice %arg7[%run_scoped3A_185, %dma_start3A_194, %dma_start3A_195] : memref<2x10000x128xf32, #tpu.memory_space<hbm>> -> memref<1x16x128xf32, #tpu.memory_space<hbm>>
          %dma_start3A_197 = tpu.memref_squeeze %dma_start3A_196 : memref<1x16x128xf32, #tpu.memory_space<hbm>> -> memref<16x128xf32, #tpu.memory_space<hbm>>
          %dma_start3A_198 = arith.constant 0 : i32
          %dma_start3A_199 = arith.constant 0 : i32
          %dma_start3A_200 = tpu.memref_slice %arg17[%dma_start3A_198, %dma_start3A_199] : memref<128x128xf32, #tpu.memory_space<vmem>> -> memref<16x128xf32, #tpu.memory_space<vmem>>
          tpu.enqueue_dma source(%dma_start3A_200 : memref<16x128xf32, #tpu.memory_space<vmem>>) target(%dma_start3A_197 : memref<16x128xf32, #tpu.memory_space<hbm>>) target_semaphore(%run_scoped3A_186 : memref<!tpu.dma_semaphore, #tpu.memory_space<semaphore_mem>>)
          %dma_wait3A_201 = arith.constant 0 : i32
          %dma_wait3A_202 = arith.constant 0 : i32
          %dma_wait3A_203 = tpu.memref_slice %arg17[%dma_wait3A_201, %dma_wait3A_202] : memref<128x128xf32, #tpu.memory_space<vmem>> -> memref<16x128xf32, #tpu.memory_space<vmem>>
          %dma_wait3A_204 = arith.constant 9984 : i32
          %dma_wait3A_205 = arith.constant 0 : i32
          %dma_wait3A_206 = tpu.memref_slice %arg7[%run_scoped3A_185, %dma_wait3A_204, %dma_wait3A_205] : memref<2x10000x128xf32, #tpu.memory_space<hbm>> -> memref<1x16x128xf32, #tpu.memory_space<hbm>>
          %dma_wait3A_207 = tpu.memref_squeeze %dma_wait3A_206 : memref<1x16x128xf32, #tpu.memory_space<hbm>> -> memref<16x128xf32, #tpu.memory_space<hbm>>
          %dma_wait3A_208 = arith.constant 9984 : i32
          %dma_wait3A_209 = arith.constant 0 : i32
          %dma_wait3A_210 = tpu.memref_slice %arg7[%run_scoped3A_185, %dma_wait3A_208, %dma_wait3A_209] : memref<2x10000x128xf32, #tpu.memory_space<hbm>> -> memref<1x16x128xf32, #tpu.memory_space<hbm>>
          %dma_wait3A_211 = tpu.memref_squeeze %dma_wait3A_210 : memref<1x16x128xf32, #tpu.memory_space<hbm>> -> memref<16x128xf32, #tpu.memory_space<hbm>>
          %dma_wait3A_212 = arith.constant 0 : i32
          %dma_wait3A_213 = arith.constant 0 : i32
          %dma_wait3A_214 = tpu.memref_slice %arg17[%dma_wait3A_212, %dma_wait3A_213] : memref<128x128xf32, #tpu.memory_space<vmem>> -> memref<16x128xf32, #tpu.memory_space<vmem>>
          tpu.wait_dma2 semaphore(%run_scoped3A_186 : memref<!tpu.dma_semaphore, #tpu.memory_space<semaphore_mem>>) src(%dma_wait3A_214 : memref<16x128xf32, #tpu.memory_space<vmem>>) dst(%dma_wait3A_211 : memref<16x128xf32, #tpu.memory_space<hbm>>)
          tpu.yield
        }) : () -> ()
      } else {
      }
      %barrier3A_184 = arith.constant 0 : index
      tpu.barrier barrier_id(%barrier3A_184)
    } else {
    }
    %eq3A_3 = arith.constant 1 : i32
    %eq3A_4 = arith.cmpi eq, %arg0, %eq3A_3 : i32
    %convert_element_type3A_5 = arith.extui %eq3A_4 : i1 to i32
    %cond3A_6 = arith.constant 0 : i32
    %cond3A_7 = arith.cmpi ne, %convert_element_type3A_5, %cond3A_6 : i32
    scf.if %cond3A_7 {
      "tpu.region"() ({
        %run_scoped3A_167 = tpu.sem_alloc : memref<!tpu.dma_semaphore, #tpu.memory_space<semaphore_mem>>
        tpu.enqueue_dma source(%arg5 : memref<128x128xf32, #tpu.memory_space<hbm>>) target(%arg17 : memref<128x128xf32, #tpu.memory_space<vmem>>) target_semaphore(%run_scoped3A_167 : memref<!tpu.dma_semaphore, #tpu.memory_space<semaphore_mem>>)
        tpu.wait_dma2 semaphore(%run_scoped3A_167 : memref<!tpu.dma_semaphore, #tpu.memory_space<semaphore_mem>>) src(%arg5 : memref<128x128xf32, #tpu.memory_space<hbm>>) dst(%arg17 : memref<128x128xf32, #tpu.memory_space<vmem>>)
        tpu.yield
      }) : () -> ()
      %add3A = arith.constant 0 : i32
      %add3A_8 = arith.addi %arg1, %add3A : i32
      %mul3A_9 = arith.constant 128 : i32
      %mul3A_10 = arith.muli %add3A_8, %mul3A_9 : i32
      "tpu.region"() ({
        %run_scoped3A_167 = tpu.sem_alloc : memref<!tpu.dma_semaphore, #tpu.memory_space<semaphore_mem>>
        %dma_start3A_168 = arith.constant 0 : i32
        %dma_start3A_169 = tpu.memref_slice %arg19[%mul3A_10, %dma_start3A_168] : memref<10112x128xf32, #tpu.memory_space<vmem_shared>> -> memref<128x128xf32, #tpu.memory_space<vmem_shared>>
        %dma_start3A_170 = arith.constant 0 : i32
        %dma_start3A_171 = tpu.memref_slice %arg19[%mul3A_10, %dma_start3A_170] : memref<10112x128xf32, #tpu.memory_space<vmem_shared>> -> memref<128x128xf32, #tpu.memory_space<vmem_shared>>
        tpu.enqueue_dma source(%arg17 : memref<128x128xf32, #tpu.memory_space<vmem>>) target(%dma_start3A_171 : memref<128x128xf32, #tpu.memory_space<vmem_shared>>) target_semaphore(%run_scoped3A_167 : memref<!tpu.dma_semaphore, #tpu.memory_space<semaphore_mem>>)
        %dma_wait3A_172 = arith.constant 0 : i32
        %dma_wait3A_173 = tpu.memref_slice %arg19[%mul3A_10, %dma_wait3A_172] : memref<10112x128xf32, #tpu.memory_space<vmem_shared>> -> memref<128x128xf32, #tpu.memory_space<vmem_shared>>
        %dma_wait3A_174 = arith.constant 0 : i32
        %dma_wait3A_175 = tpu.memref_slice %arg19[%mul3A_10, %dma_wait3A_174] : memref<10112x128xf32, #tpu.memory_space<vmem_shared>> -> memref<128x128xf32, #tpu.memory_space<vmem_shared>>
        tpu.wait_dma2 semaphore(%run_scoped3A_167 : memref<!tpu.dma_semaphore, #tpu.memory_space<semaphore_mem>>) src(%arg17 : memref<128x128xf32, #tpu.memory_space<vmem>>) dst(%dma_wait3A_175 : memref<128x128xf32, #tpu.memory_space<vmem_shared>>)
        tpu.yield
      }) : () -> ()
      %add3A_11 = arith.constant 16 : i32
      %add3A_12 = arith.addi %arg1, %add3A_11 : i32
      %mul3A_13 = arith.constant 128 : i32
      %mul3A_14 = arith.muli %add3A_12, %mul3A_13 : i32
      "tpu.region"() ({
        %run_scoped3A_167 = tpu.sem_alloc : memref<!tpu.dma_semaphore, #tpu.memory_space<semaphore_mem>>
        %dma_start3A_168 = arith.constant 0 : i32
        %dma_start3A_169 = tpu.memref_slice %arg19[%mul3A_14, %dma_start3A_168] : memref<10112x128xf32, #tpu.memory_space<vmem_shared>> -> memref<128x128xf32, #tpu.memory_space<vmem_shared>>
        %dma_start3A_170 = arith.constant 0 : i32
        %dma_start3A_171 = tpu.memref_slice %arg19[%mul3A_14, %dma_start3A_170] : memref<10112x128xf32, #tpu.memory_space<vmem_shared>> -> memref<128x128xf32, #tpu.memory_space<vmem_shared>>
        tpu.enqueue_dma source(%arg17 : memref<128x128xf32, #tpu.memory_space<vmem>>) target(%dma_start3A_171 : memref<128x128xf32, #tpu.memory_space<vmem_shared>>) target_semaphore(%run_scoped3A_167 : memref<!tpu.dma_semaphore, #tpu.memory_space<semaphore_mem>>)
        %dma_wait3A_172 = arith.constant 0 : i32
        %dma_wait3A_173 = tpu.memref_slice %arg19[%mul3A_14, %dma_wait3A_172] : memref<10112x128xf32, #tpu.memory_space<vmem_shared>> -> memref<128x128xf32, #tpu.memory_space<vmem_shared>>
        %dma_wait3A_174 = arith.constant 0 : i32
        %dma_wait3A_175 = tpu.memref_slice %arg19[%mul3A_14, %dma_wait3A_174] : memref<10112x128xf32, #tpu.memory_space<vmem_shared>> -> memref<128x128xf32, #tpu.memory_space<vmem_shared>>
        tpu.wait_dma2 semaphore(%run_scoped3A_167 : memref<!tpu.dma_semaphore, #tpu.memory_space<semaphore_mem>>) src(%arg17 : memref<128x128xf32, #tpu.memory_space<vmem>>) dst(%dma_wait3A_175 : memref<128x128xf32, #tpu.memory_space<vmem_shared>>)
        tpu.yield
      }) : () -> ()
      %add3A_15 = arith.constant 32 : i32
      %add3A_16 = arith.addi %arg1, %add3A_15 : i32
      %mul3A_17 = arith.constant 128 : i32
      %mul3A_18 = arith.muli %add3A_16, %mul3A_17 : i32
      "tpu.region"() ({
        %run_scoped3A_167 = tpu.sem_alloc : memref<!tpu.dma_semaphore, #tpu.memory_space<semaphore_mem>>
        %dma_start3A_168 = arith.constant 0 : i32
        %dma_start3A_169 = tpu.memref_slice %arg19[%mul3A_18, %dma_start3A_168] : memref<10112x128xf32, #tpu.memory_space<vmem_shared>> -> memref<128x128xf32, #tpu.memory_space<vmem_shared>>
        %dma_start3A_170 = arith.constant 0 : i32
        %dma_start3A_171 = tpu.memref_slice %arg19[%mul3A_18, %dma_start3A_170] : memref<10112x128xf32, #tpu.memory_space<vmem_shared>> -> memref<128x128xf32, #tpu.memory_space<vmem_shared>>
        tpu.enqueue_dma source(%arg17 : memref<128x128xf32, #tpu.memory_space<vmem>>) target(%dma_start3A_171 : memref<128x128xf32, #tpu.memory_space<vmem_shared>>) target_semaphore(%run_scoped3A_167 : memref<!tpu.dma_semaphore, #tpu.memory_space<semaphore_mem>>)
        %dma_wait3A_172 = arith.constant 0 : i32
        %dma_wait3A_173 = tpu.memref_slice %arg19[%mul3A_18, %dma_wait3A_172] : memref<10112x128xf32, #tpu.memory_space<vmem_shared>> -> memref<128x128xf32, #tpu.memory_space<vmem_shared>>
        %dma_wait3A_174 = arith.constant 0 : i32
        %dma_wait3A_175 = tpu.memref_slice %arg19[%mul3A_18, %dma_wait3A_174] : memref<10112x128xf32, #tpu.memory_space<vmem_shared>> -> memref<128x128xf32, #tpu.memory_space<vmem_shared>>
        tpu.wait_dma2 semaphore(%run_scoped3A_167 : memref<!tpu.dma_semaphore, #tpu.memory_space<semaphore_mem>>) src(%arg17 : memref<128x128xf32, #tpu.memory_space<vmem>>) dst(%dma_wait3A_175 : memref<128x128xf32, #tpu.memory_space<vmem_shared>>)
        tpu.yield
      }) : () -> ()
      %add3A_19 = arith.constant 48 : i32
      %add3A_20 = arith.addi %arg1, %add3A_19 : i32
      %mul3A_21 = arith.constant 128 : i32
      %mul3A_22 = arith.muli %add3A_20, %mul3A_21 : i32
      "tpu.region"() ({
        %run_scoped3A_167 = tpu.sem_alloc : memref<!tpu.dma_semaphore, #tpu.memory_space<semaphore_mem>>
        %dma_start3A_168 = arith.constant 0 : i32
        %dma_start3A_169 = tpu.memref_slice %arg19[%mul3A_22, %dma_start3A_168] : memref<10112x128xf32, #tpu.memory_space<vmem_shared>> -> memref<128x128xf32, #tpu.memory_space<vmem_shared>>
        %dma_start3A_170 = arith.constant 0 : i32
        %dma_start3A_171 = tpu.memref_slice %arg19[%mul3A_22, %dma_start3A_170] : memref<10112x128xf32, #tpu.memory_space<vmem_shared>> -> memref<128x128xf32, #tpu.memory_space<vmem_shared>>
        tpu.enqueue_dma source(%arg17 : memref<128x128xf32, #tpu.memory_space<vmem>>) target(%dma_start3A_171 : memref<128x128xf32, #tpu.memory_space<vmem_shared>>) target_semaphore(%run_scoped3A_167 : memref<!tpu.dma_semaphore, #tpu.memory_space<semaphore_mem>>)
        %dma_wait3A_172 = arith.constant 0 : i32
        %dma_wait3A_173 = tpu.memref_slice %arg19[%mul3A_22, %dma_wait3A_172] : memref<10112x128xf32, #tpu.memory_space<vmem_shared>> -> memref<128x128xf32, #tpu.memory_space<vmem_shared>>
        %dma_wait3A_174 = arith.constant 0 : i32
        %dma_wait3A_175 = tpu.memref_slice %arg19[%mul3A_22, %dma_wait3A_174] : memref<10112x128xf32, #tpu.memory_space<vmem_shared>> -> memref<128x128xf32, #tpu.memory_space<vmem_shared>>
        tpu.wait_dma2 semaphore(%run_scoped3A_167 : memref<!tpu.dma_semaphore, #tpu.memory_space<semaphore_mem>>) src(%arg17 : memref<128x128xf32, #tpu.memory_space<vmem>>) dst(%dma_wait3A_175 : memref<128x128xf32, #tpu.memory_space<vmem_shared>>)
        tpu.yield
      }) : () -> ()
      %add3A_23 = arith.constant 64 : i32
      %add3A_24 = arith.addi %arg1, %add3A_23 : i32
      %lt3A = arith.constant 79 : i32
      %lt3A_25 = arith.cmpi slt, %add3A_24, %lt3A : i32
      %convert_element_type3A_26 = arith.extui %lt3A_25 : i1 to i32
      %cond3A_27 = arith.constant 0 : i32
      %cond3A_28 = arith.cmpi ne, %convert_element_type3A_26, %cond3A_27 : i32
      scf.if %cond3A_28 {
        %mul3A_167 = arith.constant 128 : i32
        %mul3A_168 = arith.muli %add3A_24, %mul3A_167 : i32
        "tpu.region"() ({
          %run_scoped3A_169 = tpu.sem_alloc : memref<!tpu.dma_semaphore, #tpu.memory_space<semaphore_mem>>
          %dma_start3A_170 = arith.constant 0 : i32
          %dma_start3A_171 = tpu.memref_slice %arg19[%mul3A_168, %dma_start3A_170] : memref<10112x128xf32, #tpu.memory_space<vmem_shared>> -> memref<128x128xf32, #tpu.memory_space<vmem_shared>>
          %dma_start3A_172 = arith.constant 0 : i32
          %dma_start3A_173 = tpu.memref_slice %arg19[%mul3A_168, %dma_start3A_172] : memref<10112x128xf32, #tpu.memory_space<vmem_shared>> -> memref<128x128xf32, #tpu.memory_space<vmem_shared>>
          tpu.enqueue_dma source(%arg17 : memref<128x128xf32, #tpu.memory_space<vmem>>) target(%dma_start3A_173 : memref<128x128xf32, #tpu.memory_space<vmem_shared>>) target_semaphore(%run_scoped3A_169 : memref<!tpu.dma_semaphore, #tpu.memory_space<semaphore_mem>>)
          %dma_wait3A_174 = arith.constant 0 : i32
          %dma_wait3A_175 = tpu.memref_slice %arg19[%mul3A_168, %dma_wait3A_174] : memref<10112x128xf32, #tpu.memory_space<vmem_shared>> -> memref<128x128xf32, #tpu.memory_space<vmem_shared>>
          %dma_wait3A_176 = arith.constant 0 : i32
          %dma_wait3A_177 = tpu.memref_slice %arg19[%mul3A_168, %dma_wait3A_176] : memref<10112x128xf32, #tpu.memory_space<vmem_shared>> -> memref<128x128xf32, #tpu.memory_space<vmem_shared>>
          tpu.wait_dma2 semaphore(%run_scoped3A_169 : memref<!tpu.dma_semaphore, #tpu.memory_space<semaphore_mem>>) src(%arg17 : memref<128x128xf32, #tpu.memory_space<vmem>>) dst(%dma_wait3A_177 : memref<128x128xf32, #tpu.memory_space<vmem_shared>>)
          tpu.yield
        }) : () -> ()
      } else {
      }
      "tpu.region"() ({
        %run_scoped3A_167 = tpu.sem_alloc : memref<!tpu.dma_semaphore, #tpu.memory_space<semaphore_mem>>
        tpu.enqueue_dma source(%arg6 : memref<128x128xf32, #tpu.memory_space<hbm>>) target(%arg18 : memref<128x128xf32, #tpu.memory_space<vmem>>) target_semaphore(%run_scoped3A_167 : memref<!tpu.dma_semaphore, #tpu.memory_space<semaphore_mem>>)
        tpu.wait_dma2 semaphore(%run_scoped3A_167 : memref<!tpu.dma_semaphore, #tpu.memory_space<semaphore_mem>>) src(%arg6 : memref<128x128xf32, #tpu.memory_space<hbm>>) dst(%arg18 : memref<128x128xf32, #tpu.memory_space<vmem>>)
        tpu.yield
      }) : () -> ()
      %barrier3A = arith.constant 0 : index
      tpu.barrier barrier_id(%barrier3A)
      %add3A_29 = arith.constant 0 : i32
      %add3A_30 = arith.addi %mul3A_0, %add3A_29 : i32
      %run_scoped3A = arith.constant 0 : i32
      "tpu.region"() ({
        %run_scoped3A_167 = tpu.sem_alloc : memref<!tpu.dma_semaphore, #tpu.memory_space<semaphore_mem>>
        %dma_start3A_168 = tpu.memref_slice %arg3[%run_scoped3A, %add3A_30] : memref<2x321536xi32, #tpu.memory_space<hbm>> -> memref<1x128xi32, #tpu.memory_space<hbm>>
        %dma_start3A_169 = tpu.memref_squeeze %dma_start3A_168 : memref<1x128xi32, #tpu.memory_space<hbm>> -> memref<128xi32, #tpu.memory_space<hbm>>
        %dma_start3A_170 = tpu.memref_slice %arg3[%run_scoped3A, %add3A_30] : memref<2x321536xi32, #tpu.memory_space<hbm>> -> memref<1x128xi32, #tpu.memory_space<hbm>>
        %dma_start3A_171 = tpu.memref_squeeze %dma_start3A_170 : memref<1x128xi32, #tpu.memory_space<hbm>> -> memref<128xi32, #tpu.memory_space<hbm>>
        tpu.enqueue_dma source(%dma_start3A_171 : memref<128xi32, #tpu.memory_space<hbm>>) target(%arg9 : memref<128xi32, #tpu.memory_space<vmem>>) target_semaphore(%run_scoped3A_167 : memref<!tpu.dma_semaphore, #tpu.memory_space<semaphore_mem>>)
        %dma_wait3A_172 = tpu.memref_slice %arg3[%run_scoped3A, %add3A_30] : memref<2x321536xi32, #tpu.memory_space<hbm>> -> memref<1x128xi32, #tpu.memory_space<hbm>>
        %dma_wait3A_173 = tpu.memref_squeeze %dma_wait3A_172 : memref<1x128xi32, #tpu.memory_space<hbm>> -> memref<128xi32, #tpu.memory_space<hbm>>
        %dma_wait3A_174 = tpu.memref_slice %arg3[%run_scoped3A, %add3A_30] : memref<2x321536xi32, #tpu.memory_space<hbm>> -> memref<1x128xi32, #tpu.memory_space<hbm>>
        %dma_wait3A_175 = tpu.memref_squeeze %dma_wait3A_174 : memref<1x128xi32, #tpu.memory_space<hbm>> -> memref<128xi32, #tpu.memory_space<hbm>>
        tpu.wait_dma2 semaphore(%run_scoped3A_167 : memref<!tpu.dma_semaphore, #tpu.memory_space<semaphore_mem>>) src(%dma_wait3A_175 : memref<128xi32, #tpu.memory_space<hbm>>) dst(%arg9 : memref<128xi32, #tpu.memory_space<vmem>>)
        tpu.yield
      }) : () -> ()
      %add3A_31 = arith.constant 0 : i32
      %add3A_32 = arith.addi %mul3A_0, %add3A_31 : i32
      %run_scoped3A_33 = arith.constant 0 : i32
      "tpu.region"() ({
        %run_scoped3A_167 = tpu.sem_alloc : memref<!tpu.dma_semaphore, #tpu.memory_space<semaphore_mem>>
        %dma_start3A_168 = tpu.memref_slice %arg4[%run_scoped3A_33, %add3A_32] : memref<2x321536xi32, #tpu.memory_space<hbm>> -> memref<1x128xi32, #tpu.memory_space<hbm>>
        %dma_start3A_169 = tpu.memref_squeeze %dma_start3A_168 : memref<1x128xi32, #tpu.memory_space<hbm>> -> memref<128xi32, #tpu.memory_space<hbm>>
        %dma_start3A_170 = tpu.memref_slice %arg4[%run_scoped3A_33, %add3A_32] : memref<2x321536xi32, #tpu.memory_space<hbm>> -> memref<1x128xi32, #tpu.memory_space<hbm>>
        %dma_start3A_171 = tpu.memref_squeeze %dma_start3A_170 : memref<1x128xi32, #tpu.memory_space<hbm>> -> memref<128xi32, #tpu.memory_space<hbm>>
        tpu.enqueue_dma source(%dma_start3A_171 : memref<128xi32, #tpu.memory_space<hbm>>) target(%arg13 : memref<128xi32, #tpu.memory_space<vmem>>) target_semaphore(%run_scoped3A_167 : memref<!tpu.dma_semaphore, #tpu.memory_space<semaphore_mem>>)
        %dma_wait3A_172 = tpu.memref_slice %arg4[%run_scoped3A_33, %add3A_32] : memref<2x321536xi32, #tpu.memory_space<hbm>> -> memref<1x128xi32, #tpu.memory_space<hbm>>
        %dma_wait3A_173 = tpu.memref_squeeze %dma_wait3A_172 : memref<1x128xi32, #tpu.memory_space<hbm>> -> memref<128xi32, #tpu.memory_space<hbm>>
        %dma_wait3A_174 = tpu.memref_slice %arg4[%run_scoped3A_33, %add3A_32] : memref<2x321536xi32, #tpu.memory_space<hbm>> -> memref<1x128xi32, #tpu.memory_space<hbm>>
        %dma_wait3A_175 = tpu.memref_squeeze %dma_wait3A_174 : memref<1x128xi32, #tpu.memory_space<hbm>> -> memref<128xi32, #tpu.memory_space<hbm>>
        tpu.wait_dma2 semaphore(%run_scoped3A_167 : memref<!tpu.dma_semaphore, #tpu.memory_space<semaphore_mem>>) src(%dma_wait3A_175 : memref<128xi32, #tpu.memory_space<hbm>>) dst(%arg13 : memref<128xi32, #tpu.memory_space<vmem>>)
        tpu.yield
      }) : () -> ()
      %add3A_34 = arith.constant 128 : i32
      %add3A_35 = arith.addi %mul3A_0, %add3A_34 : i32
      %run_scoped3A_36 = arith.constant 0 : i32
      "tpu.region"() ({
        %run_scoped3A_167 = tpu.sem_alloc : memref<!tpu.dma_semaphore, #tpu.memory_space<semaphore_mem>>
        %dma_start3A_168 = tpu.memref_slice %arg3[%run_scoped3A_36, %add3A_35] : memref<2x321536xi32, #tpu.memory_space<hbm>> -> memref<1x128xi32, #tpu.memory_space<hbm>>
        %dma_start3A_169 = tpu.memref_squeeze %dma_start3A_168 : memref<1x128xi32, #tpu.memory_space<hbm>> -> memref<128xi32, #tpu.memory_space<hbm>>
        %dma_start3A_170 = tpu.memref_slice %arg3[%run_scoped3A_36, %add3A_35] : memref<2x321536xi32, #tpu.memory_space<hbm>> -> memref<1x128xi32, #tpu.memory_space<hbm>>
        %dma_start3A_171 = tpu.memref_squeeze %dma_start3A_170 : memref<1x128xi32, #tpu.memory_space<hbm>> -> memref<128xi32, #tpu.memory_space<hbm>>
        tpu.enqueue_dma source(%dma_start3A_171 : memref<128xi32, #tpu.memory_space<hbm>>) target(%arg10 : memref<128xi32, #tpu.memory_space<vmem>>) target_semaphore(%run_scoped3A_167 : memref<!tpu.dma_semaphore, #tpu.memory_space<semaphore_mem>>)
        %dma_wait3A_172 = tpu.memref_slice %arg3[%run_scoped3A_36, %add3A_35] : memref<2x321536xi32, #tpu.memory_space<hbm>> -> memref<1x128xi32, #tpu.memory_space<hbm>>
        %dma_wait3A_173 = tpu.memref_squeeze %dma_wait3A_172 : memref<1x128xi32, #tpu.memory_space<hbm>> -> memref<128xi32, #tpu.memory_space<hbm>>
        %dma_wait3A_174 = tpu.memref_slice %arg3[%run_scoped3A_36, %add3A_35] : memref<2x321536xi32, #tpu.memory_space<hbm>> -> memref<1x128xi32, #tpu.memory_space<hbm>>
        %dma_wait3A_175 = tpu.memref_squeeze %dma_wait3A_174 : memref<1x128xi32, #tpu.memory_space<hbm>> -> memref<128xi32, #tpu.memory_space<hbm>>
        tpu.wait_dma2 semaphore(%run_scoped3A_167 : memref<!tpu.dma_semaphore, #tpu.memory_space<semaphore_mem>>) src(%dma_wait3A_175 : memref<128xi32, #tpu.memory_space<hbm>>) dst(%arg10 : memref<128xi32, #tpu.memory_space<vmem>>)
        tpu.yield
      }) : () -> ()
      %add3A_37 = arith.constant 128 : i32
      %add3A_38 = arith.addi %mul3A_0, %add3A_37 : i32
      %run_scoped3A_39 = arith.constant 0 : i32
      "tpu.region"() ({
        %run_scoped3A_167 = tpu.sem_alloc : memref<!tpu.dma_semaphore, #tpu.memory_space<semaphore_mem>>
        %dma_start3A_168 = tpu.memref_slice %arg4[%run_scoped3A_39, %add3A_38] : memref<2x321536xi32, #tpu.memory_space<hbm>> -> memref<1x128xi32, #tpu.memory_space<hbm>>
        %dma_start3A_169 = tpu.memref_squeeze %dma_start3A_168 : memref<1x128xi32, #tpu.memory_space<hbm>> -> memref<128xi32, #tpu.memory_space<hbm>>
        %dma_start3A_170 = tpu.memref_slice %arg4[%run_scoped3A_39, %add3A_38] : memref<2x321536xi32, #tpu.memory_space<hbm>> -> memref<1x128xi32, #tpu.memory_space<hbm>>
        %dma_start3A_171 = tpu.memref_squeeze %dma_start3A_170 : memref<1x128xi32, #tpu.memory_space<hbm>> -> memref<128xi32, #tpu.memory_space<hbm>>
        tpu.enqueue_dma source(%dma_start3A_171 : memref<128xi32, #tpu.memory_space<hbm>>) target(%arg14 : memref<128xi32, #tpu.memory_space<vmem>>) target_semaphore(%run_scoped3A_167 : memref<!tpu.dma_semaphore, #tpu.memory_space<semaphore_mem>>)
        %dma_wait3A_172 = tpu.memref_slice %arg4[%run_scoped3A_39, %add3A_38] : memref<2x321536xi32, #tpu.memory_space<hbm>> -> memref<1x128xi32, #tpu.memory_space<hbm>>
        %dma_wait3A_173 = tpu.memref_squeeze %dma_wait3A_172 : memref<1x128xi32, #tpu.memory_space<hbm>> -> memref<128xi32, #tpu.memory_space<hbm>>
        %dma_wait3A_174 = tpu.memref_slice %arg4[%run_scoped3A_39, %add3A_38] : memref<2x321536xi32, #tpu.memory_space<hbm>> -> memref<1x128xi32, #tpu.memory_space<hbm>>
        %dma_wait3A_175 = tpu.memref_squeeze %dma_wait3A_174 : memref<1x128xi32, #tpu.memory_space<hbm>> -> memref<128xi32, #tpu.memory_space<hbm>>
        tpu.wait_dma2 semaphore(%run_scoped3A_167 : memref<!tpu.dma_semaphore, #tpu.memory_space<semaphore_mem>>) src(%dma_wait3A_175 : memref<128xi32, #tpu.memory_space<hbm>>) dst(%arg14 : memref<128xi32, #tpu.memory_space<vmem>>)
        tpu.yield
      }) : () -> ()
      %add3A_40 = arith.constant 256 : i32
      %add3A_41 = arith.addi %mul3A_0, %add3A_40 : i32
      %run_scoped3A_42 = arith.constant 0 : i32
      "tpu.region"() ({
        %run_scoped3A_167 = tpu.sem_alloc : memref<!tpu.dma_semaphore, #tpu.memory_space<semaphore_mem>>
        %dma_start3A_168 = tpu.memref_slice %arg3[%run_scoped3A_42, %add3A_41] : memref<2x321536xi32, #tpu.memory_space<hbm>> -> memref<1x128xi32, #tpu.memory_space<hbm>>
        %dma_start3A_169 = tpu.memref_squeeze %dma_start3A_168 : memref<1x128xi32, #tpu.memory_space<hbm>> -> memref<128xi32, #tpu.memory_space<hbm>>
        %dma_start3A_170 = tpu.memref_slice %arg3[%run_scoped3A_42, %add3A_41] : memref<2x321536xi32, #tpu.memory_space<hbm>> -> memref<1x128xi32, #tpu.memory_space<hbm>>
        %dma_start3A_171 = tpu.memref_squeeze %dma_start3A_170 : memref<1x128xi32, #tpu.memory_space<hbm>> -> memref<128xi32, #tpu.memory_space<hbm>>
        tpu.enqueue_dma source(%dma_start3A_171 : memref<128xi32, #tpu.memory_space<hbm>>) target(%arg11 : memref<128xi32, #tpu.memory_space<vmem>>) target_semaphore(%run_scoped3A_167 : memref<!tpu.dma_semaphore, #tpu.memory_space<semaphore_mem>>)
        %dma_wait3A_172 = tpu.memref_slice %arg3[%run_scoped3A_42, %add3A_41] : memref<2x321536xi32, #tpu.memory_space<hbm>> -> memref<1x128xi32, #tpu.memory_space<hbm>>
        %dma_wait3A_173 = tpu.memref_squeeze %dma_wait3A_172 : memref<1x128xi32, #tpu.memory_space<hbm>> -> memref<128xi32, #tpu.memory_space<hbm>>
        %dma_wait3A_174 = tpu.memref_slice %arg3[%run_scoped3A_42, %add3A_41] : memref<2x321536xi32, #tpu.memory_space<hbm>> -> memref<1x128xi32, #tpu.memory_space<hbm>>
        %dma_wait3A_175 = tpu.memref_squeeze %dma_wait3A_174 : memref<1x128xi32, #tpu.memory_space<hbm>> -> memref<128xi32, #tpu.memory_space<hbm>>
        tpu.wait_dma2 semaphore(%run_scoped3A_167 : memref<!tpu.dma_semaphore, #tpu.memory_space<semaphore_mem>>) src(%dma_wait3A_175 : memref<128xi32, #tpu.memory_space<hbm>>) dst(%arg11 : memref<128xi32, #tpu.memory_space<vmem>>)
        tpu.yield
      }) : () -> ()
      %add3A_43 = arith.constant 256 : i32
      %add3A_44 = arith.addi %mul3A_0, %add3A_43 : i32
      %run_scoped3A_45 = arith.constant 0 : i32
      "tpu.region"() ({
        %run_scoped3A_167 = tpu.sem_alloc : memref<!tpu.dma_semaphore, #tpu.memory_space<semaphore_mem>>
        %dma_start3A_168 = tpu.memref_slice %arg4[%run_scoped3A_45, %add3A_44] : memref<2x321536xi32, #tpu.memory_space<hbm>> -> memref<1x128xi32, #tpu.memory_space<hbm>>
        %dma_start3A_169 = tpu.memref_squeeze %dma_start3A_168 : memref<1x128xi32, #tpu.memory_space<hbm>> -> memref<128xi32, #tpu.memory_space<hbm>>
        %dma_start3A_170 = tpu.memref_slice %arg4[%run_scoped3A_45, %add3A_44] : memref<2x321536xi32, #tpu.memory_space<hbm>> -> memref<1x128xi32, #tpu.memory_space<hbm>>
        %dma_start3A_171 = tpu.memref_squeeze %dma_start3A_170 : memref<1x128xi32, #tpu.memory_space<hbm>> -> memref<128xi32, #tpu.memory_space<hbm>>
        tpu.enqueue_dma source(%dma_start3A_171 : memref<128xi32, #tpu.memory_space<hbm>>) target(%arg15 : memref<128xi32, #tpu.memory_space<vmem>>) target_semaphore(%run_scoped3A_167 : memref<!tpu.dma_semaphore, #tpu.memory_space<semaphore_mem>>)
        %dma_wait3A_172 = tpu.memref_slice %arg4[%run_scoped3A_45, %add3A_44] : memref<2x321536xi32, #tpu.memory_space<hbm>> -> memref<1x128xi32, #tpu.memory_space<hbm>>
        %dma_wait3A_173 = tpu.memref_squeeze %dma_wait3A_172 : memref<1x128xi32, #tpu.memory_space<hbm>> -> memref<128xi32, #tpu.memory_space<hbm>>
        %dma_wait3A_174 = tpu.memref_slice %arg4[%run_scoped3A_45, %add3A_44] : memref<2x321536xi32, #tpu.memory_space<hbm>> -> memref<1x128xi32, #tpu.memory_space<hbm>>
        %dma_wait3A_175 = tpu.memref_squeeze %dma_wait3A_174 : memref<1x128xi32, #tpu.memory_space<hbm>> -> memref<128xi32, #tpu.memory_space<hbm>>
        tpu.wait_dma2 semaphore(%run_scoped3A_167 : memref<!tpu.dma_semaphore, #tpu.memory_space<semaphore_mem>>) src(%dma_wait3A_175 : memref<128xi32, #tpu.memory_space<hbm>>) dst(%arg15 : memref<128xi32, #tpu.memory_space<vmem>>)
        tpu.yield
      }) : () -> ()
      %add3A_46 = arith.constant 384 : i32
      %add3A_47 = arith.addi %mul3A_0, %add3A_46 : i32
      %run_scoped3A_48 = arith.constant 0 : i32
      "tpu.region"() ({
        %run_scoped3A_167 = tpu.sem_alloc : memref<!tpu.dma_semaphore, #tpu.memory_space<semaphore_mem>>
        %dma_start3A_168 = tpu.memref_slice %arg3[%run_scoped3A_48, %add3A_47] : memref<2x321536xi32, #tpu.memory_space<hbm>> -> memref<1x128xi32, #tpu.memory_space<hbm>>
        %dma_start3A_169 = tpu.memref_squeeze %dma_start3A_168 : memref<1x128xi32, #tpu.memory_space<hbm>> -> memref<128xi32, #tpu.memory_space<hbm>>
        %dma_start3A_170 = tpu.memref_slice %arg3[%run_scoped3A_48, %add3A_47] : memref<2x321536xi32, #tpu.memory_space<hbm>> -> memref<1x128xi32, #tpu.memory_space<hbm>>
        %dma_start3A_171 = tpu.memref_squeeze %dma_start3A_170 : memref<1x128xi32, #tpu.memory_space<hbm>> -> memref<128xi32, #tpu.memory_space<hbm>>
        tpu.enqueue_dma source(%dma_start3A_171 : memref<128xi32, #tpu.memory_space<hbm>>) target(%arg12 : memref<128xi32, #tpu.memory_space<vmem>>) target_semaphore(%run_scoped3A_167 : memref<!tpu.dma_semaphore, #tpu.memory_space<semaphore_mem>>)
        %dma_wait3A_172 = tpu.memref_slice %arg3[%run_scoped3A_48, %add3A_47] : memref<2x321536xi32, #tpu.memory_space<hbm>> -> memref<1x128xi32, #tpu.memory_space<hbm>>
        %dma_wait3A_173 = tpu.memref_squeeze %dma_wait3A_172 : memref<1x128xi32, #tpu.memory_space<hbm>> -> memref<128xi32, #tpu.memory_space<hbm>>
        %dma_wait3A_174 = tpu.memref_slice %arg3[%run_scoped3A_48, %add3A_47] : memref<2x321536xi32, #tpu.memory_space<hbm>> -> memref<1x128xi32, #tpu.memory_space<hbm>>
        %dma_wait3A_175 = tpu.memref_squeeze %dma_wait3A_174 : memref<1x128xi32, #tpu.memory_space<hbm>> -> memref<128xi32, #tpu.memory_space<hbm>>
        tpu.wait_dma2 semaphore(%run_scoped3A_167 : memref<!tpu.dma_semaphore, #tpu.memory_space<semaphore_mem>>) src(%dma_wait3A_175 : memref<128xi32, #tpu.memory_space<hbm>>) dst(%arg12 : memref<128xi32, #tpu.memory_space<vmem>>)
        tpu.yield
      }) : () -> ()
      %add3A_49 = arith.constant 384 : i32
      %add3A_50 = arith.addi %mul3A_0, %add3A_49 : i32
      %run_scoped3A_51 = arith.constant 0 : i32
      "tpu.region"() ({
        %run_scoped3A_167 = tpu.sem_alloc : memref<!tpu.dma_semaphore, #tpu.memory_space<semaphore_mem>>
        %dma_start3A_168 = tpu.memref_slice %arg4[%run_scoped3A_51, %add3A_50] : memref<2x321536xi32, #tpu.memory_space<hbm>> -> memref<1x128xi32, #tpu.memory_space<hbm>>
        %dma_start3A_169 = tpu.memref_squeeze %dma_start3A_168 : memref<1x128xi32, #tpu.memory_space<hbm>> -> memref<128xi32, #tpu.memory_space<hbm>>
        %dma_start3A_170 = tpu.memref_slice %arg4[%run_scoped3A_51, %add3A_50] : memref<2x321536xi32, #tpu.memory_space<hbm>> -> memref<1x128xi32, #tpu.memory_space<hbm>>
        %dma_start3A_171 = tpu.memref_squeeze %dma_start3A_170 : memref<1x128xi32, #tpu.memory_space<hbm>> -> memref<128xi32, #tpu.memory_space<hbm>>
        tpu.enqueue_dma source(%dma_start3A_171 : memref<128xi32, #tpu.memory_space<hbm>>) target(%arg16 : memref<128xi32, #tpu.memory_space<vmem>>) target_semaphore(%run_scoped3A_167 : memref<!tpu.dma_semaphore, #tpu.memory_space<semaphore_mem>>)
        %dma_wait3A_172 = tpu.memref_slice %arg4[%run_scoped3A_51, %add3A_50] : memref<2x321536xi32, #tpu.memory_space<hbm>> -> memref<1x128xi32, #tpu.memory_space<hbm>>
        %dma_wait3A_173 = tpu.memref_squeeze %dma_wait3A_172 : memref<1x128xi32, #tpu.memory_space<hbm>> -> memref<128xi32, #tpu.memory_space<hbm>>
        %dma_wait3A_174 = tpu.memref_slice %arg4[%run_scoped3A_51, %add3A_50] : memref<2x321536xi32, #tpu.memory_space<hbm>> -> memref<1x128xi32, #tpu.memory_space<hbm>>
        %dma_wait3A_175 = tpu.memref_squeeze %dma_wait3A_174 : memref<1x128xi32, #tpu.memory_space<hbm>> -> memref<128xi32, #tpu.memory_space<hbm>>
        tpu.wait_dma2 semaphore(%run_scoped3A_167 : memref<!tpu.dma_semaphore, #tpu.memory_space<semaphore_mem>>) src(%dma_wait3A_175 : memref<128xi32, #tpu.memory_space<hbm>>) dst(%arg16 : memref<128xi32, #tpu.memory_space<vmem>>)
        tpu.yield
      }) : () -> ()
      %dma_start3A = arith.constant 0 : i32
      %dma_start3A_52 = arith.constant 0 : i32
      %dma_start3A_53 = tpu.memref_slice %arg19[%dma_start3A, %dma_start3A_52] : memref<10112x128xf32, #tpu.memory_space<vmem_shared>> -> memref<10112x128xf32, #tpu.memory_space<vmem_shared>>
      tpu.enqueue_indirect_dma source(%arg18 : memref<128x128xf32, #tpu.memory_space<vmem>>) target(%dma_start3A_53 : memref<10112x128xf32, #tpu.memory_space<vmem_shared>>) offsets(%arg13 : memref<128xi32, #tpu.memory_space<vmem>>) semaphore(%arg22 : memref<!tpu.dma_semaphore, #tpu.memory_space<semaphore_mem>>) {add = true}
      %scan3A = arith.constant 0 : i32
      %scan3A_54 = arith.constant 0 : i32
      %scan3A_55 = arith.constant 39 : i32
      %scan3A_56 = arith.addi %scan3A_54, %scan3A_55 : i32
      %scan3A_57 = arith.constant 1 : i32
      %scan3A_58 = scf.for %scan3A_167 = %scan3A_54 to %scan3A_56 step %scan3A_57 iter_args(%scan3A_168 = %scan3A) -> (i32)  : i32 {
        %mul3A_169 = arith.constant 4 : i32
        %mul3A_170 = arith.muli %mul3A_169, %scan3A_167 : i32
        %add3A_171 = arith.constant 1 : i32
        %add3A_172 = arith.addi %mul3A_170, %add3A_171 : i32
        %add3A_173 = arith.constant 0 : i32
        %add3A_174 = arith.addi %add3A_172, %add3A_173 : i32
        %ge3A = arith.constant 4 : i32
        %ge3A_175 = arith.cmpi sge, %add3A_174, %ge3A : i32
        %convert_element_type3A_176 = arith.extui %ge3A_175 : i1 to i32
        %cond3A_177 = arith.constant 0 : i32
        %cond3A_178 = arith.cmpi ne, %convert_element_type3A_176, %cond3A_177 : i32
        scf.if %cond3A_178 {
          %dma_wait3A_265 = arith.constant 0 : i32
          %dma_wait3A_266 = tpu.memref_slice %arg4[%dma_wait3A_265, %mul3A_0] : memref<2x321536xi32, #tpu.memory_space<hbm>> -> memref<1x128xi32, #tpu.memory_space<hbm>>
          %dma_wait3A_267 = tpu.memref_squeeze %dma_wait3A_266 : memref<1x128xi32, #tpu.memory_space<hbm>> -> memref<128xi32, #tpu.memory_space<hbm>>
          %dma_wait3A_268 = tpu.memref_slice %arg4[%dma_wait3A_265, %mul3A_0] : memref<2x321536xi32, #tpu.memory_space<hbm>> -> memref<1x128xi32, #tpu.memory_space<hbm>>
          %dma_wait3A_269 = tpu.memref_squeeze %dma_wait3A_268 : memref<1x128xi32, #tpu.memory_space<hbm>> -> memref<128xi32, #tpu.memory_space<hbm>>
          tpu.wait_dma2 semaphore(%arg25 : memref<!tpu.dma_semaphore, #tpu.memory_space<semaphore_mem>>) src(%dma_wait3A_269 : memref<128xi32, #tpu.memory_space<hbm>>) dst(%arg14 : memref<128xi32, #tpu.memory_space<vmem>>)
        } else {
        }
        %dma_start3A_179 = arith.constant 0 : i32
        %dma_start3A_180 = arith.constant 0 : i32
        %dma_start3A_181 = tpu.memref_slice %arg19[%dma_start3A_179, %dma_start3A_180] : memref<10112x128xf32, #tpu.memory_space<vmem_shared>> -> memref<10112x128xf32, #tpu.memory_space<vmem_shared>>
        tpu.enqueue_indirect_dma source(%arg18 : memref<128x128xf32, #tpu.memory_space<vmem>>) target(%dma_start3A_181 : memref<10112x128xf32, #tpu.memory_space<vmem_shared>>) offsets(%arg14 : memref<128xi32, #tpu.memory_space<vmem>>) semaphore(%arg23 : memref<!tpu.dma_semaphore, #tpu.memory_space<semaphore_mem>>) {add = true}
        %dma_wait3A_182 = arith.constant 0 : i32
        %dma_wait3A_183 = arith.constant 0 : i32
        %dma_wait3A_184 = tpu.memref_slice %arg19[%dma_wait3A_182, %dma_wait3A_183] : memref<10112x128xf32, #tpu.memory_space<vmem_shared>> -> memref<10112x128xf32, #tpu.memory_space<vmem_shared>>
        tpu.wait_indirect_dma semaphore(%arg22 : memref<!tpu.dma_semaphore, #tpu.memory_space<semaphore_mem>>) src(%arg18 : memref<128x128xf32, #tpu.memory_space<vmem>>) dst(%dma_wait3A_184 : memref<10112x128xf32, #tpu.memory_space<vmem_shared>>)
        %add3A_185 = arith.constant 3 : i32
        %add3A_186 = arith.addi %add3A_174, %add3A_185 : i32
        %lt3A_187 = arith.constant 157 : i32
        %lt3A_188 = arith.cmpi slt, %add3A_186, %lt3A_187 : i32
        %convert_element_type3A_189 = arith.extui %lt3A_188 : i1 to i32
        %cond3A_190 = arith.constant 0 : i32
        %cond3A_191 = arith.cmpi ne, %convert_element_type3A_189, %cond3A_190 : i32
        scf.if %cond3A_191 {
          %add3A_265 = arith.constant 3 : i32
          %add3A_266 = arith.addi %add3A_174, %add3A_265 : i32
          %mul3A_267 = arith.constant 128 : i32
          %mul3A_268 = arith.muli %add3A_266, %mul3A_267 : i32
          %add3A_269 = arith.addi %mul3A_0, %mul3A_268 : i32
          %dma_start3A_270 = arith.constant 0 : i32
          %dma_start3A_271 = tpu.memref_slice %arg4[%dma_start3A_270, %add3A_269] : memref<2x321536xi32, #tpu.memory_space<hbm>> -> memref<1x128xi32, #tpu.memory_space<hbm>>
          %dma_start3A_272 = tpu.memref_squeeze %dma_start3A_271 : memref<1x128xi32, #tpu.memory_space<hbm>> -> memref<128xi32, #tpu.memory_space<hbm>>
          %dma_start3A_273 = tpu.memref_slice %arg4[%dma_start3A_270, %add3A_269] : memref<2x321536xi32, #tpu.memory_space<hbm>> -> memref<1x128xi32, #tpu.memory_space<hbm>>
          %dma_start3A_274 = tpu.memref_squeeze %dma_start3A_273 : memref<1x128xi32, #tpu.memory_space<hbm>> -> memref<128xi32, #tpu.memory_space<hbm>>
          tpu.enqueue_dma source(%dma_start3A_274 : memref<128xi32, #tpu.memory_space<hbm>>) target(%arg13 : memref<128xi32, #tpu.memory_space<vmem>>) target_semaphore(%arg24 : memref<!tpu.dma_semaphore, #tpu.memory_space<semaphore_mem>>)
        } else {
        }
        %mul3A_192 = arith.constant 4 : i32
        %mul3A_193 = arith.muli %mul3A_192, %scan3A_167 : i32
        %add3A_194 = arith.constant 1 : i32
        %add3A_195 = arith.addi %mul3A_193, %add3A_194 : i32
        %add3A_196 = arith.constant 1 : i32
        %add3A_197 = arith.addi %add3A_195, %add3A_196 : i32
        %ge3A_198 = arith.constant 4 : i32
        %ge3A_199 = arith.cmpi sge, %add3A_197, %ge3A_198 : i32
        %convert_element_type3A_200 = arith.extui %ge3A_199 : i1 to i32
        %cond3A_201 = arith.constant 0 : i32
        %cond3A_202 = arith.cmpi ne, %convert_element_type3A_200, %cond3A_201 : i32
        scf.if %cond3A_202 {
          %dma_wait3A_265 = arith.constant 0 : i32
          %dma_wait3A_266 = tpu.memref_slice %arg4[%dma_wait3A_265, %mul3A_0] : memref<2x321536xi32, #tpu.memory_space<hbm>> -> memref<1x128xi32, #tpu.memory_space<hbm>>
          %dma_wait3A_267 = tpu.memref_squeeze %dma_wait3A_266 : memref<1x128xi32, #tpu.memory_space<hbm>> -> memref<128xi32, #tpu.memory_space<hbm>>
          %dma_wait3A_268 = tpu.memref_slice %arg4[%dma_wait3A_265, %mul3A_0] : memref<2x321536xi32, #tpu.memory_space<hbm>> -> memref<1x128xi32, #tpu.memory_space<hbm>>
          %dma_wait3A_269 = tpu.memref_squeeze %dma_wait3A_268 : memref<1x128xi32, #tpu.memory_space<hbm>> -> memref<128xi32, #tpu.memory_space<hbm>>
          tpu.wait_dma2 semaphore(%arg26 : memref<!tpu.dma_semaphore, #tpu.memory_space<semaphore_mem>>) src(%dma_wait3A_269 : memref<128xi32, #tpu.memory_space<hbm>>) dst(%arg15 : memref<128xi32, #tpu.memory_space<vmem>>)
        } else {
        }
        %dma_start3A_203 = arith.constant 0 : i32
        %dma_start3A_204 = arith.constant 0 : i32
        %dma_start3A_205 = tpu.memref_slice %arg19[%dma_start3A_203, %dma_start3A_204] : memref<10112x128xf32, #tpu.memory_space<vmem_shared>> -> memref<10112x128xf32, #tpu.memory_space<vmem_shared>>
        tpu.enqueue_indirect_dma source(%arg18 : memref<128x128xf32, #tpu.memory_space<vmem>>) target(%dma_start3A_205 : memref<10112x128xf32, #tpu.memory_space<vmem_shared>>) offsets(%arg15 : memref<128xi32, #tpu.memory_space<vmem>>) semaphore(%arg22 : memref<!tpu.dma_semaphore, #tpu.memory_space<semaphore_mem>>) {add = true}
        %dma_wait3A_206 = arith.constant 0 : i32
        %dma_wait3A_207 = arith.constant 0 : i32
        %dma_wait3A_208 = tpu.memref_slice %arg19[%dma_wait3A_206, %dma_wait3A_207] : memref<10112x128xf32, #tpu.memory_space<vmem_shared>> -> memref<10112x128xf32, #tpu.memory_space<vmem_shared>>
        tpu.wait_indirect_dma semaphore(%arg23 : memref<!tpu.dma_semaphore, #tpu.memory_space<semaphore_mem>>) src(%arg18 : memref<128x128xf32, #tpu.memory_space<vmem>>) dst(%dma_wait3A_208 : memref<10112x128xf32, #tpu.memory_space<vmem_shared>>)
        %add3A_209 = arith.constant 3 : i32
        %add3A_210 = arith.addi %add3A_197, %add3A_209 : i32
        %lt3A_211 = arith.constant 157 : i32
        %lt3A_212 = arith.cmpi slt, %add3A_210, %lt3A_211 : i32
        %convert_element_type3A_213 = arith.extui %lt3A_212 : i1 to i32
        %cond3A_214 = arith.constant 0 : i32
        %cond3A_215 = arith.cmpi ne, %convert_element_type3A_213, %cond3A_214 : i32
        scf.if %cond3A_215 {
          %add3A_265 = arith.constant 3 : i32
          %add3A_266 = arith.addi %add3A_197, %add3A_265 : i32
          %mul3A_267 = arith.constant 128 : i32
          %mul3A_268 = arith.muli %add3A_266, %mul3A_267 : i32
          %add3A_269 = arith.addi %mul3A_0, %mul3A_268 : i32
          %dma_start3A_270 = arith.constant 0 : i32
          %dma_start3A_271 = tpu.memref_slice %arg4[%dma_start3A_270, %add3A_269] : memref<2x321536xi32, #tpu.memory_space<hbm>> -> memref<1x128xi32, #tpu.memory_space<hbm>>
          %dma_start3A_272 = tpu.memref_squeeze %dma_start3A_271 : memref<1x128xi32, #tpu.memory_space<hbm>> -> memref<128xi32, #tpu.memory_space<hbm>>
          %dma_start3A_273 = tpu.memref_slice %arg4[%dma_start3A_270, %add3A_269] : memref<2x321536xi32, #tpu.memory_space<hbm>> -> memref<1x128xi32, #tpu.memory_space<hbm>>
          %dma_start3A_274 = tpu.memref_squeeze %dma_start3A_273 : memref<1x128xi32, #tpu.memory_space<hbm>> -> memref<128xi32, #tpu.memory_space<hbm>>
          tpu.enqueue_dma source(%dma_start3A_274 : memref<128xi32, #tpu.memory_space<hbm>>) target(%arg14 : memref<128xi32, #tpu.memory_space<vmem>>) target_semaphore(%arg25 : memref<!tpu.dma_semaphore, #tpu.memory_space<semaphore_mem>>)
        } else {
        }
        %mul3A_216 = arith.constant 4 : i32
        %mul3A_217 = arith.muli %mul3A_216, %scan3A_167 : i32
        %add3A_218 = arith.constant 1 : i32
        %add3A_219 = arith.addi %mul3A_217, %add3A_218 : i32
        %add3A_220 = arith.constant 2 : i32
        %add3A_221 = arith.addi %add3A_219, %add3A_220 : i32
        %ge3A_222 = arith.constant 4 : i32
        %ge3A_223 = arith.cmpi sge, %add3A_221, %ge3A_222 : i32
        %convert_element_type3A_224 = arith.extui %ge3A_223 : i1 to i32
        %cond3A_225 = arith.constant 0 : i32
        %cond3A_226 = arith.cmpi ne, %convert_element_type3A_224, %cond3A_225 : i32
        scf.if %cond3A_226 {
          %dma_wait3A_265 = arith.constant 0 : i32
          %dma_wait3A_266 = tpu.memref_slice %arg4[%dma_wait3A_265, %mul3A_0] : memref<2x321536xi32, #tpu.memory_space<hbm>> -> memref<1x128xi32, #tpu.memory_space<hbm>>
          %dma_wait3A_267 = tpu.memref_squeeze %dma_wait3A_266 : memref<1x128xi32, #tpu.memory_space<hbm>> -> memref<128xi32, #tpu.memory_space<hbm>>
          %dma_wait3A_268 = tpu.memref_slice %arg4[%dma_wait3A_265, %mul3A_0] : memref<2x321536xi32, #tpu.memory_space<hbm>> -> memref<1x128xi32, #tpu.memory_space<hbm>>
          %dma_wait3A_269 = tpu.memref_squeeze %dma_wait3A_268 : memref<1x128xi32, #tpu.memory_space<hbm>> -> memref<128xi32, #tpu.memory_space<hbm>>
          tpu.wait_dma2 semaphore(%arg27 : memref<!tpu.dma_semaphore, #tpu.memory_space<semaphore_mem>>) src(%dma_wait3A_269 : memref<128xi32, #tpu.memory_space<hbm>>) dst(%arg16 : memref<128xi32, #tpu.memory_space<vmem>>)
        } else {
        }
        %dma_start3A_227 = arith.constant 0 : i32
        %dma_start3A_228 = arith.constant 0 : i32
        %dma_start3A_229 = tpu.memref_slice %arg19[%dma_start3A_227, %dma_start3A_228] : memref<10112x128xf32, #tpu.memory_space<vmem_shared>> -> memref<10112x128xf32, #tpu.memory_space<vmem_shared>>
        tpu.enqueue_indirect_dma source(%arg18 : memref<128x128xf32, #tpu.memory_space<vmem>>) target(%dma_start3A_229 : memref<10112x128xf32, #tpu.memory_space<vmem_shared>>) offsets(%arg16 : memref<128xi32, #tpu.memory_space<vmem>>) semaphore(%arg23 : memref<!tpu.dma_semaphore, #tpu.memory_space<semaphore_mem>>) {add = true}
        %dma_wait3A_230 = arith.constant 0 : i32
        %dma_wait3A_231 = arith.constant 0 : i32
        %dma_wait3A_232 = tpu.memref_slice %arg19[%dma_wait3A_230, %dma_wait3A_231] : memref<10112x128xf32, #tpu.memory_space<vmem_shared>> -> memref<10112x128xf32, #tpu.memory_space<vmem_shared>>
        tpu.wait_indirect_dma semaphore(%arg22 : memref<!tpu.dma_semaphore, #tpu.memory_space<semaphore_mem>>) src(%arg18 : memref<128x128xf32, #tpu.memory_space<vmem>>) dst(%dma_wait3A_232 : memref<10112x128xf32, #tpu.memory_space<vmem_shared>>)
        %add3A_233 = arith.constant 3 : i32
        %add3A_234 = arith.addi %add3A_221, %add3A_233 : i32
        %lt3A_235 = arith.constant 157 : i32
        %lt3A_236 = arith.cmpi slt, %add3A_234, %lt3A_235 : i32
        %convert_element_type3A_237 = arith.extui %lt3A_236 : i1 to i32
        %cond3A_238 = arith.constant 0 : i32
        %cond3A_239 = arith.cmpi ne, %convert_element_type3A_237, %cond3A_238 : i32
        scf.if %cond3A_239 {
          %add3A_265 = arith.constant 3 : i32
          %add3A_266 = arith.addi %add3A_221, %add3A_265 : i32
          %mul3A_267 = arith.constant 128 : i32
          %mul3A_268 = arith.muli %add3A_266, %mul3A_267 : i32
          %add3A_269 = arith.addi %mul3A_0, %mul3A_268 : i32
          %dma_start3A_270 = arith.constant 0 : i32
          %dma_start3A_271 = tpu.memref_slice %arg4[%dma_start3A_270, %add3A_269] : memref<2x321536xi32, #tpu.memory_space<hbm>> -> memref<1x128xi32, #tpu.memory_space<hbm>>
          %dma_start3A_272 = tpu.memref_squeeze %dma_start3A_271 : memref<1x128xi32, #tpu.memory_space<hbm>> -> memref<128xi32, #tpu.memory_space<hbm>>
          %dma_start3A_273 = tpu.memref_slice %arg4[%dma_start3A_270, %add3A_269] : memref<2x321536xi32, #tpu.memory_space<hbm>> -> memref<1x128xi32, #tpu.memory_space<hbm>>
          %dma_start3A_274 = tpu.memref_squeeze %dma_start3A_273 : memref<1x128xi32, #tpu.memory_space<hbm>> -> memref<128xi32, #tpu.memory_space<hbm>>
          tpu.enqueue_dma source(%dma_start3A_274 : memref<128xi32, #tpu.memory_space<hbm>>) target(%arg15 : memref<128xi32, #tpu.memory_space<vmem>>) target_semaphore(%arg26 : memref<!tpu.dma_semaphore, #tpu.memory_space<semaphore_mem>>)
        } else {
        }
        %mul3A_240 = arith.constant 4 : i32
        %mul3A_241 = arith.muli %mul3A_240, %scan3A_167 : i32
        %add3A_242 = arith.constant 1 : i32
        %add3A_243 = arith.addi %mul3A_241, %add3A_242 : i32
        %add3A_244 = arith.constant 3 : i32
        %add3A_245 = arith.addi %add3A_243, %add3A_244 : i32
        %ge3A_246 = arith.constant 4 : i32
        %ge3A_247 = arith.cmpi sge, %add3A_245, %ge3A_246 : i32
        %convert_element_type3A_248 = arith.extui %ge3A_247 : i1 to i32
        %cond3A_249 = arith.constant 0 : i32
        %cond3A_250 = arith.cmpi ne, %convert_element_type3A_248, %cond3A_249 : i32
        scf.if %cond3A_250 {
          %dma_wait3A_265 = arith.constant 0 : i32
          %dma_wait3A_266 = tpu.memref_slice %arg4[%dma_wait3A_265, %mul3A_0] : memref<2x321536xi32, #tpu.memory_space<hbm>> -> memref<1x128xi32, #tpu.memory_space<hbm>>
          %dma_wait3A_267 = tpu.memref_squeeze %dma_wait3A_266 : memref<1x128xi32, #tpu.memory_space<hbm>> -> memref<128xi32, #tpu.memory_space<hbm>>
          %dma_wait3A_268 = tpu.memref_slice %arg4[%dma_wait3A_265, %mul3A_0] : memref<2x321536xi32, #tpu.memory_space<hbm>> -> memref<1x128xi32, #tpu.memory_space<hbm>>
          %dma_wait3A_269 = tpu.memref_squeeze %dma_wait3A_268 : memref<1x128xi32, #tpu.memory_space<hbm>> -> memref<128xi32, #tpu.memory_space<hbm>>
          tpu.wait_dma2 semaphore(%arg24 : memref<!tpu.dma_semaphore, #tpu.memory_space<semaphore_mem>>) src(%dma_wait3A_269 : memref<128xi32, #tpu.memory_space<hbm>>) dst(%arg13 : memref<128xi32, #tpu.memory_space<vmem>>)
        } else {
        }
        %dma_start3A_251 = arith.constant 0 : i32
        %dma_start3A_252 = arith.constant 0 : i32
        %dma_start3A_253 = tpu.memref_slice %arg19[%dma_start3A_251, %dma_start3A_252] : memref<10112x128xf32, #tpu.memory_space<vmem_shared>> -> memref<10112x128xf32, #tpu.memory_space<vmem_shared>>
        tpu.enqueue_indirect_dma source(%arg18 : memref<128x128xf32, #tpu.memory_space<vmem>>) target(%dma_start3A_253 : memref<10112x128xf32, #tpu.memory_space<vmem_shared>>) offsets(%arg13 : memref<128xi32, #tpu.memory_space<vmem>>) semaphore(%arg22 : memref<!tpu.dma_semaphore, #tpu.memory_space<semaphore_mem>>) {add = true}
        %dma_wait3A_254 = arith.constant 0 : i32
        %dma_wait3A_255 = arith.constant 0 : i32
        %dma_wait3A_256 = tpu.memref_slice %arg19[%dma_wait3A_254, %dma_wait3A_255] : memref<10112x128xf32, #tpu.memory_space<vmem_shared>> -> memref<10112x128xf32, #tpu.memory_space<vmem_shared>>
        tpu.wait_indirect_dma semaphore(%arg23 : memref<!tpu.dma_semaphore, #tpu.memory_space<semaphore_mem>>) src(%arg18 : memref<128x128xf32, #tpu.memory_space<vmem>>) dst(%dma_wait3A_256 : memref<10112x128xf32, #tpu.memory_space<vmem_shared>>)
        %add3A_257 = arith.constant 3 : i32
        %add3A_258 = arith.addi %add3A_245, %add3A_257 : i32
        %lt3A_259 = arith.constant 157 : i32
        %lt3A_260 = arith.cmpi slt, %add3A_258, %lt3A_259 : i32
        %convert_element_type3A_261 = arith.extui %lt3A_260 : i1 to i32
        %cond3A_262 = arith.constant 0 : i32
        %cond3A_263 = arith.cmpi ne, %convert_element_type3A_261, %cond3A_262 : i32
        scf.if %cond3A_263 {
          %add3A_265 = arith.constant 3 : i32
          %add3A_266 = arith.addi %add3A_245, %add3A_265 : i32
          %mul3A_267 = arith.constant 128 : i32
          %mul3A_268 = arith.muli %add3A_266, %mul3A_267 : i32
          %add3A_269 = arith.addi %mul3A_0, %mul3A_268 : i32
          %dma_start3A_270 = arith.constant 0 : i32
          %dma_start3A_271 = tpu.memref_slice %arg4[%dma_start3A_270, %add3A_269] : memref<2x321536xi32, #tpu.memory_space<hbm>> -> memref<1x128xi32, #tpu.memory_space<hbm>>
          %dma_start3A_272 = tpu.memref_squeeze %dma_start3A_271 : memref<1x128xi32, #tpu.memory_space<hbm>> -> memref<128xi32, #tpu.memory_space<hbm>>
          %dma_start3A_273 = tpu.memref_slice %arg4[%dma_start3A_270, %add3A_269] : memref<2x321536xi32, #tpu.memory_space<hbm>> -> memref<1x128xi32, #tpu.memory_space<hbm>>
          %dma_start3A_274 = tpu.memref_squeeze %dma_start3A_273 : memref<1x128xi32, #tpu.memory_space<hbm>> -> memref<128xi32, #tpu.memory_space<hbm>>
          tpu.enqueue_dma source(%dma_start3A_274 : memref<128xi32, #tpu.memory_space<hbm>>) target(%arg16 : memref<128xi32, #tpu.memory_space<vmem>>) target_semaphore(%arg27 : memref<!tpu.dma_semaphore, #tpu.memory_space<semaphore_mem>>)
        } else {
        }
        %scan3A_264 = arith.constant 0 : i32
        scf.yield %scan3A_264 : i32
      }
      %scan3A_59 = arith.constant 39 : i32
      %dma_wait3A = arith.constant 0 : i32
      %dma_wait3A_60 = arith.constant 0 : i32
      %dma_wait3A_61 = tpu.memref_slice %arg19[%dma_wait3A, %dma_wait3A_60] : memref<10112x128xf32, #tpu.memory_space<vmem_shared>> -> memref<10112x128xf32, #tpu.memory_space<vmem_shared>>
      tpu.wait_indirect_dma semaphore(%arg22 : memref<!tpu.dma_semaphore, #tpu.memory_space<semaphore_mem>>) src(%arg18 : memref<128x128xf32, #tpu.memory_space<vmem>>) dst(%dma_wait3A_61 : memref<10112x128xf32, #tpu.memory_space<vmem_shared>>)
      "tpu.region"() ({
        %run_scoped3A_167 = tpu.sem_alloc : memref<!tpu.dma_semaphore, #tpu.memory_space<semaphore_mem>>
        tpu.enqueue_dma source(%arg5 : memref<128x128xf32, #tpu.memory_space<hbm>>) target(%arg18 : memref<128x128xf32, #tpu.memory_space<vmem>>) target_semaphore(%run_scoped3A_167 : memref<!tpu.dma_semaphore, #tpu.memory_space<semaphore_mem>>)
        tpu.wait_dma2 semaphore(%run_scoped3A_167 : memref<!tpu.dma_semaphore, #tpu.memory_space<semaphore_mem>>) src(%arg5 : memref<128x128xf32, #tpu.memory_space<hbm>>) dst(%arg18 : memref<128x128xf32, #tpu.memory_space<vmem>>)
        tpu.yield
      }) : () -> ()
      %barrier3A_62 = arith.constant 0 : index
      tpu.barrier barrier_id(%barrier3A_62)
      %add3A_63 = arith.constant 0 : i32
      %add3A_64 = arith.addi %arg1, %add3A_63 : i32
      %mul3A_65 = arith.constant 128 : i32
      %mul3A_66 = arith.muli %add3A_64, %mul3A_65 : i32
      "tpu.region"() ({
        %run_scoped3A_167 = tpu.sem_alloc : memref<!tpu.dma_semaphore, #tpu.memory_space<semaphore_mem>>
        %dma_start3A_168 = arith.constant 0 : i32
        %dma_start3A_169 = arith.constant 0 : i32
        %dma_start3A_170 = tpu.memref_slice %arg17[%dma_start3A_168, %dma_start3A_169] : memref<128x128xf32, #tpu.memory_space<vmem>> -> memref<128x128xf32, #tpu.memory_space<vmem>>
        %dma_start3A_171 = arith.constant 0 : i32
        %dma_start3A_172 = tpu.memref_slice %arg19[%mul3A_66, %dma_start3A_171] : memref<10112x128xf32, #tpu.memory_space<vmem_shared>> -> memref<128x128xf32, #tpu.memory_space<vmem_shared>>
        %dma_start3A_173 = arith.constant 0 : i32
        %dma_start3A_174 = arith.constant 0 : i32
        %dma_start3A_175 = tpu.memref_slice %arg17[%dma_start3A_173, %dma_start3A_174] : memref<128x128xf32, #tpu.memory_space<vmem>> -> memref<128x128xf32, #tpu.memory_space<vmem>>
        %dma_start3A_176 = arith.constant 0 : i32
        %dma_start3A_177 = tpu.memref_slice %arg19[%mul3A_66, %dma_start3A_176] : memref<10112x128xf32, #tpu.memory_space<vmem_shared>> -> memref<128x128xf32, #tpu.memory_space<vmem_shared>>
        tpu.enqueue_dma source(%dma_start3A_177 : memref<128x128xf32, #tpu.memory_space<vmem_shared>>) target(%dma_start3A_175 : memref<128x128xf32, #tpu.memory_space<vmem>>) target_semaphore(%run_scoped3A_167 : memref<!tpu.dma_semaphore, #tpu.memory_space<semaphore_mem>>)
        %dma_wait3A_178 = arith.constant 0 : i32
        %dma_wait3A_179 = arith.constant 0 : i32
        %dma_wait3A_180 = tpu.memref_slice %arg17[%dma_wait3A_178, %dma_wait3A_179] : memref<128x128xf32, #tpu.memory_space<vmem>> -> memref<128x128xf32, #tpu.memory_space<vmem>>
        %dma_wait3A_181 = arith.constant 0 : i32
        %dma_wait3A_182 = tpu.memref_slice %arg19[%mul3A_66, %dma_wait3A_181] : memref<10112x128xf32, #tpu.memory_space<vmem_shared>> -> memref<128x128xf32, #tpu.memory_space<vmem_shared>>
        %dma_wait3A_183 = arith.constant 0 : i32
        %dma_wait3A_184 = arith.constant 0 : i32
        %dma_wait3A_185 = tpu.memref_slice %arg17[%dma_wait3A_183, %dma_wait3A_184] : memref<128x128xf32, #tpu.memory_space<vmem>> -> memref<128x128xf32, #tpu.memory_space<vmem>>
        %dma_wait3A_186 = arith.constant 0 : i32
        %dma_wait3A_187 = tpu.memref_slice %arg19[%mul3A_66, %dma_wait3A_186] : memref<10112x128xf32, #tpu.memory_space<vmem_shared>> -> memref<128x128xf32, #tpu.memory_space<vmem_shared>>
        tpu.wait_dma2 semaphore(%run_scoped3A_167 : memref<!tpu.dma_semaphore, #tpu.memory_space<semaphore_mem>>) src(%dma_wait3A_187 : memref<128x128xf32, #tpu.memory_space<vmem_shared>>) dst(%dma_wait3A_185 : memref<128x128xf32, #tpu.memory_space<vmem>>)
        tpu.yield
      }) : () -> ()
      %run_scoped3A_67 = arith.constant 0 : i32
      "tpu.region"() ({
        %run_scoped3A_167 = tpu.sem_alloc : memref<!tpu.dma_semaphore, #tpu.memory_space<semaphore_mem>>
        %dma_start3A_168 = arith.constant 0 : i32
        %dma_start3A_169 = arith.constant 0 : i32
        %dma_start3A_170 = tpu.memref_slice %arg17[%dma_start3A_168, %dma_start3A_169] : memref<128x128xf32, #tpu.memory_space<vmem>> -> memref<128x128xf32, #tpu.memory_space<vmem>>
        %dma_start3A_171 = arith.constant 0 : i32
        %dma_start3A_172 = tpu.memref_slice %arg8[%run_scoped3A_67, %mul3A_66, %dma_start3A_171] : memref<2x10000x128xf32, #tpu.memory_space<hbm>> -> memref<1x128x128xf32, #tpu.memory_space<hbm>>
        %dma_start3A_173 = tpu.memref_squeeze %dma_start3A_172 : memref<1x128x128xf32, #tpu.memory_space<hbm>> -> memref<128x128xf32, #tpu.memory_space<hbm>>
        %dma_start3A_174 = arith.constant 0 : i32
        %dma_start3A_175 = tpu.memref_slice %arg8[%run_scoped3A_67, %mul3A_66, %dma_start3A_174] : memref<2x10000x128xf32, #tpu.memory_space<hbm>> -> memref<1x128x128xf32, #tpu.memory_space<hbm>>
        %dma_start3A_176 = tpu.memref_squeeze %dma_start3A_175 : memref<1x128x128xf32, #tpu.memory_space<hbm>> -> memref<128x128xf32, #tpu.memory_space<hbm>>
        %dma_start3A_177 = arith.constant 0 : i32
        %dma_start3A_178 = arith.constant 0 : i32
        %dma_start3A_179 = tpu.memref_slice %arg17[%dma_start3A_177, %dma_start3A_178] : memref<128x128xf32, #tpu.memory_space<vmem>> -> memref<128x128xf32, #tpu.memory_space<vmem>>
        tpu.enqueue_dma source(%dma_start3A_179 : memref<128x128xf32, #tpu.memory_space<vmem>>) target(%dma_start3A_176 : memref<128x128xf32, #tpu.memory_space<hbm>>) target_semaphore(%run_scoped3A_167 : memref<!tpu.dma_semaphore, #tpu.memory_space<semaphore_mem>>)
        %dma_wait3A_180 = arith.constant 0 : i32
        %dma_wait3A_181 = arith.constant 0 : i32
        %dma_wait3A_182 = tpu.memref_slice %arg17[%dma_wait3A_180, %dma_wait3A_181] : memref<128x128xf32, #tpu.memory_space<vmem>> -> memref<128x128xf32, #tpu.memory_space<vmem>>
        %dma_wait3A_183 = arith.constant 0 : i32
        %dma_wait3A_184 = tpu.memref_slice %arg8[%run_scoped3A_67, %mul3A_66, %dma_wait3A_183] : memref<2x10000x128xf32, #tpu.memory_space<hbm>> -> memref<1x128x128xf32, #tpu.memory_space<hbm>>
        %dma_wait3A_185 = tpu.memref_squeeze %dma_wait3A_184 : memref<1x128x128xf32, #tpu.memory_space<hbm>> -> memref<128x128xf32, #tpu.memory_space<hbm>>
        %dma_wait3A_186 = arith.constant 0 : i32
        %dma_wait3A_187 = tpu.memref_slice %arg8[%run_scoped3A_67, %mul3A_66, %dma_wait3A_186] : memref<2x10000x128xf32, #tpu.memory_space<hbm>> -> memref<1x128x128xf32, #tpu.memory_space<hbm>>
        %dma_wait3A_188 = tpu.memref_squeeze %dma_wait3A_187 : memref<1x128x128xf32, #tpu.memory_space<hbm>> -> memref<128x128xf32, #tpu.memory_space<hbm>>
        %dma_wait3A_189 = arith.constant 0 : i32
        %dma_wait3A_190 = arith.constant 0 : i32
        %dma_wait3A_191 = tpu.memref_slice %arg17[%dma_wait3A_189, %dma_wait3A_190] : memref<128x128xf32, #tpu.memory_space<vmem>> -> memref<128x128xf32, #tpu.memory_space<vmem>>
        tpu.wait_dma2 semaphore(%run_scoped3A_167 : memref<!tpu.dma_semaphore, #tpu.memory_space<semaphore_mem>>) src(%dma_wait3A_191 : memref<128x128xf32, #tpu.memory_space<vmem>>) dst(%dma_wait3A_188 : memref<128x128xf32, #tpu.memory_space<hbm>>)
        tpu.yield
      }) : () -> ()
      "tpu.region"() ({
        %run_scoped3A_167 = tpu.sem_alloc : memref<!tpu.dma_semaphore, #tpu.memory_space<semaphore_mem>>
        %dma_start3A_168 = arith.constant 0 : i32
        %dma_start3A_169 = arith.constant 0 : i32
        %dma_start3A_170 = tpu.memref_slice %arg18[%dma_start3A_168, %dma_start3A_169] : memref<128x128xf32, #tpu.memory_space<vmem>> -> memref<128x128xf32, #tpu.memory_space<vmem>>
        %dma_start3A_171 = arith.constant 0 : i32
        %dma_start3A_172 = tpu.memref_slice %arg19[%mul3A_66, %dma_start3A_171] : memref<10112x128xf32, #tpu.memory_space<vmem_shared>> -> memref<128x128xf32, #tpu.memory_space<vmem_shared>>
        %dma_start3A_173 = arith.constant 0 : i32
        %dma_start3A_174 = tpu.memref_slice %arg19[%mul3A_66, %dma_start3A_173] : memref<10112x128xf32, #tpu.memory_space<vmem_shared>> -> memref<128x128xf32, #tpu.memory_space<vmem_shared>>
        %dma_start3A_175 = arith.constant 0 : i32
        %dma_start3A_176 = arith.constant 0 : i32
        %dma_start3A_177 = tpu.memref_slice %arg18[%dma_start3A_175, %dma_start3A_176] : memref<128x128xf32, #tpu.memory_space<vmem>> -> memref<128x128xf32, #tpu.memory_space<vmem>>
        tpu.enqueue_dma source(%dma_start3A_177 : memref<128x128xf32, #tpu.memory_space<vmem>>) target(%dma_start3A_174 : memref<128x128xf32, #tpu.memory_space<vmem_shared>>) target_semaphore(%run_scoped3A_167 : memref<!tpu.dma_semaphore, #tpu.memory_space<semaphore_mem>>)
        %dma_wait3A_178 = arith.constant 0 : i32
        %dma_wait3A_179 = arith.constant 0 : i32
        %dma_wait3A_180 = tpu.memref_slice %arg18[%dma_wait3A_178, %dma_wait3A_179] : memref<128x128xf32, #tpu.memory_space<vmem>> -> memref<128x128xf32, #tpu.memory_space<vmem>>
        %dma_wait3A_181 = arith.constant 0 : i32
        %dma_wait3A_182 = tpu.memref_slice %arg19[%mul3A_66, %dma_wait3A_181] : memref<10112x128xf32, #tpu.memory_space<vmem_shared>> -> memref<128x128xf32, #tpu.memory_space<vmem_shared>>
        %dma_wait3A_183 = arith.constant 0 : i32
        %dma_wait3A_184 = tpu.memref_slice %arg19[%mul3A_66, %dma_wait3A_183] : memref<10112x128xf32, #tpu.memory_space<vmem_shared>> -> memref<128x128xf32, #tpu.memory_space<vmem_shared>>
        %dma_wait3A_185 = arith.constant 0 : i32
        %dma_wait3A_186 = arith.constant 0 : i32
        %dma_wait3A_187 = tpu.memref_slice %arg18[%dma_wait3A_185, %dma_wait3A_186] : memref<128x128xf32, #tpu.memory_space<vmem>> -> memref<128x128xf32, #tpu.memory_space<vmem>>
        tpu.wait_dma2 semaphore(%run_scoped3A_167 : memref<!tpu.dma_semaphore, #tpu.memory_space<semaphore_mem>>) src(%dma_wait3A_187 : memref<128x128xf32, #tpu.memory_space<vmem>>) dst(%dma_wait3A_184 : memref<128x128xf32, #tpu.memory_space<vmem_shared>>)
        tpu.yield
      }) : () -> ()
      %add3A_68 = arith.constant 16 : i32
      %add3A_69 = arith.addi %arg1, %add3A_68 : i32
      %mul3A_70 = arith.constant 128 : i32
      %mul3A_71 = arith.muli %add3A_69, %mul3A_70 : i32
      "tpu.region"() ({
        %run_scoped3A_167 = tpu.sem_alloc : memref<!tpu.dma_semaphore, #tpu.memory_space<semaphore_mem>>
        %dma_start3A_168 = arith.constant 0 : i32
        %dma_start3A_169 = arith.constant 0 : i32
        %dma_start3A_170 = tpu.memref_slice %arg17[%dma_start3A_168, %dma_start3A_169] : memref<128x128xf32, #tpu.memory_space<vmem>> -> memref<128x128xf32, #tpu.memory_space<vmem>>
        %dma_start3A_171 = arith.constant 0 : i32
        %dma_start3A_172 = tpu.memref_slice %arg19[%mul3A_71, %dma_start3A_171] : memref<10112x128xf32, #tpu.memory_space<vmem_shared>> -> memref<128x128xf32, #tpu.memory_space<vmem_shared>>
        %dma_start3A_173 = arith.constant 0 : i32
        %dma_start3A_174 = arith.constant 0 : i32
        %dma_start3A_175 = tpu.memref_slice %arg17[%dma_start3A_173, %dma_start3A_174] : memref<128x128xf32, #tpu.memory_space<vmem>> -> memref<128x128xf32, #tpu.memory_space<vmem>>
        %dma_start3A_176 = arith.constant 0 : i32
        %dma_start3A_177 = tpu.memref_slice %arg19[%mul3A_71, %dma_start3A_176] : memref<10112x128xf32, #tpu.memory_space<vmem_shared>> -> memref<128x128xf32, #tpu.memory_space<vmem_shared>>
        tpu.enqueue_dma source(%dma_start3A_177 : memref<128x128xf32, #tpu.memory_space<vmem_shared>>) target(%dma_start3A_175 : memref<128x128xf32, #tpu.memory_space<vmem>>) target_semaphore(%run_scoped3A_167 : memref<!tpu.dma_semaphore, #tpu.memory_space<semaphore_mem>>)
        %dma_wait3A_178 = arith.constant 0 : i32
        %dma_wait3A_179 = arith.constant 0 : i32
        %dma_wait3A_180 = tpu.memref_slice %arg17[%dma_wait3A_178, %dma_wait3A_179] : memref<128x128xf32, #tpu.memory_space<vmem>> -> memref<128x128xf32, #tpu.memory_space<vmem>>
        %dma_wait3A_181 = arith.constant 0 : i32
        %dma_wait3A_182 = tpu.memref_slice %arg19[%mul3A_71, %dma_wait3A_181] : memref<10112x128xf32, #tpu.memory_space<vmem_shared>> -> memref<128x128xf32, #tpu.memory_space<vmem_shared>>
        %dma_wait3A_183 = arith.constant 0 : i32
        %dma_wait3A_184 = arith.constant 0 : i32
        %dma_wait3A_185 = tpu.memref_slice %arg17[%dma_wait3A_183, %dma_wait3A_184] : memref<128x128xf32, #tpu.memory_space<vmem>> -> memref<128x128xf32, #tpu.memory_space<vmem>>
        %dma_wait3A_186 = arith.constant 0 : i32
        %dma_wait3A_187 = tpu.memref_slice %arg19[%mul3A_71, %dma_wait3A_186] : memref<10112x128xf32, #tpu.memory_space<vmem_shared>> -> memref<128x128xf32, #tpu.memory_space<vmem_shared>>
        tpu.wait_dma2 semaphore(%run_scoped3A_167 : memref<!tpu.dma_semaphore, #tpu.memory_space<semaphore_mem>>) src(%dma_wait3A_187 : memref<128x128xf32, #tpu.memory_space<vmem_shared>>) dst(%dma_wait3A_185 : memref<128x128xf32, #tpu.memory_space<vmem>>)
        tpu.yield
      }) : () -> ()
      %run_scoped3A_72 = arith.constant 0 : i32
      "tpu.region"() ({
        %run_scoped3A_167 = tpu.sem_alloc : memref<!tpu.dma_semaphore, #tpu.memory_space<semaphore_mem>>
        %dma_start3A_168 = arith.constant 0 : i32
        %dma_start3A_169 = arith.constant 0 : i32
        %dma_start3A_170 = tpu.memref_slice %arg17[%dma_start3A_168, %dma_start3A_169] : memref<128x128xf32, #tpu.memory_space<vmem>> -> memref<128x128xf32, #tpu.memory_space<vmem>>
        %dma_start3A_171 = arith.constant 0 : i32
        %dma_start3A_172 = tpu.memref_slice %arg8[%run_scoped3A_72, %mul3A_71, %dma_start3A_171] : memref<2x10000x128xf32, #tpu.memory_space<hbm>> -> memref<1x128x128xf32, #tpu.memory_space<hbm>>
        %dma_start3A_173 = tpu.memref_squeeze %dma_start3A_172 : memref<1x128x128xf32, #tpu.memory_space<hbm>> -> memref<128x128xf32, #tpu.memory_space<hbm>>
        %dma_start3A_174 = arith.constant 0 : i32
        %dma_start3A_175 = tpu.memref_slice %arg8[%run_scoped3A_72, %mul3A_71, %dma_start3A_174] : memref<2x10000x128xf32, #tpu.memory_space<hbm>> -> memref<1x128x128xf32, #tpu.memory_space<hbm>>
        %dma_start3A_176 = tpu.memref_squeeze %dma_start3A_175 : memref<1x128x128xf32, #tpu.memory_space<hbm>> -> memref<128x128xf32, #tpu.memory_space<hbm>>
        %dma_start3A_177 = arith.constant 0 : i32
        %dma_start3A_178 = arith.constant 0 : i32
        %dma_start3A_179 = tpu.memref_slice %arg17[%dma_start3A_177, %dma_start3A_178] : memref<128x128xf32, #tpu.memory_space<vmem>> -> memref<128x128xf32, #tpu.memory_space<vmem>>
        tpu.enqueue_dma source(%dma_start3A_179 : memref<128x128xf32, #tpu.memory_space<vmem>>) target(%dma_start3A_176 : memref<128x128xf32, #tpu.memory_space<hbm>>) target_semaphore(%run_scoped3A_167 : memref<!tpu.dma_semaphore, #tpu.memory_space<semaphore_mem>>)
        %dma_wait3A_180 = arith.constant 0 : i32
        %dma_wait3A_181 = arith.constant 0 : i32
        %dma_wait3A_182 = tpu.memref_slice %arg17[%dma_wait3A_180, %dma_wait3A_181] : memref<128x128xf32, #tpu.memory_space<vmem>> -> memref<128x128xf32, #tpu.memory_space<vmem>>
        %dma_wait3A_183 = arith.constant 0 : i32
        %dma_wait3A_184 = tpu.memref_slice %arg8[%run_scoped3A_72, %mul3A_71, %dma_wait3A_183] : memref<2x10000x128xf32, #tpu.memory_space<hbm>> -> memref<1x128x128xf32, #tpu.memory_space<hbm>>
        %dma_wait3A_185 = tpu.memref_squeeze %dma_wait3A_184 : memref<1x128x128xf32, #tpu.memory_space<hbm>> -> memref<128x128xf32, #tpu.memory_space<hbm>>
        %dma_wait3A_186 = arith.constant 0 : i32
        %dma_wait3A_187 = tpu.memref_slice %arg8[%run_scoped3A_72, %mul3A_71, %dma_wait3A_186] : memref<2x10000x128xf32, #tpu.memory_space<hbm>> -> memref<1x128x128xf32, #tpu.memory_space<hbm>>
        %dma_wait3A_188 = tpu.memref_squeeze %dma_wait3A_187 : memref<1x128x128xf32, #tpu.memory_space<hbm>> -> memref<128x128xf32, #tpu.memory_space<hbm>>
        %dma_wait3A_189 = arith.constant 0 : i32
        %dma_wait3A_190 = arith.constant 0 : i32
        %dma_wait3A_191 = tpu.memref_slice %arg17[%dma_wait3A_189, %dma_wait3A_190] : memref<128x128xf32, #tpu.memory_space<vmem>> -> memref<128x128xf32, #tpu.memory_space<vmem>>
        tpu.wait_dma2 semaphore(%run_scoped3A_167 : memref<!tpu.dma_semaphore, #tpu.memory_space<semaphore_mem>>) src(%dma_wait3A_191 : memref<128x128xf32, #tpu.memory_space<vmem>>) dst(%dma_wait3A_188 : memref<128x128xf32, #tpu.memory_space<hbm>>)
        tpu.yield
      }) : () -> ()
      "tpu.region"() ({
        %run_scoped3A_167 = tpu.sem_alloc : memref<!tpu.dma_semaphore, #tpu.memory_space<semaphore_mem>>
        %dma_start3A_168 = arith.constant 0 : i32
        %dma_start3A_169 = arith.constant 0 : i32
        %dma_start3A_170 = tpu.memref_slice %arg18[%dma_start3A_168, %dma_start3A_169] : memref<128x128xf32, #tpu.memory_space<vmem>> -> memref<128x128xf32, #tpu.memory_space<vmem>>
        %dma_start3A_171 = arith.constant 0 : i32
        %dma_start3A_172 = tpu.memref_slice %arg19[%mul3A_71, %dma_start3A_171] : memref<10112x128xf32, #tpu.memory_space<vmem_shared>> -> memref<128x128xf32, #tpu.memory_space<vmem_shared>>
        %dma_start3A_173 = arith.constant 0 : i32
        %dma_start3A_174 = tpu.memref_slice %arg19[%mul3A_71, %dma_start3A_173] : memref<10112x128xf32, #tpu.memory_space<vmem_shared>> -> memref<128x128xf32, #tpu.memory_space<vmem_shared>>
        %dma_start3A_175 = arith.constant 0 : i32
        %dma_start3A_176 = arith.constant 0 : i32
        %dma_start3A_177 = tpu.memref_slice %arg18[%dma_start3A_175, %dma_start3A_176] : memref<128x128xf32, #tpu.memory_space<vmem>> -> memref<128x128xf32, #tpu.memory_space<vmem>>
        tpu.enqueue_dma source(%dma_start3A_177 : memref<128x128xf32, #tpu.memory_space<vmem>>) target(%dma_start3A_174 : memref<128x128xf32, #tpu.memory_space<vmem_shared>>) target_semaphore(%run_scoped3A_167 : memref<!tpu.dma_semaphore, #tpu.memory_space<semaphore_mem>>)
        %dma_wait3A_178 = arith.constant 0 : i32
        %dma_wait3A_179 = arith.constant 0 : i32
        %dma_wait3A_180 = tpu.memref_slice %arg18[%dma_wait3A_178, %dma_wait3A_179] : memref<128x128xf32, #tpu.memory_space<vmem>> -> memref<128x128xf32, #tpu.memory_space<vmem>>
        %dma_wait3A_181 = arith.constant 0 : i32
        %dma_wait3A_182 = tpu.memref_slice %arg19[%mul3A_71, %dma_wait3A_181] : memref<10112x128xf32, #tpu.memory_space<vmem_shared>> -> memref<128x128xf32, #tpu.memory_space<vmem_shared>>
        %dma_wait3A_183 = arith.constant 0 : i32
        %dma_wait3A_184 = tpu.memref_slice %arg19[%mul3A_71, %dma_wait3A_183] : memref<10112x128xf32, #tpu.memory_space<vmem_shared>> -> memref<128x128xf32, #tpu.memory_space<vmem_shared>>
        %dma_wait3A_185 = arith.constant 0 : i32
        %dma_wait3A_186 = arith.constant 0 : i32
        %dma_wait3A_187 = tpu.memref_slice %arg18[%dma_wait3A_185, %dma_wait3A_186] : memref<128x128xf32, #tpu.memory_space<vmem>> -> memref<128x128xf32, #tpu.memory_space<vmem>>
        tpu.wait_dma2 semaphore(%run_scoped3A_167 : memref<!tpu.dma_semaphore, #tpu.memory_space<semaphore_mem>>) src(%dma_wait3A_187 : memref<128x128xf32, #tpu.memory_space<vmem>>) dst(%dma_wait3A_184 : memref<128x128xf32, #tpu.memory_space<vmem_shared>>)
        tpu.yield
      }) : () -> ()
      %add3A_73 = arith.constant 32 : i32
      %add3A_74 = arith.addi %arg1, %add3A_73 : i32
      %mul3A_75 = arith.constant 128 : i32
      %mul3A_76 = arith.muli %add3A_74, %mul3A_75 : i32
      "tpu.region"() ({
        %run_scoped3A_167 = tpu.sem_alloc : memref<!tpu.dma_semaphore, #tpu.memory_space<semaphore_mem>>
        %dma_start3A_168 = arith.constant 0 : i32
        %dma_start3A_169 = arith.constant 0 : i32
        %dma_start3A_170 = tpu.memref_slice %arg17[%dma_start3A_168, %dma_start3A_169] : memref<128x128xf32, #tpu.memory_space<vmem>> -> memref<128x128xf32, #tpu.memory_space<vmem>>
        %dma_start3A_171 = arith.constant 0 : i32
        %dma_start3A_172 = tpu.memref_slice %arg19[%mul3A_76, %dma_start3A_171] : memref<10112x128xf32, #tpu.memory_space<vmem_shared>> -> memref<128x128xf32, #tpu.memory_space<vmem_shared>>
        %dma_start3A_173 = arith.constant 0 : i32
        %dma_start3A_174 = arith.constant 0 : i32
        %dma_start3A_175 = tpu.memref_slice %arg17[%dma_start3A_173, %dma_start3A_174] : memref<128x128xf32, #tpu.memory_space<vmem>> -> memref<128x128xf32, #tpu.memory_space<vmem>>
        %dma_start3A_176 = arith.constant 0 : i32
        %dma_start3A_177 = tpu.memref_slice %arg19[%mul3A_76, %dma_start3A_176] : memref<10112x128xf32, #tpu.memory_space<vmem_shared>> -> memref<128x128xf32, #tpu.memory_space<vmem_shared>>
        tpu.enqueue_dma source(%dma_start3A_177 : memref<128x128xf32, #tpu.memory_space<vmem_shared>>) target(%dma_start3A_175 : memref<128x128xf32, #tpu.memory_space<vmem>>) target_semaphore(%run_scoped3A_167 : memref<!tpu.dma_semaphore, #tpu.memory_space<semaphore_mem>>)
        %dma_wait3A_178 = arith.constant 0 : i32
        %dma_wait3A_179 = arith.constant 0 : i32
        %dma_wait3A_180 = tpu.memref_slice %arg17[%dma_wait3A_178, %dma_wait3A_179] : memref<128x128xf32, #tpu.memory_space<vmem>> -> memref<128x128xf32, #tpu.memory_space<vmem>>
        %dma_wait3A_181 = arith.constant 0 : i32
        %dma_wait3A_182 = tpu.memref_slice %arg19[%mul3A_76, %dma_wait3A_181] : memref<10112x128xf32, #tpu.memory_space<vmem_shared>> -> memref<128x128xf32, #tpu.memory_space<vmem_shared>>
        %dma_wait3A_183 = arith.constant 0 : i32
        %dma_wait3A_184 = arith.constant 0 : i32
        %dma_wait3A_185 = tpu.memref_slice %arg17[%dma_wait3A_183, %dma_wait3A_184] : memref<128x128xf32, #tpu.memory_space<vmem>> -> memref<128x128xf32, #tpu.memory_space<vmem>>
        %dma_wait3A_186 = arith.constant 0 : i32
        %dma_wait3A_187 = tpu.memref_slice %arg19[%mul3A_76, %dma_wait3A_186] : memref<10112x128xf32, #tpu.memory_space<vmem_shared>> -> memref<128x128xf32, #tpu.memory_space<vmem_shared>>
        tpu.wait_dma2 semaphore(%run_scoped3A_167 : memref<!tpu.dma_semaphore, #tpu.memory_space<semaphore_mem>>) src(%dma_wait3A_187 : memref<128x128xf32, #tpu.memory_space<vmem_shared>>) dst(%dma_wait3A_185 : memref<128x128xf32, #tpu.memory_space<vmem>>)
        tpu.yield
      }) : () -> ()
      %run_scoped3A_77 = arith.constant 0 : i32
      "tpu.region"() ({
        %run_scoped3A_167 = tpu.sem_alloc : memref<!tpu.dma_semaphore, #tpu.memory_space<semaphore_mem>>
        %dma_start3A_168 = arith.constant 0 : i32
        %dma_start3A_169 = arith.constant 0 : i32
        %dma_start3A_170 = tpu.memref_slice %arg17[%dma_start3A_168, %dma_start3A_169] : memref<128x128xf32, #tpu.memory_space<vmem>> -> memref<128x128xf32, #tpu.memory_space<vmem>>
        %dma_start3A_171 = arith.constant 0 : i32
        %dma_start3A_172 = tpu.memref_slice %arg8[%run_scoped3A_77, %mul3A_76, %dma_start3A_171] : memref<2x10000x128xf32, #tpu.memory_space<hbm>> -> memref<1x128x128xf32, #tpu.memory_space<hbm>>
        %dma_start3A_173 = tpu.memref_squeeze %dma_start3A_172 : memref<1x128x128xf32, #tpu.memory_space<hbm>> -> memref<128x128xf32, #tpu.memory_space<hbm>>
        %dma_start3A_174 = arith.constant 0 : i32
        %dma_start3A_175 = tpu.memref_slice %arg8[%run_scoped3A_77, %mul3A_76, %dma_start3A_174] : memref<2x10000x128xf32, #tpu.memory_space<hbm>> -> memref<1x128x128xf32, #tpu.memory_space<hbm>>
        %dma_start3A_176 = tpu.memref_squeeze %dma_start3A_175 : memref<1x128x128xf32, #tpu.memory_space<hbm>> -> memref<128x128xf32, #tpu.memory_space<hbm>>
        %dma_start3A_177 = arith.constant 0 : i32
        %dma_start3A_178 = arith.constant 0 : i32
        %dma_start3A_179 = tpu.memref_slice %arg17[%dma_start3A_177, %dma_start3A_178] : memref<128x128xf32, #tpu.memory_space<vmem>> -> memref<128x128xf32, #tpu.memory_space<vmem>>
        tpu.enqueue_dma source(%dma_start3A_179 : memref<128x128xf32, #tpu.memory_space<vmem>>) target(%dma_start3A_176 : memref<128x128xf32, #tpu.memory_space<hbm>>) target_semaphore(%run_scoped3A_167 : memref<!tpu.dma_semaphore, #tpu.memory_space<semaphore_mem>>)
        %dma_wait3A_180 = arith.constant 0 : i32
        %dma_wait3A_181 = arith.constant 0 : i32
        %dma_wait3A_182 = tpu.memref_slice %arg17[%dma_wait3A_180, %dma_wait3A_181] : memref<128x128xf32, #tpu.memory_space<vmem>> -> memref<128x128xf32, #tpu.memory_space<vmem>>
        %dma_wait3A_183 = arith.constant 0 : i32
        %dma_wait3A_184 = tpu.memref_slice %arg8[%run_scoped3A_77, %mul3A_76, %dma_wait3A_183] : memref<2x10000x128xf32, #tpu.memory_space<hbm>> -> memref<1x128x128xf32, #tpu.memory_space<hbm>>
        %dma_wait3A_185 = tpu.memref_squeeze %dma_wait3A_184 : memref<1x128x128xf32, #tpu.memory_space<hbm>> -> memref<128x128xf32, #tpu.memory_space<hbm>>
        %dma_wait3A_186 = arith.constant 0 : i32
        %dma_wait3A_187 = tpu.memref_slice %arg8[%run_scoped3A_77, %mul3A_76, %dma_wait3A_186] : memref<2x10000x128xf32, #tpu.memory_space<hbm>> -> memref<1x128x128xf32, #tpu.memory_space<hbm>>
        %dma_wait3A_188 = tpu.memref_squeeze %dma_wait3A_187 : memref<1x128x128xf32, #tpu.memory_space<hbm>> -> memref<128x128xf32, #tpu.memory_space<hbm>>
        %dma_wait3A_189 = arith.constant 0 : i32
        %dma_wait3A_190 = arith.constant 0 : i32
        %dma_wait3A_191 = tpu.memref_slice %arg17[%dma_wait3A_189, %dma_wait3A_190] : memref<128x128xf32, #tpu.memory_space<vmem>> -> memref<128x128xf32, #tpu.memory_space<vmem>>
        tpu.wait_dma2 semaphore(%run_scoped3A_167 : memref<!tpu.dma_semaphore, #tpu.memory_space<semaphore_mem>>) src(%dma_wait3A_191 : memref<128x128xf32, #tpu.memory_space<vmem>>) dst(%dma_wait3A_188 : memref<128x128xf32, #tpu.memory_space<hbm>>)
        tpu.yield
      }) : () -> ()
      "tpu.region"() ({
        %run_scoped3A_167 = tpu.sem_alloc : memref<!tpu.dma_semaphore, #tpu.memory_space<semaphore_mem>>
        %dma_start3A_168 = arith.constant 0 : i32
        %dma_start3A_169 = arith.constant 0 : i32
        %dma_start3A_170 = tpu.memref_slice %arg18[%dma_start3A_168, %dma_start3A_169] : memref<128x128xf32, #tpu.memory_space<vmem>> -> memref<128x128xf32, #tpu.memory_space<vmem>>
        %dma_start3A_171 = arith.constant 0 : i32
        %dma_start3A_172 = tpu.memref_slice %arg19[%mul3A_76, %dma_start3A_171] : memref<10112x128xf32, #tpu.memory_space<vmem_shared>> -> memref<128x128xf32, #tpu.memory_space<vmem_shared>>
        %dma_start3A_173 = arith.constant 0 : i32
        %dma_start3A_174 = tpu.memref_slice %arg19[%mul3A_76, %dma_start3A_173] : memref<10112x128xf32, #tpu.memory_space<vmem_shared>> -> memref<128x128xf32, #tpu.memory_space<vmem_shared>>
        %dma_start3A_175 = arith.constant 0 : i32
        %dma_start3A_176 = arith.constant 0 : i32
        %dma_start3A_177 = tpu.memref_slice %arg18[%dma_start3A_175, %dma_start3A_176] : memref<128x128xf32, #tpu.memory_space<vmem>> -> memref<128x128xf32, #tpu.memory_space<vmem>>
        tpu.enqueue_dma source(%dma_start3A_177 : memref<128x128xf32, #tpu.memory_space<vmem>>) target(%dma_start3A_174 : memref<128x128xf32, #tpu.memory_space<vmem_shared>>) target_semaphore(%run_scoped3A_167 : memref<!tpu.dma_semaphore, #tpu.memory_space<semaphore_mem>>)
        %dma_wait3A_178 = arith.constant 0 : i32
        %dma_wait3A_179 = arith.constant 0 : i32
        %dma_wait3A_180 = tpu.memref_slice %arg18[%dma_wait3A_178, %dma_wait3A_179] : memref<128x128xf32, #tpu.memory_space<vmem>> -> memref<128x128xf32, #tpu.memory_space<vmem>>
        %dma_wait3A_181 = arith.constant 0 : i32
        %dma_wait3A_182 = tpu.memref_slice %arg19[%mul3A_76, %dma_wait3A_181] : memref<10112x128xf32, #tpu.memory_space<vmem_shared>> -> memref<128x128xf32, #tpu.memory_space<vmem_shared>>
        %dma_wait3A_183 = arith.constant 0 : i32
        %dma_wait3A_184 = tpu.memref_slice %arg19[%mul3A_76, %dma_wait3A_183] : memref<10112x128xf32, #tpu.memory_space<vmem_shared>> -> memref<128x128xf32, #tpu.memory_space<vmem_shared>>
        %dma_wait3A_185 = arith.constant 0 : i32
        %dma_wait3A_186 = arith.constant 0 : i32
        %dma_wait3A_187 = tpu.memref_slice %arg18[%dma_wait3A_185, %dma_wait3A_186] : memref<128x128xf32, #tpu.memory_space<vmem>> -> memref<128x128xf32, #tpu.memory_space<vmem>>
        tpu.wait_dma2 semaphore(%run_scoped3A_167 : memref<!tpu.dma_semaphore, #tpu.memory_space<semaphore_mem>>) src(%dma_wait3A_187 : memref<128x128xf32, #tpu.memory_space<vmem>>) dst(%dma_wait3A_184 : memref<128x128xf32, #tpu.memory_space<vmem_shared>>)
        tpu.yield
      }) : () -> ()
      %add3A_78 = arith.constant 48 : i32
      %add3A_79 = arith.addi %arg1, %add3A_78 : i32
      %mul3A_80 = arith.constant 128 : i32
      %mul3A_81 = arith.muli %add3A_79, %mul3A_80 : i32
      "tpu.region"() ({
        %run_scoped3A_167 = tpu.sem_alloc : memref<!tpu.dma_semaphore, #tpu.memory_space<semaphore_mem>>
        %dma_start3A_168 = arith.constant 0 : i32
        %dma_start3A_169 = arith.constant 0 : i32
        %dma_start3A_170 = tpu.memref_slice %arg17[%dma_start3A_168, %dma_start3A_169] : memref<128x128xf32, #tpu.memory_space<vmem>> -> memref<128x128xf32, #tpu.memory_space<vmem>>
        %dma_start3A_171 = arith.constant 0 : i32
        %dma_start3A_172 = tpu.memref_slice %arg19[%mul3A_81, %dma_start3A_171] : memref<10112x128xf32, #tpu.memory_space<vmem_shared>> -> memref<128x128xf32, #tpu.memory_space<vmem_shared>>
        %dma_start3A_173 = arith.constant 0 : i32
        %dma_start3A_174 = arith.constant 0 : i32
        %dma_start3A_175 = tpu.memref_slice %arg17[%dma_start3A_173, %dma_start3A_174] : memref<128x128xf32, #tpu.memory_space<vmem>> -> memref<128x128xf32, #tpu.memory_space<vmem>>
        %dma_start3A_176 = arith.constant 0 : i32
        %dma_start3A_177 = tpu.memref_slice %arg19[%mul3A_81, %dma_start3A_176] : memref<10112x128xf32, #tpu.memory_space<vmem_shared>> -> memref<128x128xf32, #tpu.memory_space<vmem_shared>>
        tpu.enqueue_dma source(%dma_start3A_177 : memref<128x128xf32, #tpu.memory_space<vmem_shared>>) target(%dma_start3A_175 : memref<128x128xf32, #tpu.memory_space<vmem>>) target_semaphore(%run_scoped3A_167 : memref<!tpu.dma_semaphore, #tpu.memory_space<semaphore_mem>>)
        %dma_wait3A_178 = arith.constant 0 : i32
        %dma_wait3A_179 = arith.constant 0 : i32
        %dma_wait3A_180 = tpu.memref_slice %arg17[%dma_wait3A_178, %dma_wait3A_179] : memref<128x128xf32, #tpu.memory_space<vmem>> -> memref<128x128xf32, #tpu.memory_space<vmem>>
        %dma_wait3A_181 = arith.constant 0 : i32
        %dma_wait3A_182 = tpu.memref_slice %arg19[%mul3A_81, %dma_wait3A_181] : memref<10112x128xf32, #tpu.memory_space<vmem_shared>> -> memref<128x128xf32, #tpu.memory_space<vmem_shared>>
        %dma_wait3A_183 = arith.constant 0 : i32
        %dma_wait3A_184 = arith.constant 0 : i32
        %dma_wait3A_185 = tpu.memref_slice %arg17[%dma_wait3A_183, %dma_wait3A_184] : memref<128x128xf32, #tpu.memory_space<vmem>> -> memref<128x128xf32, #tpu.memory_space<vmem>>
        %dma_wait3A_186 = arith.constant 0 : i32
        %dma_wait3A_187 = tpu.memref_slice %arg19[%mul3A_81, %dma_wait3A_186] : memref<10112x128xf32, #tpu.memory_space<vmem_shared>> -> memref<128x128xf32, #tpu.memory_space<vmem_shared>>
        tpu.wait_dma2 semaphore(%run_scoped3A_167 : memref<!tpu.dma_semaphore, #tpu.memory_space<semaphore_mem>>) src(%dma_wait3A_187 : memref<128x128xf32, #tpu.memory_space<vmem_shared>>) dst(%dma_wait3A_185 : memref<128x128xf32, #tpu.memory_space<vmem>>)
        tpu.yield
      }) : () -> ()
      %run_scoped3A_82 = arith.constant 0 : i32
      "tpu.region"() ({
        %run_scoped3A_167 = tpu.sem_alloc : memref<!tpu.dma_semaphore, #tpu.memory_space<semaphore_mem>>
        %dma_start3A_168 = arith.constant 0 : i32
        %dma_start3A_169 = arith.constant 0 : i32
        %dma_start3A_170 = tpu.memref_slice %arg17[%dma_start3A_168, %dma_start3A_169] : memref<128x128xf32, #tpu.memory_space<vmem>> -> memref<128x128xf32, #tpu.memory_space<vmem>>
        %dma_start3A_171 = arith.constant 0 : i32
        %dma_start3A_172 = tpu.memref_slice %arg8[%run_scoped3A_82, %mul3A_81, %dma_start3A_171] : memref<2x10000x128xf32, #tpu.memory_space<hbm>> -> memref<1x128x128xf32, #tpu.memory_space<hbm>>
        %dma_start3A_173 = tpu.memref_squeeze %dma_start3A_172 : memref<1x128x128xf32, #tpu.memory_space<hbm>> -> memref<128x128xf32, #tpu.memory_space<hbm>>
        %dma_start3A_174 = arith.constant 0 : i32
        %dma_start3A_175 = tpu.memref_slice %arg8[%run_scoped3A_82, %mul3A_81, %dma_start3A_174] : memref<2x10000x128xf32, #tpu.memory_space<hbm>> -> memref<1x128x128xf32, #tpu.memory_space<hbm>>
        %dma_start3A_176 = tpu.memref_squeeze %dma_start3A_175 : memref<1x128x128xf32, #tpu.memory_space<hbm>> -> memref<128x128xf32, #tpu.memory_space<hbm>>
        %dma_start3A_177 = arith.constant 0 : i32
        %dma_start3A_178 = arith.constant 0 : i32
        %dma_start3A_179 = tpu.memref_slice %arg17[%dma_start3A_177, %dma_start3A_178] : memref<128x128xf32, #tpu.memory_space<vmem>> -> memref<128x128xf32, #tpu.memory_space<vmem>>
        tpu.enqueue_dma source(%dma_start3A_179 : memref<128x128xf32, #tpu.memory_space<vmem>>) target(%dma_start3A_176 : memref<128x128xf32, #tpu.memory_space<hbm>>) target_semaphore(%run_scoped3A_167 : memref<!tpu.dma_semaphore, #tpu.memory_space<semaphore_mem>>)
        %dma_wait3A_180 = arith.constant 0 : i32
        %dma_wait3A_181 = arith.constant 0 : i32
        %dma_wait3A_182 = tpu.memref_slice %arg17[%dma_wait3A_180, %dma_wait3A_181] : memref<128x128xf32, #tpu.memory_space<vmem>> -> memref<128x128xf32, #tpu.memory_space<vmem>>
        %dma_wait3A_183 = arith.constant 0 : i32
        %dma_wait3A_184 = tpu.memref_slice %arg8[%run_scoped3A_82, %mul3A_81, %dma_wait3A_183] : memref<2x10000x128xf32, #tpu.memory_space<hbm>> -> memref<1x128x128xf32, #tpu.memory_space<hbm>>
        %dma_wait3A_185 = tpu.memref_squeeze %dma_wait3A_184 : memref<1x128x128xf32, #tpu.memory_space<hbm>> -> memref<128x128xf32, #tpu.memory_space<hbm>>
        %dma_wait3A_186 = arith.constant 0 : i32
        %dma_wait3A_187 = tpu.memref_slice %arg8[%run_scoped3A_82, %mul3A_81, %dma_wait3A_186] : memref<2x10000x128xf32, #tpu.memory_space<hbm>> -> memref<1x128x128xf32, #tpu.memory_space<hbm>>
        %dma_wait3A_188 = tpu.memref_squeeze %dma_wait3A_187 : memref<1x128x128xf32, #tpu.memory_space<hbm>> -> memref<128x128xf32, #tpu.memory_space<hbm>>
        %dma_wait3A_189 = arith.constant 0 : i32
        %dma_wait3A_190 = arith.constant 0 : i32
        %dma_wait3A_191 = tpu.memref_slice %arg17[%dma_wait3A_189, %dma_wait3A_190] : memref<128x128xf32, #tpu.memory_space<vmem>> -> memref<128x128xf32, #tpu.memory_space<vmem>>
        tpu.wait_dma2 semaphore(%run_scoped3A_167 : memref<!tpu.dma_semaphore, #tpu.memory_space<semaphore_mem>>) src(%dma_wait3A_191 : memref<128x128xf32, #tpu.memory_space<vmem>>) dst(%dma_wait3A_188 : memref<128x128xf32, #tpu.memory_space<hbm>>)
        tpu.yield
      }) : () -> ()
      "tpu.region"() ({
        %run_scoped3A_167 = tpu.sem_alloc : memref<!tpu.dma_semaphore, #tpu.memory_space<semaphore_mem>>
        %dma_start3A_168 = arith.constant 0 : i32
        %dma_start3A_169 = arith.constant 0 : i32
        %dma_start3A_170 = tpu.memref_slice %arg18[%dma_start3A_168, %dma_start3A_169] : memref<128x128xf32, #tpu.memory_space<vmem>> -> memref<128x128xf32, #tpu.memory_space<vmem>>
        %dma_start3A_171 = arith.constant 0 : i32
        %dma_start3A_172 = tpu.memref_slice %arg19[%mul3A_81, %dma_start3A_171] : memref<10112x128xf32, #tpu.memory_space<vmem_shared>> -> memref<128x128xf32, #tpu.memory_space<vmem_shared>>
        %dma_start3A_173 = arith.constant 0 : i32
        %dma_start3A_174 = tpu.memref_slice %arg19[%mul3A_81, %dma_start3A_173] : memref<10112x128xf32, #tpu.memory_space<vmem_shared>> -> memref<128x128xf32, #tpu.memory_space<vmem_shared>>
        %dma_start3A_175 = arith.constant 0 : i32
        %dma_start3A_176 = arith.constant 0 : i32
        %dma_start3A_177 = tpu.memref_slice %arg18[%dma_start3A_175, %dma_start3A_176] : memref<128x128xf32, #tpu.memory_space<vmem>> -> memref<128x128xf32, #tpu.memory_space<vmem>>
        tpu.enqueue_dma source(%dma_start3A_177 : memref<128x128xf32, #tpu.memory_space<vmem>>) target(%dma_start3A_174 : memref<128x128xf32, #tpu.memory_space<vmem_shared>>) target_semaphore(%run_scoped3A_167 : memref<!tpu.dma_semaphore, #tpu.memory_space<semaphore_mem>>)
        %dma_wait3A_178 = arith.constant 0 : i32
        %dma_wait3A_179 = arith.constant 0 : i32
        %dma_wait3A_180 = tpu.memref_slice %arg18[%dma_wait3A_178, %dma_wait3A_179] : memref<128x128xf32, #tpu.memory_space<vmem>> -> memref<128x128xf32, #tpu.memory_space<vmem>>
        %dma_wait3A_181 = arith.constant 0 : i32
        %dma_wait3A_182 = tpu.memref_slice %arg19[%mul3A_81, %dma_wait3A_181] : memref<10112x128xf32, #tpu.memory_space<vmem_shared>> -> memref<128x128xf32, #tpu.memory_space<vmem_shared>>
        %dma_wait3A_183 = arith.constant 0 : i32
        %dma_wait3A_184 = tpu.memref_slice %arg19[%mul3A_81, %dma_wait3A_183] : memref<10112x128xf32, #tpu.memory_space<vmem_shared>> -> memref<128x128xf32, #tpu.memory_space<vmem_shared>>
        %dma_wait3A_185 = arith.constant 0 : i32
        %dma_wait3A_186 = arith.constant 0 : i32
        %dma_wait3A_187 = tpu.memref_slice %arg18[%dma_wait3A_185, %dma_wait3A_186] : memref<128x128xf32, #tpu.memory_space<vmem>> -> memref<128x128xf32, #tpu.memory_space<vmem>>
        tpu.wait_dma2 semaphore(%run_scoped3A_167 : memref<!tpu.dma_semaphore, #tpu.memory_space<semaphore_mem>>) src(%dma_wait3A_187 : memref<128x128xf32, #tpu.memory_space<vmem>>) dst(%dma_wait3A_184 : memref<128x128xf32, #tpu.memory_space<vmem_shared>>)
        tpu.yield
      }) : () -> ()
      %add3A_83 = arith.constant 64 : i32
      %add3A_84 = arith.addi %arg1, %add3A_83 : i32
      %lt3A_85 = arith.constant 78 : i32
      %lt3A_86 = arith.cmpi slt, %add3A_84, %lt3A_85 : i32
      %convert_element_type3A_87 = arith.extui %lt3A_86 : i1 to i32
      %cond3A_88 = arith.constant 0 : i32
      %cond3A_89 = arith.cmpi ne, %convert_element_type3A_87, %cond3A_88 : i32
      scf.if %cond3A_89 {
        %mul3A_167 = arith.constant 128 : i32
        %mul3A_168 = arith.muli %add3A_84, %mul3A_167 : i32
        "tpu.region"() ({
          %run_scoped3A_170 = tpu.sem_alloc : memref<!tpu.dma_semaphore, #tpu.memory_space<semaphore_mem>>
          %dma_start3A_171 = arith.constant 0 : i32
          %dma_start3A_172 = arith.constant 0 : i32
          %dma_start3A_173 = tpu.memref_slice %arg17[%dma_start3A_171, %dma_start3A_172] : memref<128x128xf32, #tpu.memory_space<vmem>> -> memref<128x128xf32, #tpu.memory_space<vmem>>
          %dma_start3A_174 = arith.constant 0 : i32
          %dma_start3A_175 = tpu.memref_slice %arg19[%mul3A_168, %dma_start3A_174] : memref<10112x128xf32, #tpu.memory_space<vmem_shared>> -> memref<128x128xf32, #tpu.memory_space<vmem_shared>>
          %dma_start3A_176 = arith.constant 0 : i32
          %dma_start3A_177 = arith.constant 0 : i32
          %dma_start3A_178 = tpu.memref_slice %arg17[%dma_start3A_176, %dma_start3A_177] : memref<128x128xf32, #tpu.memory_space<vmem>> -> memref<128x128xf32, #tpu.memory_space<vmem>>
          %dma_start3A_179 = arith.constant 0 : i32
          %dma_start3A_180 = tpu.memref_slice %arg19[%mul3A_168, %dma_start3A_179] : memref<10112x128xf32, #tpu.memory_space<vmem_shared>> -> memref<128x128xf32, #tpu.memory_space<vmem_shared>>
          tpu.enqueue_dma source(%dma_start3A_180 : memref<128x128xf32, #tpu.memory_space<vmem_shared>>) target(%dma_start3A_178 : memref<128x128xf32, #tpu.memory_space<vmem>>) target_semaphore(%run_scoped3A_170 : memref<!tpu.dma_semaphore, #tpu.memory_space<semaphore_mem>>)
          %dma_wait3A_181 = arith.constant 0 : i32
          %dma_wait3A_182 = arith.constant 0 : i32
          %dma_wait3A_183 = tpu.memref_slice %arg17[%dma_wait3A_181, %dma_wait3A_182] : memref<128x128xf32, #tpu.memory_space<vmem>> -> memref<128x128xf32, #tpu.memory_space<vmem>>
          %dma_wait3A_184 = arith.constant 0 : i32
          %dma_wait3A_185 = tpu.memref_slice %arg19[%mul3A_168, %dma_wait3A_184] : memref<10112x128xf32, #tpu.memory_space<vmem_shared>> -> memref<128x128xf32, #tpu.memory_space<vmem_shared>>
          %dma_wait3A_186 = arith.constant 0 : i32
          %dma_wait3A_187 = arith.constant 0 : i32
          %dma_wait3A_188 = tpu.memref_slice %arg17[%dma_wait3A_186, %dma_wait3A_187] : memref<128x128xf32, #tpu.memory_space<vmem>> -> memref<128x128xf32, #tpu.memory_space<vmem>>
          %dma_wait3A_189 = arith.constant 0 : i32
          %dma_wait3A_190 = tpu.memref_slice %arg19[%mul3A_168, %dma_wait3A_189] : memref<10112x128xf32, #tpu.memory_space<vmem_shared>> -> memref<128x128xf32, #tpu.memory_space<vmem_shared>>
          tpu.wait_dma2 semaphore(%run_scoped3A_170 : memref<!tpu.dma_semaphore, #tpu.memory_space<semaphore_mem>>) src(%dma_wait3A_190 : memref<128x128xf32, #tpu.memory_space<vmem_shared>>) dst(%dma_wait3A_188 : memref<128x128xf32, #tpu.memory_space<vmem>>)
          tpu.yield
        }) : () -> ()
        %run_scoped3A_169 = arith.constant 0 : i32
        "tpu.region"() ({
          %run_scoped3A_170 = tpu.sem_alloc : memref<!tpu.dma_semaphore, #tpu.memory_space<semaphore_mem>>
          %dma_start3A_171 = arith.constant 0 : i32
          %dma_start3A_172 = arith.constant 0 : i32
          %dma_start3A_173 = tpu.memref_slice %arg17[%dma_start3A_171, %dma_start3A_172] : memref<128x128xf32, #tpu.memory_space<vmem>> -> memref<128x128xf32, #tpu.memory_space<vmem>>
          %dma_start3A_174 = arith.constant 0 : i32
          %dma_start3A_175 = tpu.memref_slice %arg8[%run_scoped3A_169, %mul3A_168, %dma_start3A_174] : memref<2x10000x128xf32, #tpu.memory_space<hbm>> -> memref<1x128x128xf32, #tpu.memory_space<hbm>>
          %dma_start3A_176 = tpu.memref_squeeze %dma_start3A_175 : memref<1x128x128xf32, #tpu.memory_space<hbm>> -> memref<128x128xf32, #tpu.memory_space<hbm>>
          %dma_start3A_177 = arith.constant 0 : i32
          %dma_start3A_178 = tpu.memref_slice %arg8[%run_scoped3A_169, %mul3A_168, %dma_start3A_177] : memref<2x10000x128xf32, #tpu.memory_space<hbm>> -> memref<1x128x128xf32, #tpu.memory_space<hbm>>
          %dma_start3A_179 = tpu.memref_squeeze %dma_start3A_178 : memref<1x128x128xf32, #tpu.memory_space<hbm>> -> memref<128x128xf32, #tpu.memory_space<hbm>>
          %dma_start3A_180 = arith.constant 0 : i32
          %dma_start3A_181 = arith.constant 0 : i32
          %dma_start3A_182 = tpu.memref_slice %arg17[%dma_start3A_180, %dma_start3A_181] : memref<128x128xf32, #tpu.memory_space<vmem>> -> memref<128x128xf32, #tpu.memory_space<vmem>>
          tpu.enqueue_dma source(%dma_start3A_182 : memref<128x128xf32, #tpu.memory_space<vmem>>) target(%dma_start3A_179 : memref<128x128xf32, #tpu.memory_space<hbm>>) target_semaphore(%run_scoped3A_170 : memref<!tpu.dma_semaphore, #tpu.memory_space<semaphore_mem>>)
          %dma_wait3A_183 = arith.constant 0 : i32
          %dma_wait3A_184 = arith.constant 0 : i32
          %dma_wait3A_185 = tpu.memref_slice %arg17[%dma_wait3A_183, %dma_wait3A_184] : memref<128x128xf32, #tpu.memory_space<vmem>> -> memref<128x128xf32, #tpu.memory_space<vmem>>
          %dma_wait3A_186 = arith.constant 0 : i32
          %dma_wait3A_187 = tpu.memref_slice %arg8[%run_scoped3A_169, %mul3A_168, %dma_wait3A_186] : memref<2x10000x128xf32, #tpu.memory_space<hbm>> -> memref<1x128x128xf32, #tpu.memory_space<hbm>>
          %dma_wait3A_188 = tpu.memref_squeeze %dma_wait3A_187 : memref<1x128x128xf32, #tpu.memory_space<hbm>> -> memref<128x128xf32, #tpu.memory_space<hbm>>
          %dma_wait3A_189 = arith.constant 0 : i32
          %dma_wait3A_190 = tpu.memref_slice %arg8[%run_scoped3A_169, %mul3A_168, %dma_wait3A_189] : memref<2x10000x128xf32, #tpu.memory_space<hbm>> -> memref<1x128x128xf32, #tpu.memory_space<hbm>>
          %dma_wait3A_191 = tpu.memref_squeeze %dma_wait3A_190 : memref<1x128x128xf32, #tpu.memory_space<hbm>> -> memref<128x128xf32, #tpu.memory_space<hbm>>
          %dma_wait3A_192 = arith.constant 0 : i32
          %dma_wait3A_193 = arith.constant 0 : i32
          %dma_wait3A_194 = tpu.memref_slice %arg17[%dma_wait3A_192, %dma_wait3A_193] : memref<128x128xf32, #tpu.memory_space<vmem>> -> memref<128x128xf32, #tpu.memory_space<vmem>>
          tpu.wait_dma2 semaphore(%run_scoped3A_170 : memref<!tpu.dma_semaphore, #tpu.memory_space<semaphore_mem>>) src(%dma_wait3A_194 : memref<128x128xf32, #tpu.memory_space<vmem>>) dst(%dma_wait3A_191 : memref<128x128xf32, #tpu.memory_space<hbm>>)
          tpu.yield
        }) : () -> ()
        "tpu.region"() ({
          %run_scoped3A_170 = tpu.sem_alloc : memref<!tpu.dma_semaphore, #tpu.memory_space<semaphore_mem>>
          %dma_start3A_171 = arith.constant 0 : i32
          %dma_start3A_172 = arith.constant 0 : i32
          %dma_start3A_173 = tpu.memref_slice %arg18[%dma_start3A_171, %dma_start3A_172] : memref<128x128xf32, #tpu.memory_space<vmem>> -> memref<128x128xf32, #tpu.memory_space<vmem>>
          %dma_start3A_174 = arith.constant 0 : i32
          %dma_start3A_175 = tpu.memref_slice %arg19[%mul3A_168, %dma_start3A_174] : memref<10112x128xf32, #tpu.memory_space<vmem_shared>> -> memref<128x128xf32, #tpu.memory_space<vmem_shared>>
          %dma_start3A_176 = arith.constant 0 : i32
          %dma_start3A_177 = tpu.memref_slice %arg19[%mul3A_168, %dma_start3A_176] : memref<10112x128xf32, #tpu.memory_space<vmem_shared>> -> memref<128x128xf32, #tpu.memory_space<vmem_shared>>
          %dma_start3A_178 = arith.constant 0 : i32
          %dma_start3A_179 = arith.constant 0 : i32
          %dma_start3A_180 = tpu.memref_slice %arg18[%dma_start3A_178, %dma_start3A_179] : memref<128x128xf32, #tpu.memory_space<vmem>> -> memref<128x128xf32, #tpu.memory_space<vmem>>
          tpu.enqueue_dma source(%dma_start3A_180 : memref<128x128xf32, #tpu.memory_space<vmem>>) target(%dma_start3A_177 : memref<128x128xf32, #tpu.memory_space<vmem_shared>>) target_semaphore(%run_scoped3A_170 : memref<!tpu.dma_semaphore, #tpu.memory_space<semaphore_mem>>)
          %dma_wait3A_181 = arith.constant 0 : i32
          %dma_wait3A_182 = arith.constant 0 : i32
          %dma_wait3A_183 = tpu.memref_slice %arg18[%dma_wait3A_181, %dma_wait3A_182] : memref<128x128xf32, #tpu.memory_space<vmem>> -> memref<128x128xf32, #tpu.memory_space<vmem>>
          %dma_wait3A_184 = arith.constant 0 : i32
          %dma_wait3A_185 = tpu.memref_slice %arg19[%mul3A_168, %dma_wait3A_184] : memref<10112x128xf32, #tpu.memory_space<vmem_shared>> -> memref<128x128xf32, #tpu.memory_space<vmem_shared>>
          %dma_wait3A_186 = arith.constant 0 : i32
          %dma_wait3A_187 = tpu.memref_slice %arg19[%mul3A_168, %dma_wait3A_186] : memref<10112x128xf32, #tpu.memory_space<vmem_shared>> -> memref<128x128xf32, #tpu.memory_space<vmem_shared>>
          %dma_wait3A_188 = arith.constant 0 : i32
          %dma_wait3A_189 = arith.constant 0 : i32
          %dma_wait3A_190 = tpu.memref_slice %arg18[%dma_wait3A_188, %dma_wait3A_189] : memref<128x128xf32, #tpu.memory_space<vmem>> -> memref<128x128xf32, #tpu.memory_space<vmem>>
          tpu.wait_dma2 semaphore(%run_scoped3A_170 : memref<!tpu.dma_semaphore, #tpu.memory_space<semaphore_mem>>) src(%dma_wait3A_190 : memref<128x128xf32, #tpu.memory_space<vmem>>) dst(%dma_wait3A_187 : memref<128x128xf32, #tpu.memory_space<vmem_shared>>)
          tpu.yield
        }) : () -> ()
      } else {
      }
      %eq3A_90 = arith.constant 15 : i32
      %eq3A_91 = arith.cmpi eq, %arg1, %eq3A_90 : i32
      %convert_element_type3A_92 = arith.extui %eq3A_91 : i1 to i32
      %cond3A_93 = arith.constant 0 : i32
      %cond3A_94 = arith.cmpi ne, %convert_element_type3A_92, %cond3A_93 : i32
      scf.if %cond3A_94 {
        "tpu.region"() ({
          %run_scoped3A_168 = tpu.sem_alloc : memref<!tpu.dma_semaphore, #tpu.memory_space<semaphore_mem>>
          %dma_start3A_169 = arith.constant 0 : i32
          %dma_start3A_170 = arith.constant 0 : i32
          %dma_start3A_171 = tpu.memref_slice %arg17[%dma_start3A_169, %dma_start3A_170] : memref<128x128xf32, #tpu.memory_space<vmem>> -> memref<16x128xf32, #tpu.memory_space<vmem>>
          %dma_start3A_172 = arith.constant 9984 : i32
          %dma_start3A_173 = arith.constant 0 : i32
          %dma_start3A_174 = tpu.memref_slice %arg19[%dma_start3A_172, %dma_start3A_173] : memref<10112x128xf32, #tpu.memory_space<vmem_shared>> -> memref<16x128xf32, #tpu.memory_space<vmem_shared>>
          %dma_start3A_175 = arith.constant 0 : i32
          %dma_start3A_176 = arith.constant 0 : i32
          %dma_start3A_177 = tpu.memref_slice %arg17[%dma_start3A_175, %dma_start3A_176] : memref<128x128xf32, #tpu.memory_space<vmem>> -> memref<16x128xf32, #tpu.memory_space<vmem>>
          %dma_start3A_178 = arith.constant 9984 : i32
          %dma_start3A_179 = arith.constant 0 : i32
          %dma_start3A_180 = tpu.memref_slice %arg19[%dma_start3A_178, %dma_start3A_179] : memref<10112x128xf32, #tpu.memory_space<vmem_shared>> -> memref<16x128xf32, #tpu.memory_space<vmem_shared>>
          tpu.enqueue_dma source(%dma_start3A_180 : memref<16x128xf32, #tpu.memory_space<vmem_shared>>) target(%dma_start3A_177 : memref<16x128xf32, #tpu.memory_space<vmem>>) target_semaphore(%run_scoped3A_168 : memref<!tpu.dma_semaphore, #tpu.memory_space<semaphore_mem>>)
          %dma_wait3A_181 = arith.constant 0 : i32
          %dma_wait3A_182 = arith.constant 0 : i32
          %dma_wait3A_183 = tpu.memref_slice %arg17[%dma_wait3A_181, %dma_wait3A_182] : memref<128x128xf32, #tpu.memory_space<vmem>> -> memref<16x128xf32, #tpu.memory_space<vmem>>
          %dma_wait3A_184 = arith.constant 9984 : i32
          %dma_wait3A_185 = arith.constant 0 : i32
          %dma_wait3A_186 = tpu.memref_slice %arg19[%dma_wait3A_184, %dma_wait3A_185] : memref<10112x128xf32, #tpu.memory_space<vmem_shared>> -> memref<16x128xf32, #tpu.memory_space<vmem_shared>>
          %dma_wait3A_187 = arith.constant 0 : i32
          %dma_wait3A_188 = arith.constant 0 : i32
          %dma_wait3A_189 = tpu.memref_slice %arg17[%dma_wait3A_187, %dma_wait3A_188] : memref<128x128xf32, #tpu.memory_space<vmem>> -> memref<16x128xf32, #tpu.memory_space<vmem>>
          %dma_wait3A_190 = arith.constant 9984 : i32
          %dma_wait3A_191 = arith.constant 0 : i32
          %dma_wait3A_192 = tpu.memref_slice %arg19[%dma_wait3A_190, %dma_wait3A_191] : memref<10112x128xf32, #tpu.memory_space<vmem_shared>> -> memref<16x128xf32, #tpu.memory_space<vmem_shared>>
          tpu.wait_dma2 semaphore(%run_scoped3A_168 : memref<!tpu.dma_semaphore, #tpu.memory_space<semaphore_mem>>) src(%dma_wait3A_192 : memref<16x128xf32, #tpu.memory_space<vmem_shared>>) dst(%dma_wait3A_189 : memref<16x128xf32, #tpu.memory_space<vmem>>)
          tpu.yield
        }) : () -> ()
        %run_scoped3A_167 = arith.constant 0 : i32
        "tpu.region"() ({
          %run_scoped3A_168 = tpu.sem_alloc : memref<!tpu.dma_semaphore, #tpu.memory_space<semaphore_mem>>
          %dma_start3A_169 = arith.constant 0 : i32
          %dma_start3A_170 = arith.constant 0 : i32
          %dma_start3A_171 = tpu.memref_slice %arg17[%dma_start3A_169, %dma_start3A_170] : memref<128x128xf32, #tpu.memory_space<vmem>> -> memref<16x128xf32, #tpu.memory_space<vmem>>
          %dma_start3A_172 = arith.constant 9984 : i32
          %dma_start3A_173 = arith.constant 0 : i32
          %dma_start3A_174 = tpu.memref_slice %arg8[%run_scoped3A_167, %dma_start3A_172, %dma_start3A_173] : memref<2x10000x128xf32, #tpu.memory_space<hbm>> -> memref<1x16x128xf32, #tpu.memory_space<hbm>>
          %dma_start3A_175 = tpu.memref_squeeze %dma_start3A_174 : memref<1x16x128xf32, #tpu.memory_space<hbm>> -> memref<16x128xf32, #tpu.memory_space<hbm>>
          %dma_start3A_176 = arith.constant 9984 : i32
          %dma_start3A_177 = arith.constant 0 : i32
          %dma_start3A_178 = tpu.memref_slice %arg8[%run_scoped3A_167, %dma_start3A_176, %dma_start3A_177] : memref<2x10000x128xf32, #tpu.memory_space<hbm>> -> memref<1x16x128xf32, #tpu.memory_space<hbm>>
          %dma_start3A_179 = tpu.memref_squeeze %dma_start3A_178 : memref<1x16x128xf32, #tpu.memory_space<hbm>> -> memref<16x128xf32, #tpu.memory_space<hbm>>
          %dma_start3A_180 = arith.constant 0 : i32
          %dma_start3A_181 = arith.constant 0 : i32
          %dma_start3A_182 = tpu.memref_slice %arg17[%dma_start3A_180, %dma_start3A_181] : memref<128x128xf32, #tpu.memory_space<vmem>> -> memref<16x128xf32, #tpu.memory_space<vmem>>
          tpu.enqueue_dma source(%dma_start3A_182 : memref<16x128xf32, #tpu.memory_space<vmem>>) target(%dma_start3A_179 : memref<16x128xf32, #tpu.memory_space<hbm>>) target_semaphore(%run_scoped3A_168 : memref<!tpu.dma_semaphore, #tpu.memory_space<semaphore_mem>>)
          %dma_wait3A_183 = arith.constant 0 : i32
          %dma_wait3A_184 = arith.constant 0 : i32
          %dma_wait3A_185 = tpu.memref_slice %arg17[%dma_wait3A_183, %dma_wait3A_184] : memref<128x128xf32, #tpu.memory_space<vmem>> -> memref<16x128xf32, #tpu.memory_space<vmem>>
          %dma_wait3A_186 = arith.constant 9984 : i32
          %dma_wait3A_187 = arith.constant 0 : i32
          %dma_wait3A_188 = tpu.memref_slice %arg8[%run_scoped3A_167, %dma_wait3A_186, %dma_wait3A_187] : memref<2x10000x128xf32, #tpu.memory_space<hbm>> -> memref<1x16x128xf32, #tpu.memory_space<hbm>>
          %dma_wait3A_189 = tpu.memref_squeeze %dma_wait3A_188 : memref<1x16x128xf32, #tpu.memory_space<hbm>> -> memref<16x128xf32, #tpu.memory_space<hbm>>
          %dma_wait3A_190 = arith.constant 9984 : i32
          %dma_wait3A_191 = arith.constant 0 : i32
          %dma_wait3A_192 = tpu.memref_slice %arg8[%run_scoped3A_167, %dma_wait3A_190, %dma_wait3A_191] : memref<2x10000x128xf32, #tpu.memory_space<hbm>> -> memref<1x16x128xf32, #tpu.memory_space<hbm>>
          %dma_wait3A_193 = tpu.memref_squeeze %dma_wait3A_192 : memref<1x16x128xf32, #tpu.memory_space<hbm>> -> memref<16x128xf32, #tpu.memory_space<hbm>>
          %dma_wait3A_194 = arith.constant 0 : i32
          %dma_wait3A_195 = arith.constant 0 : i32
          %dma_wait3A_196 = tpu.memref_slice %arg17[%dma_wait3A_194, %dma_wait3A_195] : memref<128x128xf32, #tpu.memory_space<vmem>> -> memref<16x128xf32, #tpu.memory_space<vmem>>
          tpu.wait_dma2 semaphore(%run_scoped3A_168 : memref<!tpu.dma_semaphore, #tpu.memory_space<semaphore_mem>>) src(%dma_wait3A_196 : memref<16x128xf32, #tpu.memory_space<vmem>>) dst(%dma_wait3A_193 : memref<16x128xf32, #tpu.memory_space<hbm>>)
          tpu.yield
        }) : () -> ()
        "tpu.region"() ({
          %run_scoped3A_168 = tpu.sem_alloc : memref<!tpu.dma_semaphore, #tpu.memory_space<semaphore_mem>>
          %dma_start3A_169 = arith.constant 0 : i32
          %dma_start3A_170 = arith.constant 0 : i32
          %dma_start3A_171 = tpu.memref_slice %arg18[%dma_start3A_169, %dma_start3A_170] : memref<128x128xf32, #tpu.memory_space<vmem>> -> memref<16x128xf32, #tpu.memory_space<vmem>>
          %dma_start3A_172 = arith.constant 9984 : i32
          %dma_start3A_173 = arith.constant 0 : i32
          %dma_start3A_174 = tpu.memref_slice %arg19[%dma_start3A_172, %dma_start3A_173] : memref<10112x128xf32, #tpu.memory_space<vmem_shared>> -> memref<16x128xf32, #tpu.memory_space<vmem_shared>>
          %dma_start3A_175 = arith.constant 9984 : i32
          %dma_start3A_176 = arith.constant 0 : i32
          %dma_start3A_177 = tpu.memref_slice %arg19[%dma_start3A_175, %dma_start3A_176] : memref<10112x128xf32, #tpu.memory_space<vmem_shared>> -> memref<16x128xf32, #tpu.memory_space<vmem_shared>>
          %dma_start3A_178 = arith.constant 0 : i32
          %dma_start3A_179 = arith.constant 0 : i32
          %dma_start3A_180 = tpu.memref_slice %arg18[%dma_start3A_178, %dma_start3A_179] : memref<128x128xf32, #tpu.memory_space<vmem>> -> memref<16x128xf32, #tpu.memory_space<vmem>>
          tpu.enqueue_dma source(%dma_start3A_180 : memref<16x128xf32, #tpu.memory_space<vmem>>) target(%dma_start3A_177 : memref<16x128xf32, #tpu.memory_space<vmem_shared>>) target_semaphore(%run_scoped3A_168 : memref<!tpu.dma_semaphore, #tpu.memory_space<semaphore_mem>>)
          %dma_wait3A_181 = arith.constant 0 : i32
          %dma_wait3A_182 = arith.constant 0 : i32
          %dma_wait3A_183 = tpu.memref_slice %arg18[%dma_wait3A_181, %dma_wait3A_182] : memref<128x128xf32, #tpu.memory_space<vmem>> -> memref<16x128xf32, #tpu.memory_space<vmem>>
          %dma_wait3A_184 = arith.constant 9984 : i32
          %dma_wait3A_185 = arith.constant 0 : i32
          %dma_wait3A_186 = tpu.memref_slice %arg19[%dma_wait3A_184, %dma_wait3A_185] : memref<10112x128xf32, #tpu.memory_space<vmem_shared>> -> memref<16x128xf32, #tpu.memory_space<vmem_shared>>
          %dma_wait3A_187 = arith.constant 9984 : i32
          %dma_wait3A_188 = arith.constant 0 : i32
          %dma_wait3A_189 = tpu.memref_slice %arg19[%dma_wait3A_187, %dma_wait3A_188] : memref<10112x128xf32, #tpu.memory_space<vmem_shared>> -> memref<16x128xf32, #tpu.memory_space<vmem_shared>>
          %dma_wait3A_190 = arith.constant 0 : i32
          %dma_wait3A_191 = arith.constant 0 : i32
          %dma_wait3A_192 = tpu.memref_slice %arg18[%dma_wait3A_190, %dma_wait3A_191] : memref<128x128xf32, #tpu.memory_space<vmem>> -> memref<16x128xf32, #tpu.memory_space<vmem>>
          tpu.wait_dma2 semaphore(%run_scoped3A_168 : memref<!tpu.dma_semaphore, #tpu.memory_space<semaphore_mem>>) src(%dma_wait3A_192 : memref<16x128xf32, #tpu.memory_space<vmem>>) dst(%dma_wait3A_189 : memref<16x128xf32, #tpu.memory_space<vmem_shared>>)
          tpu.yield
        }) : () -> ()
      } else {
      }
      %barrier3A_95 = arith.constant 0 : index
      tpu.barrier barrier_id(%barrier3A_95)
      "tpu.region"() ({
        %run_scoped3A_167 = tpu.sem_alloc : memref<!tpu.dma_semaphore, #tpu.memory_space<semaphore_mem>>
        tpu.enqueue_dma source(%arg6 : memref<128x128xf32, #tpu.memory_space<hbm>>) target(%arg18 : memref<128x128xf32, #tpu.memory_space<vmem>>) target_semaphore(%run_scoped3A_167 : memref<!tpu.dma_semaphore, #tpu.memory_space<semaphore_mem>>)
        tpu.wait_dma2 semaphore(%run_scoped3A_167 : memref<!tpu.dma_semaphore, #tpu.memory_space<semaphore_mem>>) src(%arg6 : memref<128x128xf32, #tpu.memory_space<hbm>>) dst(%arg18 : memref<128x128xf32, #tpu.memory_space<vmem>>)
        tpu.yield
      }) : () -> ()
      %add3A_96 = arith.constant 0 : i32
      %add3A_97 = arith.addi %mul3A_0, %add3A_96 : i32
      %run_scoped3A_98 = arith.constant 1 : i32
      "tpu.region"() ({
        %run_scoped3A_167 = tpu.sem_alloc : memref<!tpu.dma_semaphore, #tpu.memory_space<semaphore_mem>>
        %dma_start3A_168 = tpu.memref_slice %arg3[%run_scoped3A_98, %add3A_97] : memref<2x321536xi32, #tpu.memory_space<hbm>> -> memref<1x128xi32, #tpu.memory_space<hbm>>
        %dma_start3A_169 = tpu.memref_squeeze %dma_start3A_168 : memref<1x128xi32, #tpu.memory_space<hbm>> -> memref<128xi32, #tpu.memory_space<hbm>>
        %dma_start3A_170 = tpu.memref_slice %arg3[%run_scoped3A_98, %add3A_97] : memref<2x321536xi32, #tpu.memory_space<hbm>> -> memref<1x128xi32, #tpu.memory_space<hbm>>
        %dma_start3A_171 = tpu.memref_squeeze %dma_start3A_170 : memref<1x128xi32, #tpu.memory_space<hbm>> -> memref<128xi32, #tpu.memory_space<hbm>>
        tpu.enqueue_dma source(%dma_start3A_171 : memref<128xi32, #tpu.memory_space<hbm>>) target(%arg9 : memref<128xi32, #tpu.memory_space<vmem>>) target_semaphore(%run_scoped3A_167 : memref<!tpu.dma_semaphore, #tpu.memory_space<semaphore_mem>>)
        %dma_wait3A_172 = tpu.memref_slice %arg3[%run_scoped3A_98, %add3A_97] : memref<2x321536xi32, #tpu.memory_space<hbm>> -> memref<1x128xi32, #tpu.memory_space<hbm>>
        %dma_wait3A_173 = tpu.memref_squeeze %dma_wait3A_172 : memref<1x128xi32, #tpu.memory_space<hbm>> -> memref<128xi32, #tpu.memory_space<hbm>>
        %dma_wait3A_174 = tpu.memref_slice %arg3[%run_scoped3A_98, %add3A_97] : memref<2x321536xi32, #tpu.memory_space<hbm>> -> memref<1x128xi32, #tpu.memory_space<hbm>>
        %dma_wait3A_175 = tpu.memref_squeeze %dma_wait3A_174 : memref<1x128xi32, #tpu.memory_space<hbm>> -> memref<128xi32, #tpu.memory_space<hbm>>
        tpu.wait_dma2 semaphore(%run_scoped3A_167 : memref<!tpu.dma_semaphore, #tpu.memory_space<semaphore_mem>>) src(%dma_wait3A_175 : memref<128xi32, #tpu.memory_space<hbm>>) dst(%arg9 : memref<128xi32, #tpu.memory_space<vmem>>)
        tpu.yield
      }) : () -> ()
      %add3A_99 = arith.constant 0 : i32
      %add3A_100 = arith.addi %mul3A_0, %add3A_99 : i32
      %run_scoped3A_101 = arith.constant 1 : i32
      "tpu.region"() ({
        %run_scoped3A_167 = tpu.sem_alloc : memref<!tpu.dma_semaphore, #tpu.memory_space<semaphore_mem>>
        %dma_start3A_168 = tpu.memref_slice %arg4[%run_scoped3A_101, %add3A_100] : memref<2x321536xi32, #tpu.memory_space<hbm>> -> memref<1x128xi32, #tpu.memory_space<hbm>>
        %dma_start3A_169 = tpu.memref_squeeze %dma_start3A_168 : memref<1x128xi32, #tpu.memory_space<hbm>> -> memref<128xi32, #tpu.memory_space<hbm>>
        %dma_start3A_170 = tpu.memref_slice %arg4[%run_scoped3A_101, %add3A_100] : memref<2x321536xi32, #tpu.memory_space<hbm>> -> memref<1x128xi32, #tpu.memory_space<hbm>>
        %dma_start3A_171 = tpu.memref_squeeze %dma_start3A_170 : memref<1x128xi32, #tpu.memory_space<hbm>> -> memref<128xi32, #tpu.memory_space<hbm>>
        tpu.enqueue_dma source(%dma_start3A_171 : memref<128xi32, #tpu.memory_space<hbm>>) target(%arg13 : memref<128xi32, #tpu.memory_space<vmem>>) target_semaphore(%run_scoped3A_167 : memref<!tpu.dma_semaphore, #tpu.memory_space<semaphore_mem>>)
        %dma_wait3A_172 = tpu.memref_slice %arg4[%run_scoped3A_101, %add3A_100] : memref<2x321536xi32, #tpu.memory_space<hbm>> -> memref<1x128xi32, #tpu.memory_space<hbm>>
        %dma_wait3A_173 = tpu.memref_squeeze %dma_wait3A_172 : memref<1x128xi32, #tpu.memory_space<hbm>> -> memref<128xi32, #tpu.memory_space<hbm>>
        %dma_wait3A_174 = tpu.memref_slice %arg4[%run_scoped3A_101, %add3A_100] : memref<2x321536xi32, #tpu.memory_space<hbm>> -> memref<1x128xi32, #tpu.memory_space<hbm>>
        %dma_wait3A_175 = tpu.memref_squeeze %dma_wait3A_174 : memref<1x128xi32, #tpu.memory_space<hbm>> -> memref<128xi32, #tpu.memory_space<hbm>>
        tpu.wait_dma2 semaphore(%run_scoped3A_167 : memref<!tpu.dma_semaphore, #tpu.memory_space<semaphore_mem>>) src(%dma_wait3A_175 : memref<128xi32, #tpu.memory_space<hbm>>) dst(%arg13 : memref<128xi32, #tpu.memory_space<vmem>>)
        tpu.yield
      }) : () -> ()
      %add3A_102 = arith.constant 128 : i32
      %add3A_103 = arith.addi %mul3A_0, %add3A_102 : i32
      %run_scoped3A_104 = arith.constant 1 : i32
      "tpu.region"() ({
        %run_scoped3A_167 = tpu.sem_alloc : memref<!tpu.dma_semaphore, #tpu.memory_space<semaphore_mem>>
        %dma_start3A_168 = tpu.memref_slice %arg3[%run_scoped3A_104, %add3A_103] : memref<2x321536xi32, #tpu.memory_space<hbm>> -> memref<1x128xi32, #tpu.memory_space<hbm>>
        %dma_start3A_169 = tpu.memref_squeeze %dma_start3A_168 : memref<1x128xi32, #tpu.memory_space<hbm>> -> memref<128xi32, #tpu.memory_space<hbm>>
        %dma_start3A_170 = tpu.memref_slice %arg3[%run_scoped3A_104, %add3A_103] : memref<2x321536xi32, #tpu.memory_space<hbm>> -> memref<1x128xi32, #tpu.memory_space<hbm>>
        %dma_start3A_171 = tpu.memref_squeeze %dma_start3A_170 : memref<1x128xi32, #tpu.memory_space<hbm>> -> memref<128xi32, #tpu.memory_space<hbm>>
        tpu.enqueue_dma source(%dma_start3A_171 : memref<128xi32, #tpu.memory_space<hbm>>) target(%arg10 : memref<128xi32, #tpu.memory_space<vmem>>) target_semaphore(%run_scoped3A_167 : memref<!tpu.dma_semaphore, #tpu.memory_space<semaphore_mem>>)
        %dma_wait3A_172 = tpu.memref_slice %arg3[%run_scoped3A_104, %add3A_103] : memref<2x321536xi32, #tpu.memory_space<hbm>> -> memref<1x128xi32, #tpu.memory_space<hbm>>
        %dma_wait3A_173 = tpu.memref_squeeze %dma_wait3A_172 : memref<1x128xi32, #tpu.memory_space<hbm>> -> memref<128xi32, #tpu.memory_space<hbm>>
        %dma_wait3A_174 = tpu.memref_slice %arg3[%run_scoped3A_104, %add3A_103] : memref<2x321536xi32, #tpu.memory_space<hbm>> -> memref<1x128xi32, #tpu.memory_space<hbm>>
        %dma_wait3A_175 = tpu.memref_squeeze %dma_wait3A_174 : memref<1x128xi32, #tpu.memory_space<hbm>> -> memref<128xi32, #tpu.memory_space<hbm>>
        tpu.wait_dma2 semaphore(%run_scoped3A_167 : memref<!tpu.dma_semaphore, #tpu.memory_space<semaphore_mem>>) src(%dma_wait3A_175 : memref<128xi32, #tpu.memory_space<hbm>>) dst(%arg10 : memref<128xi32, #tpu.memory_space<vmem>>)
        tpu.yield
      }) : () -> ()
      %add3A_105 = arith.constant 128 : i32
      %add3A_106 = arith.addi %mul3A_0, %add3A_105 : i32
      %run_scoped3A_107 = arith.constant 1 : i32
      "tpu.region"() ({
        %run_scoped3A_167 = tpu.sem_alloc : memref<!tpu.dma_semaphore, #tpu.memory_space<semaphore_mem>>
        %dma_start3A_168 = tpu.memref_slice %arg4[%run_scoped3A_107, %add3A_106] : memref<2x321536xi32, #tpu.memory_space<hbm>> -> memref<1x128xi32, #tpu.memory_space<hbm>>
        %dma_start3A_169 = tpu.memref_squeeze %dma_start3A_168 : memref<1x128xi32, #tpu.memory_space<hbm>> -> memref<128xi32, #tpu.memory_space<hbm>>
        %dma_start3A_170 = tpu.memref_slice %arg4[%run_scoped3A_107, %add3A_106] : memref<2x321536xi32, #tpu.memory_space<hbm>> -> memref<1x128xi32, #tpu.memory_space<hbm>>
        %dma_start3A_171 = tpu.memref_squeeze %dma_start3A_170 : memref<1x128xi32, #tpu.memory_space<hbm>> -> memref<128xi32, #tpu.memory_space<hbm>>
        tpu.enqueue_dma source(%dma_start3A_171 : memref<128xi32, #tpu.memory_space<hbm>>) target(%arg14 : memref<128xi32, #tpu.memory_space<vmem>>) target_semaphore(%run_scoped3A_167 : memref<!tpu.dma_semaphore, #tpu.memory_space<semaphore_mem>>)
        %dma_wait3A_172 = tpu.memref_slice %arg4[%run_scoped3A_107, %add3A_106] : memref<2x321536xi32, #tpu.memory_space<hbm>> -> memref<1x128xi32, #tpu.memory_space<hbm>>
        %dma_wait3A_173 = tpu.memref_squeeze %dma_wait3A_172 : memref<1x128xi32, #tpu.memory_space<hbm>> -> memref<128xi32, #tpu.memory_space<hbm>>
        %dma_wait3A_174 = tpu.memref_slice %arg4[%run_scoped3A_107, %add3A_106] : memref<2x321536xi32, #tpu.memory_space<hbm>> -> memref<1x128xi32, #tpu.memory_space<hbm>>
        %dma_wait3A_175 = tpu.memref_squeeze %dma_wait3A_174 : memref<1x128xi32, #tpu.memory_space<hbm>> -> memref<128xi32, #tpu.memory_space<hbm>>
        tpu.wait_dma2 semaphore(%run_scoped3A_167 : memref<!tpu.dma_semaphore, #tpu.memory_space<semaphore_mem>>) src(%dma_wait3A_175 : memref<128xi32, #tpu.memory_space<hbm>>) dst(%arg14 : memref<128xi32, #tpu.memory_space<vmem>>)
        tpu.yield
      }) : () -> ()
      %add3A_108 = arith.constant 256 : i32
      %add3A_109 = arith.addi %mul3A_0, %add3A_108 : i32
      %run_scoped3A_110 = arith.constant 1 : i32
      "tpu.region"() ({
        %run_scoped3A_167 = tpu.sem_alloc : memref<!tpu.dma_semaphore, #tpu.memory_space<semaphore_mem>>
        %dma_start3A_168 = tpu.memref_slice %arg3[%run_scoped3A_110, %add3A_109] : memref<2x321536xi32, #tpu.memory_space<hbm>> -> memref<1x128xi32, #tpu.memory_space<hbm>>
        %dma_start3A_169 = tpu.memref_squeeze %dma_start3A_168 : memref<1x128xi32, #tpu.memory_space<hbm>> -> memref<128xi32, #tpu.memory_space<hbm>>
        %dma_start3A_170 = tpu.memref_slice %arg3[%run_scoped3A_110, %add3A_109] : memref<2x321536xi32, #tpu.memory_space<hbm>> -> memref<1x128xi32, #tpu.memory_space<hbm>>
        %dma_start3A_171 = tpu.memref_squeeze %dma_start3A_170 : memref<1x128xi32, #tpu.memory_space<hbm>> -> memref<128xi32, #tpu.memory_space<hbm>>
        tpu.enqueue_dma source(%dma_start3A_171 : memref<128xi32, #tpu.memory_space<hbm>>) target(%arg11 : memref<128xi32, #tpu.memory_space<vmem>>) target_semaphore(%run_scoped3A_167 : memref<!tpu.dma_semaphore, #tpu.memory_space<semaphore_mem>>)
        %dma_wait3A_172 = tpu.memref_slice %arg3[%run_scoped3A_110, %add3A_109] : memref<2x321536xi32, #tpu.memory_space<hbm>> -> memref<1x128xi32, #tpu.memory_space<hbm>>
        %dma_wait3A_173 = tpu.memref_squeeze %dma_wait3A_172 : memref<1x128xi32, #tpu.memory_space<hbm>> -> memref<128xi32, #tpu.memory_space<hbm>>
        %dma_wait3A_174 = tpu.memref_slice %arg3[%run_scoped3A_110, %add3A_109] : memref<2x321536xi32, #tpu.memory_space<hbm>> -> memref<1x128xi32, #tpu.memory_space<hbm>>
        %dma_wait3A_175 = tpu.memref_squeeze %dma_wait3A_174 : memref<1x128xi32, #tpu.memory_space<hbm>> -> memref<128xi32, #tpu.memory_space<hbm>>
        tpu.wait_dma2 semaphore(%run_scoped3A_167 : memref<!tpu.dma_semaphore, #tpu.memory_space<semaphore_mem>>) src(%dma_wait3A_175 : memref<128xi32, #tpu.memory_space<hbm>>) dst(%arg11 : memref<128xi32, #tpu.memory_space<vmem>>)
        tpu.yield
      }) : () -> ()
      %add3A_111 = arith.constant 256 : i32
      %add3A_112 = arith.addi %mul3A_0, %add3A_111 : i32
      %run_scoped3A_113 = arith.constant 1 : i32
      "tpu.region"() ({
        %run_scoped3A_167 = tpu.sem_alloc : memref<!tpu.dma_semaphore, #tpu.memory_space<semaphore_mem>>
        %dma_start3A_168 = tpu.memref_slice %arg4[%run_scoped3A_113, %add3A_112] : memref<2x321536xi32, #tpu.memory_space<hbm>> -> memref<1x128xi32, #tpu.memory_space<hbm>>
        %dma_start3A_169 = tpu.memref_squeeze %dma_start3A_168 : memref<1x128xi32, #tpu.memory_space<hbm>> -> memref<128xi32, #tpu.memory_space<hbm>>
        %dma_start3A_170 = tpu.memref_slice %arg4[%run_scoped3A_113, %add3A_112] : memref<2x321536xi32, #tpu.memory_space<hbm>> -> memref<1x128xi32, #tpu.memory_space<hbm>>
        %dma_start3A_171 = tpu.memref_squeeze %dma_start3A_170 : memref<1x128xi32, #tpu.memory_space<hbm>> -> memref<128xi32, #tpu.memory_space<hbm>>
        tpu.enqueue_dma source(%dma_start3A_171 : memref<128xi32, #tpu.memory_space<hbm>>) target(%arg15 : memref<128xi32, #tpu.memory_space<vmem>>) target_semaphore(%run_scoped3A_167 : memref<!tpu.dma_semaphore, #tpu.memory_space<semaphore_mem>>)
        %dma_wait3A_172 = tpu.memref_slice %arg4[%run_scoped3A_113, %add3A_112] : memref<2x321536xi32, #tpu.memory_space<hbm>> -> memref<1x128xi32, #tpu.memory_space<hbm>>
        %dma_wait3A_173 = tpu.memref_squeeze %dma_wait3A_172 : memref<1x128xi32, #tpu.memory_space<hbm>> -> memref<128xi32, #tpu.memory_space<hbm>>
        %dma_wait3A_174 = tpu.memref_slice %arg4[%run_scoped3A_113, %add3A_112] : memref<2x321536xi32, #tpu.memory_space<hbm>> -> memref<1x128xi32, #tpu.memory_space<hbm>>
        %dma_wait3A_175 = tpu.memref_squeeze %dma_wait3A_174 : memref<1x128xi32, #tpu.memory_space<hbm>> -> memref<128xi32, #tpu.memory_space<hbm>>
        tpu.wait_dma2 semaphore(%run_scoped3A_167 : memref<!tpu.dma_semaphore, #tpu.memory_space<semaphore_mem>>) src(%dma_wait3A_175 : memref<128xi32, #tpu.memory_space<hbm>>) dst(%arg15 : memref<128xi32, #tpu.memory_space<vmem>>)
        tpu.yield
      }) : () -> ()
      %add3A_114 = arith.constant 384 : i32
      %add3A_115 = arith.addi %mul3A_0, %add3A_114 : i32
      %run_scoped3A_116 = arith.constant 1 : i32
      "tpu.region"() ({
        %run_scoped3A_167 = tpu.sem_alloc : memref<!tpu.dma_semaphore, #tpu.memory_space<semaphore_mem>>
        %dma_start3A_168 = tpu.memref_slice %arg3[%run_scoped3A_116, %add3A_115] : memref<2x321536xi32, #tpu.memory_space<hbm>> -> memref<1x128xi32, #tpu.memory_space<hbm>>
        %dma_start3A_169 = tpu.memref_squeeze %dma_start3A_168 : memref<1x128xi32, #tpu.memory_space<hbm>> -> memref<128xi32, #tpu.memory_space<hbm>>
        %dma_start3A_170 = tpu.memref_slice %arg3[%run_scoped3A_116, %add3A_115] : memref<2x321536xi32, #tpu.memory_space<hbm>> -> memref<1x128xi32, #tpu.memory_space<hbm>>
        %dma_start3A_171 = tpu.memref_squeeze %dma_start3A_170 : memref<1x128xi32, #tpu.memory_space<hbm>> -> memref<128xi32, #tpu.memory_space<hbm>>
        tpu.enqueue_dma source(%dma_start3A_171 : memref<128xi32, #tpu.memory_space<hbm>>) target(%arg12 : memref<128xi32, #tpu.memory_space<vmem>>) target_semaphore(%run_scoped3A_167 : memref<!tpu.dma_semaphore, #tpu.memory_space<semaphore_mem>>)
        %dma_wait3A_172 = tpu.memref_slice %arg3[%run_scoped3A_116, %add3A_115] : memref<2x321536xi32, #tpu.memory_space<hbm>> -> memref<1x128xi32, #tpu.memory_space<hbm>>
        %dma_wait3A_173 = tpu.memref_squeeze %dma_wait3A_172 : memref<1x128xi32, #tpu.memory_space<hbm>> -> memref<128xi32, #tpu.memory_space<hbm>>
        %dma_wait3A_174 = tpu.memref_slice %arg3[%run_scoped3A_116, %add3A_115] : memref<2x321536xi32, #tpu.memory_space<hbm>> -> memref<1x128xi32, #tpu.memory_space<hbm>>
        %dma_wait3A_175 = tpu.memref_squeeze %dma_wait3A_174 : memref<1x128xi32, #tpu.memory_space<hbm>> -> memref<128xi32, #tpu.memory_space<hbm>>
        tpu.wait_dma2 semaphore(%run_scoped3A_167 : memref<!tpu.dma_semaphore, #tpu.memory_space<semaphore_mem>>) src(%dma_wait3A_175 : memref<128xi32, #tpu.memory_space<hbm>>) dst(%arg12 : memref<128xi32, #tpu.memory_space<vmem>>)
        tpu.yield
      }) : () -> ()
      %add3A_117 = arith.constant 384 : i32
      %add3A_118 = arith.addi %mul3A_0, %add3A_117 : i32
      %run_scoped3A_119 = arith.constant 1 : i32
      "tpu.region"() ({
        %run_scoped3A_167 = tpu.sem_alloc : memref<!tpu.dma_semaphore, #tpu.memory_space<semaphore_mem>>
        %dma_start3A_168 = tpu.memref_slice %arg4[%run_scoped3A_119, %add3A_118] : memref<2x321536xi32, #tpu.memory_space<hbm>> -> memref<1x128xi32, #tpu.memory_space<hbm>>
        %dma_start3A_169 = tpu.memref_squeeze %dma_start3A_168 : memref<1x128xi32, #tpu.memory_space<hbm>> -> memref<128xi32, #tpu.memory_space<hbm>>
        %dma_start3A_170 = tpu.memref_slice %arg4[%run_scoped3A_119, %add3A_118] : memref<2x321536xi32, #tpu.memory_space<hbm>> -> memref<1x128xi32, #tpu.memory_space<hbm>>
        %dma_start3A_171 = tpu.memref_squeeze %dma_start3A_170 : memref<1x128xi32, #tpu.memory_space<hbm>> -> memref<128xi32, #tpu.memory_space<hbm>>
        tpu.enqueue_dma source(%dma_start3A_171 : memref<128xi32, #tpu.memory_space<hbm>>) target(%arg16 : memref<128xi32, #tpu.memory_space<vmem>>) target_semaphore(%run_scoped3A_167 : memref<!tpu.dma_semaphore, #tpu.memory_space<semaphore_mem>>)
        %dma_wait3A_172 = tpu.memref_slice %arg4[%run_scoped3A_119, %add3A_118] : memref<2x321536xi32, #tpu.memory_space<hbm>> -> memref<1x128xi32, #tpu.memory_space<hbm>>
        %dma_wait3A_173 = tpu.memref_squeeze %dma_wait3A_172 : memref<1x128xi32, #tpu.memory_space<hbm>> -> memref<128xi32, #tpu.memory_space<hbm>>
        %dma_wait3A_174 = tpu.memref_slice %arg4[%run_scoped3A_119, %add3A_118] : memref<2x321536xi32, #tpu.memory_space<hbm>> -> memref<1x128xi32, #tpu.memory_space<hbm>>
        %dma_wait3A_175 = tpu.memref_squeeze %dma_wait3A_174 : memref<1x128xi32, #tpu.memory_space<hbm>> -> memref<128xi32, #tpu.memory_space<hbm>>
        tpu.wait_dma2 semaphore(%run_scoped3A_167 : memref<!tpu.dma_semaphore, #tpu.memory_space<semaphore_mem>>) src(%dma_wait3A_175 : memref<128xi32, #tpu.memory_space<hbm>>) dst(%arg16 : memref<128xi32, #tpu.memory_space<vmem>>)
        tpu.yield
      }) : () -> ()
      %dma_start3A_120 = arith.constant 0 : i32
      %dma_start3A_121 = arith.constant 0 : i32
      %dma_start3A_122 = tpu.memref_slice %arg19[%dma_start3A_120, %dma_start3A_121] : memref<10112x128xf32, #tpu.memory_space<vmem_shared>> -> memref<10112x128xf32, #tpu.memory_space<vmem_shared>>
      tpu.enqueue_indirect_dma source(%arg18 : memref<128x128xf32, #tpu.memory_space<vmem>>) target(%dma_start3A_122 : memref<10112x128xf32, #tpu.memory_space<vmem_shared>>) offsets(%arg13 : memref<128xi32, #tpu.memory_space<vmem>>) semaphore(%arg22 : memref<!tpu.dma_semaphore, #tpu.memory_space<semaphore_mem>>) {add = true}
      %scan3A_123 = arith.constant 0 : i32
      %scan3A_124 = arith.constant 0 : i32
      %scan3A_125 = arith.constant 39 : i32
      %scan3A_126 = arith.addi %scan3A_124, %scan3A_125 : i32
      %scan3A_127 = arith.constant 1 : i32
      %scan3A_128 = scf.for %scan3A_167 = %scan3A_124 to %scan3A_126 step %scan3A_127 iter_args(%scan3A_168 = %scan3A_123) -> (i32)  : i32 {
        %mul3A_169 = arith.constant 4 : i32
        %mul3A_170 = arith.muli %mul3A_169, %scan3A_167 : i32
        %add3A_171 = arith.constant 1 : i32
        %add3A_172 = arith.addi %mul3A_170, %add3A_171 : i32
        %add3A_173 = arith.constant 0 : i32
        %add3A_174 = arith.addi %add3A_172, %add3A_173 : i32
        %ge3A = arith.constant 4 : i32
        %ge3A_175 = arith.cmpi sge, %add3A_174, %ge3A : i32
        %convert_element_type3A_176 = arith.extui %ge3A_175 : i1 to i32
        %cond3A_177 = arith.constant 0 : i32
        %cond3A_178 = arith.cmpi ne, %convert_element_type3A_176, %cond3A_177 : i32
        scf.if %cond3A_178 {
          %dma_wait3A_265 = arith.constant 1 : i32
          %dma_wait3A_266 = tpu.memref_slice %arg4[%dma_wait3A_265, %mul3A_0] : memref<2x321536xi32, #tpu.memory_space<hbm>> -> memref<1x128xi32, #tpu.memory_space<hbm>>
          %dma_wait3A_267 = tpu.memref_squeeze %dma_wait3A_266 : memref<1x128xi32, #tpu.memory_space<hbm>> -> memref<128xi32, #tpu.memory_space<hbm>>
          %dma_wait3A_268 = tpu.memref_slice %arg4[%dma_wait3A_265, %mul3A_0] : memref<2x321536xi32, #tpu.memory_space<hbm>> -> memref<1x128xi32, #tpu.memory_space<hbm>>
          %dma_wait3A_269 = tpu.memref_squeeze %dma_wait3A_268 : memref<1x128xi32, #tpu.memory_space<hbm>> -> memref<128xi32, #tpu.memory_space<hbm>>
          tpu.wait_dma2 semaphore(%arg25 : memref<!tpu.dma_semaphore, #tpu.memory_space<semaphore_mem>>) src(%dma_wait3A_269 : memref<128xi32, #tpu.memory_space<hbm>>) dst(%arg14 : memref<128xi32, #tpu.memory_space<vmem>>)
        } else {
        }
        %dma_start3A_179 = arith.constant 0 : i32
        %dma_start3A_180 = arith.constant 0 : i32
        %dma_start3A_181 = tpu.memref_slice %arg19[%dma_start3A_179, %dma_start3A_180] : memref<10112x128xf32, #tpu.memory_space<vmem_shared>> -> memref<10112x128xf32, #tpu.memory_space<vmem_shared>>
        tpu.enqueue_indirect_dma source(%arg18 : memref<128x128xf32, #tpu.memory_space<vmem>>) target(%dma_start3A_181 : memref<10112x128xf32, #tpu.memory_space<vmem_shared>>) offsets(%arg14 : memref<128xi32, #tpu.memory_space<vmem>>) semaphore(%arg23 : memref<!tpu.dma_semaphore, #tpu.memory_space<semaphore_mem>>) {add = true}
        %dma_wait3A_182 = arith.constant 0 : i32
        %dma_wait3A_183 = arith.constant 0 : i32
        %dma_wait3A_184 = tpu.memref_slice %arg19[%dma_wait3A_182, %dma_wait3A_183] : memref<10112x128xf32, #tpu.memory_space<vmem_shared>> -> memref<10112x128xf32, #tpu.memory_space<vmem_shared>>
        tpu.wait_indirect_dma semaphore(%arg22 : memref<!tpu.dma_semaphore, #tpu.memory_space<semaphore_mem>>) src(%arg18 : memref<128x128xf32, #tpu.memory_space<vmem>>) dst(%dma_wait3A_184 : memref<10112x128xf32, #tpu.memory_space<vmem_shared>>)
        %add3A_185 = arith.constant 3 : i32
        %add3A_186 = arith.addi %add3A_174, %add3A_185 : i32
        %lt3A_187 = arith.constant 157 : i32
        %lt3A_188 = arith.cmpi slt, %add3A_186, %lt3A_187 : i32
        %convert_element_type3A_189 = arith.extui %lt3A_188 : i1 to i32
        %cond3A_190 = arith.constant 0 : i32
        %cond3A_191 = arith.cmpi ne, %convert_element_type3A_189, %cond3A_190 : i32
        scf.if %cond3A_191 {
          %add3A_265 = arith.constant 3 : i32
          %add3A_266 = arith.addi %add3A_174, %add3A_265 : i32
          %mul3A_267 = arith.constant 128 : i32
          %mul3A_268 = arith.muli %add3A_266, %mul3A_267 : i32
          %add3A_269 = arith.addi %mul3A_0, %mul3A_268 : i32
          %dma_start3A_270 = arith.constant 1 : i32
          %dma_start3A_271 = tpu.memref_slice %arg4[%dma_start3A_270, %add3A_269] : memref<2x321536xi32, #tpu.memory_space<hbm>> -> memref<1x128xi32, #tpu.memory_space<hbm>>
          %dma_start3A_272 = tpu.memref_squeeze %dma_start3A_271 : memref<1x128xi32, #tpu.memory_space<hbm>> -> memref<128xi32, #tpu.memory_space<hbm>>
          %dma_start3A_273 = tpu.memref_slice %arg4[%dma_start3A_270, %add3A_269] : memref<2x321536xi32, #tpu.memory_space<hbm>> -> memref<1x128xi32, #tpu.memory_space<hbm>>
          %dma_start3A_274 = tpu.memref_squeeze %dma_start3A_273 : memref<1x128xi32, #tpu.memory_space<hbm>> -> memref<128xi32, #tpu.memory_space<hbm>>
          tpu.enqueue_dma source(%dma_start3A_274 : memref<128xi32, #tpu.memory_space<hbm>>) target(%arg13 : memref<128xi32, #tpu.memory_space<vmem>>) target_semaphore(%arg24 : memref<!tpu.dma_semaphore, #tpu.memory_space<semaphore_mem>>)
        } else {
        }
        %mul3A_192 = arith.constant 4 : i32
        %mul3A_193 = arith.muli %mul3A_192, %scan3A_167 : i32
        %add3A_194 = arith.constant 1 : i32
        %add3A_195 = arith.addi %mul3A_193, %add3A_194 : i32
        %add3A_196 = arith.constant 1 : i32
        %add3A_197 = arith.addi %add3A_195, %add3A_196 : i32
        %ge3A_198 = arith.constant 4 : i32
        %ge3A_199 = arith.cmpi sge, %add3A_197, %ge3A_198 : i32
        %convert_element_type3A_200 = arith.extui %ge3A_199 : i1 to i32
        %cond3A_201 = arith.constant 0 : i32
        %cond3A_202 = arith.cmpi ne, %convert_element_type3A_200, %cond3A_201 : i32
        scf.if %cond3A_202 {
          %dma_wait3A_265 = arith.constant 1 : i32
          %dma_wait3A_266 = tpu.memref_slice %arg4[%dma_wait3A_265, %mul3A_0] : memref<2x321536xi32, #tpu.memory_space<hbm>> -> memref<1x128xi32, #tpu.memory_space<hbm>>
          %dma_wait3A_267 = tpu.memref_squeeze %dma_wait3A_266 : memref<1x128xi32, #tpu.memory_space<hbm>> -> memref<128xi32, #tpu.memory_space<hbm>>
          %dma_wait3A_268 = tpu.memref_slice %arg4[%dma_wait3A_265, %mul3A_0] : memref<2x321536xi32, #tpu.memory_space<hbm>> -> memref<1x128xi32, #tpu.memory_space<hbm>>
          %dma_wait3A_269 = tpu.memref_squeeze %dma_wait3A_268 : memref<1x128xi32, #tpu.memory_space<hbm>> -> memref<128xi32, #tpu.memory_space<hbm>>
          tpu.wait_dma2 semaphore(%arg26 : memref<!tpu.dma_semaphore, #tpu.memory_space<semaphore_mem>>) src(%dma_wait3A_269 : memref<128xi32, #tpu.memory_space<hbm>>) dst(%arg15 : memref<128xi32, #tpu.memory_space<vmem>>)
        } else {
        }
        %dma_start3A_203 = arith.constant 0 : i32
        %dma_start3A_204 = arith.constant 0 : i32
        %dma_start3A_205 = tpu.memref_slice %arg19[%dma_start3A_203, %dma_start3A_204] : memref<10112x128xf32, #tpu.memory_space<vmem_shared>> -> memref<10112x128xf32, #tpu.memory_space<vmem_shared>>
        tpu.enqueue_indirect_dma source(%arg18 : memref<128x128xf32, #tpu.memory_space<vmem>>) target(%dma_start3A_205 : memref<10112x128xf32, #tpu.memory_space<vmem_shared>>) offsets(%arg15 : memref<128xi32, #tpu.memory_space<vmem>>) semaphore(%arg22 : memref<!tpu.dma_semaphore, #tpu.memory_space<semaphore_mem>>) {add = true}
        %dma_wait3A_206 = arith.constant 0 : i32
        %dma_wait3A_207 = arith.constant 0 : i32
        %dma_wait3A_208 = tpu.memref_slice %arg19[%dma_wait3A_206, %dma_wait3A_207] : memref<10112x128xf32, #tpu.memory_space<vmem_shared>> -> memref<10112x128xf32, #tpu.memory_space<vmem_shared>>
        tpu.wait_indirect_dma semaphore(%arg23 : memref<!tpu.dma_semaphore, #tpu.memory_space<semaphore_mem>>) src(%arg18 : memref<128x128xf32, #tpu.memory_space<vmem>>) dst(%dma_wait3A_208 : memref<10112x128xf32, #tpu.memory_space<vmem_shared>>)
        %add3A_209 = arith.constant 3 : i32
        %add3A_210 = arith.addi %add3A_197, %add3A_209 : i32
        %lt3A_211 = arith.constant 157 : i32
        %lt3A_212 = arith.cmpi slt, %add3A_210, %lt3A_211 : i32
        %convert_element_type3A_213 = arith.extui %lt3A_212 : i1 to i32
        %cond3A_214 = arith.constant 0 : i32
        %cond3A_215 = arith.cmpi ne, %convert_element_type3A_213, %cond3A_214 : i32
        scf.if %cond3A_215 {
          %add3A_265 = arith.constant 3 : i32
          %add3A_266 = arith.addi %add3A_197, %add3A_265 : i32
          %mul3A_267 = arith.constant 128 : i32
          %mul3A_268 = arith.muli %add3A_266, %mul3A_267 : i32
          %add3A_269 = arith.addi %mul3A_0, %mul3A_268 : i32
          %dma_start3A_270 = arith.constant 1 : i32
          %dma_start3A_271 = tpu.memref_slice %arg4[%dma_start3A_270, %add3A_269] : memref<2x321536xi32, #tpu.memory_space<hbm>> -> memref<1x128xi32, #tpu.memory_space<hbm>>
          %dma_start3A_272 = tpu.memref_squeeze %dma_start3A_271 : memref<1x128xi32, #tpu.memory_space<hbm>> -> memref<128xi32, #tpu.memory_space<hbm>>
          %dma_start3A_273 = tpu.memref_slice %arg4[%dma_start3A_270, %add3A_269] : memref<2x321536xi32, #tpu.memory_space<hbm>> -> memref<1x128xi32, #tpu.memory_space<hbm>>
          %dma_start3A_274 = tpu.memref_squeeze %dma_start3A_273 : memref<1x128xi32, #tpu.memory_space<hbm>> -> memref<128xi32, #tpu.memory_space<hbm>>
          tpu.enqueue_dma source(%dma_start3A_274 : memref<128xi32, #tpu.memory_space<hbm>>) target(%arg14 : memref<128xi32, #tpu.memory_space<vmem>>) target_semaphore(%arg25 : memref<!tpu.dma_semaphore, #tpu.memory_space<semaphore_mem>>)
        } else {
        }
        %mul3A_216 = arith.constant 4 : i32
        %mul3A_217 = arith.muli %mul3A_216, %scan3A_167 : i32
        %add3A_218 = arith.constant 1 : i32
        %add3A_219 = arith.addi %mul3A_217, %add3A_218 : i32
        %add3A_220 = arith.constant 2 : i32
        %add3A_221 = arith.addi %add3A_219, %add3A_220 : i32
        %ge3A_222 = arith.constant 4 : i32
        %ge3A_223 = arith.cmpi sge, %add3A_221, %ge3A_222 : i32
        %convert_element_type3A_224 = arith.extui %ge3A_223 : i1 to i32
        %cond3A_225 = arith.constant 0 : i32
        %cond3A_226 = arith.cmpi ne, %convert_element_type3A_224, %cond3A_225 : i32
        scf.if %cond3A_226 {
          %dma_wait3A_265 = arith.constant 1 : i32
          %dma_wait3A_266 = tpu.memref_slice %arg4[%dma_wait3A_265, %mul3A_0] : memref<2x321536xi32, #tpu.memory_space<hbm>> -> memref<1x128xi32, #tpu.memory_space<hbm>>
          %dma_wait3A_267 = tpu.memref_squeeze %dma_wait3A_266 : memref<1x128xi32, #tpu.memory_space<hbm>> -> memref<128xi32, #tpu.memory_space<hbm>>
          %dma_wait3A_268 = tpu.memref_slice %arg4[%dma_wait3A_265, %mul3A_0] : memref<2x321536xi32, #tpu.memory_space<hbm>> -> memref<1x128xi32, #tpu.memory_space<hbm>>
          %dma_wait3A_269 = tpu.memref_squeeze %dma_wait3A_268 : memref<1x128xi32, #tpu.memory_space<hbm>> -> memref<128xi32, #tpu.memory_space<hbm>>
          tpu.wait_dma2 semaphore(%arg27 : memref<!tpu.dma_semaphore, #tpu.memory_space<semaphore_mem>>) src(%dma_wait3A_269 : memref<128xi32, #tpu.memory_space<hbm>>) dst(%arg16 : memref<128xi32, #tpu.memory_space<vmem>>)
        } else {
        }
        %dma_start3A_227 = arith.constant 0 : i32
        %dma_start3A_228 = arith.constant 0 : i32
        %dma_start3A_229 = tpu.memref_slice %arg19[%dma_start3A_227, %dma_start3A_228] : memref<10112x128xf32, #tpu.memory_space<vmem_shared>> -> memref<10112x128xf32, #tpu.memory_space<vmem_shared>>
        tpu.enqueue_indirect_dma source(%arg18 : memref<128x128xf32, #tpu.memory_space<vmem>>) target(%dma_start3A_229 : memref<10112x128xf32, #tpu.memory_space<vmem_shared>>) offsets(%arg16 : memref<128xi32, #tpu.memory_space<vmem>>) semaphore(%arg23 : memref<!tpu.dma_semaphore, #tpu.memory_space<semaphore_mem>>) {add = true}
        %dma_wait3A_230 = arith.constant 0 : i32
        %dma_wait3A_231 = arith.constant 0 : i32
        %dma_wait3A_232 = tpu.memref_slice %arg19[%dma_wait3A_230, %dma_wait3A_231] : memref<10112x128xf32, #tpu.memory_space<vmem_shared>> -> memref<10112x128xf32, #tpu.memory_space<vmem_shared>>
        tpu.wait_indirect_dma semaphore(%arg22 : memref<!tpu.dma_semaphore, #tpu.memory_space<semaphore_mem>>) src(%arg18 : memref<128x128xf32, #tpu.memory_space<vmem>>) dst(%dma_wait3A_232 : memref<10112x128xf32, #tpu.memory_space<vmem_shared>>)
        %add3A_233 = arith.constant 3 : i32
        %add3A_234 = arith.addi %add3A_221, %add3A_233 : i32
        %lt3A_235 = arith.constant 157 : i32
        %lt3A_236 = arith.cmpi slt, %add3A_234, %lt3A_235 : i32
        %convert_element_type3A_237 = arith.extui %lt3A_236 : i1 to i32
        %cond3A_238 = arith.constant 0 : i32
        %cond3A_239 = arith.cmpi ne, %convert_element_type3A_237, %cond3A_238 : i32
        scf.if %cond3A_239 {
          %add3A_265 = arith.constant 3 : i32
          %add3A_266 = arith.addi %add3A_221, %add3A_265 : i32
          %mul3A_267 = arith.constant 128 : i32
          %mul3A_268 = arith.muli %add3A_266, %mul3A_267 : i32
          %add3A_269 = arith.addi %mul3A_0, %mul3A_268 : i32
          %dma_start3A_270 = arith.constant 1 : i32
          %dma_start3A_271 = tpu.memref_slice %arg4[%dma_start3A_270, %add3A_269] : memref<2x321536xi32, #tpu.memory_space<hbm>> -> memref<1x128xi32, #tpu.memory_space<hbm>>
          %dma_start3A_272 = tpu.memref_squeeze %dma_start3A_271 : memref<1x128xi32, #tpu.memory_space<hbm>> -> memref<128xi32, #tpu.memory_space<hbm>>
          %dma_start3A_273 = tpu.memref_slice %arg4[%dma_start3A_270, %add3A_269] : memref<2x321536xi32, #tpu.memory_space<hbm>> -> memref<1x128xi32, #tpu.memory_space<hbm>>
          %dma_start3A_274 = tpu.memref_squeeze %dma_start3A_273 : memref<1x128xi32, #tpu.memory_space<hbm>> -> memref<128xi32, #tpu.memory_space<hbm>>
          tpu.enqueue_dma source(%dma_start3A_274 : memref<128xi32, #tpu.memory_space<hbm>>) target(%arg15 : memref<128xi32, #tpu.memory_space<vmem>>) target_semaphore(%arg26 : memref<!tpu.dma_semaphore, #tpu.memory_space<semaphore_mem>>)
        } else {
        }
        %mul3A_240 = arith.constant 4 : i32
        %mul3A_241 = arith.muli %mul3A_240, %scan3A_167 : i32
        %add3A_242 = arith.constant 1 : i32
        %add3A_243 = arith.addi %mul3A_241, %add3A_242 : i32
        %add3A_244 = arith.constant 3 : i32
        %add3A_245 = arith.addi %add3A_243, %add3A_244 : i32
        %ge3A_246 = arith.constant 4 : i32
        %ge3A_247 = arith.cmpi sge, %add3A_245, %ge3A_246 : i32
        %convert_element_type3A_248 = arith.extui %ge3A_247 : i1 to i32
        %cond3A_249 = arith.constant 0 : i32
        %cond3A_250 = arith.cmpi ne, %convert_element_type3A_248, %cond3A_249 : i32
        scf.if %cond3A_250 {
          %dma_wait3A_265 = arith.constant 1 : i32
          %dma_wait3A_266 = tpu.memref_slice %arg4[%dma_wait3A_265, %mul3A_0] : memref<2x321536xi32, #tpu.memory_space<hbm>> -> memref<1x128xi32, #tpu.memory_space<hbm>>
          %dma_wait3A_267 = tpu.memref_squeeze %dma_wait3A_266 : memref<1x128xi32, #tpu.memory_space<hbm>> -> memref<128xi32, #tpu.memory_space<hbm>>
          %dma_wait3A_268 = tpu.memref_slice %arg4[%dma_wait3A_265, %mul3A_0] : memref<2x321536xi32, #tpu.memory_space<hbm>> -> memref<1x128xi32, #tpu.memory_space<hbm>>
          %dma_wait3A_269 = tpu.memref_squeeze %dma_wait3A_268 : memref<1x128xi32, #tpu.memory_space<hbm>> -> memref<128xi32, #tpu.memory_space<hbm>>
          tpu.wait_dma2 semaphore(%arg24 : memref<!tpu.dma_semaphore, #tpu.memory_space<semaphore_mem>>) src(%dma_wait3A_269 : memref<128xi32, #tpu.memory_space<hbm>>) dst(%arg13 : memref<128xi32, #tpu.memory_space<vmem>>)
        } else {
        }
        %dma_start3A_251 = arith.constant 0 : i32
        %dma_start3A_252 = arith.constant 0 : i32
        %dma_start3A_253 = tpu.memref_slice %arg19[%dma_start3A_251, %dma_start3A_252] : memref<10112x128xf32, #tpu.memory_space<vmem_shared>> -> memref<10112x128xf32, #tpu.memory_space<vmem_shared>>
        tpu.enqueue_indirect_dma source(%arg18 : memref<128x128xf32, #tpu.memory_space<vmem>>) target(%dma_start3A_253 : memref<10112x128xf32, #tpu.memory_space<vmem_shared>>) offsets(%arg13 : memref<128xi32, #tpu.memory_space<vmem>>) semaphore(%arg22 : memref<!tpu.dma_semaphore, #tpu.memory_space<semaphore_mem>>) {add = true}
        %dma_wait3A_254 = arith.constant 0 : i32
        %dma_wait3A_255 = arith.constant 0 : i32
        %dma_wait3A_256 = tpu.memref_slice %arg19[%dma_wait3A_254, %dma_wait3A_255] : memref<10112x128xf32, #tpu.memory_space<vmem_shared>> -> memref<10112x128xf32, #tpu.memory_space<vmem_shared>>
        tpu.wait_indirect_dma semaphore(%arg23 : memref<!tpu.dma_semaphore, #tpu.memory_space<semaphore_mem>>) src(%arg18 : memref<128x128xf32, #tpu.memory_space<vmem>>) dst(%dma_wait3A_256 : memref<10112x128xf32, #tpu.memory_space<vmem_shared>>)
        %add3A_257 = arith.constant 3 : i32
        %add3A_258 = arith.addi %add3A_245, %add3A_257 : i32
        %lt3A_259 = arith.constant 157 : i32
        %lt3A_260 = arith.cmpi slt, %add3A_258, %lt3A_259 : i32
        %convert_element_type3A_261 = arith.extui %lt3A_260 : i1 to i32
        %cond3A_262 = arith.constant 0 : i32
        %cond3A_263 = arith.cmpi ne, %convert_element_type3A_261, %cond3A_262 : i32
        scf.if %cond3A_263 {
          %add3A_265 = arith.constant 3 : i32
          %add3A_266 = arith.addi %add3A_245, %add3A_265 : i32
          %mul3A_267 = arith.constant 128 : i32
          %mul3A_268 = arith.muli %add3A_266, %mul3A_267 : i32
          %add3A_269 = arith.addi %mul3A_0, %mul3A_268 : i32
          %dma_start3A_270 = arith.constant 1 : i32
          %dma_start3A_271 = tpu.memref_slice %arg4[%dma_start3A_270, %add3A_269] : memref<2x321536xi32, #tpu.memory_space<hbm>> -> memref<1x128xi32, #tpu.memory_space<hbm>>
          %dma_start3A_272 = tpu.memref_squeeze %dma_start3A_271 : memref<1x128xi32, #tpu.memory_space<hbm>> -> memref<128xi32, #tpu.memory_space<hbm>>
          %dma_start3A_273 = tpu.memref_slice %arg4[%dma_start3A_270, %add3A_269] : memref<2x321536xi32, #tpu.memory_space<hbm>> -> memref<1x128xi32, #tpu.memory_space<hbm>>
          %dma_start3A_274 = tpu.memref_squeeze %dma_start3A_273 : memref<1x128xi32, #tpu.memory_space<hbm>> -> memref<128xi32, #tpu.memory_space<hbm>>
          tpu.enqueue_dma source(%dma_start3A_274 : memref<128xi32, #tpu.memory_space<hbm>>) target(%arg16 : memref<128xi32, #tpu.memory_space<vmem>>) target_semaphore(%arg27 : memref<!tpu.dma_semaphore, #tpu.memory_space<semaphore_mem>>)
        } else {
        }
        %scan3A_264 = arith.constant 0 : i32
        scf.yield %scan3A_264 : i32
      }
      %scan3A_129 = arith.constant 39 : i32
      %dma_wait3A_130 = arith.constant 0 : i32
      %dma_wait3A_131 = arith.constant 0 : i32
      %dma_wait3A_132 = tpu.memref_slice %arg19[%dma_wait3A_130, %dma_wait3A_131] : memref<10112x128xf32, #tpu.memory_space<vmem_shared>> -> memref<10112x128xf32, #tpu.memory_space<vmem_shared>>
      tpu.wait_indirect_dma semaphore(%arg22 : memref<!tpu.dma_semaphore, #tpu.memory_space<semaphore_mem>>) src(%arg18 : memref<128x128xf32, #tpu.memory_space<vmem>>) dst(%dma_wait3A_132 : memref<10112x128xf32, #tpu.memory_space<vmem_shared>>)
      "tpu.region"() ({
        %run_scoped3A_167 = tpu.sem_alloc : memref<!tpu.dma_semaphore, #tpu.memory_space<semaphore_mem>>
        tpu.enqueue_dma source(%arg5 : memref<128x128xf32, #tpu.memory_space<hbm>>) target(%arg18 : memref<128x128xf32, #tpu.memory_space<vmem>>) target_semaphore(%run_scoped3A_167 : memref<!tpu.dma_semaphore, #tpu.memory_space<semaphore_mem>>)
        tpu.wait_dma2 semaphore(%run_scoped3A_167 : memref<!tpu.dma_semaphore, #tpu.memory_space<semaphore_mem>>) src(%arg5 : memref<128x128xf32, #tpu.memory_space<hbm>>) dst(%arg18 : memref<128x128xf32, #tpu.memory_space<vmem>>)
        tpu.yield
      }) : () -> ()
      %barrier3A_133 = arith.constant 0 : index
      tpu.barrier barrier_id(%barrier3A_133)
      %add3A_134 = arith.constant 0 : i32
      %add3A_135 = arith.addi %arg1, %add3A_134 : i32
      %mul3A_136 = arith.constant 128 : i32
      %mul3A_137 = arith.muli %add3A_135, %mul3A_136 : i32
      "tpu.region"() ({
        %run_scoped3A_167 = tpu.sem_alloc : memref<!tpu.dma_semaphore, #tpu.memory_space<semaphore_mem>>
        %dma_start3A_168 = arith.constant 0 : i32
        %dma_start3A_169 = arith.constant 0 : i32
        %dma_start3A_170 = tpu.memref_slice %arg17[%dma_start3A_168, %dma_start3A_169] : memref<128x128xf32, #tpu.memory_space<vmem>> -> memref<128x128xf32, #tpu.memory_space<vmem>>
        %dma_start3A_171 = arith.constant 0 : i32
        %dma_start3A_172 = tpu.memref_slice %arg19[%mul3A_137, %dma_start3A_171] : memref<10112x128xf32, #tpu.memory_space<vmem_shared>> -> memref<128x128xf32, #tpu.memory_space<vmem_shared>>
        %dma_start3A_173 = arith.constant 0 : i32
        %dma_start3A_174 = arith.constant 0 : i32
        %dma_start3A_175 = tpu.memref_slice %arg17[%dma_start3A_173, %dma_start3A_174] : memref<128x128xf32, #tpu.memory_space<vmem>> -> memref<128x128xf32, #tpu.memory_space<vmem>>
        %dma_start3A_176 = arith.constant 0 : i32
        %dma_start3A_177 = tpu.memref_slice %arg19[%mul3A_137, %dma_start3A_176] : memref<10112x128xf32, #tpu.memory_space<vmem_shared>> -> memref<128x128xf32, #tpu.memory_space<vmem_shared>>
        tpu.enqueue_dma source(%dma_start3A_177 : memref<128x128xf32, #tpu.memory_space<vmem_shared>>) target(%dma_start3A_175 : memref<128x128xf32, #tpu.memory_space<vmem>>) target_semaphore(%run_scoped3A_167 : memref<!tpu.dma_semaphore, #tpu.memory_space<semaphore_mem>>)
        %dma_wait3A_178 = arith.constant 0 : i32
        %dma_wait3A_179 = arith.constant 0 : i32
        %dma_wait3A_180 = tpu.memref_slice %arg17[%dma_wait3A_178, %dma_wait3A_179] : memref<128x128xf32, #tpu.memory_space<vmem>> -> memref<128x128xf32, #tpu.memory_space<vmem>>
        %dma_wait3A_181 = arith.constant 0 : i32
        %dma_wait3A_182 = tpu.memref_slice %arg19[%mul3A_137, %dma_wait3A_181] : memref<10112x128xf32, #tpu.memory_space<vmem_shared>> -> memref<128x128xf32, #tpu.memory_space<vmem_shared>>
        %dma_wait3A_183 = arith.constant 0 : i32
        %dma_wait3A_184 = arith.constant 0 : i32
        %dma_wait3A_185 = tpu.memref_slice %arg17[%dma_wait3A_183, %dma_wait3A_184] : memref<128x128xf32, #tpu.memory_space<vmem>> -> memref<128x128xf32, #tpu.memory_space<vmem>>
        %dma_wait3A_186 = arith.constant 0 : i32
        %dma_wait3A_187 = tpu.memref_slice %arg19[%mul3A_137, %dma_wait3A_186] : memref<10112x128xf32, #tpu.memory_space<vmem_shared>> -> memref<128x128xf32, #tpu.memory_space<vmem_shared>>
        tpu.wait_dma2 semaphore(%run_scoped3A_167 : memref<!tpu.dma_semaphore, #tpu.memory_space<semaphore_mem>>) src(%dma_wait3A_187 : memref<128x128xf32, #tpu.memory_space<vmem_shared>>) dst(%dma_wait3A_185 : memref<128x128xf32, #tpu.memory_space<vmem>>)
        tpu.yield
      }) : () -> ()
      %run_scoped3A_138 = arith.constant 1 : i32
      "tpu.region"() ({
        %run_scoped3A_167 = tpu.sem_alloc : memref<!tpu.dma_semaphore, #tpu.memory_space<semaphore_mem>>
        %dma_start3A_168 = arith.constant 0 : i32
        %dma_start3A_169 = arith.constant 0 : i32
        %dma_start3A_170 = tpu.memref_slice %arg17[%dma_start3A_168, %dma_start3A_169] : memref<128x128xf32, #tpu.memory_space<vmem>> -> memref<128x128xf32, #tpu.memory_space<vmem>>
        %dma_start3A_171 = arith.constant 0 : i32
        %dma_start3A_172 = tpu.memref_slice %arg8[%run_scoped3A_138, %mul3A_137, %dma_start3A_171] : memref<2x10000x128xf32, #tpu.memory_space<hbm>> -> memref<1x128x128xf32, #tpu.memory_space<hbm>>
        %dma_start3A_173 = tpu.memref_squeeze %dma_start3A_172 : memref<1x128x128xf32, #tpu.memory_space<hbm>> -> memref<128x128xf32, #tpu.memory_space<hbm>>
        %dma_start3A_174 = arith.constant 0 : i32
        %dma_start3A_175 = tpu.memref_slice %arg8[%run_scoped3A_138, %mul3A_137, %dma_start3A_174] : memref<2x10000x128xf32, #tpu.memory_space<hbm>> -> memref<1x128x128xf32, #tpu.memory_space<hbm>>
        %dma_start3A_176 = tpu.memref_squeeze %dma_start3A_175 : memref<1x128x128xf32, #tpu.memory_space<hbm>> -> memref<128x128xf32, #tpu.memory_space<hbm>>
        %dma_start3A_177 = arith.constant 0 : i32
        %dma_start3A_178 = arith.constant 0 : i32
        %dma_start3A_179 = tpu.memref_slice %arg17[%dma_start3A_177, %dma_start3A_178] : memref<128x128xf32, #tpu.memory_space<vmem>> -> memref<128x128xf32, #tpu.memory_space<vmem>>
        tpu.enqueue_dma source(%dma_start3A_179 : memref<128x128xf32, #tpu.memory_space<vmem>>) target(%dma_start3A_176 : memref<128x128xf32, #tpu.memory_space<hbm>>) target_semaphore(%run_scoped3A_167 : memref<!tpu.dma_semaphore, #tpu.memory_space<semaphore_mem>>)
        %dma_wait3A_180 = arith.constant 0 : i32
        %dma_wait3A_181 = arith.constant 0 : i32
        %dma_wait3A_182 = tpu.memref_slice %arg17[%dma_wait3A_180, %dma_wait3A_181] : memref<128x128xf32, #tpu.memory_space<vmem>> -> memref<128x128xf32, #tpu.memory_space<vmem>>
        %dma_wait3A_183 = arith.constant 0 : i32
        %dma_wait3A_184 = tpu.memref_slice %arg8[%run_scoped3A_138, %mul3A_137, %dma_wait3A_183] : memref<2x10000x128xf32, #tpu.memory_space<hbm>> -> memref<1x128x128xf32, #tpu.memory_space<hbm>>
        %dma_wait3A_185 = tpu.memref_squeeze %dma_wait3A_184 : memref<1x128x128xf32, #tpu.memory_space<hbm>> -> memref<128x128xf32, #tpu.memory_space<hbm>>
        %dma_wait3A_186 = arith.constant 0 : i32
        %dma_wait3A_187 = tpu.memref_slice %arg8[%run_scoped3A_138, %mul3A_137, %dma_wait3A_186] : memref<2x10000x128xf32, #tpu.memory_space<hbm>> -> memref<1x128x128xf32, #tpu.memory_space<hbm>>
        %dma_wait3A_188 = tpu.memref_squeeze %dma_wait3A_187 : memref<1x128x128xf32, #tpu.memory_space<hbm>> -> memref<128x128xf32, #tpu.memory_space<hbm>>
        %dma_wait3A_189 = arith.constant 0 : i32
        %dma_wait3A_190 = arith.constant 0 : i32
        %dma_wait3A_191 = tpu.memref_slice %arg17[%dma_wait3A_189, %dma_wait3A_190] : memref<128x128xf32, #tpu.memory_space<vmem>> -> memref<128x128xf32, #tpu.memory_space<vmem>>
        tpu.wait_dma2 semaphore(%run_scoped3A_167 : memref<!tpu.dma_semaphore, #tpu.memory_space<semaphore_mem>>) src(%dma_wait3A_191 : memref<128x128xf32, #tpu.memory_space<vmem>>) dst(%dma_wait3A_188 : memref<128x128xf32, #tpu.memory_space<hbm>>)
        tpu.yield
      }) : () -> ()
      %add3A_139 = arith.constant 16 : i32
      %add3A_140 = arith.addi %arg1, %add3A_139 : i32
      %mul3A_141 = arith.constant 128 : i32
      %mul3A_142 = arith.muli %add3A_140, %mul3A_141 : i32
      "tpu.region"() ({
        %run_scoped3A_167 = tpu.sem_alloc : memref<!tpu.dma_semaphore, #tpu.memory_space<semaphore_mem>>
        %dma_start3A_168 = arith.constant 0 : i32
        %dma_start3A_169 = arith.constant 0 : i32
        %dma_start3A_170 = tpu.memref_slice %arg17[%dma_start3A_168, %dma_start3A_169] : memref<128x128xf32, #tpu.memory_space<vmem>> -> memref<128x128xf32, #tpu.memory_space<vmem>>
        %dma_start3A_171 = arith.constant 0 : i32
        %dma_start3A_172 = tpu.memref_slice %arg19[%mul3A_142, %dma_start3A_171] : memref<10112x128xf32, #tpu.memory_space<vmem_shared>> -> memref<128x128xf32, #tpu.memory_space<vmem_shared>>
        %dma_start3A_173 = arith.constant 0 : i32
        %dma_start3A_174 = arith.constant 0 : i32
        %dma_start3A_175 = tpu.memref_slice %arg17[%dma_start3A_173, %dma_start3A_174] : memref<128x128xf32, #tpu.memory_space<vmem>> -> memref<128x128xf32, #tpu.memory_space<vmem>>
        %dma_start3A_176 = arith.constant 0 : i32
        %dma_start3A_177 = tpu.memref_slice %arg19[%mul3A_142, %dma_start3A_176] : memref<10112x128xf32, #tpu.memory_space<vmem_shared>> -> memref<128x128xf32, #tpu.memory_space<vmem_shared>>
        tpu.enqueue_dma source(%dma_start3A_177 : memref<128x128xf32, #tpu.memory_space<vmem_shared>>) target(%dma_start3A_175 : memref<128x128xf32, #tpu.memory_space<vmem>>) target_semaphore(%run_scoped3A_167 : memref<!tpu.dma_semaphore, #tpu.memory_space<semaphore_mem>>)
        %dma_wait3A_178 = arith.constant 0 : i32
        %dma_wait3A_179 = arith.constant 0 : i32
        %dma_wait3A_180 = tpu.memref_slice %arg17[%dma_wait3A_178, %dma_wait3A_179] : memref<128x128xf32, #tpu.memory_space<vmem>> -> memref<128x128xf32, #tpu.memory_space<vmem>>
        %dma_wait3A_181 = arith.constant 0 : i32
        %dma_wait3A_182 = tpu.memref_slice %arg19[%mul3A_142, %dma_wait3A_181] : memref<10112x128xf32, #tpu.memory_space<vmem_shared>> -> memref<128x128xf32, #tpu.memory_space<vmem_shared>>
        %dma_wait3A_183 = arith.constant 0 : i32
        %dma_wait3A_184 = arith.constant 0 : i32
        %dma_wait3A_185 = tpu.memref_slice %arg17[%dma_wait3A_183, %dma_wait3A_184] : memref<128x128xf32, #tpu.memory_space<vmem>> -> memref<128x128xf32, #tpu.memory_space<vmem>>
        %dma_wait3A_186 = arith.constant 0 : i32
        %dma_wait3A_187 = tpu.memref_slice %arg19[%mul3A_142, %dma_wait3A_186] : memref<10112x128xf32, #tpu.memory_space<vmem_shared>> -> memref<128x128xf32, #tpu.memory_space<vmem_shared>>
        tpu.wait_dma2 semaphore(%run_scoped3A_167 : memref<!tpu.dma_semaphore, #tpu.memory_space<semaphore_mem>>) src(%dma_wait3A_187 : memref<128x128xf32, #tpu.memory_space<vmem_shared>>) dst(%dma_wait3A_185 : memref<128x128xf32, #tpu.memory_space<vmem>>)
        tpu.yield
      }) : () -> ()
      %run_scoped3A_143 = arith.constant 1 : i32
      "tpu.region"() ({
        %run_scoped3A_167 = tpu.sem_alloc : memref<!tpu.dma_semaphore, #tpu.memory_space<semaphore_mem>>
        %dma_start3A_168 = arith.constant 0 : i32
        %dma_start3A_169 = arith.constant 0 : i32
        %dma_start3A_170 = tpu.memref_slice %arg17[%dma_start3A_168, %dma_start3A_169] : memref<128x128xf32, #tpu.memory_space<vmem>> -> memref<128x128xf32, #tpu.memory_space<vmem>>
        %dma_start3A_171 = arith.constant 0 : i32
        %dma_start3A_172 = tpu.memref_slice %arg8[%run_scoped3A_143, %mul3A_142, %dma_start3A_171] : memref<2x10000x128xf32, #tpu.memory_space<hbm>> -> memref<1x128x128xf32, #tpu.memory_space<hbm>>
        %dma_start3A_173 = tpu.memref_squeeze %dma_start3A_172 : memref<1x128x128xf32, #tpu.memory_space<hbm>> -> memref<128x128xf32, #tpu.memory_space<hbm>>
        %dma_start3A_174 = arith.constant 0 : i32
        %dma_start3A_175 = tpu.memref_slice %arg8[%run_scoped3A_143, %mul3A_142, %dma_start3A_174] : memref<2x10000x128xf32, #tpu.memory_space<hbm>> -> memref<1x128x128xf32, #tpu.memory_space<hbm>>
        %dma_start3A_176 = tpu.memref_squeeze %dma_start3A_175 : memref<1x128x128xf32, #tpu.memory_space<hbm>> -> memref<128x128xf32, #tpu.memory_space<hbm>>
        %dma_start3A_177 = arith.constant 0 : i32
        %dma_start3A_178 = arith.constant 0 : i32
        %dma_start3A_179 = tpu.memref_slice %arg17[%dma_start3A_177, %dma_start3A_178] : memref<128x128xf32, #tpu.memory_space<vmem>> -> memref<128x128xf32, #tpu.memory_space<vmem>>
        tpu.enqueue_dma source(%dma_start3A_179 : memref<128x128xf32, #tpu.memory_space<vmem>>) target(%dma_start3A_176 : memref<128x128xf32, #tpu.memory_space<hbm>>) target_semaphore(%run_scoped3A_167 : memref<!tpu.dma_semaphore, #tpu.memory_space<semaphore_mem>>)
        %dma_wait3A_180 = arith.constant 0 : i32
        %dma_wait3A_181 = arith.constant 0 : i32
        %dma_wait3A_182 = tpu.memref_slice %arg17[%dma_wait3A_180, %dma_wait3A_181] : memref<128x128xf32, #tpu.memory_space<vmem>> -> memref<128x128xf32, #tpu.memory_space<vmem>>
        %dma_wait3A_183 = arith.constant 0 : i32
        %dma_wait3A_184 = tpu.memref_slice %arg8[%run_scoped3A_143, %mul3A_142, %dma_wait3A_183] : memref<2x10000x128xf32, #tpu.memory_space<hbm>> -> memref<1x128x128xf32, #tpu.memory_space<hbm>>
        %dma_wait3A_185 = tpu.memref_squeeze %dma_wait3A_184 : memref<1x128x128xf32, #tpu.memory_space<hbm>> -> memref<128x128xf32, #tpu.memory_space<hbm>>
        %dma_wait3A_186 = arith.constant 0 : i32
        %dma_wait3A_187 = tpu.memref_slice %arg8[%run_scoped3A_143, %mul3A_142, %dma_wait3A_186] : memref<2x10000x128xf32, #tpu.memory_space<hbm>> -> memref<1x128x128xf32, #tpu.memory_space<hbm>>
        %dma_wait3A_188 = tpu.memref_squeeze %dma_wait3A_187 : memref<1x128x128xf32, #tpu.memory_space<hbm>> -> memref<128x128xf32, #tpu.memory_space<hbm>>
        %dma_wait3A_189 = arith.constant 0 : i32
        %dma_wait3A_190 = arith.constant 0 : i32
        %dma_wait3A_191 = tpu.memref_slice %arg17[%dma_wait3A_189, %dma_wait3A_190] : memref<128x128xf32, #tpu.memory_space<vmem>> -> memref<128x128xf32, #tpu.memory_space<vmem>>
        tpu.wait_dma2 semaphore(%run_scoped3A_167 : memref<!tpu.dma_semaphore, #tpu.memory_space<semaphore_mem>>) src(%dma_wait3A_191 : memref<128x128xf32, #tpu.memory_space<vmem>>) dst(%dma_wait3A_188 : memref<128x128xf32, #tpu.memory_space<hbm>>)
        tpu.yield
      }) : () -> ()
      %add3A_144 = arith.constant 32 : i32
      %add3A_145 = arith.addi %arg1, %add3A_144 : i32
      %mul3A_146 = arith.constant 128 : i32
      %mul3A_147 = arith.muli %add3A_145, %mul3A_146 : i32
      "tpu.region"() ({
        %run_scoped3A_167 = tpu.sem_alloc : memref<!tpu.dma_semaphore, #tpu.memory_space<semaphore_mem>>
        %dma_start3A_168 = arith.constant 0 : i32
        %dma_start3A_169 = arith.constant 0 : i32
        %dma_start3A_170 = tpu.memref_slice %arg17[%dma_start3A_168, %dma_start3A_169] : memref<128x128xf32, #tpu.memory_space<vmem>> -> memref<128x128xf32, #tpu.memory_space<vmem>>
        %dma_start3A_171 = arith.constant 0 : i32
        %dma_start3A_172 = tpu.memref_slice %arg19[%mul3A_147, %dma_start3A_171] : memref<10112x128xf32, #tpu.memory_space<vmem_shared>> -> memref<128x128xf32, #tpu.memory_space<vmem_shared>>
        %dma_start3A_173 = arith.constant 0 : i32
        %dma_start3A_174 = arith.constant 0 : i32
        %dma_start3A_175 = tpu.memref_slice %arg17[%dma_start3A_173, %dma_start3A_174] : memref<128x128xf32, #tpu.memory_space<vmem>> -> memref<128x128xf32, #tpu.memory_space<vmem>>
        %dma_start3A_176 = arith.constant 0 : i32
        %dma_start3A_177 = tpu.memref_slice %arg19[%mul3A_147, %dma_start3A_176] : memref<10112x128xf32, #tpu.memory_space<vmem_shared>> -> memref<128x128xf32, #tpu.memory_space<vmem_shared>>
        tpu.enqueue_dma source(%dma_start3A_177 : memref<128x128xf32, #tpu.memory_space<vmem_shared>>) target(%dma_start3A_175 : memref<128x128xf32, #tpu.memory_space<vmem>>) target_semaphore(%run_scoped3A_167 : memref<!tpu.dma_semaphore, #tpu.memory_space<semaphore_mem>>)
        %dma_wait3A_178 = arith.constant 0 : i32
        %dma_wait3A_179 = arith.constant 0 : i32
        %dma_wait3A_180 = tpu.memref_slice %arg17[%dma_wait3A_178, %dma_wait3A_179] : memref<128x128xf32, #tpu.memory_space<vmem>> -> memref<128x128xf32, #tpu.memory_space<vmem>>
        %dma_wait3A_181 = arith.constant 0 : i32
        %dma_wait3A_182 = tpu.memref_slice %arg19[%mul3A_147, %dma_wait3A_181] : memref<10112x128xf32, #tpu.memory_space<vmem_shared>> -> memref<128x128xf32, #tpu.memory_space<vmem_shared>>
        %dma_wait3A_183 = arith.constant 0 : i32
        %dma_wait3A_184 = arith.constant 0 : i32
        %dma_wait3A_185 = tpu.memref_slice %arg17[%dma_wait3A_183, %dma_wait3A_184] : memref<128x128xf32, #tpu.memory_space<vmem>> -> memref<128x128xf32, #tpu.memory_space<vmem>>
        %dma_wait3A_186 = arith.constant 0 : i32
        %dma_wait3A_187 = tpu.memref_slice %arg19[%mul3A_147, %dma_wait3A_186] : memref<10112x128xf32, #tpu.memory_space<vmem_shared>> -> memref<128x128xf32, #tpu.memory_space<vmem_shared>>
        tpu.wait_dma2 semaphore(%run_scoped3A_167 : memref<!tpu.dma_semaphore, #tpu.memory_space<semaphore_mem>>) src(%dma_wait3A_187 : memref<128x128xf32, #tpu.memory_space<vmem_shared>>) dst(%dma_wait3A_185 : memref<128x128xf32, #tpu.memory_space<vmem>>)
        tpu.yield
      }) : () -> ()
      %run_scoped3A_148 = arith.constant 1 : i32
      "tpu.region"() ({
        %run_scoped3A_167 = tpu.sem_alloc : memref<!tpu.dma_semaphore, #tpu.memory_space<semaphore_mem>>
        %dma_start3A_168 = arith.constant 0 : i32
        %dma_start3A_169 = arith.constant 0 : i32
        %dma_start3A_170 = tpu.memref_slice %arg17[%dma_start3A_168, %dma_start3A_169] : memref<128x128xf32, #tpu.memory_space<vmem>> -> memref<128x128xf32, #tpu.memory_space<vmem>>
        %dma_start3A_171 = arith.constant 0 : i32
        %dma_start3A_172 = tpu.memref_slice %arg8[%run_scoped3A_148, %mul3A_147, %dma_start3A_171] : memref<2x10000x128xf32, #tpu.memory_space<hbm>> -> memref<1x128x128xf32, #tpu.memory_space<hbm>>
        %dma_start3A_173 = tpu.memref_squeeze %dma_start3A_172 : memref<1x128x128xf32, #tpu.memory_space<hbm>> -> memref<128x128xf32, #tpu.memory_space<hbm>>
        %dma_start3A_174 = arith.constant 0 : i32
        %dma_start3A_175 = tpu.memref_slice %arg8[%run_scoped3A_148, %mul3A_147, %dma_start3A_174] : memref<2x10000x128xf32, #tpu.memory_space<hbm>> -> memref<1x128x128xf32, #tpu.memory_space<hbm>>
        %dma_start3A_176 = tpu.memref_squeeze %dma_start3A_175 : memref<1x128x128xf32, #tpu.memory_space<hbm>> -> memref<128x128xf32, #tpu.memory_space<hbm>>
        %dma_start3A_177 = arith.constant 0 : i32
        %dma_start3A_178 = arith.constant 0 : i32
        %dma_start3A_179 = tpu.memref_slice %arg17[%dma_start3A_177, %dma_start3A_178] : memref<128x128xf32, #tpu.memory_space<vmem>> -> memref<128x128xf32, #tpu.memory_space<vmem>>
        tpu.enqueue_dma source(%dma_start3A_179 : memref<128x128xf32, #tpu.memory_space<vmem>>) target(%dma_start3A_176 : memref<128x128xf32, #tpu.memory_space<hbm>>) target_semaphore(%run_scoped3A_167 : memref<!tpu.dma_semaphore, #tpu.memory_space<semaphore_mem>>)
        %dma_wait3A_180 = arith.constant 0 : i32
        %dma_wait3A_181 = arith.constant 0 : i32
        %dma_wait3A_182 = tpu.memref_slice %arg17[%dma_wait3A_180, %dma_wait3A_181] : memref<128x128xf32, #tpu.memory_space<vmem>> -> memref<128x128xf32, #tpu.memory_space<vmem>>
        %dma_wait3A_183 = arith.constant 0 : i32
        %dma_wait3A_184 = tpu.memref_slice %arg8[%run_scoped3A_148, %mul3A_147, %dma_wait3A_183] : memref<2x10000x128xf32, #tpu.memory_space<hbm>> -> memref<1x128x128xf32, #tpu.memory_space<hbm>>
        %dma_wait3A_185 = tpu.memref_squeeze %dma_wait3A_184 : memref<1x128x128xf32, #tpu.memory_space<hbm>> -> memref<128x128xf32, #tpu.memory_space<hbm>>
        %dma_wait3A_186 = arith.constant 0 : i32
        %dma_wait3A_187 = tpu.memref_slice %arg8[%run_scoped3A_148, %mul3A_147, %dma_wait3A_186] : memref<2x10000x128xf32, #tpu.memory_space<hbm>> -> memref<1x128x128xf32, #tpu.memory_space<hbm>>
        %dma_wait3A_188 = tpu.memref_squeeze %dma_wait3A_187 : memref<1x128x128xf32, #tpu.memory_space<hbm>> -> memref<128x128xf32, #tpu.memory_space<hbm>>
        %dma_wait3A_189 = arith.constant 0 : i32
        %dma_wait3A_190 = arith.constant 0 : i32
        %dma_wait3A_191 = tpu.memref_slice %arg17[%dma_wait3A_189, %dma_wait3A_190] : memref<128x128xf32, #tpu.memory_space<vmem>> -> memref<128x128xf32, #tpu.memory_space<vmem>>
        tpu.wait_dma2 semaphore(%run_scoped3A_167 : memref<!tpu.dma_semaphore, #tpu.memory_space<semaphore_mem>>) src(%dma_wait3A_191 : memref<128x128xf32, #tpu.memory_space<vmem>>) dst(%dma_wait3A_188 : memref<128x128xf32, #tpu.memory_space<hbm>>)
        tpu.yield
      }) : () -> ()
      %add3A_149 = arith.constant 48 : i32
      %add3A_150 = arith.addi %arg1, %add3A_149 : i32
      %mul3A_151 = arith.constant 128 : i32
      %mul3A_152 = arith.muli %add3A_150, %mul3A_151 : i32
      "tpu.region"() ({
        %run_scoped3A_167 = tpu.sem_alloc : memref<!tpu.dma_semaphore, #tpu.memory_space<semaphore_mem>>
        %dma_start3A_168 = arith.constant 0 : i32
        %dma_start3A_169 = arith.constant 0 : i32
        %dma_start3A_170 = tpu.memref_slice %arg17[%dma_start3A_168, %dma_start3A_169] : memref<128x128xf32, #tpu.memory_space<vmem>> -> memref<128x128xf32, #tpu.memory_space<vmem>>
        %dma_start3A_171 = arith.constant 0 : i32
        %dma_start3A_172 = tpu.memref_slice %arg19[%mul3A_152, %dma_start3A_171] : memref<10112x128xf32, #tpu.memory_space<vmem_shared>> -> memref<128x128xf32, #tpu.memory_space<vmem_shared>>
        %dma_start3A_173 = arith.constant 0 : i32
        %dma_start3A_174 = arith.constant 0 : i32
        %dma_start3A_175 = tpu.memref_slice %arg17[%dma_start3A_173, %dma_start3A_174] : memref<128x128xf32, #tpu.memory_space<vmem>> -> memref<128x128xf32, #tpu.memory_space<vmem>>
        %dma_start3A_176 = arith.constant 0 : i32
        %dma_start3A_177 = tpu.memref_slice %arg19[%mul3A_152, %dma_start3A_176] : memref<10112x128xf32, #tpu.memory_space<vmem_shared>> -> memref<128x128xf32, #tpu.memory_space<vmem_shared>>
        tpu.enqueue_dma source(%dma_start3A_177 : memref<128x128xf32, #tpu.memory_space<vmem_shared>>) target(%dma_start3A_175 : memref<128x128xf32, #tpu.memory_space<vmem>>) target_semaphore(%run_scoped3A_167 : memref<!tpu.dma_semaphore, #tpu.memory_space<semaphore_mem>>)
        %dma_wait3A_178 = arith.constant 0 : i32
        %dma_wait3A_179 = arith.constant 0 : i32
        %dma_wait3A_180 = tpu.memref_slice %arg17[%dma_wait3A_178, %dma_wait3A_179] : memref<128x128xf32, #tpu.memory_space<vmem>> -> memref<128x128xf32, #tpu.memory_space<vmem>>
        %dma_wait3A_181 = arith.constant 0 : i32
        %dma_wait3A_182 = tpu.memref_slice %arg19[%mul3A_152, %dma_wait3A_181] : memref<10112x128xf32, #tpu.memory_space<vmem_shared>> -> memref<128x128xf32, #tpu.memory_space<vmem_shared>>
        %dma_wait3A_183 = arith.constant 0 : i32
        %dma_wait3A_184 = arith.constant 0 : i32
        %dma_wait3A_185 = tpu.memref_slice %arg17[%dma_wait3A_183, %dma_wait3A_184] : memref<128x128xf32, #tpu.memory_space<vmem>> -> memref<128x128xf32, #tpu.memory_space<vmem>>
        %dma_wait3A_186 = arith.constant 0 : i32
        %dma_wait3A_187 = tpu.memref_slice %arg19[%mul3A_152, %dma_wait3A_186] : memref<10112x128xf32, #tpu.memory_space<vmem_shared>> -> memref<128x128xf32, #tpu.memory_space<vmem_shared>>
        tpu.wait_dma2 semaphore(%run_scoped3A_167 : memref<!tpu.dma_semaphore, #tpu.memory_space<semaphore_mem>>) src(%dma_wait3A_187 : memref<128x128xf32, #tpu.memory_space<vmem_shared>>) dst(%dma_wait3A_185 : memref<128x128xf32, #tpu.memory_space<vmem>>)
        tpu.yield
      }) : () -> ()
      %run_scoped3A_153 = arith.constant 1 : i32
      "tpu.region"() ({
        %run_scoped3A_167 = tpu.sem_alloc : memref<!tpu.dma_semaphore, #tpu.memory_space<semaphore_mem>>
        %dma_start3A_168 = arith.constant 0 : i32
        %dma_start3A_169 = arith.constant 0 : i32
        %dma_start3A_170 = tpu.memref_slice %arg17[%dma_start3A_168, %dma_start3A_169] : memref<128x128xf32, #tpu.memory_space<vmem>> -> memref<128x128xf32, #tpu.memory_space<vmem>>
        %dma_start3A_171 = arith.constant 0 : i32
        %dma_start3A_172 = tpu.memref_slice %arg8[%run_scoped3A_153, %mul3A_152, %dma_start3A_171] : memref<2x10000x128xf32, #tpu.memory_space<hbm>> -> memref<1x128x128xf32, #tpu.memory_space<hbm>>
        %dma_start3A_173 = tpu.memref_squeeze %dma_start3A_172 : memref<1x128x128xf32, #tpu.memory_space<hbm>> -> memref<128x128xf32, #tpu.memory_space<hbm>>
        %dma_start3A_174 = arith.constant 0 : i32
        %dma_start3A_175 = tpu.memref_slice %arg8[%run_scoped3A_153, %mul3A_152, %dma_start3A_174] : memref<2x10000x128xf32, #tpu.memory_space<hbm>> -> memref<1x128x128xf32, #tpu.memory_space<hbm>>
        %dma_start3A_176 = tpu.memref_squeeze %dma_start3A_175 : memref<1x128x128xf32, #tpu.memory_space<hbm>> -> memref<128x128xf32, #tpu.memory_space<hbm>>
        %dma_start3A_177 = arith.constant 0 : i32
        %dma_start3A_178 = arith.constant 0 : i32
        %dma_start3A_179 = tpu.memref_slice %arg17[%dma_start3A_177, %dma_start3A_178] : memref<128x128xf32, #tpu.memory_space<vmem>> -> memref<128x128xf32, #tpu.memory_space<vmem>>
        tpu.enqueue_dma source(%dma_start3A_179 : memref<128x128xf32, #tpu.memory_space<vmem>>) target(%dma_start3A_176 : memref<128x128xf32, #tpu.memory_space<hbm>>) target_semaphore(%run_scoped3A_167 : memref<!tpu.dma_semaphore, #tpu.memory_space<semaphore_mem>>)
        %dma_wait3A_180 = arith.constant 0 : i32
        %dma_wait3A_181 = arith.constant 0 : i32
        %dma_wait3A_182 = tpu.memref_slice %arg17[%dma_wait3A_180, %dma_wait3A_181] : memref<128x128xf32, #tpu.memory_space<vmem>> -> memref<128x128xf32, #tpu.memory_space<vmem>>
        %dma_wait3A_183 = arith.constant 0 : i32
        %dma_wait3A_184 = tpu.memref_slice %arg8[%run_scoped3A_153, %mul3A_152, %dma_wait3A_183] : memref<2x10000x128xf32, #tpu.memory_space<hbm>> -> memref<1x128x128xf32, #tpu.memory_space<hbm>>
        %dma_wait3A_185 = tpu.memref_squeeze %dma_wait3A_184 : memref<1x128x128xf32, #tpu.memory_space<hbm>> -> memref<128x128xf32, #tpu.memory_space<hbm>>
        %dma_wait3A_186 = arith.constant 0 : i32
        %dma_wait3A_187 = tpu.memref_slice %arg8[%run_scoped3A_153, %mul3A_152, %dma_wait3A_186] : memref<2x10000x128xf32, #tpu.memory_space<hbm>> -> memref<1x128x128xf32, #tpu.memory_space<hbm>>
        %dma_wait3A_188 = tpu.memref_squeeze %dma_wait3A_187 : memref<1x128x128xf32, #tpu.memory_space<hbm>> -> memref<128x128xf32, #tpu.memory_space<hbm>>
        %dma_wait3A_189 = arith.constant 0 : i32
        %dma_wait3A_190 = arith.constant 0 : i32
        %dma_wait3A_191 = tpu.memref_slice %arg17[%dma_wait3A_189, %dma_wait3A_190] : memref<128x128xf32, #tpu.memory_space<vmem>> -> memref<128x128xf32, #tpu.memory_space<vmem>>
        tpu.wait_dma2 semaphore(%run_scoped3A_167 : memref<!tpu.dma_semaphore, #tpu.memory_space<semaphore_mem>>) src(%dma_wait3A_191 : memref<128x128xf32, #tpu.memory_space<vmem>>) dst(%dma_wait3A_188 : memref<128x128xf32, #tpu.memory_space<hbm>>)
        tpu.yield
      }) : () -> ()
      %add3A_154 = arith.constant 64 : i32
      %add3A_155 = arith.addi %arg1, %add3A_154 : i32
      %lt3A_156 = arith.constant 78 : i32
      %lt3A_157 = arith.cmpi slt, %add3A_155, %lt3A_156 : i32
      %convert_element_type3A_158 = arith.extui %lt3A_157 : i1 to i32
      %cond3A_159 = arith.constant 0 : i32
      %cond3A_160 = arith.cmpi ne, %convert_element_type3A_158, %cond3A_159 : i32
      scf.if %cond3A_160 {
        %mul3A_167 = arith.constant 128 : i32
        %mul3A_168 = arith.muli %add3A_155, %mul3A_167 : i32
        "tpu.region"() ({
          %run_scoped3A_170 = tpu.sem_alloc : memref<!tpu.dma_semaphore, #tpu.memory_space<semaphore_mem>>
          %dma_start3A_171 = arith.constant 0 : i32
          %dma_start3A_172 = arith.constant 0 : i32
          %dma_start3A_173 = tpu.memref_slice %arg17[%dma_start3A_171, %dma_start3A_172] : memref<128x128xf32, #tpu.memory_space<vmem>> -> memref<128x128xf32, #tpu.memory_space<vmem>>
          %dma_start3A_174 = arith.constant 0 : i32
          %dma_start3A_175 = tpu.memref_slice %arg19[%mul3A_168, %dma_start3A_174] : memref<10112x128xf32, #tpu.memory_space<vmem_shared>> -> memref<128x128xf32, #tpu.memory_space<vmem_shared>>
          %dma_start3A_176 = arith.constant 0 : i32
          %dma_start3A_177 = arith.constant 0 : i32
          %dma_start3A_178 = tpu.memref_slice %arg17[%dma_start3A_176, %dma_start3A_177] : memref<128x128xf32, #tpu.memory_space<vmem>> -> memref<128x128xf32, #tpu.memory_space<vmem>>
          %dma_start3A_179 = arith.constant 0 : i32
          %dma_start3A_180 = tpu.memref_slice %arg19[%mul3A_168, %dma_start3A_179] : memref<10112x128xf32, #tpu.memory_space<vmem_shared>> -> memref<128x128xf32, #tpu.memory_space<vmem_shared>>
          tpu.enqueue_dma source(%dma_start3A_180 : memref<128x128xf32, #tpu.memory_space<vmem_shared>>) target(%dma_start3A_178 : memref<128x128xf32, #tpu.memory_space<vmem>>) target_semaphore(%run_scoped3A_170 : memref<!tpu.dma_semaphore, #tpu.memory_space<semaphore_mem>>)
          %dma_wait3A_181 = arith.constant 0 : i32
          %dma_wait3A_182 = arith.constant 0 : i32
          %dma_wait3A_183 = tpu.memref_slice %arg17[%dma_wait3A_181, %dma_wait3A_182] : memref<128x128xf32, #tpu.memory_space<vmem>> -> memref<128x128xf32, #tpu.memory_space<vmem>>
          %dma_wait3A_184 = arith.constant 0 : i32
          %dma_wait3A_185 = tpu.memref_slice %arg19[%mul3A_168, %dma_wait3A_184] : memref<10112x128xf32, #tpu.memory_space<vmem_shared>> -> memref<128x128xf32, #tpu.memory_space<vmem_shared>>
          %dma_wait3A_186 = arith.constant 0 : i32
          %dma_wait3A_187 = arith.constant 0 : i32
          %dma_wait3A_188 = tpu.memref_slice %arg17[%dma_wait3A_186, %dma_wait3A_187] : memref<128x128xf32, #tpu.memory_space<vmem>> -> memref<128x128xf32, #tpu.memory_space<vmem>>
          %dma_wait3A_189 = arith.constant 0 : i32
          %dma_wait3A_190 = tpu.memref_slice %arg19[%mul3A_168, %dma_wait3A_189] : memref<10112x128xf32, #tpu.memory_space<vmem_shared>> -> memref<128x128xf32, #tpu.memory_space<vmem_shared>>
          tpu.wait_dma2 semaphore(%run_scoped3A_170 : memref<!tpu.dma_semaphore, #tpu.memory_space<semaphore_mem>>) src(%dma_wait3A_190 : memref<128x128xf32, #tpu.memory_space<vmem_shared>>) dst(%dma_wait3A_188 : memref<128x128xf32, #tpu.memory_space<vmem>>)
          tpu.yield
        }) : () -> ()
        %run_scoped3A_169 = arith.constant 1 : i32
        "tpu.region"() ({
          %run_scoped3A_170 = tpu.sem_alloc : memref<!tpu.dma_semaphore, #tpu.memory_space<semaphore_mem>>
          %dma_start3A_171 = arith.constant 0 : i32
          %dma_start3A_172 = arith.constant 0 : i32
          %dma_start3A_173 = tpu.memref_slice %arg17[%dma_start3A_171, %dma_start3A_172] : memref<128x128xf32, #tpu.memory_space<vmem>> -> memref<128x128xf32, #tpu.memory_space<vmem>>
          %dma_start3A_174 = arith.constant 0 : i32
          %dma_start3A_175 = tpu.memref_slice %arg8[%run_scoped3A_169, %mul3A_168, %dma_start3A_174] : memref<2x10000x128xf32, #tpu.memory_space<hbm>> -> memref<1x128x128xf32, #tpu.memory_space<hbm>>
          %dma_start3A_176 = tpu.memref_squeeze %dma_start3A_175 : memref<1x128x128xf32, #tpu.memory_space<hbm>> -> memref<128x128xf32, #tpu.memory_space<hbm>>
          %dma_start3A_177 = arith.constant 0 : i32
          %dma_start3A_178 = tpu.memref_slice %arg8[%run_scoped3A_169, %mul3A_168, %dma_start3A_177] : memref<2x10000x128xf32, #tpu.memory_space<hbm>> -> memref<1x128x128xf32, #tpu.memory_space<hbm>>
          %dma_start3A_179 = tpu.memref_squeeze %dma_start3A_178 : memref<1x128x128xf32, #tpu.memory_space<hbm>> -> memref<128x128xf32, #tpu.memory_space<hbm>>
          %dma_start3A_180 = arith.constant 0 : i32
          %dma_start3A_181 = arith.constant 0 : i32
          %dma_start3A_182 = tpu.memref_slice %arg17[%dma_start3A_180, %dma_start3A_181] : memref<128x128xf32, #tpu.memory_space<vmem>> -> memref<128x128xf32, #tpu.memory_space<vmem>>
          tpu.enqueue_dma source(%dma_start3A_182 : memref<128x128xf32, #tpu.memory_space<vmem>>) target(%dma_start3A_179 : memref<128x128xf32, #tpu.memory_space<hbm>>) target_semaphore(%run_scoped3A_170 : memref<!tpu.dma_semaphore, #tpu.memory_space<semaphore_mem>>)
          %dma_wait3A_183 = arith.constant 0 : i32
          %dma_wait3A_184 = arith.constant 0 : i32
          %dma_wait3A_185 = tpu.memref_slice %arg17[%dma_wait3A_183, %dma_wait3A_184] : memref<128x128xf32, #tpu.memory_space<vmem>> -> memref<128x128xf32, #tpu.memory_space<vmem>>
          %dma_wait3A_186 = arith.constant 0 : i32
          %dma_wait3A_187 = tpu.memref_slice %arg8[%run_scoped3A_169, %mul3A_168, %dma_wait3A_186] : memref<2x10000x128xf32, #tpu.memory_space<hbm>> -> memref<1x128x128xf32, #tpu.memory_space<hbm>>
          %dma_wait3A_188 = tpu.memref_squeeze %dma_wait3A_187 : memref<1x128x128xf32, #tpu.memory_space<hbm>> -> memref<128x128xf32, #tpu.memory_space<hbm>>
          %dma_wait3A_189 = arith.constant 0 : i32
          %dma_wait3A_190 = tpu.memref_slice %arg8[%run_scoped3A_169, %mul3A_168, %dma_wait3A_189] : memref<2x10000x128xf32, #tpu.memory_space<hbm>> -> memref<1x128x128xf32, #tpu.memory_space<hbm>>
          %dma_wait3A_191 = tpu.memref_squeeze %dma_wait3A_190 : memref<1x128x128xf32, #tpu.memory_space<hbm>> -> memref<128x128xf32, #tpu.memory_space<hbm>>
          %dma_wait3A_192 = arith.constant 0 : i32
          %dma_wait3A_193 = arith.constant 0 : i32
          %dma_wait3A_194 = tpu.memref_slice %arg17[%dma_wait3A_192, %dma_wait3A_193] : memref<128x128xf32, #tpu.memory_space<vmem>> -> memref<128x128xf32, #tpu.memory_space<vmem>>
          tpu.wait_dma2 semaphore(%run_scoped3A_170 : memref<!tpu.dma_semaphore, #tpu.memory_space<semaphore_mem>>) src(%dma_wait3A_194 : memref<128x128xf32, #tpu.memory_space<vmem>>) dst(%dma_wait3A_191 : memref<128x128xf32, #tpu.memory_space<hbm>>)
          tpu.yield
        }) : () -> ()
      } else {
      }
      %eq3A_161 = arith.constant 15 : i32
      %eq3A_162 = arith.cmpi eq, %arg1, %eq3A_161 : i32
      %convert_element_type3A_163 = arith.extui %eq3A_162 : i1 to i32
      %cond3A_164 = arith.constant 0 : i32
      %cond3A_165 = arith.cmpi ne, %convert_element_type3A_163, %cond3A_164 : i32
      scf.if %cond3A_165 {
        "tpu.region"() ({
          %run_scoped3A_168 = tpu.sem_alloc : memref<!tpu.dma_semaphore, #tpu.memory_space<semaphore_mem>>
          %dma_start3A_169 = arith.constant 0 : i32
          %dma_start3A_170 = arith.constant 0 : i32
          %dma_start3A_171 = tpu.memref_slice %arg17[%dma_start3A_169, %dma_start3A_170] : memref<128x128xf32, #tpu.memory_space<vmem>> -> memref<16x128xf32, #tpu.memory_space<vmem>>
          %dma_start3A_172 = arith.constant 9984 : i32
          %dma_start3A_173 = arith.constant 0 : i32
          %dma_start3A_174 = tpu.memref_slice %arg19[%dma_start3A_172, %dma_start3A_173] : memref<10112x128xf32, #tpu.memory_space<vmem_shared>> -> memref<16x128xf32, #tpu.memory_space<vmem_shared>>
          %dma_start3A_175 = arith.constant 0 : i32
          %dma_start3A_176 = arith.constant 0 : i32
          %dma_start3A_177 = tpu.memref_slice %arg17[%dma_start3A_175, %dma_start3A_176] : memref<128x128xf32, #tpu.memory_space<vmem>> -> memref<16x128xf32, #tpu.memory_space<vmem>>
          %dma_start3A_178 = arith.constant 9984 : i32
          %dma_start3A_179 = arith.constant 0 : i32
          %dma_start3A_180 = tpu.memref_slice %arg19[%dma_start3A_178, %dma_start3A_179] : memref<10112x128xf32, #tpu.memory_space<vmem_shared>> -> memref<16x128xf32, #tpu.memory_space<vmem_shared>>
          tpu.enqueue_dma source(%dma_start3A_180 : memref<16x128xf32, #tpu.memory_space<vmem_shared>>) target(%dma_start3A_177 : memref<16x128xf32, #tpu.memory_space<vmem>>) target_semaphore(%run_scoped3A_168 : memref<!tpu.dma_semaphore, #tpu.memory_space<semaphore_mem>>)
          %dma_wait3A_181 = arith.constant 0 : i32
          %dma_wait3A_182 = arith.constant 0 : i32
          %dma_wait3A_183 = tpu.memref_slice %arg17[%dma_wait3A_181, %dma_wait3A_182] : memref<128x128xf32, #tpu.memory_space<vmem>> -> memref<16x128xf32, #tpu.memory_space<vmem>>
          %dma_wait3A_184 = arith.constant 9984 : i32
          %dma_wait3A_185 = arith.constant 0 : i32
          %dma_wait3A_186 = tpu.memref_slice %arg19[%dma_wait3A_184, %dma_wait3A_185] : memref<10112x128xf32, #tpu.memory_space<vmem_shared>> -> memref<16x128xf32, #tpu.memory_space<vmem_shared>>
          %dma_wait3A_187 = arith.constant 0 : i32
          %dma_wait3A_188 = arith.constant 0 : i32
          %dma_wait3A_189 = tpu.memref_slice %arg17[%dma_wait3A_187, %dma_wait3A_188] : memref<128x128xf32, #tpu.memory_space<vmem>> -> memref<16x128xf32, #tpu.memory_space<vmem>>
          %dma_wait3A_190 = arith.constant 9984 : i32
          %dma_wait3A_191 = arith.constant 0 : i32
          %dma_wait3A_192 = tpu.memref_slice %arg19[%dma_wait3A_190, %dma_wait3A_191] : memref<10112x128xf32, #tpu.memory_space<vmem_shared>> -> memref<16x128xf32, #tpu.memory_space<vmem_shared>>
          tpu.wait_dma2 semaphore(%run_scoped3A_168 : memref<!tpu.dma_semaphore, #tpu.memory_space<semaphore_mem>>) src(%dma_wait3A_192 : memref<16x128xf32, #tpu.memory_space<vmem_shared>>) dst(%dma_wait3A_189 : memref<16x128xf32, #tpu.memory_space<vmem>>)
          tpu.yield
        }) : () -> ()
        %run_scoped3A_167 = arith.constant 1 : i32
        "tpu.region"() ({
          %run_scoped3A_168 = tpu.sem_alloc : memref<!tpu.dma_semaphore, #tpu.memory_space<semaphore_mem>>
          %dma_start3A_169 = arith.constant 0 : i32
          %dma_start3A_170 = arith.constant 0 : i32
          %dma_start3A_171 = tpu.memref_slice %arg17[%dma_start3A_169, %dma_start3A_170] : memref<128x128xf32, #tpu.memory_space<vmem>> -> memref<16x128xf32, #tpu.memory_space<vmem>>
          %dma_start3A_172 = arith.constant 9984 : i32
          %dma_start3A_173 = arith.constant 0 : i32
          %dma_start3A_174 = tpu.memref_slice %arg8[%run_scoped3A_167, %dma_start3A_172, %dma_start3A_173] : memref<2x10000x128xf32, #tpu.memory_space<hbm>> -> memref<1x16x128xf32, #tpu.memory_space<hbm>>
          %dma_start3A_175 = tpu.memref_squeeze %dma_start3A_174 : memref<1x16x128xf32, #tpu.memory_space<hbm>> -> memref<16x128xf32, #tpu.memory_space<hbm>>
          %dma_start3A_176 = arith.constant 9984 : i32
          %dma_start3A_177 = arith.constant 0 : i32
          %dma_start3A_178 = tpu.memref_slice %arg8[%run_scoped3A_167, %dma_start3A_176, %dma_start3A_177] : memref<2x10000x128xf32, #tpu.memory_space<hbm>> -> memref<1x16x128xf32, #tpu.memory_space<hbm>>
          %dma_start3A_179 = tpu.memref_squeeze %dma_start3A_178 : memref<1x16x128xf32, #tpu.memory_space<hbm>> -> memref<16x128xf32, #tpu.memory_space<hbm>>
          %dma_start3A_180 = arith.constant 0 : i32
          %dma_start3A_181 = arith.constant 0 : i32
          %dma_start3A_182 = tpu.memref_slice %arg17[%dma_start3A_180, %dma_start3A_181] : memref<128x128xf32, #tpu.memory_space<vmem>> -> memref<16x128xf32, #tpu.memory_space<vmem>>
          tpu.enqueue_dma source(%dma_start3A_182 : memref<16x128xf32, #tpu.memory_space<vmem>>) target(%dma_start3A_179 : memref<16x128xf32, #tpu.memory_space<hbm>>) target_semaphore(%run_scoped3A_168 : memref<!tpu.dma_semaphore, #tpu.memory_space<semaphore_mem>>)
          %dma_wait3A_183 = arith.constant 0 : i32
          %dma_wait3A_184 = arith.constant 0 : i32
          %dma_wait3A_185 = tpu.memref_slice %arg17[%dma_wait3A_183, %dma_wait3A_184] : memref<128x128xf32, #tpu.memory_space<vmem>> -> memref<16x128xf32, #tpu.memory_space<vmem>>
          %dma_wait3A_186 = arith.constant 9984 : i32
          %dma_wait3A_187 = arith.constant 0 : i32
          %dma_wait3A_188 = tpu.memref_slice %arg8[%run_scoped3A_167, %dma_wait3A_186, %dma_wait3A_187] : memref<2x10000x128xf32, #tpu.memory_space<hbm>> -> memref<1x16x128xf32, #tpu.memory_space<hbm>>
          %dma_wait3A_189 = tpu.memref_squeeze %dma_wait3A_188 : memref<1x16x128xf32, #tpu.memory_space<hbm>> -> memref<16x128xf32, #tpu.memory_space<hbm>>
          %dma_wait3A_190 = arith.constant 9984 : i32
          %dma_wait3A_191 = arith.constant 0 : i32
          %dma_wait3A_192 = tpu.memref_slice %arg8[%run_scoped3A_167, %dma_wait3A_190, %dma_wait3A_191] : memref<2x10000x128xf32, #tpu.memory_space<hbm>> -> memref<1x16x128xf32, #tpu.memory_space<hbm>>
          %dma_wait3A_193 = tpu.memref_squeeze %dma_wait3A_192 : memref<1x16x128xf32, #tpu.memory_space<hbm>> -> memref<16x128xf32, #tpu.memory_space<hbm>>
          %dma_wait3A_194 = arith.constant 0 : i32
          %dma_wait3A_195 = arith.constant 0 : i32
          %dma_wait3A_196 = tpu.memref_slice %arg17[%dma_wait3A_194, %dma_wait3A_195] : memref<128x128xf32, #tpu.memory_space<vmem>> -> memref<16x128xf32, #tpu.memory_space<vmem>>
          tpu.wait_dma2 semaphore(%run_scoped3A_168 : memref<!tpu.dma_semaphore, #tpu.memory_space<semaphore_mem>>) src(%dma_wait3A_196 : memref<16x128xf32, #tpu.memory_space<vmem>>) dst(%dma_wait3A_193 : memref<16x128xf32, #tpu.memory_space<hbm>>)
          tpu.yield
        }) : () -> ()
      } else {
      }
      %barrier3A_166 = arith.constant 0 : index
      tpu.barrier barrier_id(%barrier3A_166)
    } else {
    }
    return
  }
}

module attributes {stable_mosaic.version = 14 : i64} {
  func.func @body(%arg0: i32, %arg1: i32, %arg2: memref<1x1000x128xf32, #tpu.memory_space<vmem>>, %arg3: memref<1x1000x128xf32, #tpu.memory_space<vmem>>, %arg4: memref<1000x128xf32, #tpu.memory_space<vmem>>, %arg5: memref<1x128x128xf32, #tpu.memory_space<vmem>>, %arg6: memref<1x1x128xf32, #tpu.memory_space<vmem>>, %arg7: memref<1x128x128xf32, #tpu.memory_space<vmem>>, %arg8: memref<1x1x128xf32, #tpu.memory_space<vmem>>, %arg9: memref<1x1x128xf32, #tpu.memory_space<vmem>>, %arg10: memref<1x1000x128xf32, #tpu.memory_space<vmem>>) attributes {dimension_semantics = [#tpu.dimension_semantics<arbitrary>, #tpu.dimension_semantics<arbitrary>], iteration_bounds = array<i64: 2, 10>, scalar_prefetch = 0 : i64, scratch_operands = 0 : i64, tpu.core_type = #tpu.core_type<tc>, window_params = [{transform_indices = @transform_0, window_bounds = array<i64: 1, 1000, 128>}, {transform_indices = @transform_1, window_bounds = array<i64: 1, 1000, 128>}, {transform_indices = @transform_2, window_bounds = array<i64: 1000, 128>}, {transform_indices = @transform_3, window_bounds = array<i64: 1, 128, 128>}, {transform_indices = @transform_4, window_bounds = array<i64: 1, 1, 128>}, {transform_indices = @transform_5, window_bounds = array<i64: 1, 128, 128>}, {transform_indices = @transform_6, window_bounds = array<i64: 1, 1, 128>}, {transform_indices = @transform_7, window_bounds = array<i64: 1, 1, 128>}, {transform_indices = @transform_8, window_bounds = array<i64: 1, 1000, 128>}]} {
    %get3A = arith.constant 0 : index
    %get3A_0 = arith.constant 0 : index
    %get3A_1 = arith.constant 0 : index
    %get3A_2 = vector.load %arg2[%get3A, %get3A_0, %get3A_1] : memref<1x1000x128xf32, #tpu.memory_space<vmem>>, vector<1x1000x128xf32>
    %get3A_3 = vector.shape_cast %get3A_2 : vector<1x1000x128xf32> to vector<1000x128xf32>
    %get3A_4 = arith.constant 0 : index
    %get3A_5 = arith.constant 0 : index
    %get3A_6 = arith.constant 0 : index
    %get3A_7 = vector.load %arg3[%get3A_4, %get3A_5, %get3A_6] : memref<1x1000x128xf32, #tpu.memory_space<vmem>>, vector<1x1000x128xf32>
    %get3A_8 = vector.shape_cast %get3A_7 : vector<1x1000x128xf32> to vector<1000x128xf32>
    %max3A = arith.constant 1.000000e+00 : f32
    %max3A_9 = vector.broadcast %max3A : f32 to vector<1000x128xf32>
    %max3A_10 = arith.maximumf %get3A_8, %max3A_9 : vector<1000x128xf32>
    %div3A = arith.divf %get3A_3, %max3A_10 : vector<1000x128xf32>
    %get3A_11 = arith.constant 0 : index
    %get3A_12 = arith.constant 0 : index
    %get3A_13 = vector.load %arg4[%get3A_11, %get3A_12] : memref<1000x128xf32, #tpu.memory_space<vmem>>, vector<1000x128xf32>
    %get3A_14 = arith.constant 0 : index
    %get3A_15 = arith.constant 0 : index
    %get3A_16 = arith.constant 0 : index
    %get3A_17 = vector.load %arg5[%get3A_14, %get3A_15, %get3A_16] : memref<1x128x128xf32, #tpu.memory_space<vmem>>, vector<1x128x128xf32>
    %get3A_18 = vector.shape_cast %get3A_17 : vector<1x128x128xf32> to vector<128x128xf32>
    %dot_general3A = arith.constant dense<0.000000e+00> : vector<1000x128xf32>
    %dot_general3A_19 = tpu.matmul %div3A, %get3A_18, %dot_general3A {dimension_numbers = #tpu.dot_dimension_numbers<[1], [0], [0], [1], [0, 0, 1, 1], [], []>, precision = #tpu.contract_precision<fp32>, transpose_lhs_hint = false} : vector<1000x128xf32>, vector<128x128xf32>, vector<1000x128xf32> -> vector<1000x128xf32>
    %get3A_20 = arith.constant 0 : index
    %get3A_21 = arith.constant 0 : index
    %get3A_22 = arith.constant 0 : index
    %get3A_23 = vector.load %arg6[%get3A_20, %get3A_21, %get3A_22] : memref<1x1x128xf32, #tpu.memory_space<vmem>>, vector<1x1x128xf32>
    %get3A_24 = vector.shape_cast %get3A_23 : vector<1x1x128xf32> to vector<1x128xf32>
    %add3A = vector.broadcast %get3A_24 : vector<1x128xf32> to vector<1000x128xf32>
    %add3A_25 = arith.addf %dot_general3A_19, %add3A : vector<1000x128xf32>
    %get3A_26 = arith.constant 0 : index
    %get3A_27 = arith.constant 0 : index
    %get3A_28 = arith.constant 0 : index
    %get3A_29 = vector.load %arg7[%get3A_26, %get3A_27, %get3A_28] : memref<1x128x128xf32, #tpu.memory_space<vmem>>, vector<1x128x128xf32>
    %get3A_30 = vector.shape_cast %get3A_29 : vector<1x128x128xf32> to vector<128x128xf32>
    %dot_general3A_31 = arith.constant dense<0.000000e+00> : vector<1000x128xf32>
    %dot_general3A_32 = tpu.matmul %get3A_13, %get3A_30, %dot_general3A_31 {dimension_numbers = #tpu.dot_dimension_numbers<[1], [0], [0], [1], [0, 0, 1, 1], [], []>, precision = #tpu.contract_precision<fp32>, transpose_lhs_hint = false} : vector<1000x128xf32>, vector<128x128xf32>, vector<1000x128xf32> -> vector<1000x128xf32>
    %add3A_33 = arith.addf %add3A_25, %dot_general3A_32 : vector<1000x128xf32>
    %add3A_34 = arith.addf %add3A_33, %get3A_13 : vector<1000x128xf32>
    %reduce_sum3A = arith.constant dense<0.000000e+00> : vector<1000xf32>
    %reduce_sum3A_35 = vector.multi_reduction <add>, %add3A_34, %reduce_sum3A [1] : vector<1000x128xf32> to vector<1000xf32>
    %broadcast_in_dim3A = vector.shape_cast %reduce_sum3A_35 : vector<1000xf32> to vector<1000x1xf32>
    %div3A_36 = arith.constant 1.280000e+02 : f32
    %div3A_37 = vector.broadcast %div3A_36 : f32 to vector<1000x1xf32>
    %div3A_38 = arith.divf %broadcast_in_dim3A, %div3A_37 : vector<1000x1xf32>
    %sub3A = vector.broadcast %div3A_38 : vector<1000x1xf32> to vector<1000x128xf32>
    %sub3A_39 = arith.subf %add3A_34, %sub3A : vector<1000x128xf32>
    %square3A = arith.mulf %sub3A_39, %sub3A_39 : vector<1000x128xf32>
    %reduce_sum3A_40 = arith.constant dense<0.000000e+00> : vector<1000xf32>
    %reduce_sum3A_41 = vector.multi_reduction <add>, %square3A, %reduce_sum3A_40 [1] : vector<1000x128xf32> to vector<1000xf32>
    %broadcast_in_dim3A_42 = vector.shape_cast %reduce_sum3A_41 : vector<1000xf32> to vector<1000x1xf32>
    %div3A_43 = arith.constant 1.280000e+02 : f32
    %div3A_44 = vector.broadcast %div3A_43 : f32 to vector<1000x1xf32>
    %div3A_45 = arith.divf %broadcast_in_dim3A_42, %div3A_44 : vector<1000x1xf32>
    %sub3A_46 = vector.broadcast %div3A_38 : vector<1000x1xf32> to vector<1000x128xf32>
    %sub3A_47 = arith.subf %add3A_34, %sub3A_46 : vector<1000x128xf32>
    %add3A_48 = arith.constant 9.99999974E-6 : f32
    %add3A_49 = vector.broadcast %add3A_48 : f32 to vector<1000x1xf32>
    %add3A_50 = arith.addf %div3A_45, %add3A_49 : vector<1000x1xf32>
    %rsqrt3A = math.rsqrt %add3A_50 : vector<1000x1xf32>
    %mul3A = vector.broadcast %rsqrt3A : vector<1000x1xf32> to vector<1000x128xf32>
    %mul3A_51 = arith.mulf %sub3A_47, %mul3A : vector<1000x128xf32>
    %get3A_52 = arith.constant 0 : index
    %get3A_53 = arith.constant 0 : index
    %get3A_54 = arith.constant 0 : index
    %get3A_55 = vector.load %arg8[%get3A_52, %get3A_53, %get3A_54] : memref<1x1x128xf32, #tpu.memory_space<vmem>>, vector<1x1x128xf32>
    %get3A_56 = vector.shape_cast %get3A_55 : vector<1x1x128xf32> to vector<1x128xf32>
    %mul3A_57 = vector.broadcast %get3A_56 : vector<1x128xf32> to vector<1000x128xf32>
    %mul3A_58 = arith.mulf %mul3A_51, %mul3A_57 : vector<1000x128xf32>
    %get3A_59 = arith.constant 0 : index
    %get3A_60 = arith.constant 0 : index
    %get3A_61 = arith.constant 0 : index
    %get3A_62 = vector.load %arg9[%get3A_59, %get3A_60, %get3A_61] : memref<1x1x128xf32, #tpu.memory_space<vmem>>, vector<1x1x128xf32>
    %get3A_63 = vector.shape_cast %get3A_62 : vector<1x1x128xf32> to vector<1x128xf32>
    %add3A_64 = vector.broadcast %get3A_63 : vector<1x128xf32> to vector<1000x128xf32>
    %add3A_65 = arith.addf %mul3A_58, %add3A_64 : vector<1000x128xf32>
    %swap3A = arith.constant 0 : index
    %swap3A_66 = arith.constant 0 : index
    %swap3A_67 = arith.constant 0 : index
    %swap3A_68 = vector.load %arg10[%swap3A, %swap3A_66, %swap3A_67] : memref<1x1000x128xf32, #tpu.memory_space<vmem>>, vector<1x1000x128xf32>
    %swap3A_69 = vector.shape_cast %swap3A_68 : vector<1x1000x128xf32> to vector<1000x128xf32>
    %swap3A_70 = vector.shape_cast %add3A_65 : vector<1000x128xf32> to vector<1x1000x128xf32>
    tpu.vector_store %arg10[%swap3A, %swap3A_66, %swap3A_67], %swap3A_70 {strides = array<i32>} : memref<1x1000x128xf32, #tpu.memory_space<vmem>>, vector<1x1000x128xf32>,
    return
  }
  func.func @transform_0(%arg0: i32, %arg1: i32) -> (i32, i32, i32) {
    %c0_i32 = arith.constant 0 : i32
    %c0_i32_0 = arith.constant 0 : i32
    return %arg0, %arg1, %c0_i32 : i32, i32, i32
  }
  func.func @transform_1(%arg0: i32, %arg1: i32) -> (i32, i32, i32) {
    %c0_i32 = arith.constant 0 : i32
    %c0_i32_0 = arith.constant 0 : i32
    return %arg0, %arg1, %c0_i32 : i32, i32, i32
  }
  func.func @transform_2(%arg0: i32, %arg1: i32) -> (i32, i32) {
    %sub3A = arith.constant 1 : i32
    %sub3A_0 = arith.subi %sub3A, %arg0 : i32
    %mul3A = arith.constant 10 : i32
    %mul3A_1 = arith.muli %sub3A_0, %mul3A : i32
    %add3A = arith.addi %mul3A_1, %arg1 : i32
    %c0_i32 = arith.constant 0 : i32
    %c0_i32_2 = arith.constant 0 : i32
    return %add3A, %c0_i32 : i32, i32
  }
  func.func @transform_3(%arg0: i32, %arg1: i32) -> (i32, i32, i32) {
    %c0_i32 = arith.constant 0 : i32
    %c0_i32_0 = arith.constant 0 : i32
    %c0_i32_1 = arith.constant 0 : i32
    return %arg0, %c0_i32, %c0_i32_0 : i32, i32, i32
  }
  func.func @transform_4(%arg0: i32, %arg1: i32) -> (i32, i32, i32) {
    %c0_i32 = arith.constant 0 : i32
    %c0_i32_0 = arith.constant 0 : i32
    %c0_i32_1 = arith.constant 0 : i32
    return %arg0, %c0_i32, %c0_i32_0 : i32, i32, i32
  }
  func.func @transform_5(%arg0: i32, %arg1: i32) -> (i32, i32, i32) {
    %c0_i32 = arith.constant 0 : i32
    %c0_i32_0 = arith.constant 0 : i32
    %c0_i32_1 = arith.constant 0 : i32
    return %arg0, %c0_i32, %c0_i32_0 : i32, i32, i32
  }
  func.func @transform_6(%arg0: i32, %arg1: i32) -> (i32, i32, i32) {
    %c0_i32 = arith.constant 0 : i32
    %c0_i32_0 = arith.constant 0 : i32
    %c0_i32_1 = arith.constant 0 : i32
    return %arg0, %c0_i32, %c0_i32_0 : i32, i32, i32
  }
  func.func @transform_7(%arg0: i32, %arg1: i32) -> (i32, i32, i32) {
    %c0_i32 = arith.constant 0 : i32
    %c0_i32_0 = arith.constant 0 : i32
    %c0_i32_1 = arith.constant 0 : i32
    return %arg0, %c0_i32, %c0_i32_0 : i32, i32, i32
  }
  func.func @transform_8(%arg0: i32, %arg1: i32) -> (i32, i32, i32) {
    %c0_i32 = arith.constant 0 : i32
    %c0_i32_0 = arith.constant 0 : i32
    return %arg0, %arg1, %c0_i32 : i32, i32, i32
  }
}

</mosaic_0001>

<sc_bundles>
// kernel: kernel.4.cloned.1.call-start
scs
__scs_entry_jumppad:
0x0: {  	(pc) =	sbr.rel $0x88, $3  }
0x1: {  	(tag) =	ssettag $0x0;
	lr =	simm.s32 $0x1  }
0x2: {  	[smem:$0x3F93] =	sst lr;
	_ =	strace $0xD0000000  }
0x3: {  	_ = 	snop  }
0x4: {  	_ = 	snop  }
0x5: {  	_ = 	snop  }
0x6: {  	_ = 	snop  }
0x7: {  	_ = 	snop  }
__scs_overlays_trampoline_lowered:
0x8: {  	[smem:$0x3FA2] =	sst s0  }
0x9: {  	[smem:$0x3FA3] =	sst s1  }
0xa: {  	[smem:$0x3FA4] =	sst s2  }
0xb: {  	[smem:$0x3FA5] =	sst s3  }
0xc: {  	[smem:$0x3FA6] =	sst s4  }
0xd: {  	[smem:$0x3FA7] =	sst s5  }
0xe: {  	[smem:$0x3FA8] =	sst s6  }
0xf: {  	[smem:$0x3FA9] =	sst s7  }
0x10: {  	[smem:$0x3FAA] =	sst s8  }
0x11: {  	[smem:$0x3FAB] =	sst s9;
	s0 =	simm.s32 @!p0 $0x0  }
0x12: {  	s1 =	sld [smem:$0x3F91];
	s0 =	simm.s32 @p0 $0x1  }
0x13: {  	[smem:$0x3FAC] =	sst s0;
	s0 =	simm.s32 @!p1 $0x0  }
0x14: {  	s2 =	sld [smem:$0x3F90];
	s0 =	simm.s32 @p1 $0x1  }
0x15: {  	[smem:$0x3FAD] =	sst s0;
	s0 =	simm.s32 @!p2 $0x0  }
0x16: {  	s3 =	sld [smem:$0x3FDB];
	s0 =	simm.s32 @p2 $0x1  }
0x17: {  	s4 =	simm.s32 $0x1BF5;
	[smem:$0x3FAF] =	sst s0  }
0x18: {  	s0 =	sld [smem:$0x3F92];
	_ =	swait.ge [sflag:s4], $0x0  }
0x19: {  	s7 =	sld [smem:$0x3F93]  }
0x1a: {  	s8 =	sadd.s32 $0xFFFFE003, lr  }
0x1b: {  	s9 =	sadd.s32 $0xFFFFFEF7, lr;
	s5 =	simm.s32 $0xFFFFFFFF;
	p2 =	slt.u32 s8, $0xFFFFF086  }
0x1c: {  	p1 =	slt.u32 s9, $0xF7A;
	s5 =	simm.s32 @!p2 $0x0  }
0x1d: {  	s5 =	simm.s32 @p1 $0x1;
	p0 =	seq.s32 s7, s2  }
0x1e: {  	s7 =	smul.u32 @!p0 $0xF7A, s2;
	p2 =	seq.s32 @!p0 s5, $0x0  }
0x1f: {  	s9 =	smul.u32 $0xF7A, s1;
	s8 =	simm.s32 @!p0 $0x1BF5;
	p2 =	por !p2, p0  }
0x20: {  	[sflag:s8] =	ssyncset.s32 @!p0 $0xFFFFF086;
	s6 =	sadd.s32 @!p0 s3, s7;
	s7 =	simm.s32 @!p0 $0x108  }
0x21: {  	s3 =	sadd.s32 s3, s9;
	s6 =	sadd.s32 @!p0 $0x88, s6;
	s7 =	simm.s32 @p2 $0x1082  }
0x22: {  	[simem:s7], [sflag:s8] =	dma.local @!p0 [hbm:s6], $0xF7A  }
0x23: {  	s9 =	sor.u32 $0xD0000000, s2;
	s6 =	simm.s32 $0x108;
	_ =	swait.ge @!p0 [sflag:s8], $0x0  }
0x24: {  	s3 =	sadd.s32 $0x88, s3;
	s6 =	simm.s32 @!p1 $0x1082;
	[sflag:s4] =	ssyncset.s32 $0xFFFFF086  }
0x25: {  	[simem:s6], [sflag:s4] =	dma.local [hbm:s3], $0xF7A  }
0x26: {  	[smem:$0x3F93] =	sst s1;
	(tag) =	ssettag s2;
	_ =	strace s9  }
0x27: {  	s1 =	sld [smem:$0x3FA3]  }
0x28: {  	s2 =	sld [smem:$0x3FA4]  }
0x29: {  	s4 =	sld [smem:$0x3FA6]  }
0x2a: {  	p0 =	seq.s32 s5, $0x0;
	s5 =	sld [smem:$0x3FA7]  }
0x2b: {  	s6 =	sld [smem:$0x3FA8]  }
0x2c: {  	s7 =	sld [smem:$0x3FA9]  }
0x2d: {  	s3 =	simm.s32 $0x108;
	s8 =	sld [smem:$0x3FAA]  }
0x2e: {  	s3 =	simm.s32 @!p0 $0x1082;
	s9 =	sld [smem:$0x3FAB]  }
0x2f: {  	lr =	sadd.s32 s0, s3;
	s0 =	sld [smem:$0x3FA2]  }
0x30: {  	s3 =	sld [smem:$0x3FA5]  }
0x31: {  	[smem:$0x3FAE] =	sst s10  }
0x32: {  	s10 =	sld [smem:$0x3FAC];
	_ =	sdelay $0x3  }
0x33: {  	p0 =	seq.s32 s10, $0x1;
	s10 =	sld [smem:$0x3FAE];
	_ =	sdelay $0x3  }
0x34: {  	[smem:$0x3FAE] =	sst s10  }
0x35: {  	s10 =	sld [smem:$0x3FAD];
	_ =	sdelay $0x3  }
0x36: {  	p1 =	seq.s32 s10, $0x1;
	s10 =	sld [smem:$0x3FAE];
	_ =	sdelay $0x3  }
0x37: {  	[smem:$0x3FAE] =	sst s10  }
0x38: {  	s10 =	sld [smem:$0x3FAF]  }
0x39: {  	_ = 	snop;
	(pc) =	sbr.ind lr, $3  }
0x3a: {  	_ = 	snop  }
0x3b: {  	_ = 	snop  }
0x3c: {  	p2 =	seq.s32 s10, $0x1;
	s10 =	sld [smem:$0x3FAE]  }
0x3d: {  	_ =	shalt  }
0x3e: {  	_ =	shalt  }
0x3f: {  	_ =	shalt  }
0x40: {  	_ =	shalt  }
0x41: {  	_ =	shalt  }
0x42: {  	_ =	shalt  }
0x43: {  	_ =	shalt  }
0x44: {  	_ =	shalt  }
0x45: {  	_ =	shalt  }
0x46: {  	_ =	shalt  }
0x47: {  	_ =	shalt  }
0x48: {  	_ =	shalt  }
0x49: {  	_ =	shalt  }
0x4a: {  	_ =	shalt  }
0x4b: {  	_ =	shalt  }
0x4c: {  	_ =	shalt  }
0x4d: {  	_ =	shalt  }
0x4e: {  	_ =	shalt  }
0x4f: {  	_ =	shalt  }
0x50: {  	_ =	shalt  }
0x51: {  	_ =	shalt  }
0x52: {  	_ =	shalt  }
0x53: {  	_ =	shalt  }
0x54: {  	_ =	shalt  }
0x55: {  	_ =	shalt  }
0x56: {  	_ =	shalt  }
0x57: {  	_ =	shalt  }
0x58: {  	_ =	shalt  }
0x59: {  	_ =	shalt  }
0x5a: {  	_ =	shalt  }
0x5b: {  	_ =	shalt  }
0x5c: {  	_ =	shalt  }
0x5d: {  	_ =	shalt  }
0x5e: {  	_ =	shalt  }
0x5f: {  	_ =	shalt  }
0x60: {  	_ =	shalt  }
0x61: {  	_ =	shalt  }
0x62: {  	_ =	shalt  }
0x63: {  	_ =	shalt  }
0x64: {  	_ =	shalt  }
0x65: {  	_ =	shalt  }
0x66: {  	_ =	shalt  }
0x67: {  	_ =	shalt  }
0x68: {  	_ =	shalt  }
0x69: {  	_ =	shalt  }
0x6a: {  	_ =	shalt  }
0x6b: {  	_ =	shalt  }
0x6c: {  	_ =	shalt  }
0x6d: {  	_ =	shalt  }
0x6e: {  	_ =	shalt  }
0x6f: {  	_ =	shalt  }
0x70: {  	_ =	shalt  }
0x71: {  	_ =	shalt  }
0x72: {  	_ =	shalt  }
0x73: {  	_ =	shalt  }
0x74: {  	_ =	shalt  }
0x75: {  	_ =	shalt  }
0x76: {  	_ =	shalt  }
0x77: {  	_ =	shalt  }
0x78: {  	_ =	shalt  }
0x79: {  	_ =	shalt  }
0x7a: {  	_ =	shalt  }
0x7b: {  	_ =	shalt  }
0x7c: {  	_ =	shalt  }
0x7d: {  	_ =	shalt  }
0x7e: {  	_ =	shalt  }
0x7f: {  	_ =	shalt  }
0x80: {  	_ =	shalt  }
0x81: {  	_ =	shalt  }
0x82: {  	_ =	shalt  }
0x83: {  	_ =	shalt  }
0x84: {  	_ =	shalt  }
0x85: {  	_ =	shalt  }
0x86: {  	_ =	shalt  }
0x87: {  	_ =	shalt  }
.Lfunc_end0:
.L_simem_size_0:
called_computation_lowered:
.L_overlay_start_0:
0x88: {  	s2 =	sld [smem:$0x3FD9]  }
0x89: {  	s3 =	sld [smem:$0x3FFE];
	_ =	sdelay $0x1  }
0x8a: {  	s1 =	srdreg.scid  }
0x8b: {  	s0 =	sand.u32 $0x1, s1  }
0x8c: {  	s17 =	sshll.u32 s0, $0xA;
	s2 =	sadd.s32 s3, s2  }
0x8d: {  	s2 =	sadd.s32 s2, s17  }
0x8e: {  	[smem:$0x3FBA] =	sst s2  }
0x8f: {  	_ = 	snop  }
0x90: {  	s2 =	sld [smem:$0x3FD0];
	(tm) =	ssettm $0x1  }
0x91: {  	s18 =	sld [smem:$0x3FFB];
	_ =	sdelay $0x3  }
0x92: {  	_ =	strace s18  }
0x93: {  	s3 =	sld [smem:$0x3FFC];
	_ =	sdelay $0x3  }
0x94: {  	_ =	strace s3  }
0x95: {  	s3 =	sld [smem:$0x3FFD];
	_ =	sdelay $0x3  }
0x96: {  	_ =	strace s3  }
0x97: {  	_ =	strace $0x8FFFFFFF  }
0x98: {  	s19 =	sld [smem:$0x3FDB];
	_ =	sdelay $0x1  }
0x99: {  	s4 =	simm.s32 $_scs_section_size  }
0x9a: {  	s5 =	simm.s32 $_size__tile_overlayer_lowered;
	s6 =	simm.s32 $_tile_overlayer_lowered  }
0x9b: {  	s22 =	simm.s32 $0x1BFF;
	s21 =	sshll.u32 s6, $0x1;
	s3 =	sadd.s32 s4, s19  }
0x9c: {  	s7 =	simm.s32 $0x0;
	s20 =	sshll.u32 s5, $0x1;
	s5 =	sadd.s32 s21, s3  }
0x9d: {  	[timem:s7], [sflag:s22] =	dma.local [hbm:s5], s20  }
0x9e: {  	_ =	swait.ge [sflag:s22], s20  }
0x9f: {  	s4 =	ssub.s32 $0x0, s20;
	[sflag:s22] =	ssyncset.done $0x0  }
0xa0: {  	[sflag:s22] =	ssyncadd.s32 s4;
	_ =	sdelay $0x1  }
0xa1: {  	s23 =	simm.s32 $0x1B8B  }
0xa2: {  	_ =	swait.ge [sflag:s23], $0x1  }
0xa3: {  	[sflag:s23] =	ssyncset.done $0x0  }
0xa4: {  	s25 =	simm.s32 $0x1B8E;
	s24 =	sld [smem:$0x3FFE];
	[sflag:s23] =	ssyncadd.s32 $0xFFFFFFFF  }
0xa5: {  	s26 =	simm.s32 $execute0_lowered;
	[smem:$0x3FD2] =	sst s25  }
0xa6: {  	s5 =	sshll.u32 s26, $0x1;
	_ =	strace $0x80000046;
	[dreg:$0x1] =	wrdreg $0xFFFFFFFF  }
0xa7: {  	s28 =	simm.s32 $_size_execute0_lowered;
	s3 =	sadd.s32 s3, s5;
	[dreg:$0x0] =	wrdreg $0x0  }
0xa8: {  	s5 =	sshll.u32 s28, $0x1;
	[dreg:$0x2] =	wrdreg s3  }
0xa9: {  	[dreg:$0x3] =	wrdreg s5  }
0xaa: {  	[dreg:$0x4] =	wrdreg $0xC0  }
0xab: {  	_ =	task [dreg:s7], $0x5FFFF  }
0xac: {  	[dreg:$0x1] =	wrdreg $0xFFFFFFFF  }
0xad: {  	[dreg:$0x0] =	wrdreg $0x60  }
0xae: {  	[dreg:$0x2] =	wrdreg s24  }
0xaf: {  	[dreg:$0x3] =	wrdreg s2  }
0xb0: {  	[dreg:$0x4] =	wrdreg $0x84000  }
0xb1: {  	[dreg:$0x5] =	wrdreg $0x9  }
0xb2: {  	_ =	task.clear_ibuf [dreg:s7], $0x6FFFF;
	_ =	strace $0x90000046  }
0xb3: {  	s29 =	simm.s32 $0x9;
	_ =	strace $0x80000048  }
0xb4: {  	_ =	swait.ge [sflag:s29], $0x1  }
0xb5: {  	[sflag:s29] =	ssyncadd.s32 $0xFFFFFFFF  }
0xb6: {  	_ =	strace $0x90000048  }
0xb7: {  	_ =	sfence  }
0xb8: {  	s30 =	sld [smem:$0x0];
	_ =	sdelay $0x2  }
0xb9: {  	s31 =	sshll.u32 s1, $0xD;
	s1 =	sshrl.u32 s1, $0x2  }
0xba: {  	s3 =	sand.u32 $0x4000, s31;
	s1 =	sadd.s32 s1, s30  }
0xbb: {  	s0 =	sor.u32 s3, s0;
	s1 =	sshll.u32 s1, $0x11  }
0xbc: {  	s0 =	sor.u32 s1, s0  }
0xbd: {  	s0 =	sadd.s32 $0x8F2B, s0  }
0xbe: {  	[sflag:s0] =	ssyncadd.remote.s32 $0x1  }
0xbf: {  	_ =	sfence.sel $0xFFFF  }
0xc0: {  	[dreg:$0x0] =	wrdreg $0xFFFFFFFF;
	(pc) =	sbr.abs _section_cstart, $3  }
0xc1: {  	[dreg:$0x1] =	wrdreg $0xFFFFFFFF  }
0xc2: {  	_ =	task.clear_ibuf [dreg:s7], $0x2FFFF;
	_ =	strace $0x9FFFFFFF  }
0xc3: {  	(tm) =	ssettm $0x7FFFFFFF  }
tec
execute0_lowered:
.L_overlay_start_1:
0x0: {  	(tag) =	ssettag $0x1  }
0x1: {  	s2 =	rddreg [dreg:$0x0]  }
0x2: {  	s0 =	srdreg.scid;
	s11 =	stileid.u32;
	s1 =	simm.s32 $0x0  }
0x3: {  	s30 =	rddreg [dreg:$0x2];
	s0 =	sand.u32 $0x1, s0;
	s3 =	smul.u32 $0x9D00, s11  }
0x4: {  	[smem:$0x7FF] =	sst s1;
	s4 =	sadd.s32 $0x50800, s2;
	s6 =	sadd.s32 $0x64200, s2  }
0x5: {  	s9 =	smul.u32 $0x13A0, s11;
	s5 =	ssub.s32 $0x2, s0;
	s8 =	sshrl.u32 s3, $0x3  }
0x6: {  	p0 =	seq.s32 s0, $0x1;
	s7 =	sshrl.u32 s5, $0x1;
	s14 =	sadd.s32 $0x20, s8  }
0x7: {  	s28 =	sadd.s32 s9, s6;
	s15 =	sadd.s32 $0x40, s8;
	s0 =	sadd.s32 s6, s14  }
0x8: {  	s16 =	sadd.s32 $0x60, s8;
	s17 =	sadd.s32 s4, s15;
	[dreg:$0x7] =	wrdreg s0  }
0x9: {  	s3 =	ssub.s32 s5, s7;
	s18 =	sadd.s32 s4, s16;
	[dreg:$0x8] =	wrdreg s17  }
0xa: {  	s20 =	sor.u32 $0x10, s8;
	s19 =	sadd.s32 s6, s16;
	[dreg:$0xa] =	wrdreg s18  }
0xb: {  	s21 =	sadd.s32 $0x30, s8;
	s22 =	sadd.s32 s4, s20;
	[dreg:$0xb] =	wrdreg s19  }
0xc: {  	s23 =	sadd.s32 s4, s8;
	s24 =	sadd.s32 s4, s21;
	[dreg:$0xc] =	wrdreg s22  }
0xd: {  	s5 =	sadd.s32 $0x50, s8;
	s25 =	sadd.s32 s6, s21;
	[dreg:$0xe] =	wrdreg s24  }
0xe: {  	s12 =	sadd.s32 $0x70, s8;
	s10 =	sadd.s32 s4, s5;
	[dreg:$0xf] =	wrdreg s25  }
0xf: {  	s31 =	sadd.s32 s4, s14;
	s13 =	sadd.s32 s4, s12;
	[dreg:$0x10] =	wrdreg s10  }
0x10: {  	s14 =	sadd.s32 $0x80, s9;
	s0 =	sadd.s32 s6, s15;
	[dreg:$0x12] =	wrdreg s13  }
0x11: {  	s21 =	sadd.s32 $0xE0, s9;
	s16 =	sadd.s32 s6, s14;
	[dreg:$0x9] =	wrdreg s0  }
0x12: {  	s26 =	sadd.s32 s6, s8;
	s24 =	sadd.s32 s6, s21;
	[dreg:$0x14] =	wrdreg s16  }
0x13: {  	s17 =	sadd.s32 $0xA0, s9;
	s0 =	sadd.s32 s6, s20;
	[dreg:$0x1b] =	wrdreg s24  }
0x14: {  	s15 =	sadd.s32 $0x64210, s2;
	s18 =	sadd.s32 s6, s17;
	[dreg:$0xd] =	wrdreg s0  }
0x15: {  	s19 =	sadd.s32 $0xC0, s9;
	s8 =	sadd.s32 s17, s15;
	[dreg:$0x16] =	wrdreg s18  }
0x16: {  	s29 =	sadd.s32 s9, s4;
	s20 =	sadd.s32 s6, s19;
	[dreg:$0x17] =	wrdreg s8  }
0x17: {  	s25 =	sshll.u32 s11, $0x7;
	s22 =	sadd.s32 s21, s15;
	[dreg:$0x18] =	wrdreg s20  }
0x18: {  	s16 =	sor.u32 $0x1800, s25;
	s0 =	sadd.s32 s6, s5;
	[dreg:$0x1a] =	wrdreg s22  }
0x19: {  	s17 =	sor.u32 $0x40, s11;
	s8 =	sor.u32 $0x800, s25;
	[dreg:$0x11] =	wrdreg s0  }
0x1a: {  	s9 =	sshll.u32 s16, $0x7;
	s0 =	sadd.s32 s6, s12;
	s6 =	rddreg [dreg:$0x1]  }
0x1b: {  	s10 =	sshll.u32 s17, $0xE;
	[dreg:$0x13] =	wrdreg s0;
	s0 =	sadd.s32 s14, s15  }
0x1c: {  	s12 =	sshll.u32 s11, $0xE;
	[dreg:$0x15] =	wrdreg s0;
	s0 =	sadd.s32 s19, s15  }
0x1d: {  	s13 =	sshll.u32 s8, $0x7;
	s5 =	sadd.s32 s12, s30;
	[dreg:$0x19] =	wrdreg s0  }
0x1e: {  	s14 =	sadd.s32 s13, s30;
	_ =	strace $0x80000047;
	[dreg:$0x1c] =	wrdreg s5  }
0x1f: {  	s20 =	sadd.s32 s10, s30;
	s19 =	sadd.s32 s9, s30;
	[dreg:$0x1d] =	wrdreg s14  }
0x20: {  	s21 =	sadd.s32 $0x27100, s6;
	s9 =	sshll.u32 s11, $0xB;
	[dreg:$0x1f] =	wrdreg s19  }
0x21: {  	s4 =	sshll.u32 s8, $0x4;
	s22 =	sadd.s32 s9, s21;
	[smem:$0x7E1] =	sst s20  }
0x22: {  	s7 =	sshll.u32 s16, $0x4;
	s24 =	sadd.s32 s4, s21;
	[smem:$0x7E2] =	sst s22  }
0x23: {  	s8 =	sshll.u32 s17, $0xB;
	s12 =	sadd.s32 s7, s21;
	[smem:$0x7E3] =	sst s24  }
0x24: {  	s13 =	sadd.s32 s8, s21;
	[smem:$0x7E5] =	sst s12  }
0x25: {  	[smem:$0x7E6] =	sst s13  }
0x26: {  	s15 =	sor.u32 $0x1000, s25;
	[dreg:$0x4] =	wrdreg s23  }
0x27: {  	s18 =	sshll.u32 s15, $0x7;
	[dreg:$0x5] =	wrdreg s26  }
0x28: {  	s0 =	sadd.s32 s18, s30;
	[dreg:$0x6] =	wrdreg s31  }
0x29: {  	s24 =	sadd.s32 s6, s4;
	[dreg:$0x1e] =	wrdreg s0  }
0x2a: {  	s5 =	sshll.u32 s15, $0x4;
	s12 =	sadd.s32 s6, s7;
	[smem:$0x7EE] =	sst s24  }
0x2b: {  	s14 =	sadd.s32 $0x78C00, s2;
	s25 =	sadd.s32 s5, s21;
	[smem:$0x7F2] =	sst s12  }
0x2c: {  	s15 =	sadd.s32 s14, s9;
	[smem:$0x7E4] =	sst s25  }
0x2d: {  	s16 =	sadd.s32 s14, s4;
	[smem:$0x7E7] =	sst s15  }
0x2e: {  	s17 =	sadd.s32 s14, s5;
	[smem:$0x7E8] =	sst s16  }
0x2f: {  	p1 =	sgt.u32 s11, $0xD;
	s18 =	sadd.s32 s14, s7;
	[smem:$0x7E9] =	sst s17  }
0x30: {  	p2 =	seq.s32 s11, $0xF;
	s19 =	sadd.s32 s14, s8;
	[smem:$0x7EA] =	sst s18  }
0x31: {  	s20 =	sadd.s32 $0x9FD00, s2;
	s21 =	sadd.s32 s6, s9;
	[smem:$0x7EB] =	sst s19  }
0x32: {  	p3 =	sne.s32 @p1 s11, $0xF;
	s22 =	sadd.s32 s9, s20;
	[smem:$0x7EC] =	sst s21  }
0x33: {  	p3 =	por p3, !p1;
	s9 =	sadd.s32 s5, s20;
	[smem:$0x7ED] =	sst s22  }
0x34: {  	s10 =	simm.s32 $0x380;
	s13 =	sadd.s32 s7, s20;
	[smem:$0x7F1] =	sst s9  }
0x35: {  	s11 =	simm.s32 $0x3;
	s14 =	sadd.s32 s8, s20;
	[smem:$0x7F3] =	sst s13  }
0x36: {  	s24 =	sadd.s32 $0x2600, s2;
	s25 =	sadd.s32 s4, s20;
	[smem:$0x7F4] =	sst s14  }
0x37: {  	s7 =	simm.s32 $0x100;
	s4 =	sadd.s32 s6, s5;
	[smem:$0x7EF] =	sst s25  }
0x38: {  	s12 =	simm.s32 $0x4;
	s15 =	sadd.s32 s6, s8;
	[smem:$0x7F0] =	sst s4  }
0x39: {  	s16 =	sadd.s32 $0x27000, s6;
	s17 =	sadd.s32 $0x4E100, s6;
	[smem:$0x7F5] =	sst s15  }
0x3a: {  	s18 =	sadd.s32 $0x78400, s2;
	s19 =	sadd.s32 $0x77C00, s2;
	[smem:$0x7F6] =	sst s16  }
0x3b: {  	s20 =	sadd.s32 $0x9FC00, s2;
	s21 =	sadd.s32 $0xC6D00, s2;
	[smem:$0x7F7] =	sst s17  }
0x3c: {  	s22 =	smax.u32 s3, $0x1;
	s2 =	simm.s32 $0x9;
	[smem:$0x7F8] =	sst s18  }
0x3d: {  	s3 =	simm.s32 $0x4400;
	s5 =	simm.s32 $0x80;
	[smem:$0x7F9] =	sst s19  }
0x3e: {  	s6 =	simm.s32 $0x280;
	s8 =	simm.s32 $0x300;
	[smem:$0x7FA] =	sst s20  }
.Ltmp0:
0x3f: {  	s9 =	simm.s32 $0x180;
	[smem:$0x7FB] =	sst s21;
	(pc) =	sbr.rel .LBB2_1-.Ltmp0, $4  }
0x40: {  	s13 =	simm.s32 $0x5;
	s14 =	simm.s32 $0x6;
	[smem:$0x7FC] =	sst s22  }
0x41: {  	s25 =	sadd.s32 $0x138000, s30;
	s22 =	simm.s32 $0x400;
	s4 =	simm.s32 $0x200  }
0x42: {  	s15 =	simm.s32 $0x7;
	s16 =	simm.s32 $0x8;
	s17 =	simm.s32 $0x2  }
0x43: {  	s20 =	simm.s32 $0x1;
	s18 =	simm.s32 $0x0;
	[smem:$0x7FD] =	sst s25  }
.LBB2_13:
0x44: {  	_ =	swait.ge [sflag:s16], $0x80  }
0x45: {  	[sflag:s16] =	ssyncset.done $0x0  }
0x46: {  	[sflag:s16] =	ssyncadd.s32 $0xFFFFFF80  }
0x47: {  	[spmem:s30] =	stream.indirect.scatter.add.f32 [tilespmem:s3], [sflag:$0x4], $0x80, s10, s5, $0xb8;
	[tilespmem:$0x1C000] =	vst v63  }
0x48: {  	_ =	swait.ge [sflag:s11], $0x4000  }
0x49: {  	[sflag:s11] =	ssyncset.done $0x0  }
0x4a: {  	[sflag:s11] =	ssyncadd.s32 $0xFFFFC000  }
0x4b: {  	_ =	swait.ge [sflag:s13], $0x80  }
0x4c: {  	[sflag:s13] =	ssyncset.done $0x0  }
0x4d: {  	[sflag:s13] =	ssyncadd.s32 $0xFFFFFF80  }
0x4e: {  	[spmem:s30] =	stream.indirect.scatter.add.f32 [tilespmem:s3], [sflag:$0x3], $0x80, s4, s5, $0xb8;
	[tilespmem:$0x1C000] =	vst v63  }
0x4f: {  	_ =	swait.ge [sflag:s12], $0x4000  }
0x50: {  	[sflag:s12] =	ssyncset.done $0x0  }
0x51: {  	[sflag:s12] =	ssyncadd.s32 $0xFFFFC000  }
0x52: {  	_ =	swait.ge [sflag:s11], $0x4000  }
0x53: {  	s0 =	sld [smem:$0x7F8]  }
0x54: {  	[sflag:s11] =	ssyncset.done $0x0  }
0x55: {  	[sflag:s11] =	ssyncadd.s32 $0xFFFFC000  }
0x56: {  	[tilespmem:s3], [sflag:$0x9] =	stream.linear.gather [hbm4b:s0+s1], $0x4000, $0x38;
	[tilespmem:$0x1C000] =	vst v63  }
0x57: {  	_ =	swait.ge [sflag:s2], $0x4000  }
0x58: {  	[sflag:s2] =	ssyncset.done $0x0  }
0x59: {  	[sflag:s2] =	ssyncadd.s32 $0xFFFFC000  }
0x5a: {  	[bflag:$0x0] =	sbarrier.arrive $0xFFFF  }
0x5b: {  	s18 =	rddreg [dreg:$0x1c]  }
0x5c: {  	[tilespmem:s22], [sflag:$0x9] =	stream.linear.gather [spmem:s18], $0x4000, $0x38;
	[tilespmem:$0x1C000] =	vst v63  }
0x5d: {  	_ =	swait.ge [sflag:s2], $0x4000  }
0x5e: {  	s19 =	sld [smem:$0x7ED]  }
0x5f: {  	[sflag:s2] =	ssyncset.done $0x0  }
0x60: {  	[sflag:s2] =	ssyncadd.s32 $0xFFFFC000  }
0x61: {  	[hbm4b:s19+s1] =	stream.linear.scatter [tilespmem:s22], [sflag:$0x9], $0x4000, $0x38;
	[tilespmem:$0x1C000] =	vst v63  }
0x62: {  	_ =	swait.ge [sflag:s2], $0x4000  }
0x63: {  	[sflag:s2] =	ssyncset.done $0x0  }
0x64: {  	s21 =	rddreg [dreg:$0x1d];
	[sflag:s2] =	ssyncadd.s32 $0xFFFFC000  }
0x65: {  	[tilespmem:s22], [sflag:$0x9] =	stream.linear.gather [spmem:s21], $0x4000, $0x38;
	[tilespmem:$0x1C000] =	vst v63  }
0x66: {  	_ =	swait.ge [sflag:s2], $0x4000  }
0x67: {  	s25 =	sld [smem:$0x7EF]  }
0x68: {  	[sflag:s2] =	ssyncset.done $0x0  }
0x69: {  	[sflag:s2] =	ssyncadd.s32 $0xFFFFC000  }
0x6a: {  	[hbm4b:s25+s1] =	stream.linear.scatter [tilespmem:s22], [sflag:$0x9], $0x4000, $0x38;
	[tilespmem:$0x1C000] =	vst v63  }
0x6b: {  	_ =	swait.ge [sflag:s2], $0x4000  }
0x6c: {  	[sflag:s2] =	ssyncset.done $0x0  }
0x6d: {  	s18 =	rddreg [dreg:$0x1e];
	[sflag:s2] =	ssyncadd.s32 $0xFFFFC000  }
0x6e: {  	[tilespmem:s22], [sflag:$0x9] =	stream.linear.gather [spmem:s18], $0x4000, $0x38;
	[tilespmem:$0x1C000] =	vst v63  }
0x6f: {  	_ =	swait.ge [sflag:s2], $0x4000  }
0x70: {  	s19 =	sld [smem:$0x7F1]  }
0x71: {  	[sflag:s2] =	ssyncset.done $0x0  }
0x72: {  	[sflag:s2] =	ssyncadd.s32 $0xFFFFC000  }
0x73: {  	[hbm4b:s19+s1] =	stream.linear.scatter [tilespmem:s22], [sflag:$0x9], $0x4000, $0x38;
	[tilespmem:$0x1C000] =	vst v63  }
0x74: {  	_ =	swait.ge [sflag:s2], $0x4000  }
0x75: {  	[sflag:s2] =	ssyncset.done $0x0  }
0x76: {  	s21 =	rddreg [dreg:$0x1f];
	[sflag:s2] =	ssyncadd.s32 $0xFFFFC000  }
0x77: {  	[tilespmem:s22], [sflag:$0x9] =	stream.linear.gather [spmem:s21], $0x4000, $0x38;
	[tilespmem:$0x1C000] =	vst v63  }
0x78: {  	_ =	swait.ge [sflag:s2], $0x4000  }
0x79: {  	s25 =	sld [smem:$0x7F3]  }
0x7a: {  	[sflag:s2] =	ssyncset.done $0x0  }
0x7b: {  	[sflag:s2] =	ssyncadd.s32 $0xFFFFC000  }
0x7c: {  	[hbm4b:s25+s1] =	stream.linear.scatter [tilespmem:s22], [sflag:$0x9], $0x4000, $0x38;
	[tilespmem:$0x1C000] =	vst v63  }
0x7d: {  	_ =	swait.ge [sflag:s2], $0x4000  }
0x7e: {  	s18 =	sld [smem:$0x7FD]  }
0x7f: {  	[sflag:s2] =	ssyncset.done $0x0  }
0x80: {  	s0 =	simm.s32 @!p3 $0x400;
	[sflag:s2] =	ssyncadd.s32 $0xFFFFC000  }
0x81: {  	[tilespmem:s0], [sflag:$0x9] =	stream.linear.gather @!p3 [spmem:s18], $0x800, $0x38;
	[tilespmem:$0x1C000] =	vst v63  }
0x82: {  	s18 =	simm.s32 @!p3 $0x9  }
0x83: {  	_ =	swait.ge @!p3 [sflag:s18], $0x800  }
0x84: {  	s21 =	sld [smem:$0x7FB]  }
0x85: {  	[sflag:s18] =	ssyncset.done @!p3 $0x0  }
0x86: {  	s19 =	simm.s32 @!p3 $0x0;
	[sflag:s18] =	ssyncadd.s32 @!p3 $0xFFFFF800  }
0x87: {  	[hbm4b:s21+s19] =	stream.linear.scatter @!p3 [tilespmem:s0], [sflag:$0x9], $0x800, $0x38;
	[tilespmem:$0x1C000] =	vst v63  }
0x88: {  	_ =	swait.ge @!p3 [sflag:s18], $0x800  }
0x89: {  	[sflag:s18] =	ssyncset.done @!p3 $0x0  }
0x8a: {  	[sflag:s18] =	ssyncadd.s32 @!p3 $0xFFFFF800;
	s18 =	sld [smem:$0x7E1];
	_ =	sdelay $0x1  }
0x8b: {  	s0 =	simm.s32 @!p1 $0x400  }
0x8c: {  	[tilespmem:s0], [sflag:$0x9] =	stream.linear.gather @!p1 [spmem:s18], $0x4000, $0x38;
	[tilespmem:$0x1C000] =	vst v63  }
0x8d: {  	s18 =	simm.s32 @!p1 $0x9  }
0x8e: {  	_ =	swait.ge @!p1 [sflag:s18], $0x4000  }
0x8f: {  	s21 =	sld [smem:$0x7F4]  }
0x90: {  	[sflag:s18] =	ssyncset.done @!p1 $0x0  }
0x91: {  	s19 =	simm.s32 @!p1 $0x0;
	[sflag:s18] =	ssyncadd.s32 @!p1 $0xFFFFC000  }
0x92: {  	[hbm4b:s21+s19] =	stream.linear.scatter @!p1 [tilespmem:s0], [sflag:$0x9], $0x4000, $0x38;
	[tilespmem:$0x1C000] =	vst v63  }
0x93: {  	_ =	swait.ge @!p1 [sflag:s18], $0x4000  }
0x94: {  	[sflag:s18] =	ssyncset.done @!p1 $0x0  }
0x95: {  	[sflag:s18] =	ssyncadd.s32 @!p1 $0xFFFFC000;
	s18 =	sld [smem:$0x7E0]  }
.LBB2_14:
0x96: {  	s0 =	sld [smem:$0x7FC];
	_ =	sdelay $0x1  }
0x97: {  	s18 =	sadd.s32 $0x1, s18  }
0x98: {  	p4 =	sne.s32 s18, s0  }
.Ltmp1:
0x99: {  	_ = 	snop;
	(pc) =	sbr.rel @!p4 .LBB2_15-.Ltmp1, $2  }
0x9a: {  	_ =	sdelay $0x1  }
0x9b: {  	[bflag:$0x0] =	sbarrier.arrive $0xFFFF;
	_ =	sdelay $0x1  }
.LBB2_1:
0x9c: {  	s0 =	sld [smem:$0x7F8];
	_ =	sdelay $0x1  }
0x9d: {  	[smem:$0x7E0] =	sst s18  }
0x9e: {  	[tilespmem:s22], [sflag:$0x9] =	stream.linear.gather [hbm4b:s0+s1], $0x4000, $0x38;
	[tilespmem:$0x1C000] =	vst v63  }
0x9f: {  	_ =	swait.ge [sflag:s2], $0x4000  }
0xa0: {  	[sflag:s2] =	ssyncset.done $0x0  }
0xa1: {  	s18 =	rddreg [dreg:$0x1c];
	[sflag:s2] =	ssyncadd.s32 $0xFFFFC000  }
0xa2: {  	[spmem:s18] =	stream.linear.scatter [tilespmem:s22], [sflag:$0x9], $0x4000, $0x38;
	[tilespmem:$0x1C000] =	vst v63  }
0xa3: {  	_ =	swait.ge [sflag:s2], $0x4000  }
0xa4: {  	[sflag:s2] =	ssyncset.done $0x0  }
0xa5: {  	s19 =	rddreg [dreg:$0x1d];
	[sflag:s2] =	ssyncadd.s32 $0xFFFFC000  }
0xa6: {  	[spmem:s19] =	stream.linear.scatter [tilespmem:s22], [sflag:$0x9], $0x4000, $0x38;
	[tilespmem:$0x1C000] =	vst v63  }
0xa7: {  	_ =	swait.ge [sflag:s2], $0x4000  }
0xa8: {  	[sflag:s2] =	ssyncset.done $0x0  }
0xa9: {  	s21 =	rddreg [dreg:$0x1e];
	[sflag:s2] =	ssyncadd.s32 $0xFFFFC000  }
0xaa: {  	[spmem:s21] =	stream.linear.scatter [tilespmem:s22], [sflag:$0x9], $0x4000, $0x38;
	[tilespmem:$0x1C000] =	vst v63  }
0xab: {  	_ =	swait.ge [sflag:s2], $0x4000  }
0xac: {  	[sflag:s2] =	ssyncset.done $0x0  }
.Ltmp2:
0xad: {  	s25 =	rddreg [dreg:$0x1f];
	[sflag:s2] =	ssyncadd.s32 $0xFFFFC000;
	(pc) =	sbr.rel @!p0 .LBB2_2-.Ltmp2, $4  }
0xae: {  	[spmem:s25] =	stream.linear.scatter [tilespmem:s22], [sflag:$0x9], $0x4000, $0x38;
	[tilespmem:$0x1C000] =	vst v63  }
0xaf: {  	_ =	swait.ge [sflag:s2], $0x4000  }
0xb0: {  	[sflag:s2] =	ssyncset.done $0x0  }
0xb1: {  	[sflag:s2] =	ssyncadd.s32 $0xFFFFC000  }
0xb2: {  	s18 =	sld [smem:$0x7E1];
	_ =	sdelay $0x1  }
0xb3: {  	s0 =	simm.s32 @!p2 $0x400  }
0xb4: {  	[spmem:s18] =	stream.linear.scatter @!p2 [tilespmem:s0], [sflag:$0x9], $0x4000, $0x38;
	[tilespmem:$0x1C000] =	vst v63  }
0xb5: {  	s0 =	simm.s32 @!p2 $0x9  }
0xb6: {  	_ =	swait.ge @!p2 [sflag:s0], $0x4000  }
0xb7: {  	s21 =	sld [smem:$0x7F9]  }
0xb8: {  	[sflag:s0] =	ssyncset.done @!p2 $0x0  }
0xb9: {  	[sflag:s0] =	ssyncadd.s32 @!p2 $0xFFFFC000  }
0xba: {  	[tilespmem:s3], [sflag:$0x9] =	stream.linear.gather [hbm4b:s21+s1], $0x4000, $0x38;
	[tilespmem:$0x1C000] =	vst v63  }
0xbb: {  	_ =	swait.ge [sflag:s2], $0x4000  }
0xbc: {  	[sflag:s2] =	ssyncset.done $0x0  }
0xbd: {  	[sflag:s2] =	ssyncadd.s32 $0xFFFFC000  }
0xbe: {  	[bflag:$0x0] =	sbarrier.arrive $0xFFFF  }
0xbf: {  	[tilespmem:s1], [sflag:$0x9] =	stream.linear.gather [hbm4b:s23+s1], $0x80, $0x38;
	[tilespmem:$0x1C000] =	vst v63  }
0xc0: {  	_ =	swait.ge [sflag:s2], $0x80  }
0xc1: {  	[sflag:s2] =	ssyncset.done $0x0  }
0xc2: {  	[sflag:s2] =	ssyncadd.s32 $0xFFFFFF80  }
0xc3: {  	[tilespmem:s4], [sflag:$0x9] =	stream.linear.gather [hbm4b:s26+s1], $0x80, $0x38;
	[tilespmem:$0x1C000] =	vst v63  }
0xc4: {  	_ =	swait.ge [sflag:s2], $0x80  }
0xc5: {  	[sflag:s2] =	ssyncset.done $0x0  }
0xc6: {  	[sflag:s2] =	ssyncadd.s32 $0xFFFFFF80  }
0xc7: {  	[tilespmem:s5], [sflag:$0x9] =	stream.linear.gather [hbm4b:s31+s1], $0x80, $0x38;
	[tilespmem:$0x1C000] =	vst v63  }
0xc8: {  	_ =	swait.ge [sflag:s2], $0x80  }
0xc9: {  	[sflag:s2] =	ssyncset.done $0x0  }
0xca: {  	s25 =	rddreg [dreg:$0x7];
	[sflag:s2] =	ssyncadd.s32 $0xFFFFFF80  }
0xcb: {  	[tilespmem:s6], [sflag:$0x9] =	stream.linear.gather [hbm4b:s25+s1], $0x80, $0x38;
	[tilespmem:$0x1C000] =	vst v63  }
0xcc: {  	_ =	swait.ge [sflag:s2], $0x80  }
0xcd: {  	[sflag:s2] =	ssyncset.done $0x0  }
0xce: {  	s18 =	rddreg [dreg:$0x8];
	[sflag:s2] =	ssyncadd.s32 $0xFFFFFF80  }
0xcf: {  	[tilespmem:s7], [sflag:$0x9] =	stream.linear.gather [hbm4b:s18+s1], $0x80, $0x38;
	[tilespmem:$0x1C000] =	vst v63  }
0xd0: {  	_ =	swait.ge [sflag:s2], $0x80  }
0xd1: {  	[sflag:s2] =	ssyncset.done $0x0  }
0xd2: {  	s19 =	rddreg [dreg:$0x9];
	[sflag:s2] =	ssyncadd.s32 $0xFFFFFF80  }
0xd3: {  	[tilespmem:s8], [sflag:$0x9] =	stream.linear.gather [hbm4b:s19+s1], $0x80, $0x38;
	[tilespmem:$0x1C000] =	vst v63  }
0xd4: {  	_ =	swait.ge [sflag:s2], $0x80  }
0xd5: {  	[sflag:s2] =	ssyncset.done $0x0  }
0xd6: {  	s21 =	rddreg [dreg:$0xa];
	[sflag:s2] =	ssyncadd.s32 $0xFFFFFF80  }
0xd7: {  	[tilespmem:s9], [sflag:$0x9] =	stream.linear.gather [hbm4b:s21+s1], $0x80, $0x38;
	[tilespmem:$0x1C000] =	vst v63  }
0xd8: {  	_ =	swait.ge [sflag:s2], $0x80  }
0xd9: {  	[sflag:s2] =	ssyncset.done $0x0  }
0xda: {  	s25 =	rddreg [dreg:$0xb];
	[sflag:s2] =	ssyncadd.s32 $0xFFFFFF80  }
0xdb: {  	[tilespmem:s10], [sflag:$0x9] =	stream.linear.gather [hbm4b:s25+s1], $0x80, $0x38;
	[tilespmem:$0x1C000] =	vst v63  }
0xdc: {  	_ =	swait.ge [sflag:s2], $0x80  }
0xdd: {  	[sflag:s2] =	ssyncset.done $0x0  }
0xde: {  	[sflag:s2] =	ssyncadd.s32 $0xFFFFFF80  }
0xdf: {  	[spmem:s30] =	stream.indirect.scatter.add.f32 [tilespmem:s3], [sflag:$0x3], $0x80, s4, s5, $0xb8;
	[tilespmem:$0x1C000] =	vst v63  }
0xe0: {  	_ = 	snop  }
0xe1: {  	[spmem:s30] =	stream.indirect.scatter.add.f32 [tilespmem:s3], [sflag:$0x4], $0x80, s6, s5, $0xb8;
	[tilespmem:$0x1C000] =	vst v63  }
0xe2: {  	_ =	swait.ge [sflag:s11], $0x4000  }
0xe3: {  	[sflag:s11] =	ssyncset.done $0x0  }
0xe4: {  	s18 =	rddreg [dreg:$0x14];
	[sflag:s11] =	ssyncadd.s32 $0xFFFFC000  }
0xe5: {  	[tilespmem:s4], [sflag:$0x5] =	stream.linear.gather [hbm4b:s18+s1], $0x80, $0x38;
	[tilespmem:$0x1C000] =	vst v63  }
0xe6: {  	_ = 	snop  }
0xe7: {  	[spmem:s30] =	stream.indirect.scatter.add.f32 [tilespmem:s3], [sflag:$0x3], $0x80, s8, s5, $0xb8;
	[tilespmem:$0x1C000] =	vst v63  }
0xe8: {  	_ =	swait.ge [sflag:s12], $0x4000  }
0xe9: {  	[sflag:s12] =	ssyncset.done $0x0  }
0xea: {  	s19 =	rddreg [dreg:$0x16];
	[sflag:s12] =	ssyncadd.s32 $0xFFFFC000  }
0xeb: {  	[tilespmem:s6], [sflag:$0x6] =	stream.linear.gather [hbm4b:s19+s1], $0x80, $0x38;
	[tilespmem:$0x1C000] =	vst v63  }
0xec: {  	_ = 	snop  }
0xed: {  	[spmem:s30] =	stream.indirect.scatter.add.f32 [tilespmem:s3], [sflag:$0x4], $0x80, s10, s5, $0xb8;
	[tilespmem:$0x1C000] =	vst v63  }
0xee: {  	_ =	swait.ge [sflag:s11], $0x4000  }
0xef: {  	[sflag:s11] =	ssyncset.done $0x0  }
0xf0: {  	s21 =	rddreg [dreg:$0x18];
	[sflag:s11] =	ssyncadd.s32 $0xFFFFC000  }
0xf1: {  	[tilespmem:s8], [sflag:$0x7] =	stream.linear.gather [hbm4b:s21+s1], $0x80, $0x38;
	[tilespmem:$0x1C000] =	vst v63  }
0xf2: {  	_ =	swait.ge [sflag:s13], $0x80  }
0xf3: {  	[sflag:s13] =	ssyncset.done $0x0  }
0xf4: {  	[sflag:s13] =	ssyncadd.s32 $0xFFFFFF80  }
0xf5: {  	[spmem:s30] =	stream.indirect.scatter.add.f32 [tilespmem:s3], [sflag:$0x3], $0x80, s4, s5, $0xb8;
	[tilespmem:$0x1C000] =	vst v63  }
0xf6: {  	_ =	swait.ge [sflag:s12], $0x4000  }
0xf7: {  	[sflag:s12] =	ssyncset.done $0x0  }
0xf8: {  	s21 =	simm.s32 $0xFFFFED80;
	s25 =	rddreg [dreg:$0x1b];
	[sflag:s12] =	ssyncadd.s32 $0xFFFFC000  }
0xf9: {  	[tilespmem:s10], [sflag:$0x8] =	stream.linear.gather [hbm4b:s25+s1], $0x80, $0x38;
	[tilespmem:$0x1C000] =	vst v63  }
.LBB2_8:
0xfa: {  	_ =	swait.ge [sflag:s14], $0x80  }
0xfb: {  	[sflag:s14] =	ssyncset.done $0x0  }
0xfc: {  	[sflag:s14] =	ssyncadd.s32 $0xFFFFFF80  }
0xfd: {  	[spmem:s30] =	stream.indirect.scatter.add.f32 [tilespmem:s3], [sflag:$0x4], $0x80, s6, s5, $0xb8;
	[tilespmem:$0x1C000] =	vst v63  }
0xfe: {  	_ =	swait.ge [sflag:s11], $0x4000  }
0xff: {  	s25 =	sadd.s32 s21, s28;
	[sflag:s11] =	ssyncset.done $0x0  }
0x100: {  	s0 =	sadd.s32 $0x1380, s25;
	[sflag:s11] =	ssyncadd.s32 $0xFFFFC000  }
0x101: {  	[tilespmem:s4], [sflag:$0x5] =	stream.linear.gather [hbm4b:s0+s1], $0x80, $0x38;
	[tilespmem:$0x1C000] =	vst v63  }
0x102: {  	_ =	swait.ge [sflag:s15], $0x80  }
0x103: {  	p4 =	seq.s32 s21, $0x0;
	[sflag:s15] =	ssyncset.done $0x0  }
.Ltmp3:
0x104: {  	[sflag:s15] =	ssyncadd.s32 $0xFFFFFF80;
	(pc) =	sbr.rel @p4 .LBB2_10-.Ltmp3, $4  }
0x105: {  	[spmem:s30] =	stream.indirect.scatter.add.f32 [tilespmem:s3], [sflag:$0x3], $0x80, s8, s5, $0xb8;
	[tilespmem:$0x1C000] =	vst v63  }
0x106: {  	_ =	swait.ge [sflag:s12], $0x4000  }
0x107: {  	[sflag:s12] =	ssyncset.done $0x0  }
0x108: {  	[sflag:s12] =	ssyncadd.s32 $0xFFFFC000  }
0x109: {  	s0 =	sadd.s32 $0x13A0, s25  }
0x10a: {  	[tilespmem:s6], [sflag:$0x6] =	stream.linear.gather [hbm4b:s0+s1], $0x80, $0x38;
	[tilespmem:$0x1C000] =	vst v63  }
0x10b: {  	_ =	swait.ge [sflag:s16], $0x80  }
0x10c: {  	[sflag:s16] =	ssyncset.done $0x0  }
0x10d: {  	[sflag:s16] =	ssyncadd.s32 $0xFFFFFF80  }
0x10e: {  	[spmem:s30] =	stream.indirect.scatter.add.f32 [tilespmem:s3], [sflag:$0x4], $0x80, s10, s5, $0xb8;
	[tilespmem:$0x1C000] =	vst v63  }
0x10f: {  	_ =	swait.ge [sflag:s11], $0x4000  }
0x110: {  	[sflag:s11] =	ssyncset.done $0x0  }
0x111: {  	s19 =	sadd.s32 $0x13C0, s25;
	[sflag:s11] =	ssyncadd.s32 $0xFFFFC000  }
0x112: {  	[tilespmem:s8], [sflag:$0x7] =	stream.linear.gather [hbm4b:s19+s1], $0x80, $0x38;
	[tilespmem:$0x1C000] =	vst v63  }
0x113: {  	_ =	swait.ge [sflag:s13], $0x80  }
0x114: {  	[sflag:s13] =	ssyncset.done $0x0  }
0x115: {  	[sflag:s13] =	ssyncadd.s32 $0xFFFFFF80  }
0x116: {  	[spmem:s30] =	stream.indirect.scatter.add.f32 [tilespmem:s3], [sflag:$0x3], $0x80, s4, s5, $0xb8;
	[tilespmem:$0x1C000] =	vst v63  }
.Ltmp4:
0x117: {  	_ = 	snop;
	(pc) =	sbr.rel .LBB2_8-.Ltmp4, $4  }
0x118: {  	_ =	swait.ge [sflag:s12], $0x4000  }
0x119: {  	[sflag:s12] =	ssyncset.done $0x0  }
0x11a: {  	s25 =	sadd.s32 $0x13E0, s25;
	s21 =	sadd.s32 $0x80, s21;
	[sflag:s12] =	ssyncadd.s32 $0xFFFFC000  }
0x11b: {  	[tilespmem:s10], [sflag:$0x8] =	stream.linear.gather [hbm4b:s25+s1], $0x80, $0x38;
	[tilespmem:$0x1C000] =	vst v63  }
.LBB2_2:
0x11c: {  	s0 =	sld [smem:$0x7E1];
	_ =	sdelay $0x1  }
0x11d: {  	s21 =	simm.s32 @!p2 $0x400  }
0x11e: {  	[spmem:s0] =	stream.linear.scatter @!p2 [tilespmem:s21], [sflag:$0x9], $0x4000, $0x38;
	[tilespmem:$0x1C000] =	vst v63  }
0x11f: {  	s21 =	simm.s32 @!p2 $0x9  }
0x120: {  	_ =	swait.ge @!p2 [sflag:s21], $0x4000  }
0x121: {  	[sflag:s21] =	ssyncset.done @!p2 $0x0  }
0x122: {  	[sflag:s21] =	ssyncadd.s32 @!p2 $0xFFFFC000  }
0x123: {  	s25 =	simm.s32 $0x0;
	[bflag:$0x0] =	sbarrier.arrive $0xFFFF  }
0x124: {  	[tilespmem:s25], [sflag:$0x9] =	stream.linear.gather [hbm4b:s23+s25], $0x80, $0x38;
	[tilespmem:$0x1C000] =	vst v63  }
0x125: {  	_ =	swait.ge [sflag:s2], $0x80  }
0x126: {  	[sflag:s2] =	ssyncset.done $0x0  }
0x127: {  	[sflag:s2] =	ssyncadd.s32 $0xFFFFFF80  }
0x128: {  	[tilespmem:s4], [sflag:$0x9] =	stream.linear.gather [hbm4b:s26+s25], $0x80, $0x38;
	[tilespmem:$0x1C000] =	vst v63  }
0x129: {  	_ =	swait.ge [sflag:s2], $0x80  }
0x12a: {  	[sflag:s2] =	ssyncset.done $0x0  }
0x12b: {  	[sflag:s2] =	ssyncadd.s32 $0xFFFFFF80  }
0x12c: {  	[tilespmem:s5], [sflag:$0x9] =	stream.linear.gather [hbm4b:s31+s25], $0x80, $0x38;
	[tilespmem:$0x1C000] =	vst v63  }
0x12d: {  	_ =	swait.ge [sflag:s2], $0x80  }
0x12e: {  	[sflag:s2] =	ssyncset.done $0x0  }
0x12f: {  	s26 =	rddreg [dreg:$0x7];
	[sflag:s2] =	ssyncadd.s32 $0xFFFFFF80  }
0x130: {  	[tilespmem:s6], [sflag:$0x9] =	stream.linear.gather [hbm4b:s26+s25], $0x80, $0x38;
	[tilespmem:$0x1C000] =	vst v63  }
0x131: {  	_ =	swait.ge [sflag:s2], $0x80  }
0x132: {  	[sflag:s2] =	ssyncset.done $0x0  }
0x133: {  	s31 =	rddreg [dreg:$0x8];
	[sflag:s2] =	ssyncadd.s32 $0xFFFFFF80  }
0x134: {  	[tilespmem:s7], [sflag:$0x9] =	stream.linear.gather [hbm4b:s31+s25], $0x80, $0x38;
	[tilespmem:$0x1C000] =	vst v63  }
0x135: {  	_ =	swait.ge [sflag:s2], $0x80  }
0x136: {  	[sflag:s2] =	ssyncset.done $0x0  }
0x137: {  	s18 =	rddreg [dreg:$0x9];
	[sflag:s2] =	ssyncadd.s32 $0xFFFFFF80  }
0x138: {  	[tilespmem:s8], [sflag:$0x9] =	stream.linear.gather [hbm4b:s18+s25], $0x80, $0x38;
	[tilespmem:$0x1C000] =	vst v63  }
0x139: {  	_ =	swait.ge [sflag:s2], $0x80  }
0x13a: {  	[sflag:s2] =	ssyncset.done $0x0  }
0x13b: {  	s19 =	rddreg [dreg:$0xa];
	[sflag:s2] =	ssyncadd.s32 $0xFFFFFF80  }
0x13c: {  	[tilespmem:s9], [sflag:$0x9] =	stream.linear.gather [hbm4b:s19+s25], $0x80, $0x38;
	[tilespmem:$0x1C000] =	vst v63  }
0x13d: {  	_ =	swait.ge [sflag:s2], $0x80  }
0x13e: {  	[sflag:s2] =	ssyncset.done $0x0  }
0x13f: {  	s23 =	rddreg [dreg:$0xb];
	[sflag:s2] =	ssyncadd.s32 $0xFFFFFF80  }
0x140: {  	[tilespmem:s10], [sflag:$0x9] =	stream.linear.gather [hbm4b:s23+s25], $0x80, $0x38;
	[tilespmem:$0x1C000] =	vst v63  }
0x141: {  	_ =	swait.ge [sflag:s2], $0x80  }
0x142: {  	[sflag:s2] =	ssyncset.done $0x0  }
0x143: {  	p4 =	por $0x1, $0x1;
	[sflag:s2] =	ssyncadd.s32 $0xFFFFFF80  }
0x144: {  	[tilespmem:s22], [sflag:$0x1] =	stream.indirect.gather [hbm4b:s24+s5], $0x80, s25, s5, $0xb8;
	[tilespmem:$0x1C000] =	vst v63  }
0x145: {  	s21 =	simm.s32 @p4 $0x80;
	s31 =	simm.s32 @p4 $0x1;
	s25 =	simm.s32 @p4 $0x4400  }
0x146: {  	[tilespmem:s25], [sflag:$0x2] =	stream.indirect.gather @p4 [hbm4b:s24+s21], $0x80, s21, s21, $0xb8;
	[tilespmem:$0x1C000] =	vst v63  }
0x147: {  	_ =	swait.ge @p4 [sflag:s31], $0x4000  }
0x148: {  	s26 =	simm.s32 @p4 $0x400;
	[sflag:s31] =	ssyncset.done @p4 $0x0  }
0x149: {  	s25 =	simm.s32 @!p4 $0x6;
	[sflag:s31] =	ssyncadd.s32 @p4 $0xFFFFC000;
	s31 =	simm.s32 @p4 $0x200  }
0x14a: {  	[spmem:s30] =	stream.indirect.scatter.add.f32 @p4 [tilespmem:s26], [sflag:$0x3], $0x80, s31, s21, $0xb8;
	[tilespmem:$0x1C000] =	vst v63  }
0x14b: {  	_ =	swait.ge @!p4 [sflag:s25], $0x80  }
0x14c: {  	[sflag:s25] =	ssyncset.done @!p4 $0x0  }
0x14d: {  	[sflag:s25] =	ssyncadd.s32 @!p4 $0xFFFFFF80  }
0x14e: {  	_ =	swait.ge @!p4 [sflag:s25], $0x80  }
0x14f: {  	[sflag:s25] =	ssyncset.done @!p4 $0x0  }
0x150: {  	s21 =	simm.s32 @!p4 $0x4;
	[sflag:s25] =	ssyncadd.s32 @!p4 $0xFFFFFF80  }
0x151: {  	s26 =	sadd.s32 @!p4 $0x0, s28;
	_ =	swait.ge @!p4 [sflag:s21], $0x4000  }
0x152: {  	s31 =	simm.s32 @!p4 $0x180;
	s25 =	sadd.s32 @!p4 $0x0, s29;
	[sflag:s21] =	ssyncset.done @!p4 $0x0  }
0x153: {  	s25 =	sadd.s32 @!p4 $0x60, s25;
	[sflag:s21] =	ssyncadd.s32 @!p4 $0xFFFFC000;
	s21 =	simm.s32 @!p4 $0x0  }
0x154: {  	[tilespmem:s31], [sflag:$0x8] =	stream.linear.gather @!p4 [hbm4b:s25+s21], $0x80, $0x38;
	[tilespmem:$0x1C000] =	vst v63  }
0x155: {  	s25 =	sadd.s32 @!p4 $0x60, s26;
	s26 =	simm.s32 @!p4 $0x380  }
0x156: {  	[tilespmem:s26], [sflag:$0x8] =	stream.linear.gather @!p4 [hbm4b:s25+s21], $0x80, $0x38;
	[tilespmem:$0x1C000] =	vst v63  }
0x157: {  	s21 =	simm.s32 @!p4 $0x80;
	s25 =	simm.s32 @!p4 $0x4400;
	s26 =	simm.s32 @!p4 $0x1  }
0x158: {  	[tilespmem:s25], [sflag:$0x2] =	stream.indirect.gather @!p4 [hbm4b:s24+s21], $0x80, s21, s21, $0xb8;
	[tilespmem:$0x1C000] =	vst v63  }
0x159: {  	_ =	swait.ge @!p4 [sflag:s26], $0x4000  }
0x15a: {  	s31 =	simm.s32 @!p4 $0x400;
	[sflag:s26] =	ssyncset.done @!p4 $0x0  }
0x15b: {  	s25 =	simm.s32 @!p4 $0x7;
	[sflag:s26] =	ssyncadd.s32 @!p4 $0xFFFFC000;
	s26 =	simm.s32 @!p4 $0x200  }
0x15c: {  	[spmem:s30] =	stream.indirect.scatter.add.f32 @!p4 [tilespmem:s31], [sflag:$0x3], $0x80, s26, s21, $0xb8;
	[tilespmem:$0x1C000] =	vst v63  }
0x15d: {  	_ =	swait.ge @!p4 [sflag:s25], $0x80  }
0x15e: {  	[sflag:s25] =	ssyncset.done @!p4 $0x0  }
0x15f: {  	[sflag:s25] =	ssyncadd.s32 @!p4 $0xFFFFFF80  }
0x160: {  	_ =	swait.ge @!p4 [sflag:s25], $0x80  }
0x161: {  	[sflag:s25] =	ssyncset.done @!p4 $0x0  }
0x162: {  	[sflag:s25] =	ssyncadd.s32 @!p4 $0xFFFFFF80  }
0x163: {  	_ =	swait.ge [sflag:s11], $0x4000  }
0x164: {  	s25 =	sadd.s32 $0x0, s29;
	[sflag:s11] =	ssyncset.done $0x0  }
0x165: {  	s26 =	sadd.s32 $0x0, s28;
	s21 =	sadd.s32 $0x80, s25;
	[sflag:s11] =	ssyncadd.s32 $0xFFFFC000  }
0x166: {  	[tilespmem:s1], [sflag:$0x5] =	stream.linear.gather [hbm4b:s21+s1], $0x80, $0x38;
	[tilespmem:$0x1C000] =	vst v63  }
0x167: {  	s31 =	sadd.s32 $0x80, s26  }
0x168: {  	[tilespmem:s4], [sflag:$0x5] =	stream.linear.gather [hbm4b:s31+s1], $0x80, $0x38;
	[tilespmem:$0x1C000] =	vst v63  }
0x169: {  	_ = 	snop  }
0x16a: {  	[tilespmem:s22], [sflag:$0x1] =	stream.indirect.gather [hbm4b:s24+s5], $0x80, s7, s5, $0xb8;
	[tilespmem:$0x1C000] =	vst v63  }
0x16b: {  	_ =	swait.ge [sflag:s17], $0x4000  }
0x16c: {  	[sflag:s17] =	ssyncset.done $0x0  }
0x16d: {  	s21 =	simm.s32 @!p4 $0x8;
	[sflag:s17] =	ssyncadd.s32 $0xFFFFC000  }
0x16e: {  	[spmem:s30] =	stream.indirect.scatter.add.f32 [tilespmem:s3], [sflag:$0x4], $0x80, s6, s5, $0xb8;
	[tilespmem:$0x1C000] =	vst v63  }
0x16f: {  	_ =	swait.ge @!p4 [sflag:s21], $0x80  }
0x170: {  	[sflag:s21] =	ssyncset.done @!p4 $0x0  }
0x171: {  	[sflag:s21] =	ssyncadd.s32 @!p4 $0xFFFFFF80  }
0x172: {  	_ =	swait.ge @!p4 [sflag:s21], $0x80  }
0x173: {  	[sflag:s21] =	ssyncset.done @!p4 $0x0  }
0x174: {  	[sflag:s21] =	ssyncadd.s32 @!p4 $0xFFFFFF80  }
0x175: {  	p4 =	por $0x0, $0x0;
	_ =	swait.ge [sflag:s12], $0x4000  }
0x176: {  	s21 =	sadd.s32 @!p4 $0x0, s29;
	s25 =	simm.s32 @!p4 $0x0;
	[sflag:s12] =	ssyncset.done $0x0  }
0x177: {  	s31 =	simm.s32 @!p4 $0x80;
	s26 =	sadd.s32 @!p4 $0xA0, s21;
	[sflag:s12] =	ssyncadd.s32 $0xFFFFC000  }
0x178: {  	[tilespmem:s31], [sflag:$0x6] =	stream.linear.gather @!p4 [hbm4b:s26+s25], $0x80, $0x38;
	[tilespmem:$0x1C000] =	vst v63  }
0x179: {  	s26 =	sadd.s32 @!p4 $0x0, s28  }
0x17a: {  	s31 =	simm.s32 @!p4 $0x280;
	s0 =	sadd.s32 @!p4 $0xA0, s26  }
0x17b: {  	[tilespmem:s31], [sflag:$0x6] =	stream.linear.gather @!p4 [hbm4b:s0+s25], $0x80, $0x38;
	[tilespmem:$0x1C000] =	vst v63  }
0x17c: {  	_ = 	snop  }
0x17d: {  	[tilespmem:s3], [sflag:$0x2] =	stream.indirect.gather [hbm4b:s24+s5], $0x80, s9, s5, $0xb8;
	[tilespmem:$0x1C000] =	vst v63  }
0x17e: {  	_ =	swait.ge [sflag:s20], $0x4000  }
0x17f: {  	[sflag:s20] =	ssyncset.done $0x0  }
0x180: {  	[sflag:s20] =	ssyncadd.s32 $0xFFFFC000  }
0x181: {  	[spmem:s30] =	stream.indirect.scatter.add.f32 [tilespmem:s22], [sflag:$0x3], $0x80, s8, s5, $0xb8;
	[tilespmem:$0x1C000] =	vst v63  }
0x182: {  	_ =	swait.ge [sflag:s13], $0x80  }
0x183: {  	[sflag:s13] =	ssyncset.done $0x0  }
0x184: {  	[sflag:s13] =	ssyncadd.s32 $0xFFFFFF80  }
0x185: {  	_ =	swait.ge [sflag:s13], $0x80  }
0x186: {  	[sflag:s13] =	ssyncset.done $0x0  }
0x187: {  	[sflag:s13] =	ssyncadd.s32 $0xFFFFFF80  }
0x188: {  	_ =	swait.ge [sflag:s11], $0x4000  }
0x189: {  	[sflag:s11] =	ssyncset.done $0x0  }
0x18a: {  	s0 =	sadd.s32 @!p4 $0xC0, s21;
	s21 =	simm.s32 @!p4 $0x100;
	[sflag:s11] =	ssyncadd.s32 $0xFFFFC000  }
0x18b: {  	[tilespmem:s21], [sflag:$0x7] =	stream.linear.gather @!p4 [hbm4b:s0+s25], $0x80, $0x38;
	[tilespmem:$0x1C000] =	vst v63  }
0x18c: {  	s0 =	sadd.s32 @!p4 $0xC0, s26;
	s21 =	simm.s32 @!p4 $0x300  }
0x18d: {  	[tilespmem:s21], [sflag:$0x7] =	stream.linear.gather @!p4 [hbm4b:s0+s25], $0x80, $0x38;
	[tilespmem:$0x1C000] =	vst v63  }
0x18e: {  	_ = 	snop  }
0x18f: {  	[tilespmem:s22], [sflag:$0x1] =	stream.indirect.gather [hbm4b:s24+s5], $0x80, s1, s5, $0xb8;
	[tilespmem:$0x1C000] =	vst v63  }
0x190: {  	_ =	swait.ge [sflag:s17], $0x4000  }
0x191: {  	s25 =	simm.s32 $0x80;
	[sflag:s17] =	ssyncset.done $0x0  }
.LBB2_3:
0x192: {  	p5 =	seq.s32 s25, $0x0  }
0x193: {  	[sflag:s17] =	ssyncadd.s32 $0xFFFFC000;
	s21 =	smov.u32 s25;
	s25 =	sadd.s32 $0x80, s25  }
0x194: {  	[spmem:s30] =	stream.indirect.scatter.add.f32 [tilespmem:s3], [sflag:$0x4], $0x80, s10, s5, $0xb8;
	[tilespmem:$0x1C000] =	vst v63  }
0x195: {  	s0 =	simm.s32 @p5 $0x80;
	s26 =	simm.s32 @p5 $0x4400;
	s31 =	simm.s32 @p5 $0x1  }
0x196: {  	[tilespmem:s26], [sflag:$0x2] =	stream.indirect.gather @p5 [hbm4b:s24+s0], $0x80, s0, s0, $0xb8;
	[tilespmem:$0x1C000] =	vst v63  }
0x197: {  	s18 =	sadd.s32 @!p5 s21, s28;
	s26 =	sadd.s32 @!p5 s21, s29;
	_ =	swait.ge @p5 [sflag:s31], $0x4000  }
0x198: {  	s19 =	simm.s32 @!p5 $0x6;
	s26 =	sadd.s32 @!p5 $0x60, s26;
	[sflag:s31] =	ssyncset.done @p5 $0x0  }
0x199: {  	s23 =	simm.s32 @p5 $0x400;
	[sflag:s31] =	ssyncadd.s32 @p5 $0xFFFFC000;
	s31 =	simm.s32 @p5 $0x200  }
0x19a: {  	[spmem:s30] =	stream.indirect.scatter.add.f32 @p5 [tilespmem:s23], [sflag:$0x3], $0x80, s31, s0, $0xb8;
	[tilespmem:$0x1C000] =	vst v63  }
0x19b: {  	p4 =	sne.s32 s25, $0x1380;
	s0 =	sadd.s32 @!p5 $0x60, s18;
	_ =	swait.ge @!p5 [sflag:s19], $0x80  }
0x19c: {  	[sflag:s19] =	ssyncset.done @!p5 $0x0  }
0x19d: {  	[sflag:s19] =	ssyncadd.s32 @!p5 $0xFFFFFF80  }
0x19e: {  	_ =	swait.ge @!p5 [sflag:s19], $0x80  }
0x19f: {  	[sflag:s19] =	ssyncset.done @!p5 $0x0  }
0x1a0: {  	s18 =	simm.s32 @!p5 $0x4;
	[sflag:s19] =	ssyncadd.s32 @!p5 $0xFFFFFF80  }
0x1a1: {  	_ =	swait.ge @!p5 [sflag:s18], $0x4000  }
0x1a2: {  	[sflag:s18] =	ssyncset.done @!p5 $0x0  }
0x1a3: {  	s19 =	simm.s32 @!p5 $0x180;
	[sflag:s18] =	ssyncadd.s32 @!p5 $0xFFFFC000;
	s18 =	simm.s32 @!p5 $0x0  }
0x1a4: {  	[tilespmem:s19], [sflag:$0x8] =	stream.linear.gather @!p5 [hbm4b:s26+s18], $0x80, $0x38;
	[tilespmem:$0x1C000] =	vst v63  }
0x1a5: {  	s19 =	simm.s32 @!p5 $0x380  }
0x1a6: {  	[tilespmem:s19], [sflag:$0x8] =	stream.linear.gather @!p5 [hbm4b:s0+s18], $0x80, $0x38;
	[tilespmem:$0x1C000] =	vst v63  }
0x1a7: {  	s0 =	simm.s32 @!p5 $0x80;
	s18 =	simm.s32 @!p5 $0x4400;
	s19 =	simm.s32 @!p5 $0x1  }
0x1a8: {  	[tilespmem:s18], [sflag:$0x2] =	stream.indirect.gather @!p5 [hbm4b:s24+s0], $0x80, s0, s0, $0xb8;
	[tilespmem:$0x1C000] =	vst v63  }
0x1a9: {  	_ =	swait.ge @!p5 [sflag:s19], $0x4000  }
0x1aa: {  	s18 =	simm.s32 @!p5 $0x7;
	[sflag:s19] =	ssyncset.done @!p5 $0x0  }
0x1ab: {  	s23 =	simm.s32 @!p5 $0x400;
	[sflag:s19] =	ssyncadd.s32 @!p5 $0xFFFFC000;
	s19 =	simm.s32 @!p5 $0x200  }
0x1ac: {  	[spmem:s30] =	stream.indirect.scatter.add.f32 @!p5 [tilespmem:s23], [sflag:$0x3], $0x80, s19, s0, $0xb8;
	[tilespmem:$0x1C000] =	vst v63  }
0x1ad: {  	_ =	swait.ge @!p5 [sflag:s18], $0x80  }
0x1ae: {  	[sflag:s18] =	ssyncset.done @!p5 $0x0  }
0x1af: {  	[sflag:s18] =	ssyncadd.s32 @!p5 $0xFFFFFF80  }
0x1b0: {  	_ =	swait.ge @!p5 [sflag:s18], $0x80  }
0x1b1: {  	[sflag:s18] =	ssyncset.done @!p5 $0x0  }
0x1b2: {  	[sflag:s18] =	ssyncadd.s32 @!p5 $0xFFFFFF80  }
0x1b3: {  	_ =	swait.ge [sflag:s11], $0x4000  }
0x1b4: {  	s0 =	sadd.s32 s21, s29;
	[sflag:s11] =	ssyncset.done $0x0  }
0x1b5: {  	s0 =	sadd.s32 $0x80, s0;
	s18 =	sadd.s32 s21, s28;
	[sflag:s11] =	ssyncadd.s32 $0xFFFFC000  }
0x1b6: {  	[tilespmem:s1], [sflag:$0x5] =	stream.linear.gather [hbm4b:s0+s1], $0x80, $0x38;
	[tilespmem:$0x1C000] =	vst v63  }
0x1b7: {  	s0 =	sadd.s32 $0x80, s18  }
0x1b8: {  	[tilespmem:s4], [sflag:$0x5] =	stream.linear.gather [hbm4b:s0+s1], $0x80, $0x38;
	[tilespmem:$0x1C000] =	vst v63  }
0x1b9: {  	_ = 	snop  }
0x1ba: {  	[tilespmem:s22], [sflag:$0x1] =	stream.indirect.gather [hbm4b:s24+s5], $0x80, s7, s5, $0xb8;
	[tilespmem:$0x1C000] =	vst v63  }
0x1bb: {  	_ =	swait.ge [sflag:s17], $0x4000  }
0x1bc: {  	[sflag:s17] =	ssyncset.done $0x0  }
0x1bd: {  	s0 =	simm.s32 @!p5 $0x8;
	[sflag:s17] =	ssyncadd.s32 $0xFFFFC000  }
0x1be: {  	[spmem:s30] =	stream.indirect.scatter.add.f32 [tilespmem:s3], [sflag:$0x4], $0x80, s6, s5, $0xb8;
	[tilespmem:$0x1C000] =	vst v63  }
0x1bf: {  	_ =	swait.ge @!p5 [sflag:s0], $0x80  }
0x1c0: {  	[sflag:s0] =	ssyncset.done @!p5 $0x0  }
0x1c1: {  	[sflag:s0] =	ssyncadd.s32 @!p5 $0xFFFFFF80  }
0x1c2: {  	_ =	swait.ge @!p5 [sflag:s0], $0x80  }
0x1c3: {  	[sflag:s0] =	ssyncset.done @!p5 $0x0  }
0x1c4: {  	[sflag:s0] =	ssyncadd.s32 @!p5 $0xFFFFFF80  }
0x1c5: {  	p5 =	seq.s32 s21, $0x1300;
	_ =	swait.ge [sflag:s12], $0x4000  }
0x1c6: {  	s0 =	sadd.s32 @!p5 s21, s29;
	s18 =	simm.s32 @!p5 $0x0;
	[sflag:s12] =	ssyncset.done $0x0  }
0x1c7: {  	s23 =	simm.s32 @!p5 $0x80;
	s19 =	sadd.s32 @!p5 $0xA0, s0;
	[sflag:s12] =	ssyncadd.s32 $0xFFFFC000  }
0x1c8: {  	[tilespmem:s23], [sflag:$0x6] =	stream.linear.gather @!p5 [hbm4b:s19+s18], $0x80, $0x38;
	[tilespmem:$0x1C000] =	vst v63  }
0x1c9: {  	s0 =	sadd.s32 @!p5 $0xC0, s0;
	s19 =	sadd.s32 @!p5 s21, s28;
	s21 =	simm.s32 @!p5 $0x280  }
0x1ca: {  	s23 =	sadd.s32 @!p5 $0xA0, s19;
	s19 =	sadd.s32 @!p5 $0xC0, s19  }
0x1cb: {  	[tilespmem:s21], [sflag:$0x6] =	stream.linear.gather @!p5 [hbm4b:s23+s18], $0x80, $0x38;
	[tilespmem:$0x1C000] =	vst v63  }
0x1cc: {  	_ = 	snop  }
0x1cd: {  	[tilespmem:s3], [sflag:$0x2] =	stream.indirect.gather [hbm4b:s24+s5], $0x80, s9, s5, $0xb8;
	[tilespmem:$0x1C000] =	vst v63  }
0x1ce: {  	_ =	swait.ge [sflag:s20], $0x4000  }
0x1cf: {  	[sflag:s20] =	ssyncset.done $0x0  }
0x1d0: {  	[sflag:s20] =	ssyncadd.s32 $0xFFFFC000  }
0x1d1: {  	[spmem:s30] =	stream.indirect.scatter.add.f32 [tilespmem:s22], [sflag:$0x3], $0x80, s8, s5, $0xb8;
	[tilespmem:$0x1C000] =	vst v63  }
0x1d2: {  	_ =	swait.ge [sflag:s13], $0x80  }
0x1d3: {  	[sflag:s13] =	ssyncset.done $0x0  }
0x1d4: {  	[sflag:s13] =	ssyncadd.s32 $0xFFFFFF80  }
0x1d5: {  	_ =	swait.ge [sflag:s13], $0x80  }
0x1d6: {  	[sflag:s13] =	ssyncset.done $0x0  }
0x1d7: {  	[sflag:s13] =	ssyncadd.s32 $0xFFFFFF80  }
0x1d8: {  	_ =	swait.ge [sflag:s11], $0x4000  }
0x1d9: {  	s21 =	simm.s32 @!p5 $0x100;
	[sflag:s11] =	ssyncset.done $0x0  }
0x1da: {  	s23 =	simm.s32 @!p5 $0x300;
	[sflag:s11] =	ssyncadd.s32 $0xFFFFC000  }
0x1db: {  	[tilespmem:s21], [sflag:$0x7] =	stream.linear.gather @!p5 [hbm4b:s0+s18], $0x80, $0x38;
	[tilespmem:$0x1C000] =	vst v63  }
0x1dc: {  	_ = 	snop  }
0x1dd: {  	[tilespmem:s23], [sflag:$0x7] =	stream.linear.gather @!p5 [hbm4b:s19+s18], $0x80, $0x38;
	[tilespmem:$0x1C000] =	vst v63  }
.Ltmp5:
0x1de: {  	_ = 	snop;
	(pc) =	sbr.rel @p4 .LBB2_3-.Ltmp5, $4  }
0x1df: {  	_ = 	snop  }
0x1e0: {  	[tilespmem:s22], [sflag:$0x1] =	stream.indirect.gather [hbm4b:s24+s5], $0x80, s1, s5, $0xb8;
	[tilespmem:$0x1C000] =	vst v63  }
0x1e1: {  	_ =	swait.ge [sflag:s17], $0x4000  }
0x1e2: {  	[sflag:s17] =	ssyncset.done $0x0  }
0x1e3: {  	[sflag:s17] =	ssyncadd.s32 $0xFFFFC000  }
0x1e4: {  	[spmem:s30] =	stream.indirect.scatter.add.f32 [tilespmem:s3], [sflag:$0x4], $0x80, s10, s5, $0xb8;
	[tilespmem:$0x1C000] =	vst v63  }
0x1e5: {  	_ =	swait.ge [sflag:s12], $0x4000  }
0x1e6: {  	[sflag:s12] =	ssyncset.done $0x0  }
0x1e7: {  	[sflag:s12] =	ssyncadd.s32 $0xFFFFC000  }
0x1e8: {  	_ =	swait.ge [sflag:s20], $0x4000  }
0x1e9: {  	[sflag:s20] =	ssyncset.done $0x0  }
0x1ea: {  	[sflag:s20] =	ssyncadd.s32 $0xFFFFC000  }
0x1eb: {  	[spmem:s30] =	stream.indirect.scatter.add.f32 [tilespmem:s22], [sflag:$0x3], $0x80, s4, s5, $0xb8;
	[tilespmem:$0x1C000] =	vst v63  }
0x1ec: {  	_ =	swait.ge [sflag:s11], $0x4000  }
0x1ed: {  	s0 =	sld [smem:$0x7F8]  }
0x1ee: {  	[sflag:s11] =	ssyncset.done $0x0  }
0x1ef: {  	[sflag:s11] =	ssyncadd.s32 $0xFFFFC000  }
0x1f0: {  	[tilespmem:s3], [sflag:$0x9] =	stream.linear.gather [hbm4b:s0+s1], $0x4000, $0x38;
	[tilespmem:$0x1C000] =	vst v63  }
0x1f1: {  	_ =	swait.ge [sflag:s2], $0x4000  }
0x1f2: {  	[sflag:s2] =	ssyncset.done $0x0  }
0x1f3: {  	[sflag:s2] =	ssyncadd.s32 $0xFFFFC000  }
0x1f4: {  	[bflag:$0x0] =	sbarrier.arrive $0xFFFF  }
0x1f5: {  	s19 =	rddreg [dreg:$0x1c]  }
0x1f6: {  	[tilespmem:s22], [sflag:$0x9] =	stream.linear.gather [spmem:s19], $0x4000, $0x38;
	[tilespmem:$0x1C000] =	vst v63  }
0x1f7: {  	_ =	swait.ge [sflag:s2], $0x4000  }
0x1f8: {  	s18 =	sld [smem:$0x7EC]  }
0x1f9: {  	[sflag:s2] =	ssyncset.done $0x0  }
0x1fa: {  	[sflag:s2] =	ssyncadd.s32 $0xFFFFC000  }
0x1fb: {  	[hbm4b:s18+s1] =	stream.linear.scatter [tilespmem:s22], [sflag:$0x9], $0x4000, $0x38;
	[tilespmem:$0x1C000] =	vst v63  }
0x1fc: {  	_ =	swait.ge [sflag:s2], $0x4000  }
0x1fd: {  	[sflag:s2] =	ssyncset.done $0x0  }
0x1fe: {  	[sflag:s2] =	ssyncadd.s32 $0xFFFFC000  }
0x1ff: {  	[spmem:s19] =	stream.linear.scatter [tilespmem:s3], [sflag:$0x9], $0x4000, $0x38;
	[tilespmem:$0x1C000] =	vst v63  }
0x200: {  	_ =	swait.ge [sflag:s2], $0x4000  }
0x201: {  	[sflag:s2] =	ssyncset.done $0x0  }
0x202: {  	s21 =	rddreg [dreg:$0x1d];
	[sflag:s2] =	ssyncadd.s32 $0xFFFFC000  }
0x203: {  	[tilespmem:s22], [sflag:$0x9] =	stream.linear.gather [spmem:s21], $0x4000, $0x38;
	[tilespmem:$0x1C000] =	vst v63  }
0x204: {  	_ =	swait.ge [sflag:s2], $0x4000  }
0x205: {  	s23 =	sld [smem:$0x7EE]  }
0x206: {  	[sflag:s2] =	ssyncset.done $0x0  }
0x207: {  	[sflag:s2] =	ssyncadd.s32 $0xFFFFC000  }
0x208: {  	[hbm4b:s23+s1] =	stream.linear.scatter [tilespmem:s22], [sflag:$0x9], $0x4000, $0x38;
	[tilespmem:$0x1C000] =	vst v63  }
0x209: {  	_ =	swait.ge [sflag:s2], $0x4000  }
0x20a: {  	[sflag:s2] =	ssyncset.done $0x0  }
0x20b: {  	[sflag:s2] =	ssyncadd.s32 $0xFFFFC000  }
0x20c: {  	[spmem:s21] =	stream.linear.scatter [tilespmem:s3], [sflag:$0x9], $0x4000, $0x38;
	[tilespmem:$0x1C000] =	vst v63  }
0x20d: {  	_ =	swait.ge [sflag:s2], $0x4000  }
0x20e: {  	[sflag:s2] =	ssyncset.done $0x0  }
0x20f: {  	s25 =	rddreg [dreg:$0x1e];
	[sflag:s2] =	ssyncadd.s32 $0xFFFFC000  }
0x210: {  	[tilespmem:s22], [sflag:$0x9] =	stream.linear.gather [spmem:s25], $0x4000, $0x38;
	[tilespmem:$0x1C000] =	vst v63  }
0x211: {  	_ =	swait.ge [sflag:s2], $0x4000  }
0x212: {  	s26 =	sld [smem:$0x7F0]  }
0x213: {  	[sflag:s2] =	ssyncset.done $0x0  }
0x214: {  	[sflag:s2] =	ssyncadd.s32 $0xFFFFC000  }
0x215: {  	[hbm4b:s26+s1] =	stream.linear.scatter [tilespmem:s22], [sflag:$0x9], $0x4000, $0x38;
	[tilespmem:$0x1C000] =	vst v63  }
0x216: {  	_ =	swait.ge [sflag:s2], $0x4000  }
0x217: {  	[sflag:s2] =	ssyncset.done $0x0  }
0x218: {  	[sflag:s2] =	ssyncadd.s32 $0xFFFFC000  }
0x219: {  	[spmem:s25] =	stream.linear.scatter [tilespmem:s3], [sflag:$0x9], $0x4000, $0x38;
	[tilespmem:$0x1C000] =	vst v63  }
0x21a: {  	_ =	swait.ge [sflag:s2], $0x4000  }
0x21b: {  	[sflag:s2] =	ssyncset.done $0x0  }
0x21c: {  	s31 =	rddreg [dreg:$0x1f];
	[sflag:s2] =	ssyncadd.s32 $0xFFFFC000  }
0x21d: {  	[tilespmem:s22], [sflag:$0x9] =	stream.linear.gather [spmem:s31], $0x4000, $0x38;
	[tilespmem:$0x1C000] =	vst v63  }
0x21e: {  	_ =	swait.ge [sflag:s2], $0x4000  }
0x21f: {  	s19 =	sld [smem:$0x7F2]  }
0x220: {  	[sflag:s2] =	ssyncset.done $0x0  }
0x221: {  	[sflag:s2] =	ssyncadd.s32 $0xFFFFC000  }
0x222: {  	[hbm4b:s19+s1] =	stream.linear.scatter [tilespmem:s22], [sflag:$0x9], $0x4000, $0x38;
	[tilespmem:$0x1C000] =	vst v63  }
0x223: {  	_ =	swait.ge [sflag:s2], $0x4000  }
0x224: {  	[sflag:s2] =	ssyncset.done $0x0  }
0x225: {  	[sflag:s2] =	ssyncadd.s32 $0xFFFFC000  }
0x226: {  	[spmem:s31] =	stream.linear.scatter [tilespmem:s3], [sflag:$0x9], $0x4000, $0x38;
	[tilespmem:$0x1C000] =	vst v63  }
0x227: {  	_ =	swait.ge [sflag:s2], $0x4000  }
0x228: {  	s23 =	sld [smem:$0x7FD]  }
0x229: {  	[sflag:s2] =	ssyncset.done $0x0  }
0x22a: {  	s0 =	simm.s32 @!p3 $0x400;
	s18 =	simm.s32 @!p3 $0x9;
	[sflag:s2] =	ssyncadd.s32 $0xFFFFC000  }
0x22b: {  	[tilespmem:s0], [sflag:$0x9] =	stream.linear.gather @!p3 [spmem:s23], $0x800, $0x38;
	[tilespmem:$0x1C000] =	vst v63  }
0x22c: {  	_ =	swait.ge @!p3 [sflag:s18], $0x800  }
0x22d: {  	s21 =	sld [smem:$0x7F6]  }
0x22e: {  	[sflag:s18] =	ssyncset.done @!p3 $0x0  }
0x22f: {  	s19 =	simm.s32 @!p3 $0x0;
	[sflag:s18] =	ssyncadd.s32 @!p3 $0xFFFFF800  }
0x230: {  	[hbm4b:s21+s19] =	stream.linear.scatter @!p3 [tilespmem:s0], [sflag:$0x9], $0x800, $0x38;
	[tilespmem:$0x1C000] =	vst v63  }
0x231: {  	_ =	swait.ge @!p3 [sflag:s18], $0x800  }
0x232: {  	[sflag:s18] =	ssyncset.done @!p3 $0x0  }
0x233: {  	s0 =	simm.s32 @!p3 $0x4400;
	[sflag:s18] =	ssyncadd.s32 @!p3 $0xFFFFF800  }
0x234: {  	[spmem:s23] =	stream.linear.scatter @!p3 [tilespmem:s0], [sflag:$0x9], $0x800, $0x38;
	[tilespmem:$0x1C000] =	vst v63  }
0x235: {  	_ =	swait.ge @!p3 [sflag:s18], $0x800  }
0x236: {  	s21 =	sld [smem:$0x7E1]  }
0x237: {  	[sflag:s18] =	ssyncset.done @!p3 $0x0  }
0x238: {  	s0 =	simm.s32 @!p1 $0x400;
	[sflag:s18] =	ssyncadd.s32 @!p3 $0xFFFFF800;
	s18 =	simm.s32 @!p1 $0x9  }
0x239: {  	[tilespmem:s0], [sflag:$0x9] =	stream.linear.gather @!p1 [spmem:s21], $0x4000, $0x38;
	[tilespmem:$0x1C000] =	vst v63  }
0x23a: {  	_ =	swait.ge @!p1 [sflag:s18], $0x4000  }
0x23b: {  	s23 =	sld [smem:$0x7F5]  }
0x23c: {  	[sflag:s18] =	ssyncset.done @!p1 $0x0  }
0x23d: {  	s19 =	simm.s32 @!p1 $0x0;
	[sflag:s18] =	ssyncadd.s32 @!p1 $0xFFFFC000  }
0x23e: {  	[hbm4b:s23+s19] =	stream.linear.scatter @!p1 [tilespmem:s0], [sflag:$0x9], $0x4000, $0x38;
	[tilespmem:$0x1C000] =	vst v63  }
0x23f: {  	_ =	swait.ge @!p1 [sflag:s18], $0x4000  }
0x240: {  	[sflag:s18] =	ssyncset.done @!p1 $0x0  }
0x241: {  	s0 =	simm.s32 @!p1 $0x4400;
	[sflag:s18] =	ssyncadd.s32 @!p1 $0xFFFFC000  }
0x242: {  	[spmem:s21] =	stream.linear.scatter @!p1 [tilespmem:s0], [sflag:$0x9], $0x4000, $0x38;
	[tilespmem:$0x1C000] =	vst v63  }
0x243: {  	_ =	swait.ge @!p1 [sflag:s18], $0x4000  }
0x244: {  	[sflag:s18] =	ssyncset.done @!p1 $0x0  }
0x245: {  	[sflag:s18] =	ssyncadd.s32 @!p1 $0xFFFFC000  }
0x246: {  	[bflag:$0x0] =	sbarrier.arrive $0xFFFF  }
0x247: {  	s0 =	simm.s32 $0x0;
	s21 =	rddreg [dreg:$0xc]  }
0x248: {  	[tilespmem:s0], [sflag:$0x9] =	stream.linear.gather [hbm4b:s21+s0], $0x80, $0x38;
	[tilespmem:$0x1C000] =	vst v63  }
0x249: {  	_ =	swait.ge [sflag:s2], $0x80  }
0x24a: {  	[sflag:s2] =	ssyncset.done $0x0  }
0x24b: {  	s23 =	rddreg [dreg:$0xd];
	[sflag:s2] =	ssyncadd.s32 $0xFFFFFF80  }
0x24c: {  	[tilespmem:s4], [sflag:$0x9] =	stream.linear.gather [hbm4b:s23+s0], $0x80, $0x38;
	[tilespmem:$0x1C000] =	vst v63  }
0x24d: {  	_ =	swait.ge [sflag:s2], $0x80  }
0x24e: {  	[sflag:s2] =	ssyncset.done $0x0  }
0x24f: {  	s25 =	rddreg [dreg:$0xe];
	[sflag:s2] =	ssyncadd.s32 $0xFFFFFF80  }
0x250: {  	[tilespmem:s5], [sflag:$0x9] =	stream.linear.gather [hbm4b:s25+s0], $0x80, $0x38;
	[tilespmem:$0x1C000] =	vst v63  }
0x251: {  	_ =	swait.ge [sflag:s2], $0x80  }
0x252: {  	[sflag:s2] =	ssyncset.done $0x0  }
0x253: {  	s26 =	rddreg [dreg:$0xf];
	[sflag:s2] =	ssyncadd.s32 $0xFFFFFF80  }
0x254: {  	[tilespmem:s6], [sflag:$0x9] =	stream.linear.gather [hbm4b:s26+s0], $0x80, $0x38;
	[tilespmem:$0x1C000] =	vst v63  }
0x255: {  	_ =	swait.ge [sflag:s2], $0x80  }
0x256: {  	[sflag:s2] =	ssyncset.done $0x0  }
0x257: {  	s31 =	rddreg [dreg:$0x10];
	[sflag:s2] =	ssyncadd.s32 $0xFFFFFF80  }
0x258: {  	[tilespmem:s7], [sflag:$0x9] =	stream.linear.gather [hbm4b:s31+s0], $0x80, $0x38;
	[tilespmem:$0x1C000] =	vst v63  }
0x259: {  	_ =	swait.ge [sflag:s2], $0x80  }
0x25a: {  	[sflag:s2] =	ssyncset.done $0x0  }
0x25b: {  	s19 =	rddreg [dreg:$0x11];
	[sflag:s2] =	ssyncadd.s32 $0xFFFFFF80  }
0x25c: {  	[tilespmem:s8], [sflag:$0x9] =	stream.linear.gather [hbm4b:s19+s0], $0x80, $0x38;
	[tilespmem:$0x1C000] =	vst v63  }
0x25d: {  	_ =	swait.ge [sflag:s2], $0x80  }
0x25e: {  	[sflag:s2] =	ssyncset.done $0x0  }
0x25f: {  	s21 =	rddreg [dreg:$0x12];
	[sflag:s2] =	ssyncadd.s32 $0xFFFFFF80  }
0x260: {  	[tilespmem:s9], [sflag:$0x9] =	stream.linear.gather [hbm4b:s21+s0], $0x80, $0x38;
	[tilespmem:$0x1C000] =	vst v63  }
0x261: {  	_ =	swait.ge [sflag:s2], $0x80  }
0x262: {  	[sflag:s2] =	ssyncset.done $0x0  }
0x263: {  	s23 =	rddreg [dreg:$0x13];
	[sflag:s2] =	ssyncadd.s32 $0xFFFFFF80  }
0x264: {  	[tilespmem:s10], [sflag:$0x9] =	stream.linear.gather [hbm4b:s23+s0], $0x80, $0x38;
	[tilespmem:$0x1C000] =	vst v63  }
0x265: {  	_ =	swait.ge [sflag:s2], $0x80  }
0x266: {  	[sflag:s2] =	ssyncset.done $0x0  }
0x267: {  	p4 =	por $0x1, $0x1;
	[sflag:s2] =	ssyncadd.s32 $0xFFFFFF80  }
0x268: {  	[tilespmem:s22], [sflag:$0x1] =	stream.indirect.gather [hbm4b:s24+s5], $0x80, s0, s5, $0xb8;
	[tilespmem:$0x1C000] =	vst v63  }
0x269: {  	s18 =	simm.s32 @p4 $0x4400;
	s19 =	simm.s32 @p4 $0x1;
	s0 =	simm.s32 @p4 $0x80  }
0x26a: {  	[tilespmem:s18], [sflag:$0x2] =	stream.indirect.gather @p4 [hbm4b:s24+s0], $0x80, s0, s0, $0xb8;
	[tilespmem:$0x1C000] =	vst v63  }
0x26b: {  	_ =	swait.ge @p4 [sflag:s19], $0x4000  }
0x26c: {  	s21 =	simm.s32 @p4 $0x400;
	[sflag:s19] =	ssyncset.done @p4 $0x0  }
0x26d: {  	s18 =	simm.s32 @!p4 $0x6;
	[sflag:s19] =	ssyncadd.s32 @p4 $0xFFFFC000;
	s19 =	simm.s32 @p4 $0x200  }
0x26e: {  	[spmem:s30] =	stream.indirect.scatter.add.f32 @p4 [tilespmem:s21], [sflag:$0x3], $0x80, s19, s0, $0xb8;
	[tilespmem:$0x1C000] =	vst v63  }
0x26f: {  	_ =	swait.ge @!p4 [sflag:s18], $0x80  }
0x270: {  	[sflag:s18] =	ssyncset.done @!p4 $0x0  }
0x271: {  	[sflag:s18] =	ssyncadd.s32 @!p4 $0xFFFFFF80  }
0x272: {  	_ =	swait.ge @!p4 [sflag:s18], $0x80  }
0x273: {  	[sflag:s18] =	ssyncset.done @!p4 $0x0  }
0x274: {  	s0 =	simm.s32 @!p4 $0x4;
	[sflag:s18] =	ssyncadd.s32 @!p4 $0xFFFFFF80  }
0x275: {  	s19 =	sadd.s32 @!p4 $0x0, s28;
	_ =	swait.ge @!p4 [sflag:s0], $0x4000  }
0x276: {  	s21 =	simm.s32 @!p4 $0x180;
	s18 =	sadd.s32 @!p4 $0x0, s29;
	[sflag:s0] =	ssyncset.done @!p4 $0x0  }
0x277: {  	s18 =	sadd.s32 @!p4 $0x70, s18;
	[sflag:s0] =	ssyncadd.s32 @!p4 $0xFFFFC000;
	s0 =	simm.s32 @!p4 $0x0  }
0x278: {  	[tilespmem:s21], [sflag:$0x8] =	stream.linear.gather @!p4 [hbm4b:s18+s0], $0x80, $0x38;
	[tilespmem:$0x1C000] =	vst v63  }
0x279: {  	s18 =	sadd.s32 @!p4 $0x70, s19;
	s19 =	simm.s32 @!p4 $0x380  }
0x27a: {  	[tilespmem:s19], [sflag:$0x8] =	stream.linear.gather @!p4 [hbm4b:s18+s0], $0x80, $0x38;
	[tilespmem:$0x1C000] =	vst v63  }
0x27b: {  	s0 =	simm.s32 @!p4 $0x80;
	s18 =	simm.s32 @!p4 $0x4400;
	s19 =	simm.s32 @!p4 $0x1  }
0x27c: {  	[tilespmem:s18], [sflag:$0x2] =	stream.indirect.gather @!p4 [hbm4b:s24+s0], $0x80, s0, s0, $0xb8;
	[tilespmem:$0x1C000] =	vst v63  }
0x27d: {  	_ =	swait.ge @!p4 [sflag:s19], $0x4000  }
0x27e: {  	s21 =	simm.s32 @!p4 $0x400;
	[sflag:s19] =	ssyncset.done @!p4 $0x0  }
0x27f: {  	s18 =	simm.s32 @!p4 $0x7;
	[sflag:s19] =	ssyncadd.s32 @!p4 $0xFFFFC000;
	s19 =	simm.s32 @!p4 $0x200  }
0x280: {  	[spmem:s30] =	stream.indirect.scatter.add.f32 @!p4 [tilespmem:s21], [sflag:$0x3], $0x80, s19, s0, $0xb8;
	[tilespmem:$0x1C000] =	vst v63  }
0x281: {  	_ =	swait.ge @!p4 [sflag:s18], $0x80  }
0x282: {  	[sflag:s18] =	ssyncset.done @!p4 $0x0  }
0x283: {  	[sflag:s18] =	ssyncadd.s32 @!p4 $0xFFFFFF80  }
0x284: {  	_ =	swait.ge @!p4 [sflag:s18], $0x80  }
0x285: {  	[sflag:s18] =	ssyncset.done @!p4 $0x0  }
0x286: {  	[sflag:s18] =	ssyncadd.s32 @!p4 $0xFFFFFF80  }
0x287: {  	_ =	swait.ge [sflag:s11], $0x4000  }
0x288: {  	s25 =	sadd.s32 $0x0, s29;
	[sflag:s11] =	ssyncset.done $0x0  }
0x289: {  	s26 =	sadd.s32 $0x0, s28;
	s0 =	sadd.s32 $0x90, s25;
	[sflag:s11] =	ssyncadd.s32 $0xFFFFC000  }
0x28a: {  	[tilespmem:s1], [sflag:$0x5] =	stream.linear.gather [hbm4b:s0+s1], $0x80, $0x38;
	[tilespmem:$0x1C000] =	vst v63  }
0x28b: {  	s31 =	sadd.s32 $0x90, s26  }
0x28c: {  	[tilespmem:s4], [sflag:$0x5] =	stream.linear.gather [hbm4b:s31+s1], $0x80, $0x38;
	[tilespmem:$0x1C000] =	vst v63  }
0x28d: {  	_ = 	snop  }
0x28e: {  	[tilespmem:s22], [sflag:$0x1] =	stream.indirect.gather [hbm4b:s24+s5], $0x80, s7, s5, $0xb8;
	[tilespmem:$0x1C000] =	vst v63  }
0x28f: {  	_ =	swait.ge [sflag:s17], $0x4000  }
0x290: {  	[sflag:s17] =	ssyncset.done $0x0  }
0x291: {  	s0 =	simm.s32 @!p4 $0x8;
	[sflag:s17] =	ssyncadd.s32 $0xFFFFC000  }
0x292: {  	[spmem:s30] =	stream.indirect.scatter.add.f32 [tilespmem:s3], [sflag:$0x4], $0x80, s6, s5, $0xb8;
	[tilespmem:$0x1C000] =	vst v63  }
0x293: {  	_ =	swait.ge @!p4 [sflag:s0], $0x80  }
0x294: {  	[sflag:s0] =	ssyncset.done @!p4 $0x0  }
0x295: {  	[sflag:s0] =	ssyncadd.s32 @!p4 $0xFFFFFF80  }
0x296: {  	_ =	swait.ge @!p4 [sflag:s0], $0x80  }
0x297: {  	[sflag:s0] =	ssyncset.done @!p4 $0x0  }
0x298: {  	[sflag:s0] =	ssyncadd.s32 @!p4 $0xFFFFFF80  }
0x299: {  	p4 =	por $0x0, $0x0;
	_ =	swait.ge [sflag:s12], $0x4000  }
0x29a: {  	s0 =	sadd.s32 @!p4 $0x0, s29;
	s18 =	simm.s32 @!p4 $0x0;
	[sflag:s12] =	ssyncset.done $0x0  }
0x29b: {  	s21 =	simm.s32 @!p4 $0x80;
	s19 =	sadd.s32 @!p4 $0xB0, s0;
	[sflag:s12] =	ssyncadd.s32 $0xFFFFC000  }
0x29c: {  	[tilespmem:s21], [sflag:$0x6] =	stream.linear.gather @!p4 [hbm4b:s19+s18], $0x80, $0x38;
	[tilespmem:$0x1C000] =	vst v63  }
0x29d: {  	s19 =	sadd.s32 @!p4 $0x0, s28  }
0x29e: {  	s21 =	simm.s32 @!p4 $0x280;
	s23 =	sadd.s32 @!p4 $0xB0, s19  }
0x29f: {  	[tilespmem:s21], [sflag:$0x6] =	stream.linear.gather @!p4 [hbm4b:s23+s18], $0x80, $0x38;
	[tilespmem:$0x1C000] =	vst v63  }
0x2a0: {  	_ = 	snop  }
0x2a1: {  	[tilespmem:s3], [sflag:$0x2] =	stream.indirect.gather [hbm4b:s24+s5], $0x80, s9, s5, $0xb8;
	[tilespmem:$0x1C000] =	vst v63  }
0x2a2: {  	_ =	swait.ge [sflag:s20], $0x4000  }
0x2a3: {  	[sflag:s20] =	ssyncset.done $0x0  }
0x2a4: {  	[sflag:s20] =	ssyncadd.s32 $0xFFFFC000  }
0x2a5: {  	[spmem:s30] =	stream.indirect.scatter.add.f32 [tilespmem:s22], [sflag:$0x3], $0x80, s8, s5, $0xb8;
	[tilespmem:$0x1C000] =	vst v63  }
0x2a6: {  	_ =	swait.ge [sflag:s13], $0x80  }
0x2a7: {  	[sflag:s13] =	ssyncset.done $0x0  }
0x2a8: {  	[sflag:s13] =	ssyncadd.s32 $0xFFFFFF80  }
0x2a9: {  	_ =	swait.ge [sflag:s13], $0x80  }
0x2aa: {  	[sflag:s13] =	ssyncset.done $0x0  }
0x2ab: {  	[sflag:s13] =	ssyncadd.s32 $0xFFFFFF80  }
0x2ac: {  	_ =	swait.ge [sflag:s11], $0x4000  }
0x2ad: {  	[sflag:s11] =	ssyncset.done $0x0  }
0x2ae: {  	s0 =	sadd.s32 @!p4 $0xD0, s0;
	s21 =	simm.s32 @!p4 $0x100;
	[sflag:s11] =	ssyncadd.s32 $0xFFFFC000  }
0x2af: {  	[tilespmem:s21], [sflag:$0x7] =	stream.linear.gather @!p4 [hbm4b:s0+s18], $0x80, $0x38;
	[tilespmem:$0x1C000] =	vst v63  }
0x2b0: {  	s0 =	sadd.s32 @!p4 $0xD0, s19;
	s19 =	simm.s32 @!p4 $0x300  }
0x2b1: {  	[tilespmem:s19], [sflag:$0x7] =	stream.linear.gather @!p4 [hbm4b:s0+s18], $0x80, $0x38;
	[tilespmem:$0x1C000] =	vst v63  }
0x2b2: {  	_ = 	snop  }
0x2b3: {  	[tilespmem:s22], [sflag:$0x1] =	stream.indirect.gather [hbm4b:s24+s5], $0x80, s1, s5, $0xb8;
	[tilespmem:$0x1C000] =	vst v63  }
0x2b4: {  	_ =	swait.ge [sflag:s17], $0x4000  }
0x2b5: {  	s25 =	simm.s32 $0x80;
	[sflag:s17] =	ssyncset.done $0x0  }
.LBB2_5:
0x2b6: {  	p5 =	seq.s32 s25, $0x0  }
0x2b7: {  	[sflag:s17] =	ssyncadd.s32 $0xFFFFC000;
	s21 =	smov.u32 s25;
	s25 =	sadd.s32 $0x80, s25  }
0x2b8: {  	[spmem:s30] =	stream.indirect.scatter.add.f32 [tilespmem:s3], [sflag:$0x4], $0x80, s10, s5, $0xb8;
	[tilespmem:$0x1C000] =	vst v63  }
0x2b9: {  	s0 =	simm.s32 @p5 $0x80;
	s18 =	simm.s32 @p5 $0x4400;
	s19 =	simm.s32 @p5 $0x1  }
0x2ba: {  	[tilespmem:s18], [sflag:$0x2] =	stream.indirect.gather @p5 [hbm4b:s24+s0], $0x80, s0, s0, $0xb8;
	[tilespmem:$0x1C000] =	vst v63  }
0x2bb: {  	s23 =	sadd.s32 @!p5 s21, s28;
	s18 =	sadd.s32 @!p5 s21, s29;
	_ =	swait.ge @p5 [sflag:s19], $0x4000  }
0x2bc: {  	s26 =	simm.s32 @!p5 $0x6;
	s18 =	sadd.s32 @!p5 $0x70, s18;
	[sflag:s19] =	ssyncset.done @p5 $0x0  }
0x2bd: {  	s31 =	simm.s32 @p5 $0x400;
	[sflag:s19] =	ssyncadd.s32 @p5 $0xFFFFC000;
	s19 =	simm.s32 @p5 $0x200  }
0x2be: {  	[spmem:s30] =	stream.indirect.scatter.add.f32 @p5 [tilespmem:s31], [sflag:$0x3], $0x80, s19, s0, $0xb8;
	[tilespmem:$0x1C000] =	vst v63  }
0x2bf: {  	p4 =	sne.s32 s25, $0x1380;
	s0 =	sadd.s32 @!p5 $0x70, s23;
	_ =	swait.ge @!p5 [sflag:s26], $0x80  }
0x2c0: {  	[sflag:s26] =	ssyncset.done @!p5 $0x0  }
0x2c1: {  	[sflag:s26] =	ssyncadd.s32 @!p5 $0xFFFFFF80  }
0x2c2: {  	_ =	swait.ge @!p5 [sflag:s26], $0x80  }
0x2c3: {  	[sflag:s26] =	ssyncset.done @!p5 $0x0  }
0x2c4: {  	s19 =	simm.s32 @!p5 $0x4;
	[sflag:s26] =	ssyncadd.s32 @!p5 $0xFFFFFF80  }
0x2c5: {  	_ =	swait.ge @!p5 [sflag:s19], $0x4000  }
0x2c6: {  	[sflag:s19] =	ssyncset.done @!p5 $0x0  }
0x2c7: {  	s23 =	simm.s32 @!p5 $0x180;
	[sflag:s19] =	ssyncadd.s32 @!p5 $0xFFFFC000;
	s19 =	simm.s32 @!p5 $0x0  }
0x2c8: {  	[tilespmem:s23], [sflag:$0x8] =	stream.linear.gather @!p5 [hbm4b:s18+s19], $0x80, $0x38;
	[tilespmem:$0x1C000] =	vst v63  }
0x2c9: {  	s18 =	simm.s32 @!p5 $0x380  }
0x2ca: {  	[tilespmem:s18], [sflag:$0x8] =	stream.linear.gather @!p5 [hbm4b:s0+s19], $0x80, $0x38;
	[tilespmem:$0x1C000] =	vst v63  }
0x2cb: {  	s0 =	simm.s32 @!p5 $0x80;
	s18 =	simm.s32 @!p5 $0x4400;
	s19 =	simm.s32 @!p5 $0x1  }
0x2cc: {  	[tilespmem:s18], [sflag:$0x2] =	stream.indirect.gather @!p5 [hbm4b:s24+s0], $0x80, s0, s0, $0xb8;
	[tilespmem:$0x1C000] =	vst v63  }
0x2cd: {  	_ =	swait.ge @!p5 [sflag:s19], $0x4000  }
0x2ce: {  	s18 =	simm.s32 @!p5 $0x7;
	[sflag:s19] =	ssyncset.done @!p5 $0x0  }
0x2cf: {  	s23 =	simm.s32 @!p5 $0x400;
	[sflag:s19] =	ssyncadd.s32 @!p5 $0xFFFFC000;
	s19 =	simm.s32 @!p5 $0x200  }
0x2d0: {  	[spmem:s30] =	stream.indirect.scatter.add.f32 @!p5 [tilespmem:s23], [sflag:$0x3], $0x80, s19, s0, $0xb8;
	[tilespmem:$0x1C000] =	vst v63  }
0x2d1: {  	_ =	swait.ge @!p5 [sflag:s18], $0x80  }
0x2d2: {  	[sflag:s18] =	ssyncset.done @!p5 $0x0  }
0x2d3: {  	[sflag:s18] =	ssyncadd.s32 @!p5 $0xFFFFFF80  }
0x2d4: {  	_ =	swait.ge @!p5 [sflag:s18], $0x80  }
0x2d5: {  	[sflag:s18] =	ssyncset.done @!p5 $0x0  }
0x2d6: {  	[sflag:s18] =	ssyncadd.s32 @!p5 $0xFFFFFF80  }
0x2d7: {  	_ =	swait.ge [sflag:s11], $0x4000  }
0x2d8: {  	s0 =	sadd.s32 s21, s29;
	[sflag:s11] =	ssyncset.done $0x0  }
0x2d9: {  	s0 =	sadd.s32 $0x90, s0;
	s18 =	sadd.s32 s21, s28;
	[sflag:s11] =	ssyncadd.s32 $0xFFFFC000  }
0x2da: {  	[tilespmem:s1], [sflag:$0x5] =	stream.linear.gather [hbm4b:s0+s1], $0x80, $0x38;
	[tilespmem:$0x1C000] =	vst v63  }
0x2db: {  	s0 =	sadd.s32 $0x90, s18  }
0x2dc: {  	[tilespmem:s4], [sflag:$0x5] =	stream.linear.gather [hbm4b:s0+s1], $0x80, $0x38;
	[tilespmem:$0x1C000] =	vst v63  }
0x2dd: {  	_ = 	snop  }
0x2de: {  	[tilespmem:s22], [sflag:$0x1] =	stream.indirect.gather [hbm4b:s24+s5], $0x80, s7, s5, $0xb8;
	[tilespmem:$0x1C000] =	vst v63  }
0x2df: {  	_ =	swait.ge [sflag:s17], $0x4000  }
0x2e0: {  	[sflag:s17] =	ssyncset.done $0x0  }
0x2e1: {  	s0 =	simm.s32 @!p5 $0x8;
	[sflag:s17] =	ssyncadd.s32 $0xFFFFC000  }
0x2e2: {  	[spmem:s30] =	stream.indirect.scatter.add.f32 [tilespmem:s3], [sflag:$0x4], $0x80, s6, s5, $0xb8;
	[tilespmem:$0x1C000] =	vst v63  }
0x2e3: {  	_ =	swait.ge @!p5 [sflag:s0], $0x80  }
0x2e4: {  	[sflag:s0] =	ssyncset.done @!p5 $0x0  }
0x2e5: {  	[sflag:s0] =	ssyncadd.s32 @!p5 $0xFFFFFF80  }
0x2e6: {  	_ =	swait.ge @!p5 [sflag:s0], $0x80  }
0x2e7: {  	[sflag:s0] =	ssyncset.done @!p5 $0x0  }
0x2e8: {  	[sflag:s0] =	ssyncadd.s32 @!p5 $0xFFFFFF80  }
0x2e9: {  	p5 =	seq.s32 s21, $0x1300;
	_ =	swait.ge [sflag:s12], $0x4000  }
0x2ea: {  	s0 =	sadd.s32 @!p5 s21, s29;
	s18 =	simm.s32 @!p5 $0x0;
	[sflag:s12] =	ssyncset.done $0x0  }
0x2eb: {  	s23 =	simm.s32 @!p5 $0x80;
	s19 =	sadd.s32 @!p5 $0xB0, s0;
	[sflag:s12] =	ssyncadd.s32 $0xFFFFC000  }
0x2ec: {  	[tilespmem:s23], [sflag:$0x6] =	stream.linear.gather @!p5 [hbm4b:s19+s18], $0x80, $0x38;
	[tilespmem:$0x1C000] =	vst v63  }
0x2ed: {  	s0 =	sadd.s32 @!p5 $0xD0, s0;
	s19 =	sadd.s32 @!p5 s21, s28;
	s21 =	simm.s32 @!p5 $0x280  }
0x2ee: {  	s23 =	sadd.s32 @!p5 $0xB0, s19;
	s19 =	sadd.s32 @!p5 $0xD0, s19  }
0x2ef: {  	[tilespmem:s21], [sflag:$0x6] =	stream.linear.gather @!p5 [hbm4b:s23+s18], $0x80, $0x38;
	[tilespmem:$0x1C000] =	vst v63  }
0x2f0: {  	_ = 	snop  }
0x2f1: {  	[tilespmem:s3], [sflag:$0x2] =	stream.indirect.gather [hbm4b:s24+s5], $0x80, s9, s5, $0xb8;
	[tilespmem:$0x1C000] =	vst v63  }
0x2f2: {  	_ =	swait.ge [sflag:s20], $0x4000  }
0x2f3: {  	[sflag:s20] =	ssyncset.done $0x0  }
0x2f4: {  	[sflag:s20] =	ssyncadd.s32 $0xFFFFC000  }
0x2f5: {  	[spmem:s30] =	stream.indirect.scatter.add.f32 [tilespmem:s22], [sflag:$0x3], $0x80, s8, s5, $0xb8;
	[tilespmem:$0x1C000] =	vst v63  }
0x2f6: {  	_ =	swait.ge [sflag:s13], $0x80  }
0x2f7: {  	[sflag:s13] =	ssyncset.done $0x0  }
0x2f8: {  	[sflag:s13] =	ssyncadd.s32 $0xFFFFFF80  }
0x2f9: {  	_ =	swait.ge [sflag:s13], $0x80  }
0x2fa: {  	[sflag:s13] =	ssyncset.done $0x0  }
0x2fb: {  	[sflag:s13] =	ssyncadd.s32 $0xFFFFFF80  }
0x2fc: {  	_ =	swait.ge [sflag:s11], $0x4000  }
0x2fd: {  	s21 =	simm.s32 @!p5 $0x100;
	[sflag:s11] =	ssyncset.done $0x0  }
0x2fe: {  	s23 =	simm.s32 @!p5 $0x300;
	[sflag:s11] =	ssyncadd.s32 $0xFFFFC000  }
0x2ff: {  	[tilespmem:s21], [sflag:$0x7] =	stream.linear.gather @!p5 [hbm4b:s0+s18], $0x80, $0x38;
	[tilespmem:$0x1C000] =	vst v63  }
0x300: {  	_ = 	snop  }
0x301: {  	[tilespmem:s23], [sflag:$0x7] =	stream.linear.gather @!p5 [hbm4b:s19+s18], $0x80, $0x38;
	[tilespmem:$0x1C000] =	vst v63  }
.Ltmp6:
0x302: {  	_ = 	snop;
	(pc) =	sbr.rel @p4 .LBB2_5-.Ltmp6, $4  }
0x303: {  	_ = 	snop  }
0x304: {  	[tilespmem:s22], [sflag:$0x1] =	stream.indirect.gather [hbm4b:s24+s5], $0x80, s1, s5, $0xb8;
	[tilespmem:$0x1C000] =	vst v63  }
0x305: {  	_ =	swait.ge [sflag:s17], $0x4000  }
0x306: {  	[sflag:s17] =	ssyncset.done $0x0  }
0x307: {  	[sflag:s17] =	ssyncadd.s32 $0xFFFFC000  }
0x308: {  	[spmem:s30] =	stream.indirect.scatter.add.f32 [tilespmem:s3], [sflag:$0x4], $0x80, s10, s5, $0xb8;
	[tilespmem:$0x1C000] =	vst v63  }
0x309: {  	_ =	swait.ge [sflag:s12], $0x4000  }
0x30a: {  	[sflag:s12] =	ssyncset.done $0x0  }
0x30b: {  	[sflag:s12] =	ssyncadd.s32 $0xFFFFC000  }
0x30c: {  	_ =	swait.ge [sflag:s20], $0x4000  }
0x30d: {  	[sflag:s20] =	ssyncset.done $0x0  }
0x30e: {  	[sflag:s20] =	ssyncadd.s32 $0xFFFFC000  }
0x30f: {  	[spmem:s30] =	stream.indirect.scatter.add.f32 [tilespmem:s22], [sflag:$0x3], $0x80, s4, s5, $0xb8;
	[tilespmem:$0x1C000] =	vst v63  }
0x310: {  	_ =	swait.ge [sflag:s11], $0x4000  }
0x311: {  	s0 =	sld [smem:$0x7F8]  }
0x312: {  	[sflag:s11] =	ssyncset.done $0x0  }
0x313: {  	[sflag:s11] =	ssyncadd.s32 $0xFFFFC000  }
0x314: {  	[tilespmem:s3], [sflag:$0x9] =	stream.linear.gather [hbm4b:s0+s1], $0x4000, $0x38;
	[tilespmem:$0x1C000] =	vst v63  }
0x315: {  	_ =	swait.ge [sflag:s2], $0x4000  }
0x316: {  	[sflag:s2] =	ssyncset.done $0x0  }
0x317: {  	[sflag:s2] =	ssyncadd.s32 $0xFFFFC000  }
0x318: {  	[bflag:$0x0] =	sbarrier.arrive $0xFFFF  }
0x319: {  	s25 =	rddreg [dreg:$0x1c]  }
0x31a: {  	[tilespmem:s22], [sflag:$0x9] =	stream.linear.gather [spmem:s25], $0x4000, $0x38;
	[tilespmem:$0x1C000] =	vst v63  }
0x31b: {  	_ =	swait.ge [sflag:s2], $0x4000  }
0x31c: {  	s26 =	sld [smem:$0x7E2]  }
0x31d: {  	[sflag:s2] =	ssyncset.done $0x0  }
0x31e: {  	[sflag:s2] =	ssyncadd.s32 $0xFFFFC000  }
0x31f: {  	[hbm4b:s26+s1] =	stream.linear.scatter [tilespmem:s22], [sflag:$0x9], $0x4000, $0x38;
	[tilespmem:$0x1C000] =	vst v63  }
0x320: {  	_ =	swait.ge [sflag:s2], $0x4000  }
0x321: {  	[sflag:s2] =	ssyncset.done $0x0  }
0x322: {  	s18 =	rddreg [dreg:$0x1d];
	[sflag:s2] =	ssyncadd.s32 $0xFFFFC000  }
0x323: {  	[tilespmem:s22], [sflag:$0x9] =	stream.linear.gather [spmem:s18], $0x4000, $0x38;
	[tilespmem:$0x1C000] =	vst v63  }
0x324: {  	_ =	swait.ge [sflag:s2], $0x4000  }
0x325: {  	s19 =	sld [smem:$0x7E3]  }
0x326: {  	[sflag:s2] =	ssyncset.done $0x0  }
0x327: {  	[sflag:s2] =	ssyncadd.s32 $0xFFFFC000  }
0x328: {  	[hbm4b:s19+s1] =	stream.linear.scatter [tilespmem:s22], [sflag:$0x9], $0x4000, $0x38;
	[tilespmem:$0x1C000] =	vst v63  }
0x329: {  	_ =	swait.ge [sflag:s2], $0x4000  }
0x32a: {  	[sflag:s2] =	ssyncset.done $0x0  }
0x32b: {  	s21 =	rddreg [dreg:$0x1e];
	[sflag:s2] =	ssyncadd.s32 $0xFFFFC000  }
0x32c: {  	[tilespmem:s22], [sflag:$0x9] =	stream.linear.gather [spmem:s21], $0x4000, $0x38;
	[tilespmem:$0x1C000] =	vst v63  }
0x32d: {  	_ =	swait.ge [sflag:s2], $0x4000  }
0x32e: {  	s23 =	sld [smem:$0x7E4]  }
0x32f: {  	[sflag:s2] =	ssyncset.done $0x0  }
0x330: {  	[sflag:s2] =	ssyncadd.s32 $0xFFFFC000  }
0x331: {  	[hbm4b:s23+s1] =	stream.linear.scatter [tilespmem:s22], [sflag:$0x9], $0x4000, $0x38;
	[tilespmem:$0x1C000] =	vst v63  }
0x332: {  	_ =	swait.ge [sflag:s2], $0x4000  }
0x333: {  	[sflag:s2] =	ssyncset.done $0x0  }
0x334: {  	s25 =	rddreg [dreg:$0x1f];
	[sflag:s2] =	ssyncadd.s32 $0xFFFFC000  }
0x335: {  	[tilespmem:s22], [sflag:$0x9] =	stream.linear.gather [spmem:s25], $0x4000, $0x38;
	[tilespmem:$0x1C000] =	vst v63  }
0x336: {  	_ =	swait.ge [sflag:s2], $0x4000  }
0x337: {  	s26 =	sld [smem:$0x7E5]  }
0x338: {  	[sflag:s2] =	ssyncset.done $0x0  }
0x339: {  	[sflag:s2] =	ssyncadd.s32 $0xFFFFC000  }
0x33a: {  	[hbm4b:s26+s1] =	stream.linear.scatter [tilespmem:s22], [sflag:$0x9], $0x4000, $0x38;
	[tilespmem:$0x1C000] =	vst v63  }
0x33b: {  	_ =	swait.ge [sflag:s2], $0x4000  }
0x33c: {  	s18 =	sld [smem:$0x7FD]  }
0x33d: {  	[sflag:s2] =	ssyncset.done $0x0  }
0x33e: {  	s0 =	simm.s32 @!p3 $0x400;
	[sflag:s2] =	ssyncadd.s32 $0xFFFFC000  }
0x33f: {  	[tilespmem:s0], [sflag:$0x9] =	stream.linear.gather @!p3 [spmem:s18], $0x800, $0x38;
	[tilespmem:$0x1C000] =	vst v63  }
0x340: {  	s18 =	simm.s32 @!p3 $0x9  }
0x341: {  	_ =	swait.ge @!p3 [sflag:s18], $0x800  }
0x342: {  	s21 =	sld [smem:$0x7F7]  }
0x343: {  	[sflag:s18] =	ssyncset.done @!p3 $0x0  }
0x344: {  	s19 =	simm.s32 @!p3 $0x0;
	[sflag:s18] =	ssyncadd.s32 @!p3 $0xFFFFF800  }
0x345: {  	[hbm4b:s21+s19] =	stream.linear.scatter @!p3 [tilespmem:s0], [sflag:$0x9], $0x800, $0x38;
	[tilespmem:$0x1C000] =	vst v63  }
0x346: {  	_ =	swait.ge @!p3 [sflag:s18], $0x800  }
0x347: {  	[sflag:s18] =	ssyncset.done @!p3 $0x0  }
0x348: {  	[sflag:s18] =	ssyncadd.s32 @!p3 $0xFFFFF800;
	s18 =	sld [smem:$0x7E1];
	_ =	sdelay $0x1  }
0x349: {  	s0 =	simm.s32 @!p1 $0x400  }
0x34a: {  	[tilespmem:s0], [sflag:$0x9] =	stream.linear.gather @!p1 [spmem:s18], $0x4000, $0x38;
	[tilespmem:$0x1C000] =	vst v63  }
0x34b: {  	s18 =	simm.s32 @!p1 $0x9  }
0x34c: {  	_ =	swait.ge @!p1 [sflag:s18], $0x4000  }
0x34d: {  	s21 =	sld [smem:$0x7E6]  }
0x34e: {  	[sflag:s18] =	ssyncset.done @!p1 $0x0  }
0x34f: {  	s19 =	simm.s32 @!p1 $0x0;
	[sflag:s18] =	ssyncadd.s32 @!p1 $0xFFFFC000  }
0x350: {  	[hbm4b:s21+s19] =	stream.linear.scatter @!p1 [tilespmem:s0], [sflag:$0x9], $0x4000, $0x38;
	[tilespmem:$0x1C000] =	vst v63  }
.Ltmp7:
0x351: {  	_ =	swait.ge @!p1 [sflag:s18], $0x4000;
	(pc) =	sbr.rel .LBB2_14-.Ltmp7, $4  }
0x352: {  	s23 =	rddreg [dreg:$0x4]  }
0x353: {  	s26 =	rddreg [dreg:$0x5]  }
0x354: {  	[sflag:s18] =	ssyncset.done @!p1 $0x0;
	s31 =	rddreg [dreg:$0x6]  }
0x355: {  	[sflag:s18] =	ssyncadd.s32 @!p1 $0xFFFFC000;
	s18 =	sld [smem:$0x7E0]  }
.LBB2_10:
0x356: {  	_ =	swait.ge [sflag:s16], $0x80  }
0x357: {  	[sflag:s16] =	ssyncset.done $0x0  }
0x358: {  	[sflag:s16] =	ssyncadd.s32 $0xFFFFFF80  }
0x359: {  	[spmem:s30] =	stream.indirect.scatter.add.f32 [tilespmem:s3], [sflag:$0x4], $0x80, s10, s5, $0xb8;
	[tilespmem:$0x1C000] =	vst v63  }
0x35a: {  	_ =	swait.ge [sflag:s11], $0x4000  }
0x35b: {  	[sflag:s11] =	ssyncset.done $0x0  }
0x35c: {  	[sflag:s11] =	ssyncadd.s32 $0xFFFFC000  }
0x35d: {  	_ =	swait.ge [sflag:s13], $0x80  }
0x35e: {  	[sflag:s13] =	ssyncset.done $0x0  }
0x35f: {  	[sflag:s13] =	ssyncadd.s32 $0xFFFFFF80  }
0x360: {  	[spmem:s30] =	stream.indirect.scatter.add.f32 [tilespmem:s3], [sflag:$0x3], $0x80, s4, s5, $0xb8;
	[tilespmem:$0x1C000] =	vst v63  }
0x361: {  	_ =	swait.ge [sflag:s12], $0x4000  }
0x362: {  	[sflag:s12] =	ssyncset.done $0x0  }
0x363: {  	[sflag:s12] =	ssyncadd.s32 $0xFFFFC000  }
0x364: {  	_ =	swait.ge [sflag:s11], $0x4000  }
0x365: {  	s0 =	sld [smem:$0x7F8]  }
0x366: {  	[sflag:s11] =	ssyncset.done $0x0  }
0x367: {  	[sflag:s11] =	ssyncadd.s32 $0xFFFFC000  }
0x368: {  	[tilespmem:s3], [sflag:$0x9] =	stream.linear.gather [hbm4b:s0+s1], $0x4000, $0x38;
	[tilespmem:$0x1C000] =	vst v63  }
0x369: {  	_ =	swait.ge [sflag:s2], $0x4000  }
0x36a: {  	[sflag:s2] =	ssyncset.done $0x0  }
0x36b: {  	[sflag:s2] =	ssyncadd.s32 $0xFFFFC000  }
0x36c: {  	[bflag:$0x0] =	sbarrier.arrive $0xFFFF  }
0x36d: {  	s21 =	rddreg [dreg:$0x1c]  }
0x36e: {  	[tilespmem:s22], [sflag:$0x9] =	stream.linear.gather [spmem:s21], $0x4000, $0x38;
	[tilespmem:$0x1C000] =	vst v63  }
0x36f: {  	_ =	swait.ge [sflag:s2], $0x4000  }
0x370: {  	s18 =	sld [smem:$0x7E7]  }
0x371: {  	[sflag:s2] =	ssyncset.done $0x0  }
0x372: {  	[sflag:s2] =	ssyncadd.s32 $0xFFFFC000  }
0x373: {  	[hbm4b:s18+s1] =	stream.linear.scatter [tilespmem:s22], [sflag:$0x9], $0x4000, $0x38;
	[tilespmem:$0x1C000] =	vst v63  }
0x374: {  	_ =	swait.ge [sflag:s2], $0x4000  }
0x375: {  	[sflag:s2] =	ssyncset.done $0x0  }
0x376: {  	[sflag:s2] =	ssyncadd.s32 $0xFFFFC000  }
0x377: {  	[spmem:s21] =	stream.linear.scatter [tilespmem:s3], [sflag:$0x9], $0x4000, $0x38;
	[tilespmem:$0x1C000] =	vst v63  }
0x378: {  	_ =	swait.ge [sflag:s2], $0x4000  }
0x379: {  	[sflag:s2] =	ssyncset.done $0x0  }
0x37a: {  	s25 =	rddreg [dreg:$0x1d];
	[sflag:s2] =	ssyncadd.s32 $0xFFFFC000  }
0x37b: {  	[tilespmem:s22], [sflag:$0x9] =	stream.linear.gather [spmem:s25], $0x4000, $0x38;
	[tilespmem:$0x1C000] =	vst v63  }
0x37c: {  	_ =	swait.ge [sflag:s2], $0x4000  }
0x37d: {  	s19 =	sld [smem:$0x7E8]  }
0x37e: {  	[sflag:s2] =	ssyncset.done $0x0  }
0x37f: {  	[sflag:s2] =	ssyncadd.s32 $0xFFFFC000  }
0x380: {  	[hbm4b:s19+s1] =	stream.linear.scatter [tilespmem:s22], [sflag:$0x9], $0x4000, $0x38;
	[tilespmem:$0x1C000] =	vst v63  }
0x381: {  	_ =	swait.ge [sflag:s2], $0x4000  }
0x382: {  	[sflag:s2] =	ssyncset.done $0x0  }
0x383: {  	[sflag:s2] =	ssyncadd.s32 $0xFFFFC000  }
0x384: {  	[spmem:s25] =	stream.linear.scatter [tilespmem:s3], [sflag:$0x9], $0x4000, $0x38;
	[tilespmem:$0x1C000] =	vst v63  }
0x385: {  	_ =	swait.ge [sflag:s2], $0x4000  }
0x386: {  	[sflag:s2] =	ssyncset.done $0x0  }
0x387: {  	s21 =	rddreg [dreg:$0x1e];
	[sflag:s2] =	ssyncadd.s32 $0xFFFFC000  }
0x388: {  	[tilespmem:s22], [sflag:$0x9] =	stream.linear.gather [spmem:s21], $0x4000, $0x38;
	[tilespmem:$0x1C000] =	vst v63  }
0x389: {  	_ =	swait.ge [sflag:s2], $0x4000  }
0x38a: {  	s25 =	sld [smem:$0x7E9]  }
0x38b: {  	[sflag:s2] =	ssyncset.done $0x0  }
0x38c: {  	[sflag:s2] =	ssyncadd.s32 $0xFFFFC000  }
0x38d: {  	[hbm4b:s25+s1] =	stream.linear.scatter [tilespmem:s22], [sflag:$0x9], $0x4000, $0x38;
	[tilespmem:$0x1C000] =	vst v63  }
0x38e: {  	_ =	swait.ge [sflag:s2], $0x4000  }
0x38f: {  	[sflag:s2] =	ssyncset.done $0x0  }
0x390: {  	[sflag:s2] =	ssyncadd.s32 $0xFFFFC000  }
0x391: {  	[spmem:s21] =	stream.linear.scatter [tilespmem:s3], [sflag:$0x9], $0x4000, $0x38;
	[tilespmem:$0x1C000] =	vst v63  }
0x392: {  	_ =	swait.ge [sflag:s2], $0x4000  }
0x393: {  	[sflag:s2] =	ssyncset.done $0x0  }
0x394: {  	s19 =	rddreg [dreg:$0x1f];
	[sflag:s2] =	ssyncadd.s32 $0xFFFFC000  }
0x395: {  	[tilespmem:s22], [sflag:$0x9] =	stream.linear.gather [spmem:s19], $0x4000, $0x38;
	[tilespmem:$0x1C000] =	vst v63  }
0x396: {  	_ =	swait.ge [sflag:s2], $0x4000  }
0x397: {  	s21 =	sld [smem:$0x7EA]  }
0x398: {  	[sflag:s2] =	ssyncset.done $0x0  }
0x399: {  	[sflag:s2] =	ssyncadd.s32 $0xFFFFC000  }
0x39a: {  	[hbm4b:s21+s1] =	stream.linear.scatter [tilespmem:s22], [sflag:$0x9], $0x4000, $0x38;
	[tilespmem:$0x1C000] =	vst v63  }
0x39b: {  	_ =	swait.ge [sflag:s2], $0x4000  }
0x39c: {  	[sflag:s2] =	ssyncset.done $0x0  }
0x39d: {  	[sflag:s2] =	ssyncadd.s32 $0xFFFFC000  }
0x39e: {  	[spmem:s19] =	stream.linear.scatter [tilespmem:s3], [sflag:$0x9], $0x4000, $0x38;
	[tilespmem:$0x1C000] =	vst v63  }
0x39f: {  	_ =	swait.ge [sflag:s2], $0x4000  }
0x3a0: {  	s25 =	sld [smem:$0x7FD]  }
0x3a1: {  	[sflag:s2] =	ssyncset.done $0x0  }
0x3a2: {  	s0 =	simm.s32 @!p3 $0x400;
	s18 =	simm.s32 @!p3 $0x9;
	[sflag:s2] =	ssyncadd.s32 $0xFFFFC000  }
0x3a3: {  	[tilespmem:s0], [sflag:$0x9] =	stream.linear.gather @!p3 [spmem:s25], $0x800, $0x38;
	[tilespmem:$0x1C000] =	vst v63  }
0x3a4: {  	_ =	swait.ge @!p3 [sflag:s18], $0x800  }
0x3a5: {  	s21 =	sld [smem:$0x7FA]  }
0x3a6: {  	[sflag:s18] =	ssyncset.done @!p3 $0x0  }
0x3a7: {  	s19 =	simm.s32 @!p3 $0x0;
	[sflag:s18] =	ssyncadd.s32 @!p3 $0xFFFFF800  }
0x3a8: {  	[hbm4b:s21+s19] =	stream.linear.scatter @!p3 [tilespmem:s0], [sflag:$0x9], $0x800, $0x38;
	[tilespmem:$0x1C000] =	vst v63  }
0x3a9: {  	_ =	swait.ge @!p3 [sflag:s18], $0x800  }
0x3aa: {  	[sflag:s18] =	ssyncset.done @!p3 $0x0  }
0x3ab: {  	s0 =	simm.s32 @!p3 $0x4400;
	[sflag:s18] =	ssyncadd.s32 @!p3 $0xFFFFF800  }
0x3ac: {  	[spmem:s25] =	stream.linear.scatter @!p3 [tilespmem:s0], [sflag:$0x9], $0x800, $0x38;
	[tilespmem:$0x1C000] =	vst v63  }
0x3ad: {  	_ =	swait.ge @!p3 [sflag:s18], $0x800  }
0x3ae: {  	s21 =	sld [smem:$0x7E1]  }
0x3af: {  	[sflag:s18] =	ssyncset.done @!p3 $0x0  }
0x3b0: {  	s0 =	simm.s32 @!p1 $0x400;
	[sflag:s18] =	ssyncadd.s32 @!p3 $0xFFFFF800;
	s18 =	simm.s32 @!p1 $0x9  }
0x3b1: {  	[tilespmem:s0], [sflag:$0x9] =	stream.linear.gather @!p1 [spmem:s21], $0x4000, $0x38;
	[tilespmem:$0x1C000] =	vst v63  }
0x3b2: {  	_ =	swait.ge @!p1 [sflag:s18], $0x4000  }
0x3b3: {  	s25 =	sld [smem:$0x7EB]  }
0x3b4: {  	[sflag:s18] =	ssyncset.done @!p1 $0x0  }
0x3b5: {  	s19 =	simm.s32 @!p1 $0x0;
	[sflag:s18] =	ssyncadd.s32 @!p1 $0xFFFFC000  }
0x3b6: {  	[hbm4b:s25+s19] =	stream.linear.scatter @!p1 [tilespmem:s0], [sflag:$0x9], $0x4000, $0x38;
	[tilespmem:$0x1C000] =	vst v63  }
0x3b7: {  	_ =	swait.ge @!p1 [sflag:s18], $0x4000  }
0x3b8: {  	[sflag:s18] =	ssyncset.done @!p1 $0x0  }
0x3b9: {  	s0 =	simm.s32 @!p1 $0x4400;
	[sflag:s18] =	ssyncadd.s32 @!p1 $0xFFFFC000  }
0x3ba: {  	[spmem:s21] =	stream.linear.scatter @!p1 [tilespmem:s0], [sflag:$0x9], $0x4000, $0x38;
	[tilespmem:$0x1C000] =	vst v63  }
0x3bb: {  	_ =	swait.ge @!p1 [sflag:s18], $0x4000  }
0x3bc: {  	[sflag:s18] =	ssyncset.done @!p1 $0x0  }
0x3bd: {  	[sflag:s18] =	ssyncadd.s32 @!p1 $0xFFFFC000  }
0x3be: {  	[bflag:$0x0] =	sbarrier.arrive $0xFFFF  }
0x3bf: {  	s25 =	sld [smem:$0x7F9];
	_ =	sdelay $0x2  }
0x3c0: {  	[tilespmem:s3], [sflag:$0x9] =	stream.linear.gather [hbm4b:s25+s1], $0x4000, $0x38;
	[tilespmem:$0x1C000] =	vst v63  }
0x3c1: {  	_ =	swait.ge [sflag:s2], $0x4000  }
0x3c2: {  	[sflag:s2] =	ssyncset.done $0x0  }
0x3c3: {  	s18 =	rddreg [dreg:$0xc];
	[sflag:s2] =	ssyncadd.s32 $0xFFFFC000  }
0x3c4: {  	[tilespmem:s1], [sflag:$0x9] =	stream.linear.gather [hbm4b:s18+s1], $0x80, $0x38;
	[tilespmem:$0x1C000] =	vst v63  }
0x3c5: {  	_ =	swait.ge [sflag:s2], $0x80  }
0x3c6: {  	[sflag:s2] =	ssyncset.done $0x0  }
0x3c7: {  	s19 =	rddreg [dreg:$0xd];
	[sflag:s2] =	ssyncadd.s32 $0xFFFFFF80  }
0x3c8: {  	[tilespmem:s4], [sflag:$0x9] =	stream.linear.gather [hbm4b:s19+s1], $0x80, $0x38;
	[tilespmem:$0x1C000] =	vst v63  }
0x3c9: {  	_ =	swait.ge [sflag:s2], $0x80  }
0x3ca: {  	[sflag:s2] =	ssyncset.done $0x0  }
0x3cb: {  	s21 =	rddreg [dreg:$0xe];
	[sflag:s2] =	ssyncadd.s32 $0xFFFFFF80  }
0x3cc: {  	[tilespmem:s5], [sflag:$0x9] =	stream.linear.gather [hbm4b:s21+s1], $0x80, $0x38;
	[tilespmem:$0x1C000] =	vst v63  }
0x3cd: {  	_ =	swait.ge [sflag:s2], $0x80  }
0x3ce: {  	[sflag:s2] =	ssyncset.done $0x0  }
0x3cf: {  	s25 =	rddreg [dreg:$0xf];
	[sflag:s2] =	ssyncadd.s32 $0xFFFFFF80  }
0x3d0: {  	[tilespmem:s6], [sflag:$0x9] =	stream.linear.gather [hbm4b:s25+s1], $0x80, $0x38;
	[tilespmem:$0x1C000] =	vst v63  }
0x3d1: {  	_ =	swait.ge [sflag:s2], $0x80  }
0x3d2: {  	[sflag:s2] =	ssyncset.done $0x0  }
0x3d3: {  	s18 =	rddreg [dreg:$0x10];
	[sflag:s2] =	ssyncadd.s32 $0xFFFFFF80  }
0x3d4: {  	[tilespmem:s7], [sflag:$0x9] =	stream.linear.gather [hbm4b:s18+s1], $0x80, $0x38;
	[tilespmem:$0x1C000] =	vst v63  }
0x3d5: {  	_ =	swait.ge [sflag:s2], $0x80  }
0x3d6: {  	[sflag:s2] =	ssyncset.done $0x0  }
0x3d7: {  	s19 =	rddreg [dreg:$0x11];
	[sflag:s2] =	ssyncadd.s32 $0xFFFFFF80  }
0x3d8: {  	[tilespmem:s8], [sflag:$0x9] =	stream.linear.gather [hbm4b:s19+s1], $0x80, $0x38;
	[tilespmem:$0x1C000] =	vst v63  }
0x3d9: {  	_ =	swait.ge [sflag:s2], $0x80  }
0x3da: {  	[sflag:s2] =	ssyncset.done $0x0  }
0x3db: {  	s21 =	rddreg [dreg:$0x12];
	[sflag:s2] =	ssyncadd.s32 $0xFFFFFF80  }
0x3dc: {  	[tilespmem:s9], [sflag:$0x9] =	stream.linear.gather [hbm4b:s21+s1], $0x80, $0x38;
	[tilespmem:$0x1C000] =	vst v63  }
0x3dd: {  	_ =	swait.ge [sflag:s2], $0x80  }
0x3de: {  	[sflag:s2] =	ssyncset.done $0x0  }
0x3df: {  	s25 =	rddreg [dreg:$0x13];
	[sflag:s2] =	ssyncadd.s32 $0xFFFFFF80  }
0x3e0: {  	[tilespmem:s10], [sflag:$0x9] =	stream.linear.gather [hbm4b:s25+s1], $0x80, $0x38;
	[tilespmem:$0x1C000] =	vst v63  }
0x3e1: {  	_ =	swait.ge [sflag:s2], $0x80  }
0x3e2: {  	[sflag:s2] =	ssyncset.done $0x0  }
0x3e3: {  	[sflag:s2] =	ssyncadd.s32 $0xFFFFFF80  }
0x3e4: {  	[spmem:s30] =	stream.indirect.scatter.add.f32 [tilespmem:s3], [sflag:$0x3], $0x80, s4, s5, $0xb8;
	[tilespmem:$0x1C000] =	vst v63  }
0x3e5: {  	_ = 	snop  }
0x3e6: {  	[spmem:s30] =	stream.indirect.scatter.add.f32 [tilespmem:s3], [sflag:$0x4], $0x80, s6, s5, $0xb8;
	[tilespmem:$0x1C000] =	vst v63  }
0x3e7: {  	_ =	swait.ge [sflag:s11], $0x4000  }
0x3e8: {  	[sflag:s11] =	ssyncset.done $0x0  }
0x3e9: {  	s18 =	rddreg [dreg:$0x15];
	[sflag:s11] =	ssyncadd.s32 $0xFFFFC000  }
0x3ea: {  	[tilespmem:s4], [sflag:$0x5] =	stream.linear.gather [hbm4b:s18+s1], $0x80, $0x38;
	[tilespmem:$0x1C000] =	vst v63  }
0x3eb: {  	_ = 	snop  }
0x3ec: {  	[spmem:s30] =	stream.indirect.scatter.add.f32 [tilespmem:s3], [sflag:$0x3], $0x80, s8, s5, $0xb8;
	[tilespmem:$0x1C000] =	vst v63  }
0x3ed: {  	_ =	swait.ge [sflag:s12], $0x4000  }
0x3ee: {  	[sflag:s12] =	ssyncset.done $0x0  }
0x3ef: {  	s19 =	rddreg [dreg:$0x17];
	[sflag:s12] =	ssyncadd.s32 $0xFFFFC000  }
0x3f0: {  	[tilespmem:s6], [sflag:$0x6] =	stream.linear.gather [hbm4b:s19+s1], $0x80, $0x38;
	[tilespmem:$0x1C000] =	vst v63  }
0x3f1: {  	_ = 	snop  }
0x3f2: {  	[spmem:s30] =	stream.indirect.scatter.add.f32 [tilespmem:s3], [sflag:$0x4], $0x80, s10, s5, $0xb8;
	[tilespmem:$0x1C000] =	vst v63  }
0x3f3: {  	_ =	swait.ge [sflag:s11], $0x4000  }
0x3f4: {  	[sflag:s11] =	ssyncset.done $0x0  }
0x3f5: {  	s21 =	rddreg [dreg:$0x19];
	[sflag:s11] =	ssyncadd.s32 $0xFFFFC000  }
0x3f6: {  	[tilespmem:s8], [sflag:$0x7] =	stream.linear.gather [hbm4b:s21+s1], $0x80, $0x38;
	[tilespmem:$0x1C000] =	vst v63  }
0x3f7: {  	_ =	swait.ge [sflag:s13], $0x80  }
0x3f8: {  	[sflag:s13] =	ssyncset.done $0x0  }
0x3f9: {  	[sflag:s13] =	ssyncadd.s32 $0xFFFFFF80  }
0x3fa: {  	[spmem:s30] =	stream.indirect.scatter.add.f32 [tilespmem:s3], [sflag:$0x3], $0x80, s4, s5, $0xb8;
	[tilespmem:$0x1C000] =	vst v63  }
0x3fb: {  	_ =	swait.ge [sflag:s12], $0x4000  }
0x3fc: {  	[sflag:s12] =	ssyncset.done $0x0  }
0x3fd: {  	s21 =	simm.s32 $0xFFFFED80;
	s25 =	rddreg [dreg:$0x1a];
	[sflag:s12] =	ssyncadd.s32 $0xFFFFC000  }
0x3fe: {  	[tilespmem:s10], [sflag:$0x8] =	stream.linear.gather [hbm4b:s25+s1], $0x80, $0x38;
	[tilespmem:$0x1C000] =	vst v63  }
.LBB2_11:
0x3ff: {  	_ =	swait.ge [sflag:s14], $0x80  }
0x400: {  	[sflag:s14] =	ssyncset.done $0x0  }
0x401: {  	[sflag:s14] =	ssyncadd.s32 $0xFFFFFF80  }
0x402: {  	[spmem:s30] =	stream.indirect.scatter.add.f32 [tilespmem:s3], [sflag:$0x4], $0x80, s6, s5, $0xb8;
	[tilespmem:$0x1C000] =	vst v63  }
0x403: {  	_ =	swait.ge [sflag:s11], $0x4000  }
0x404: {  	s25 =	sadd.s32 s21, s28;
	[sflag:s11] =	ssyncset.done $0x0  }
0x405: {  	s0 =	sadd.s32 $0x1390, s25;
	[sflag:s11] =	ssyncadd.s32 $0xFFFFC000  }
0x406: {  	[tilespmem:s4], [sflag:$0x5] =	stream.linear.gather [hbm4b:s0+s1], $0x80, $0x38;
	[tilespmem:$0x1C000] =	vst v63  }
0x407: {  	_ =	swait.ge [sflag:s15], $0x80  }
0x408: {  	p4 =	seq.s32 s21, $0x0;
	[sflag:s15] =	ssyncset.done $0x0  }
.Ltmp8:
0x409: {  	[sflag:s15] =	ssyncadd.s32 $0xFFFFFF80;
	(pc) =	sbr.rel @p4 .LBB2_13-.Ltmp8, $4  }
0x40a: {  	[spmem:s30] =	stream.indirect.scatter.add.f32 [tilespmem:s3], [sflag:$0x3], $0x80, s8, s5, $0xb8;
	[tilespmem:$0x1C000] =	vst v63  }
0x40b: {  	_ =	swait.ge [sflag:s12], $0x4000  }
0x40c: {  	[sflag:s12] =	ssyncset.done $0x0  }
0x40d: {  	[sflag:s12] =	ssyncadd.s32 $0xFFFFC000  }
0x40e: {  	s0 =	sadd.s32 $0x13B0, s25  }
0x40f: {  	[tilespmem:s6], [sflag:$0x6] =	stream.linear.gather [hbm4b:s0+s1], $0x80, $0x38;
	[tilespmem:$0x1C000] =	vst v63  }
0x410: {  	_ =	swait.ge [sflag:s16], $0x80  }
0x411: {  	[sflag:s16] =	ssyncset.done $0x0  }
0x412: {  	[sflag:s16] =	ssyncadd.s32 $0xFFFFFF80  }
0x413: {  	[spmem:s30] =	stream.indirect.scatter.add.f32 [tilespmem:s3], [sflag:$0x4], $0x80, s10, s5, $0xb8;
	[tilespmem:$0x1C000] =	vst v63  }
0x414: {  	_ =	swait.ge [sflag:s11], $0x4000  }
0x415: {  	[sflag:s11] =	ssyncset.done $0x0  }
0x416: {  	s19 =	sadd.s32 $0x13D0, s25;
	[sflag:s11] =	ssyncadd.s32 $0xFFFFC000  }
0x417: {  	[tilespmem:s8], [sflag:$0x7] =	stream.linear.gather [hbm4b:s19+s1], $0x80, $0x38;
	[tilespmem:$0x1C000] =	vst v63  }
0x418: {  	_ =	swait.ge [sflag:s13], $0x80  }
0x419: {  	[sflag:s13] =	ssyncset.done $0x0  }
0x41a: {  	[sflag:s13] =	ssyncadd.s32 $0xFFFFFF80  }
0x41b: {  	[spmem:s30] =	stream.indirect.scatter.add.f32 [tilespmem:s3], [sflag:$0x3], $0x80, s4, s5, $0xb8;
	[tilespmem:$0x1C000] =	vst v63  }
.Ltmp9:
0x41c: {  	_ = 	snop;
	(pc) =	sbr.rel .LBB2_11-.Ltmp9, $4  }
0x41d: {  	_ =	swait.ge [sflag:s12], $0x4000  }
0x41e: {  	[sflag:s12] =	ssyncset.done $0x0  }
0x41f: {  	s25 =	sadd.s32 $0x13F0, s25;
	s21 =	sadd.s32 $0x80, s21;
	[sflag:s12] =	ssyncadd.s32 $0xFFFFC000  }
0x420: {  	[tilespmem:s10], [sflag:$0x8] =	stream.linear.gather [hbm4b:s25+s1], $0x80, $0x38;
	[tilespmem:$0x1C000] =	vst v63  }
.LBB2_15:
0x421: {  	_ =	sfence.sel $0x180000  }
0x422: {  	[bflag:$0x0] =	sbarrier.arrive $0xFFFF  }
0x423: {  	_ =	strace $0x90000047  }
0x424: {  	s0 =	stileid.u32;
	[bflag:$0x2] =	sbarrier.arrive $0xFFFF  }
0x425: {  	p0 =	sne.s32 s0, $0x0;
	s0 =	rddreg [dreg:$0x3]  }
0x426: {  	s0 =	sadd.s32 @!p0 $0x100000, s0  }
0x427: {  	[sflag:s0] =	ssyncadd.tile.s32 @!p0 $0x1;
	_ =	shalt  }
.Lfunc_end2:
_tile_overlayer_lowered:
.L_overlay_start_2:
0x428: {  	(tag) =	ssettag $0x2  }
0x429: {  	s0 =	rddreg [dreg:$0x0];
	s2 =	stileid.u32  }
0x42a: {  	s1 =	rddreg [dreg:$0x1];
	p0 =	sne.s32 s2, $0x0  }
0x42b: {  	s3 =	rddreg [dreg:$0x2];
	[bflag:$0x3] =	sbarrier.arrive $0xFFFF;
	s2 =	simm.s32 @!p0 $0x1C09  }
0x42c: {  	[timem:s3], [sflag:s2] =	dma.local @!p0 [hbm:s0], s1  }
0x42d: {  	s0 =	simm.s32 @!p0 $0x9  }
0x42e: {  	_ =	swait.ge @!p0 [sflag:s0], s1  }
0x42f: {  	s1 =	ssub.s32 @!p0 $0x0, s1;
	[sflag:s0] =	ssyncset.done @!p0 $0x0  }
0x430: {  	[sflag:s0] =	ssyncadd.s32 @!p0 s1  }
0x431: {  	[bflag:$0x3] =	sbarrier.arrive $0xFFFF  }
0x432: {  	_ =	shalt  }

</sc_bundles>
